<compile_context>
chip_gen: v7x
topology: tpu7x:2x2x1
jax: 0.10.2.dev20260603
libtpu: 0.0.44.dev20260713+nightly
codegen_flags: <defaults>
</compile_context>

<pallas_src>
import functools
import math

import jax
import jax.numpy as jnp
from jax import lax
from jax.experimental import pallas as pl
from jax.experimental.pallas import tpu as pltpu
from jax.experimental.pallas import tpu_sc as plsc

N = 10000
E = 320000
D = 128
DA = 16
DE = 16
H = 8
AVG_NEIGH = 32.0

NC = 2
NS = 16
NW = NC * NS
CHUNK = 128
NCHUNK = E // CHUNK
NSLICE = 4
ES = E // NSLICE
_SCH = NCHUNK // NSLICE
_SBASE = _SCH // NW
_SEXTRA = _SCH % NW
_SMAXCH = _SBASE + 1
_ROWS = 624
_TAIL = N - NS * _ROWS

@functools.cache
def _sc_kernels():
    mesh = plsc.VectorSubcoreMesh(core_axis_name="c", subcore_axis_name="s",
                                  num_cores=NC, num_subcores=NS)

    def make_gather():
        @functools.partial(
            pl.kernel,
            out_type=jax.ShapeDtypeStruct((ES, D), jnp.float32),
            mesh=mesh,
            scratch_types=[
                pltpu.VMEM((_SMAXCH, 1, CHUNK), jnp.int32),
                pltpu.VMEM((2, CHUNK, D), jnp.float32),
                pltpu.VMEM_SHARED((N, D), jnp.float32),
                pltpu.SemaphoreType.DMA((2,)),
                pltpu.SemaphoreType.DMA((2,)),
            ],
        )
        def sc_gather(x_hbm, src_hbm, xs_hbm, idx_v, buf_v, x_sh,
                      sem_g, sem_w):
            c = lax.axis_index("c")
            s = lax.axis_index("s")
            wid = s * NC + c
            start = wid * _SBASE + jnp.minimum(wid, _SEXTRA)
            nj = _SBASE + jnp.where(wid < _SEXTRA, 1, 0)
            pltpu.sync_copy(src_hbm.at[pl.ds(start, _SMAXCH)], idx_v)
            pltpu.sync_copy(x_hbm.at[pl.ds(s * _ROWS, _ROWS)],
                            x_sh.at[pl.ds(s * _ROWS, _ROWS)])

            @pl.when(s == NS - 1)
            def _():
                pltpu.sync_copy(x_hbm.at[pl.ds(NS * _ROWS, _TAIL)],
                                x_sh.at[pl.ds(NS * _ROWS, _TAIL)])

            plsc.subcore_barrier()
            pltpu.async_copy(x_sh.at[idx_v.at[0, 0]], buf_v.at[0], sem_g.at[0])

            def body(i, carry):
                b = i % 2
                l = start + i
                pltpu.make_async_copy(x_sh.at[idx_v.at[i, 0]], buf_v.at[b],
                                      sem_g.at[b]).wait()
                pltpu.async_copy(buf_v.at[b],
                                 xs_hbm.at[pl.ds(l * CHUNK, CHUNK)],
                                 sem_w.at[b])

                @pl.when(i + 1 < nj)
                def _():
                    bn = (i + 1) % 2

                    @pl.when(i + 1 >= 2)
                    def _():
                        pltpu.make_async_copy(
                            buf_v.at[bn],
                            xs_hbm.at[pl.ds((start + i - 1) * CHUNK, CHUNK)],
                            sem_w.at[bn]).wait()

                    pltpu.async_copy(x_sh.at[idx_v.at[i + 1, 0]], buf_v.at[bn],
                                     sem_g.at[bn])

                return carry

            lax.fori_loop(0, nj, body, 0)
            for k in (2, 1):
                b = (nj - k) % 2
                pltpu.make_async_copy(
                    buf_v.at[b],
                    xs_hbm.at[pl.ds((start + nj - k) * CHUNK, CHUNK)],
                    sem_w.at[b]).wait()

        return sc_gather

    def make_scatter(nsl):
        @functools.partial(
            pl.kernel,
            out_type=jax.ShapeDtypeStruct((NC, N, D), jnp.float32),
            mesh=mesh,
            scratch_types=(
                [pltpu.VMEM((_SMAXCH, 1, CHUNK), jnp.int32)] * nsl + [
                    pltpu.VMEM((2, CHUNK, D), jnp.float32),
                    pltpu.VMEM_SHARED((N, D), jnp.float32),
                    pltpu.SemaphoreType.DMA((2,)),
                    pltpu.SemaphoreType.DMA((2,)),
                ]),
        )
        def sc_scatter(*args):
            ms = args[:nsl]
            dst_hbm, zero_hbm, out_hbm = args[nsl:nsl + 3]
            idxs = args[nsl + 3:nsl + 3 + nsl]
            buf_v, acc_sh, sem_r, sem_a = args[nsl + 3 + nsl:]
            c = lax.axis_index("c")
            s = lax.axis_index("s")
            wid = s * NC + c
            start = wid * _SBASE + jnp.minimum(wid, _SEXTRA)
            nj = _SBASE + jnp.where(wid < _SEXTRA, 1, 0)
            for qi, idx_v in enumerate(idxs):
                pltpu.sync_copy(
                    dst_hbm.at[pl.ds(qi * _SCH + start, _SMAXCH)], idx_v)
            pltpu.sync_copy(zero_hbm.at[pl.ds(s * _ROWS, _ROWS)],
                            acc_sh.at[pl.ds(s * _ROWS, _ROWS)])

            @pl.when(s == NS - 1)
            def _():
                pltpu.sync_copy(zero_hbm.at[pl.ds(NS * _ROWS, _TAIL)],
                                acc_sh.at[pl.ds(NS * _ROWS, _TAIL)])

            plsc.subcore_barrier()

            for mq, idx_v in zip(ms, idxs):
                pltpu.async_copy(mq.at[pl.ds(start * CHUNK, CHUNK)],
                                 buf_v.at[0], sem_r.at[0])

                def body(i, carry, mq=mq, idx_v=idx_v):
                    b = i % 2
                    pltpu.make_async_copy(
                        mq.at[pl.ds((start + i) * CHUNK, CHUNK)],
                        buf_v.at[b], sem_r.at[b]).wait()
                    pltpu.async_copy(buf_v.at[b], acc_sh.at[idx_v.at[i, 0]],
                                     sem_a.at[b], add=True)

                    @pl.when(i + 1 < nj)
                    def _():
                        bn = (i + 1) % 2

                        @pl.when(i + 1 >= 2)
                        def _():
                            pltpu.make_async_copy(
                                buf_v.at[bn], acc_sh.at[idx_v.at[i - 1, 0]],
                                sem_a.at[bn]).wait()

                        pltpu.async_copy(
                            mq.at[pl.ds((start + i + 1) * CHUNK, CHUNK)],
                            buf_v.at[bn], sem_r.at[bn])

                    return carry

                lax.fori_loop(0, nj, body, 0)
                for k in (2, 1):
                    b = (nj - k) % 2
                    pltpu.make_async_copy(buf_v.at[b],
                                          acc_sh.at[idx_v.at[nj - k, 0]],
                                          sem_a.at[b]).wait()

            plsc.subcore_barrier()
            pltpu.sync_copy(acc_sh.at[pl.ds(s * _ROWS, _ROWS)],
                            out_hbm.at[c, pl.ds(s * _ROWS, _ROWS)])

            @pl.when(s == NS - 1)
            def _():
                pltpu.sync_copy(acc_sh.at[pl.ds(NS * _ROWS, _TAIL)],
                                out_hbm.at[c, pl.ds(NS * _ROWS, _TAIL)])

        return sc_scatter

    gather = make_gather()
    scatter2 = make_scatter(2)
    return gather, scatter2


def _x_body(nf_ref, w1_ref, o_ref):
    o_ref[...] = jnp.dot(nf_ref[...], w1_ref[...],
                         preferred_element_type=jnp.float32) * (1.0 / math.sqrt(D))


def _tc_x(node_feats, W1):
    bn = 2000
    return pl.pallas_call(
        _x_body,
        grid=(N // bn,),
        in_specs=[
            pl.BlockSpec((bn, D), lambda i: (i, 0)),
            pl.BlockSpec((D, D), lambda i: (0, 0)),
        ],
        out_specs=pl.BlockSpec((bn, D), lambda i: (i, 0)),
        out_shape=jax.ShapeDtypeStruct((N, D), jnp.float32),
    )(node_feats, W1)


def _edge_body(xs_ref, eet_ref, eat_ref, wm1t_ref, wm2t_ref, w2_ref, o_ref):
    ht = jnp.dot(wm1t_ref[...], eet_ref[...],
                 preferred_element_type=jnp.float32) * (1.0 / math.sqrt(DE))
    ht = jax.nn.silu(ht)
    wt = jnp.dot(wm2t_ref[...], ht,
                 preferred_element_type=jnp.float32) * (1.0 / math.sqrt(H))
    wt = wt * eat_ref[...]
    wz = wt.T
    z = xs_ref[...] * wz
    m = jnp.dot(z, w2_ref[...],
                preferred_element_type=jnp.float32) * (1.0 / math.sqrt(D))
    o_ref[...] = jax.nn.silu(m)


def _tc_edge(xs, eet, eat, Wm1T, Wm2T, W2, q):
    be = 3200
    nb = ES // be
    return pl.pallas_call(
        _edge_body,
        grid=(nb,),
        in_specs=[
            pl.BlockSpec((be, D), lambda i: (i, 0)),
            pl.BlockSpec((DE, be), lambda i: (0, i + q * nb)),
            pl.BlockSpec((1, be), lambda i: (0, i + q * nb)),
            pl.BlockSpec((H, DE), lambda i: (0, 0)),
            pl.BlockSpec((D, H), lambda i: (0, 0)),
            pl.BlockSpec((D, D), lambda i: (0, 0)),
        ],
        out_specs=pl.BlockSpec((be, D), lambda i: (i, 0)),
        out_shape=jax.ShapeDtypeStruct((ES, D), jnp.float32),
    )(xs, eet, eat, Wm1T, Wm2T, W2)


def _pre_body(nf_ref, na_ref, wut_ref, wsct_ref, u_ref, sc_ref):
    na = na_ref[...]
    u_ref[...] = jnp.dot(na, wut_ref[...],
                         preferred_element_type=jnp.float32) * (
        1.0 / math.sqrt(DA))
    nf = nf_ref[...]
    sc = jnp.zeros((nf.shape[0], D), jnp.float32)
    for v in range(DA):
        wv = wsct_ref[pl.ds(v * D, D), :]
        sc = sc + na[:, v:v + 1] * jnp.dot(nf, wv,
                                           preferred_element_type=jnp.float32)
    sc_ref[...] = sc * (1.0 / math.sqrt(D * DA))


def _tc_pre(node_feats, node_attrs, WuT, WscT):
    bn = 2000
    return pl.pallas_call(
        _pre_body,
        grid=(N // bn,),
        in_specs=[
            pl.BlockSpec((bn, D), lambda i: (i, 0)),
            pl.BlockSpec((bn, DA), lambda i: (i, 0)),
            pl.BlockSpec((DA, D), lambda i: (0, 0)),
            pl.BlockSpec((DA * D, D), lambda i: (0, 0)),
        ],
        out_specs=[
            pl.BlockSpec((bn, D), lambda i: (i, 0)),
            pl.BlockSpec((bn, D), lambda i: (i, 0)),
        ],
        out_shape=[
            jax.ShapeDtypeStruct((N, D), jnp.float32),
            jax.ShapeDtypeStruct((N, D), jnp.float32),
        ],
    )(node_feats, node_attrs, WuT, WscT)


def _post_body(pa_ref, pb_ref, u_ref, sc_ref, w3_ref, o_ref):
    agg = (pa_ref[0] + pa_ref[1] + pb_ref[0] + pb_ref[1]) * (
        1.0 / math.sqrt(AVG_NEIGH))
    upd = jnp.dot(agg * u_ref[...], w3_ref[...],
                  preferred_element_type=jnp.float32) * (1.0 / math.sqrt(D))
    o_ref[...] = jax.nn.silu(upd + sc_ref[...])


def _tc_post(partsA, partsB, u, sc, W3):
    bn = 2000
    return pl.pallas_call(
        _post_body,
        grid=(N // bn,),
        in_specs=[
            pl.BlockSpec((NC, bn, D), lambda i: (0, i, 0)),
            pl.BlockSpec((NC, bn, D), lambda i: (0, i, 0)),
            pl.BlockSpec((bn, D), lambda i: (i, 0)),
            pl.BlockSpec((bn, D), lambda i: (i, 0)),
            pl.BlockSpec((D, D), lambda i: (0, 0)),
        ],
        out_specs=pl.BlockSpec((bn, D), lambda i: (i, 0)),
        out_shape=jax.ShapeDtypeStruct((N, D), jnp.float32),
    )(partsA, partsB, u, sc, W3)


def kernel(node_feats, node_attrs, edge_embedding, edge_attrs, edge_index,
           W1, Wm1, Wm2, W2, Wu, W3, Wsc):
    ei = jnp.pad(edge_index, ((0, 0), (0, CHUNK)))
    src3 = ei[0].reshape(NCHUNK + 1, 1, CHUNK)
    dst3 = ei[1].reshape(NCHUNK + 1, 1, CHUNK)
    eet = edge_embedding.T
    eat = edge_attrs.T
    Wm1T = Wm1.T
    Wm2T = Wm2.T
    WuT = Wu.T
    WscT = Wsc.transpose(1, 0, 2).reshape(DA * D, D)

    gather, scatter2 = _sc_kernels()
    zeros = jnp.zeros((N, D), jnp.float32)
    x = _tc_x(node_feats, W1)
    u, sc = _tc_pre(node_feats, node_attrs, WuT, WscT)
    xs = [gather(x, lax.slice_in_dim(src3, q * _SCH, q * _SCH + _SCH + 1))
          for q in range(NSLICE)]
    msgs = []
    partsA = None
    for q in range(NSLICE):
        msgs.append(_tc_edge(xs[q], eet, eat, Wm1T, Wm2T, W2, q))
        if q == 1:
            partsA = scatter2(msgs[0], msgs[1],
                              lax.slice_in_dim(dst3, 0, 2 * _SCH + 1), zeros)
    partsB = scatter2(msgs[2], msgs[3],
                      lax.slice_in_dim(dst3, 2 * _SCH, NCHUNK + 1), zeros)
    return _tc_post(partsA, partsB, u, sc, W3)

# --- scband reference (transcript-rebuilt; emitter-appended) ---
"""Pipeline reference for scband-segnnconv-16226386444783 (READ-ONLY COPY).

The authoritative reference and input builder live on the scoring server;
editing this copy changes nothing except your own understanding.
"""

import jax, jax.numpy as jnp
import numpy as np

N = 10000   # nodes
E = 320000  # edges
D = 128     # node feature dim (128x0e)
DA = 16     # node attr dim (16x0e)
DE = 16     # edge embedding dim (16x0e scalars, input to radial MLP)
DEA = 1     # edge attr dim (1x0e, scalar spherical harmonics)
H = 8       # fc_hidden_size
AVG_NEIGH = 32.0


def setup_inputs(seed: int = 0) -> dict:
    key = jax.random.key(seed)
    ks = jax.random.split(key, 12)
    node_feats = jax.random.normal(ks[0], (N, D), dtype=jnp.float32)
    node_attrs = jax.random.normal(ks[1], (N, DA), dtype=jnp.float32)
    edge_embedding = jax.random.normal(ks[2], (E, DE), dtype=jnp.float32)
    edge_attrs = jax.random.uniform(ks[3], (E, DEA), dtype=jnp.float32)
    edge_index = jax.random.randint(ks[4], (2, E), 0, N, dtype=jnp.int32)
    # learned parameters (e3nn Linear / UVU tp / FC tp restricted to scalar irreps)
    W1 = jax.random.normal(ks[5], (D, D), dtype=jnp.float32)
    Wm1 = jax.random.normal(ks[6], (DE, H), dtype=jnp.float32)
    Wm2 = jax.random.normal(ks[7], (H, D), dtype=jnp.float32)
    W2 = jax.random.normal(ks[8], (D, D), dtype=jnp.float32)
    Wu = jax.random.normal(ks[9], (D, DA), dtype=jnp.float32)
    W3 = jax.random.normal(ks[10], (D, D), dtype=jnp.float32)
    Wsc = jax.random.normal(ks[11], (D, DA, D), dtype=jnp.float32)
    return {
        "node_feats": node_feats,
        "node_attrs": node_attrs,
        "edge_embedding": edge_embedding,
        "edge_attrs": edge_attrs,
        "edge_index": edge_index,
        "W1": W1, "Wm1": Wm1, "Wm2": Wm2, "W2": W2,
        "Wu": Wu, "W3": W3, "Wsc": Wsc,
    }


def reference(node_feats, node_attrs, edge_embedding, edge_attrs, edge_index,
              W1, Wm1, Wm2, W2, Wu, W3, Wsc):
    src = edge_index[0]
    dst = edge_index[1]

    # linear_1 (e3nn Linear on 128x0e, with 1/sqrt(fan_in) path normalization)
    x = (node_feats @ W1) / jnp.sqrt(float(D))

    # radial MLP on edge_embedding -> per-edge tp weights (FullyConnectedNet, silu, no bias)
    h = jax.nn.silu((edge_embedding @ Wm1) / jnp.sqrt(float(DE)))
    w_edge = (h @ Wm2) / jnp.sqrt(float(H))  # [E, D]

    # message_tp: uvu tensor product (128x0e x 1x0e -> 128x0e), weights from radial MLP
    xs = jnp.take(x, src, axis=0)            # gather neighbor feats  [E, D]
    msg = xs * edge_attrs * w_edge           # scalar-scalar tp path  [E, D]

    # linear_2
    msg = (msg @ W2) / jnp.sqrt(float(D))

    # message_activation (gate on all-scalar irreps == scalar activation)
    msg = jax.nn.silu(msg)

    # scatter-sum messages to destination nodes
    agg = jax.ops.segment_sum(msg, dst, num_segments=N)
    agg = agg / jnp.sqrt(AVG_NEIGH)

    # update_tp: uvu tp (128x0e x 16x0e -> 128x0e), internal shared weights
    upd = agg * ((node_attrs @ Wu.T) / jnp.sqrt(float(DA)))

    # linear_3
    upd = (upd @ W3) / jnp.sqrt(float(D))

    # self connection: fully connected tp (128x0e x 16x0e -> 128x0e)
    sc = jnp.einsum('nu,nv,uvk->nk', node_feats, node_attrs, Wsc) / jnp.sqrt(float(D * DA))
    upd = upd + sc

    # update_activation
    out = jax.nn.silu(upd)
    return out

if __name__ == "__main__":
    import jax
    _d = setup_inputs()
    print(jax.jit(kernel)(*tuple(_d.values())))

</pallas_src>

<mosaic_0001>
#map = affine_map<(d0, d1) -> (0, 0)>
#map1 = affine_map<(d0, d1) -> (0, 0, 0)>
module attributes {stable_mosaic.version = 14 : i64} {
  func.func @sc_gather(%arg0: i32, %arg1: i32, %arg2: memref<10000x128xf32, #tpu.memory_space<hbm>>, %arg3: memref<626x1x128xi32, #tpu.memory_space<hbm>>, %arg4: memref<80000x128xf32, #tpu.memory_space<hbm>>, %arg5: memref<20x1x128xi32, #tpu.memory_space<vmem>>, %arg6: memref<2x128x128xf32, #tpu.memory_space<vmem>>, %arg7: memref<10000x128xf32, #tpu.memory_space<vmem_shared>>, %arg8: memref<2x!tpu.dma_semaphore, #tpu.memory_space<semaphore_mem>>, %arg9: memref<2x!tpu.dma_semaphore, #tpu.memory_space<semaphore_mem>>) attributes {dimension_semantics = [#tpu.dimension_semantics<core_parallel>, #tpu.dimension_semantics<subcore_parallel>], iteration_bounds = array<i64: 2, 16>, scalar_prefetch = 0 : i64, scratch_operands = 5 : i64, tpu.core_type = #tpu.core_type<sc_vector_subcore>, window_params = [{transform_indices = #map}, {transform_indices = #map1}, {transform_indices = #map}]} {
    %mul3A = arith.constant 2 : i32
    %mul3A_0 = arith.muli %arg1, %mul3A : i32
    %add3A = arith.addi %mul3A_0, %arg0 : i32
    %mul3A_1 = arith.constant 19 : i32
    %mul3A_2 = arith.muli %add3A, %mul3A_1 : i32
    %min3A = arith.constant 17 : i32
    %min3A_3 = arith.minsi %add3A, %min3A : i32
    %add3A_4 = arith.addi %mul3A_2, %min3A_3 : i32
    %lt3A = arith.constant 17 : i32
    %lt3A_5 = arith.cmpi slt, %add3A, %lt3A : i32
    %jit3A = arith.constant 1 : i32
    %jit3A_6 = arith.constant 0 : i32
    %select_n3A = arith.select %lt3A_5, %jit3A, %jit3A_6 : i32
    %add3A_7 = arith.constant 19 : i32
    %add3A_8 = arith.addi %add3A_7, %select_n3A : i32
    "tpu.region"() ({
      %run_scoped3A = tpu.sem_alloc : memref<!tpu.dma_semaphore, #tpu.memory_space<semaphore_mem>>
      %dma_start3A_108 = arith.constant 0 : i32
      %dma_start3A_109 = arith.constant 0 : i32
      %dma_start3A_110 = tpu.memref_slice %arg3[%add3A_4, %dma_start3A_108, %dma_start3A_109] : memref<626x1x128xi32, #tpu.memory_space<hbm>> -> memref<20x1x128xi32, #tpu.memory_space<hbm>>
      %dma_start3A_111 = arith.constant 0 : i32
      %dma_start3A_112 = arith.constant 0 : i32
      %dma_start3A_113 = tpu.memref_slice %arg3[%add3A_4, %dma_start3A_111, %dma_start3A_112] : memref<626x1x128xi32, #tpu.memory_space<hbm>> -> memref<20x1x128xi32, #tpu.memory_space<hbm>>
      tpu.enqueue_dma source(%dma_start3A_113 : memref<20x1x128xi32, #tpu.memory_space<hbm>>) target(%arg5 : memref<20x1x128xi32, #tpu.memory_space<vmem>>) target_semaphore(%run_scoped3A : memref<!tpu.dma_semaphore, #tpu.memory_space<semaphore_mem>>)
      %dma_wait3A_114 = arith.constant 0 : i32
      %dma_wait3A_115 = arith.constant 0 : i32
      %dma_wait3A_116 = tpu.memref_slice %arg3[%add3A_4, %dma_wait3A_114, %dma_wait3A_115] : memref<626x1x128xi32, #tpu.memory_space<hbm>> -> memref<20x1x128xi32, #tpu.memory_space<hbm>>
      %dma_wait3A_117 = arith.constant 0 : i32
      %dma_wait3A_118 = arith.constant 0 : i32
      %dma_wait3A_119 = tpu.memref_slice %arg3[%add3A_4, %dma_wait3A_117, %dma_wait3A_118] : memref<626x1x128xi32, #tpu.memory_space<hbm>> -> memref<20x1x128xi32, #tpu.memory_space<hbm>>
      tpu.wait_dma2 semaphore(%run_scoped3A : memref<!tpu.dma_semaphore, #tpu.memory_space<semaphore_mem>>) src(%dma_wait3A_119 : memref<20x1x128xi32, #tpu.memory_space<hbm>>) dst(%arg5 : memref<20x1x128xi32, #tpu.memory_space<vmem>>)
      tpu.yield
    }) : () -> ()
    %mul3A_9 = arith.constant 624 : i32
    %mul3A_10 = arith.muli %arg1, %mul3A_9 : i32
    %mul3A_11 = arith.constant 624 : i32
    %mul3A_12 = arith.muli %arg1, %mul3A_11 : i32
    "tpu.region"() ({
      %run_scoped3A = tpu.sem_alloc : memref<!tpu.dma_semaphore, #tpu.memory_space<semaphore_mem>>
      %dma_start3A_108 = arith.constant 0 : i32
      %dma_start3A_109 = tpu.memref_slice %arg7[%mul3A_12, %dma_start3A_108] : memref<10000x128xf32, #tpu.memory_space<vmem_shared>> -> memref<624x128xf32, #tpu.memory_space<vmem_shared>>
      %dma_start3A_110 = arith.constant 0 : i32
      %dma_start3A_111 = tpu.memref_slice %arg2[%mul3A_10, %dma_start3A_110] : memref<10000x128xf32, #tpu.memory_space<hbm>> -> memref<624x128xf32, #tpu.memory_space<hbm>>
      tpu.enqueue_dma source(%dma_start3A_111 : memref<624x128xf32, #tpu.memory_space<hbm>>) target(%dma_start3A_109 : memref<624x128xf32, #tpu.memory_space<vmem_shared>>) target_semaphore(%run_scoped3A : memref<!tpu.dma_semaphore, #tpu.memory_space<semaphore_mem>>)
      %dma_wait3A_112 = arith.constant 0 : i32
      %dma_wait3A_113 = tpu.memref_slice %arg7[%mul3A_12, %dma_wait3A_112] : memref<10000x128xf32, #tpu.memory_space<vmem_shared>> -> memref<624x128xf32, #tpu.memory_space<vmem_shared>>
      %dma_wait3A_114 = arith.constant 0 : i32
      %dma_wait3A_115 = tpu.memref_slice %arg2[%mul3A_10, %dma_wait3A_114] : memref<10000x128xf32, #tpu.memory_space<hbm>> -> memref<624x128xf32, #tpu.memory_space<hbm>>
      tpu.wait_dma2 semaphore(%run_scoped3A : memref<!tpu.dma_semaphore, #tpu.memory_space<semaphore_mem>>) src(%dma_wait3A_115 : memref<624x128xf32, #tpu.memory_space<hbm>>) dst(%dma_wait3A_113 : memref<624x128xf32, #tpu.memory_space<vmem_shared>>)
      tpu.yield
    }) : () -> ()
    %eq3A = arith.constant 15 : i32
    %eq3A_13 = arith.cmpi eq, %arg1, %eq3A : i32
    %convert_element_type3A = arith.extui %eq3A_13 : i1 to i32
    %cond3A = arith.constant 0 : i32
    %cond3A_14 = arith.cmpi ne, %convert_element_type3A, %cond3A : i32
    scf.if %cond3A_14 {
      "tpu.region"() ({
        %run_scoped3A = tpu.sem_alloc : memref<!tpu.dma_semaphore, #tpu.memory_space<semaphore_mem>>
        %dma_start3A_108 = arith.constant 9984 : i32
        %dma_start3A_109 = arith.constant 0 : i32
        %dma_start3A_110 = tpu.memref_slice %arg7[%dma_start3A_108, %dma_start3A_109] : memref<10000x128xf32, #tpu.memory_space<vmem_shared>> -> memref<16x128xf32, #tpu.memory_space<vmem_shared>>
        %dma_start3A_111 = arith.constant 9984 : i32
        %dma_start3A_112 = arith.constant 0 : i32
        %dma_start3A_113 = tpu.memref_slice %arg2[%dma_start3A_111, %dma_start3A_112] : memref<10000x128xf32, #tpu.memory_space<hbm>> -> memref<16x128xf32, #tpu.memory_space<hbm>>
        tpu.enqueue_dma source(%dma_start3A_113 : memref<16x128xf32, #tpu.memory_space<hbm>>) target(%dma_start3A_110 : memref<16x128xf32, #tpu.memory_space<vmem_shared>>) target_semaphore(%run_scoped3A : memref<!tpu.dma_semaphore, #tpu.memory_space<semaphore_mem>>)
        %dma_wait3A_114 = arith.constant 9984 : i32
        %dma_wait3A_115 = arith.constant 0 : i32
        %dma_wait3A_116 = tpu.memref_slice %arg7[%dma_wait3A_114, %dma_wait3A_115] : memref<10000x128xf32, #tpu.memory_space<vmem_shared>> -> memref<16x128xf32, #tpu.memory_space<vmem_shared>>
        %dma_wait3A_117 = arith.constant 9984 : i32
        %dma_wait3A_118 = arith.constant 0 : i32
        %dma_wait3A_119 = tpu.memref_slice %arg2[%dma_wait3A_117, %dma_wait3A_118] : memref<10000x128xf32, #tpu.memory_space<hbm>> -> memref<16x128xf32, #tpu.memory_space<hbm>>
        tpu.wait_dma2 semaphore(%run_scoped3A : memref<!tpu.dma_semaphore, #tpu.memory_space<semaphore_mem>>) src(%dma_wait3A_119 : memref<16x128xf32, #tpu.memory_space<hbm>>) dst(%dma_wait3A_116 : memref<16x128xf32, #tpu.memory_space<vmem_shared>>)
        tpu.yield
      }) : () -> ()
    } else {
    }
    %barrier3A = arith.constant 0 : index
    tpu.barrier barrier_id(%barrier3A)
    %dma_start3A = arith.constant 0 : i32
    %dma_start3A_15 = arith.constant 0 : i32
    %dma_start3A_16 = arith.constant 0 : i32
    %dma_start3A_17 = arith.constant 0 : i32
    %dma_start3A_18 = arith.constant 0 : i32
    %dma_start3A_19 = arith.constant 0 : i32
    %dma_start3A_20 = tpu.memref_slice %arg6[%dma_start3A_16, %dma_start3A_18, %dma_start3A_19] : memref<2x128x128xf32, #tpu.memory_space<vmem>> -> memref<1x128x128xf32, #tpu.memory_space<vmem>>
    %dma_start3A_21 = tpu.memref_squeeze %dma_start3A_20 : memref<1x128x128xf32, #tpu.memory_space<vmem>> -> memref<128x128xf32, #tpu.memory_space<vmem>>
    %dma_start3A_22 = arith.constant 0 : i32
    %dma_start3A_23 = tpu.memref_slice %arg5[%dma_start3A, %dma_start3A_15, %dma_start3A_22] : memref<20x1x128xi32, #tpu.memory_space<vmem>> -> memref<1x1x128xi32, #tpu.memory_space<vmem>>
    %dma_start3A_24 = tpu.memref_squeeze %dma_start3A_23 : memref<1x1x128xi32, #tpu.memory_space<vmem>> -> memref<128xi32, #tpu.memory_space<vmem>>
    %dma_start3A_25 = arith.constant 0 : i32
    %dma_start3A_26 = arith.constant 0 : i32
    %dma_start3A_27 = tpu.memref_slice %arg7[%dma_start3A_25, %dma_start3A_26] : memref<10000x128xf32, #tpu.memory_space<vmem_shared>> -> memref<10000x128xf32, #tpu.memory_space<vmem_shared>>
    %dma_start3A_28 = tpu.memref_slice %arg8[%dma_start3A_17] : memref<2x!tpu.dma_semaphore, #tpu.memory_space<semaphore_mem>> -> memref<1x!tpu.dma_semaphore, #tpu.memory_space<semaphore_mem>>
    %dma_start3A_29 = tpu.memref_squeeze %dma_start3A_28 : memref<1x!tpu.dma_semaphore, #tpu.memory_space<semaphore_mem>> -> memref<!tpu.dma_semaphore, #tpu.memory_space<semaphore_mem>>
    tpu.enqueue_indirect_dma source(%dma_start3A_27 : memref<10000x128xf32, #tpu.memory_space<vmem_shared>>) target(%dma_start3A_21 : memref<128x128xf32, #tpu.memory_space<vmem>>) offsets(%dma_start3A_24 : memref<128xi32, #tpu.memory_space<vmem>>) semaphore(%dma_start3A_29 : memref<!tpu.dma_semaphore, #tpu.memory_space<semaphore_mem>>)
    %while3A = arith.constant 0 : i32
    %while3A_30 = arith.constant 0 : i32
    %while3A_31 = arith.subi %add3A_8, %while3A_30 : i32
    %while3A_32 = arith.addi %while3A_30, %while3A_31 : i32
    %while3A_33 = arith.constant 1 : i32
    %while3A_34 = arith.divsi %while3A_31, %while3A_33 : i32
    %while3A_35 = arith.muli %while3A_34, %while3A_33 : i32
    %while3A_36 = arith.addi %while3A_30, %while3A_35 : i32
    %while3A_37 = arith.constant 1 : i32
    scf.for %while3A_108 = %while3A_30 to %while3A_36 step %while3A_37  : i32 {
      %jit3A_109 = arith.constant 2 : i32
      %eq3A_110 = arith.constant 0 : i32
      %eq3A_111 = arith.cmpi eq, %jit3A_109, %eq3A_110 : i32
      %jit3A_112 = arith.constant 1 : i32
      %select_n3A_113 = arith.select %eq3A_111, %jit3A_112, %jit3A_109 : i32
      %rem3A_114 = arith.remsi %while3A_108, %select_n3A_113 : i32
      %ne3A_115 = arith.constant 0 : i32
      %ne3A_116 = arith.cmpi ne, %rem3A_114, %ne3A_115 : i32
      %lt3A_117 = arith.constant 0 : i32
      %lt3A_118 = arith.cmpi slt, %rem3A_114, %lt3A_117 : i32
      %lt3A_119 = arith.constant 0 : i32
      %lt3A_120 = arith.cmpi slt, %select_n3A_113, %lt3A_119 : i32
      %ne3A_121 = arith.xori %lt3A_118, %lt3A_120 : i1
      %and3A_122 = arith.andi %ne3A_121, %ne3A_116 : i1
      %add3A_123 = arith.addi %rem3A_114, %select_n3A_113 : i32
      %select_n3A_124 = arith.select %and3A_122, %add3A_123, %rem3A_114 : i32
      %add3A_125 = arith.addi %add3A_4, %while3A_108 : i32
      %dma_wait3A_126 = arith.constant 0 : i32
      %dma_wait3A_127 = arith.constant 0 : i32
      %dma_wait3A_128 = arith.constant 0 : i32
      %dma_wait3A_129 = tpu.memref_slice %arg6[%select_n3A_124, %dma_wait3A_127, %dma_wait3A_128] : memref<2x128x128xf32, #tpu.memory_space<vmem>> -> memref<1x128x128xf32, #tpu.memory_space<vmem>>
      %dma_wait3A_130 = tpu.memref_squeeze %dma_wait3A_129 : memref<1x128x128xf32, #tpu.memory_space<vmem>> -> memref<128x128xf32, #tpu.memory_space<vmem>>
      %dma_wait3A_131 = arith.constant 0 : i32
      %dma_wait3A_132 = tpu.memref_slice %arg5[%while3A_108, %dma_wait3A_126, %dma_wait3A_131] : memref<20x1x128xi32, #tpu.memory_space<vmem>> -> memref<1x1x128xi32, #tpu.memory_space<vmem>>
      %dma_wait3A_133 = tpu.memref_squeeze %dma_wait3A_132 : memref<1x1x128xi32, #tpu.memory_space<vmem>> -> memref<128xi32, #tpu.memory_space<vmem>>
      %dma_wait3A_134 = arith.constant 0 : i32
      %dma_wait3A_135 = arith.constant 0 : i32
      %dma_wait3A_136 = tpu.memref_slice %arg7[%dma_wait3A_134, %dma_wait3A_135] : memref<10000x128xf32, #tpu.memory_space<vmem_shared>> -> memref<10000x128xf32, #tpu.memory_space<vmem_shared>>
      %dma_wait3A_137 = tpu.memref_slice %arg8[%select_n3A_124] : memref<2x!tpu.dma_semaphore, #tpu.memory_space<semaphore_mem>> -> memref<1x!tpu.dma_semaphore, #tpu.memory_space<semaphore_mem>>
      %dma_wait3A_138 = tpu.memref_squeeze %dma_wait3A_137 : memref<1x!tpu.dma_semaphore, #tpu.memory_space<semaphore_mem>> -> memref<!tpu.dma_semaphore, #tpu.memory_space<semaphore_mem>>
      tpu.wait_indirect_dma semaphore(%dma_wait3A_138 : memref<!tpu.dma_semaphore, #tpu.memory_space<semaphore_mem>>) src(%dma_wait3A_136 : memref<10000x128xf32, #tpu.memory_space<vmem_shared>>) dst(%dma_wait3A_130 : memref<128x128xf32, #tpu.memory_space<vmem>>)
      %mul3A_139 = arith.constant 128 : i32
      %mul3A_140 = arith.muli %add3A_125, %mul3A_139 : i32
      %dma_start3A_141 = arith.constant 0 : i32
      %dma_start3A_142 = arith.constant 0 : i32
      %dma_start3A_143 = tpu.memref_slice %arg6[%select_n3A_124, %dma_start3A_141, %dma_start3A_142] : memref<2x128x128xf32, #tpu.memory_space<vmem>> -> memref<1x128x128xf32, #tpu.memory_space<vmem>>
      %dma_start3A_144 = tpu.memref_squeeze %dma_start3A_143 : memref<1x128x128xf32, #tpu.memory_space<vmem>> -> memref<128x128xf32, #tpu.memory_space<vmem>>
      %dma_start3A_145 = arith.constant 0 : i32
      %dma_start3A_146 = tpu.memref_slice %arg4[%mul3A_140, %dma_start3A_145] : memref<80000x128xf32, #tpu.memory_space<hbm>> -> memref<128x128xf32, #tpu.memory_space<hbm>>
      %dma_start3A_147 = tpu.memref_slice %arg9[%select_n3A_124] : memref<2x!tpu.dma_semaphore, #tpu.memory_space<semaphore_mem>> -> memref<1x!tpu.dma_semaphore, #tpu.memory_space<semaphore_mem>>
      %dma_start3A_148 = tpu.memref_squeeze %dma_start3A_147 : memref<1x!tpu.dma_semaphore, #tpu.memory_space<semaphore_mem>> -> memref<!tpu.dma_semaphore, #tpu.memory_space<semaphore_mem>>
      %dma_start3A_149 = arith.constant 0 : i32
      %dma_start3A_150 = tpu.memref_slice %arg4[%mul3A_140, %dma_start3A_149] : memref<80000x128xf32, #tpu.memory_space<hbm>> -> memref<128x128xf32, #tpu.memory_space<hbm>>
      %dma_start3A_151 = arith.constant 0 : i32
      %dma_start3A_152 = arith.constant 0 : i32
      %dma_start3A_153 = tpu.memref_slice %arg6[%select_n3A_124, %dma_start3A_151, %dma_start3A_152] : memref<2x128x128xf32, #tpu.memory_space<vmem>> -> memref<1x128x128xf32, #tpu.memory_space<vmem>>
      %dma_start3A_154 = tpu.memref_squeeze %dma_start3A_153 : memref<1x128x128xf32, #tpu.memory_space<vmem>> -> memref<128x128xf32, #tpu.memory_space<vmem>>
      tpu.enqueue_dma source(%dma_start3A_154 : memref<128x128xf32, #tpu.memory_space<vmem>>) target(%dma_start3A_150 : memref<128x128xf32, #tpu.memory_space<hbm>>) target_semaphore(%dma_start3A_148 : memref<!tpu.dma_semaphore, #tpu.memory_space<semaphore_mem>>)
      %add3A_155 = arith.constant 1 : i32
      %add3A_156 = arith.addi %while3A_108, %add3A_155 : i32
      %lt3A_157 = arith.cmpi slt, %add3A_156, %add3A_8 : i32
      %convert_element_type3A_158 = arith.extui %lt3A_157 : i1 to i32
      %cond3A_159 = arith.constant 0 : i32
      %cond3A_160 = arith.cmpi ne, %convert_element_type3A_158, %cond3A_159 : i32
      scf.if %cond3A_160 {
        %add3A_161 = arith.constant 1 : i32
        %add3A_162 = arith.addi %while3A_108, %add3A_161 : i32
        %jit3A_163 = arith.constant 2 : i32
        %eq3A_164 = arith.constant 0 : i32
        %eq3A_165 = arith.cmpi eq, %jit3A_163, %eq3A_164 : i32
        %jit3A_166 = arith.constant 1 : i32
        %select_n3A_167 = arith.select %eq3A_165, %jit3A_166, %jit3A_163 : i32
        %rem3A_168 = arith.remsi %add3A_162, %select_n3A_167 : i32
        %ne3A_169 = arith.constant 0 : i32
        %ne3A_170 = arith.cmpi ne, %rem3A_168, %ne3A_169 : i32
        %lt3A_171 = arith.constant 0 : i32
        %lt3A_172 = arith.cmpi slt, %rem3A_168, %lt3A_171 : i32
        %lt3A_173 = arith.constant 0 : i32
        %lt3A_174 = arith.cmpi slt, %select_n3A_167, %lt3A_173 : i32
        %ne3A_175 = arith.xori %lt3A_172, %lt3A_174 : i1
        %and3A_176 = arith.andi %ne3A_175, %ne3A_170 : i1
        %add3A_177 = arith.addi %rem3A_168, %select_n3A_167 : i32
        %select_n3A_178 = arith.select %and3A_176, %add3A_177, %rem3A_168 : i32
        %add3A_179 = arith.constant 1 : i32
        %add3A_180 = arith.addi %while3A_108, %add3A_179 : i32
        %ge3A = arith.constant 2 : i32
        %ge3A_181 = arith.cmpi sge, %add3A_180, %ge3A : i32
        %convert_element_type3A_182 = arith.extui %ge3A_181 : i1 to i32
        %cond3A_183 = arith.constant 0 : i32
        %cond3A_184 = arith.cmpi ne, %convert_element_type3A_182, %cond3A_183 : i32
        scf.if %cond3A_184 {
          %add3A_200 = arith.addi %add3A_4, %while3A_108 : i32
          %sub3A_201 = arith.constant 1 : i32
          %sub3A_202 = arith.subi %add3A_200, %sub3A_201 : i32
          %mul3A_203 = arith.constant 128 : i32
          %mul3A_204 = arith.muli %sub3A_202, %mul3A_203 : i32
          %dma_wait3A_205 = arith.constant 0 : i32
          %dma_wait3A_206 = arith.constant 0 : i32
          %dma_wait3A_207 = tpu.memref_slice %arg6[%select_n3A_178, %dma_wait3A_205, %dma_wait3A_206] : memref<2x128x128xf32, #tpu.memory_space<vmem>> -> memref<1x128x128xf32, #tpu.memory_space<vmem>>
          %dma_wait3A_208 = tpu.memref_squeeze %dma_wait3A_207 : memref<1x128x128xf32, #tpu.memory_space<vmem>> -> memref<128x128xf32, #tpu.memory_space<vmem>>
          %dma_wait3A_209 = arith.constant 0 : i32
          %dma_wait3A_210 = tpu.memref_slice %arg4[%mul3A_204, %dma_wait3A_209] : memref<80000x128xf32, #tpu.memory_space<hbm>> -> memref<128x128xf32, #tpu.memory_space<hbm>>
          %dma_wait3A_211 = tpu.memref_slice %arg9[%select_n3A_178] : memref<2x!tpu.dma_semaphore, #tpu.memory_space<semaphore_mem>> -> memref<1x!tpu.dma_semaphore, #tpu.memory_space<semaphore_mem>>
          %dma_wait3A_212 = tpu.memref_squeeze %dma_wait3A_211 : memref<1x!tpu.dma_semaphore, #tpu.memory_space<semaphore_mem>> -> memref<!tpu.dma_semaphore, #tpu.memory_space<semaphore_mem>>
          %dma_wait3A_213 = arith.constant 0 : i32
          %dma_wait3A_214 = tpu.memref_slice %arg4[%mul3A_204, %dma_wait3A_213] : memref<80000x128xf32, #tpu.memory_space<hbm>> -> memref<128x128xf32, #tpu.memory_space<hbm>>
          %dma_wait3A_215 = arith.constant 0 : i32
          %dma_wait3A_216 = arith.constant 0 : i32
          %dma_wait3A_217 = tpu.memref_slice %arg6[%select_n3A_178, %dma_wait3A_215, %dma_wait3A_216] : memref<2x128x128xf32, #tpu.memory_space<vmem>> -> memref<1x128x128xf32, #tpu.memory_space<vmem>>
          %dma_wait3A_218 = tpu.memref_squeeze %dma_wait3A_217 : memref<1x128x128xf32, #tpu.memory_space<vmem>> -> memref<128x128xf32, #tpu.memory_space<vmem>>
          tpu.wait_dma2 semaphore(%dma_wait3A_212 : memref<!tpu.dma_semaphore, #tpu.memory_space<semaphore_mem>>) src(%dma_wait3A_218 : memref<128x128xf32, #tpu.memory_space<vmem>>) dst(%dma_wait3A_214 : memref<128x128xf32, #tpu.memory_space<hbm>>)
        } else {
        }
        %add3A_185 = arith.constant 1 : i32
        %add3A_186 = arith.addi %while3A_108, %add3A_185 : i32
        %dma_start3A_187 = arith.constant 0 : i32
        %dma_start3A_188 = arith.constant 0 : i32
        %dma_start3A_189 = arith.constant 0 : i32
        %dma_start3A_190 = tpu.memref_slice %arg6[%select_n3A_178, %dma_start3A_188, %dma_start3A_189] : memref<2x128x128xf32, #tpu.memory_space<vmem>> -> memref<1x128x128xf32, #tpu.memory_space<vmem>>
        %dma_start3A_191 = tpu.memref_squeeze %dma_start3A_190 : memref<1x128x128xf32, #tpu.memory_space<vmem>> -> memref<128x128xf32, #tpu.memory_space<vmem>>
        %dma_start3A_192 = arith.constant 0 : i32
        %dma_start3A_193 = tpu.memref_slice %arg5[%add3A_186, %dma_start3A_187, %dma_start3A_192] : memref<20x1x128xi32, #tpu.memory_space<vmem>> -> memref<1x1x128xi32, #tpu.memory_space<vmem>>
        %dma_start3A_194 = tpu.memref_squeeze %dma_start3A_193 : memref<1x1x128xi32, #tpu.memory_space<vmem>> -> memref<128xi32, #tpu.memory_space<vmem>>
        %dma_start3A_195 = arith.constant 0 : i32
        %dma_start3A_196 = arith.constant 0 : i32
        %dma_start3A_197 = tpu.memref_slice %arg7[%dma_start3A_195, %dma_start3A_196] : memref<10000x128xf32, #tpu.memory_space<vmem_shared>> -> memref<10000x128xf32, #tpu.memory_space<vmem_shared>>
        %dma_start3A_198 = tpu.memref_slice %arg8[%select_n3A_178] : memref<2x!tpu.dma_semaphore, #tpu.memory_space<semaphore_mem>> -> memref<1x!tpu.dma_semaphore, #tpu.memory_space<semaphore_mem>>
        %dma_start3A_199 = tpu.memref_squeeze %dma_start3A_198 : memref<1x!tpu.dma_semaphore, #tpu.memory_space<semaphore_mem>> -> memref<!tpu.dma_semaphore, #tpu.memory_space<semaphore_mem>>
        tpu.enqueue_indirect_dma source(%dma_start3A_197 : memref<10000x128xf32, #tpu.memory_space<vmem_shared>>) target(%dma_start3A_191 : memref<128x128xf32, #tpu.memory_space<vmem>>) offsets(%dma_start3A_194 : memref<128xi32, #tpu.memory_space<vmem>>) semaphore(%dma_start3A_199 : memref<!tpu.dma_semaphore, #tpu.memory_space<semaphore_mem>>)
      } else {
      }
    }
    %while3A_38 = arith.constant 1 : i32
    scf.for %while3A_108 = %while3A_36 to %while3A_32 step %while3A_38  : i32 {
      %jit3A_109 = arith.constant 2 : i32
      %eq3A_110 = arith.constant 0 : i32
      %eq3A_111 = arith.cmpi eq, %jit3A_109, %eq3A_110 : i32
      %jit3A_112 = arith.constant 1 : i32
      %select_n3A_113 = arith.select %eq3A_111, %jit3A_112, %jit3A_109 : i32
      %rem3A_114 = arith.remsi %while3A_108, %select_n3A_113 : i32
      %ne3A_115 = arith.constant 0 : i32
      %ne3A_116 = arith.cmpi ne, %rem3A_114, %ne3A_115 : i32
      %lt3A_117 = arith.constant 0 : i32
      %lt3A_118 = arith.cmpi slt, %rem3A_114, %lt3A_117 : i32
      %lt3A_119 = arith.constant 0 : i32
      %lt3A_120 = arith.cmpi slt, %select_n3A_113, %lt3A_119 : i32
      %ne3A_121 = arith.xori %lt3A_118, %lt3A_120 : i1
      %and3A_122 = arith.andi %ne3A_121, %ne3A_116 : i1
      %add3A_123 = arith.addi %rem3A_114, %select_n3A_113 : i32
      %select_n3A_124 = arith.select %and3A_122, %add3A_123, %rem3A_114 : i32
      %add3A_125 = arith.addi %add3A_4, %while3A_108 : i32
      %dma_wait3A_126 = arith.constant 0 : i32
      %dma_wait3A_127 = arith.constant 0 : i32
      %dma_wait3A_128 = arith.constant 0 : i32
      %dma_wait3A_129 = tpu.memref_slice %arg6[%select_n3A_124, %dma_wait3A_127, %dma_wait3A_128] : memref<2x128x128xf32, #tpu.memory_space<vmem>> -> memref<1x128x128xf32, #tpu.memory_space<vmem>>
      %dma_wait3A_130 = tpu.memref_squeeze %dma_wait3A_129 : memref<1x128x128xf32, #tpu.memory_space<vmem>> -> memref<128x128xf32, #tpu.memory_space<vmem>>
      %dma_wait3A_131 = arith.constant 0 : i32
      %dma_wait3A_132 = tpu.memref_slice %arg5[%while3A_108, %dma_wait3A_126, %dma_wait3A_131] : memref<20x1x128xi32, #tpu.memory_space<vmem>> -> memref<1x1x128xi32, #tpu.memory_space<vmem>>
      %dma_wait3A_133 = tpu.memref_squeeze %dma_wait3A_132 : memref<1x1x128xi32, #tpu.memory_space<vmem>> -> memref<128xi32, #tpu.memory_space<vmem>>
      %dma_wait3A_134 = arith.constant 0 : i32
      %dma_wait3A_135 = arith.constant 0 : i32
      %dma_wait3A_136 = tpu.memref_slice %arg7[%dma_wait3A_134, %dma_wait3A_135] : memref<10000x128xf32, #tpu.memory_space<vmem_shared>> -> memref<10000x128xf32, #tpu.memory_space<vmem_shared>>
      %dma_wait3A_137 = tpu.memref_slice %arg8[%select_n3A_124] : memref<2x!tpu.dma_semaphore, #tpu.memory_space<semaphore_mem>> -> memref<1x!tpu.dma_semaphore, #tpu.memory_space<semaphore_mem>>
      %dma_wait3A_138 = tpu.memref_squeeze %dma_wait3A_137 : memref<1x!tpu.dma_semaphore, #tpu.memory_space<semaphore_mem>> -> memref<!tpu.dma_semaphore, #tpu.memory_space<semaphore_mem>>
      tpu.wait_indirect_dma semaphore(%dma_wait3A_138 : memref<!tpu.dma_semaphore, #tpu.memory_space<semaphore_mem>>) src(%dma_wait3A_136 : memref<10000x128xf32, #tpu.memory_space<vmem_shared>>) dst(%dma_wait3A_130 : memref<128x128xf32, #tpu.memory_space<vmem>>)
      %mul3A_139 = arith.constant 128 : i32
      %mul3A_140 = arith.muli %add3A_125, %mul3A_139 : i32
      %dma_start3A_141 = arith.constant 0 : i32
      %dma_start3A_142 = arith.constant 0 : i32
      %dma_start3A_143 = tpu.memref_slice %arg6[%select_n3A_124, %dma_start3A_141, %dma_start3A_142] : memref<2x128x128xf32, #tpu.memory_space<vmem>> -> memref<1x128x128xf32, #tpu.memory_space<vmem>>
      %dma_start3A_144 = tpu.memref_squeeze %dma_start3A_143 : memref<1x128x128xf32, #tpu.memory_space<vmem>> -> memref<128x128xf32, #tpu.memory_space<vmem>>
      %dma_start3A_145 = arith.constant 0 : i32
      %dma_start3A_146 = tpu.memref_slice %arg4[%mul3A_140, %dma_start3A_145] : memref<80000x128xf32, #tpu.memory_space<hbm>> -> memref<128x128xf32, #tpu.memory_space<hbm>>
      %dma_start3A_147 = tpu.memref_slice %arg9[%select_n3A_124] : memref<2x!tpu.dma_semaphore, #tpu.memory_space<semaphore_mem>> -> memref<1x!tpu.dma_semaphore, #tpu.memory_space<semaphore_mem>>
      %dma_start3A_148 = tpu.memref_squeeze %dma_start3A_147 : memref<1x!tpu.dma_semaphore, #tpu.memory_space<semaphore_mem>> -> memref<!tpu.dma_semaphore, #tpu.memory_space<semaphore_mem>>
      %dma_start3A_149 = arith.constant 0 : i32
      %dma_start3A_150 = tpu.memref_slice %arg4[%mul3A_140, %dma_start3A_149] : memref<80000x128xf32, #tpu.memory_space<hbm>> -> memref<128x128xf32, #tpu.memory_space<hbm>>
      %dma_start3A_151 = arith.constant 0 : i32
      %dma_start3A_152 = arith.constant 0 : i32
      %dma_start3A_153 = tpu.memref_slice %arg6[%select_n3A_124, %dma_start3A_151, %dma_start3A_152] : memref<2x128x128xf32, #tpu.memory_space<vmem>> -> memref<1x128x128xf32, #tpu.memory_space<vmem>>
      %dma_start3A_154 = tpu.memref_squeeze %dma_start3A_153 : memref<1x128x128xf32, #tpu.memory_space<vmem>> -> memref<128x128xf32, #tpu.memory_space<vmem>>
      tpu.enqueue_dma source(%dma_start3A_154 : memref<128x128xf32, #tpu.memory_space<vmem>>) target(%dma_start3A_150 : memref<128x128xf32, #tpu.memory_space<hbm>>) target_semaphore(%dma_start3A_148 : memref<!tpu.dma_semaphore, #tpu.memory_space<semaphore_mem>>)
      %add3A_155 = arith.constant 1 : i32
      %add3A_156 = arith.addi %while3A_108, %add3A_155 : i32
      %lt3A_157 = arith.cmpi slt, %add3A_156, %add3A_8 : i32
      %convert_element_type3A_158 = arith.extui %lt3A_157 : i1 to i32
      %cond3A_159 = arith.constant 0 : i32
      %cond3A_160 = arith.cmpi ne, %convert_element_type3A_158, %cond3A_159 : i32
      scf.if %cond3A_160 {
        %add3A_161 = arith.constant 1 : i32
        %add3A_162 = arith.addi %while3A_108, %add3A_161 : i32
        %jit3A_163 = arith.constant 2 : i32
        %eq3A_164 = arith.constant 0 : i32
        %eq3A_165 = arith.cmpi eq, %jit3A_163, %eq3A_164 : i32
        %jit3A_166 = arith.constant 1 : i32
        %select_n3A_167 = arith.select %eq3A_165, %jit3A_166, %jit3A_163 : i32
        %rem3A_168 = arith.remsi %add3A_162, %select_n3A_167 : i32
        %ne3A_169 = arith.constant 0 : i32
        %ne3A_170 = arith.cmpi ne, %rem3A_168, %ne3A_169 : i32
        %lt3A_171 = arith.constant 0 : i32
        %lt3A_172 = arith.cmpi slt, %rem3A_168, %lt3A_171 : i32
        %lt3A_173 = arith.constant 0 : i32
        %lt3A_174 = arith.cmpi slt, %select_n3A_167, %lt3A_173 : i32
        %ne3A_175 = arith.xori %lt3A_172, %lt3A_174 : i1
        %and3A_176 = arith.andi %ne3A_175, %ne3A_170 : i1
        %add3A_177 = arith.addi %rem3A_168, %select_n3A_167 : i32
        %select_n3A_178 = arith.select %and3A_176, %add3A_177, %rem3A_168 : i32
        %add3A_179 = arith.constant 1 : i32
        %add3A_180 = arith.addi %while3A_108, %add3A_179 : i32
        %ge3A = arith.constant 2 : i32
        %ge3A_181 = arith.cmpi sge, %add3A_180, %ge3A : i32
        %convert_element_type3A_182 = arith.extui %ge3A_181 : i1 to i32
        %cond3A_183 = arith.constant 0 : i32
        %cond3A_184 = arith.cmpi ne, %convert_element_type3A_182, %cond3A_183 : i32
        scf.if %cond3A_184 {
          %add3A_200 = arith.addi %add3A_4, %while3A_108 : i32
          %sub3A_201 = arith.constant 1 : i32
          %sub3A_202 = arith.subi %add3A_200, %sub3A_201 : i32
          %mul3A_203 = arith.constant 128 : i32
          %mul3A_204 = arith.muli %sub3A_202, %mul3A_203 : i32
          %dma_wait3A_205 = arith.constant 0 : i32
          %dma_wait3A_206 = arith.constant 0 : i32
          %dma_wait3A_207 = tpu.memref_slice %arg6[%select_n3A_178, %dma_wait3A_205, %dma_wait3A_206] : memref<2x128x128xf32, #tpu.memory_space<vmem>> -> memref<1x128x128xf32, #tpu.memory_space<vmem>>
          %dma_wait3A_208 = tpu.memref_squeeze %dma_wait3A_207 : memref<1x128x128xf32, #tpu.memory_space<vmem>> -> memref<128x128xf32, #tpu.memory_space<vmem>>
          %dma_wait3A_209 = arith.constant 0 : i32
          %dma_wait3A_210 = tpu.memref_slice %arg4[%mul3A_204, %dma_wait3A_209] : memref<80000x128xf32, #tpu.memory_space<hbm>> -> memref<128x128xf32, #tpu.memory_space<hbm>>
          %dma_wait3A_211 = tpu.memref_slice %arg9[%select_n3A_178] : memref<2x!tpu.dma_semaphore, #tpu.memory_space<semaphore_mem>> -> memref<1x!tpu.dma_semaphore, #tpu.memory_space<semaphore_mem>>
          %dma_wait3A_212 = tpu.memref_squeeze %dma_wait3A_211 : memref<1x!tpu.dma_semaphore, #tpu.memory_space<semaphore_mem>> -> memref<!tpu.dma_semaphore, #tpu.memory_space<semaphore_mem>>
          %dma_wait3A_213 = arith.constant 0 : i32
          %dma_wait3A_214 = tpu.memref_slice %arg4[%mul3A_204, %dma_wait3A_213] : memref<80000x128xf32, #tpu.memory_space<hbm>> -> memref<128x128xf32, #tpu.memory_space<hbm>>
          %dma_wait3A_215 = arith.constant 0 : i32
          %dma_wait3A_216 = arith.constant 0 : i32
          %dma_wait3A_217 = tpu.memref_slice %arg6[%select_n3A_178, %dma_wait3A_215, %dma_wait3A_216] : memref<2x128x128xf32, #tpu.memory_space<vmem>> -> memref<1x128x128xf32, #tpu.memory_space<vmem>>
          %dma_wait3A_218 = tpu.memref_squeeze %dma_wait3A_217 : memref<1x128x128xf32, #tpu.memory_space<vmem>> -> memref<128x128xf32, #tpu.memory_space<vmem>>
          tpu.wait_dma2 semaphore(%dma_wait3A_212 : memref<!tpu.dma_semaphore, #tpu.memory_space<semaphore_mem>>) src(%dma_wait3A_218 : memref<128x128xf32, #tpu.memory_space<vmem>>) dst(%dma_wait3A_214 : memref<128x128xf32, #tpu.memory_space<hbm>>)
        } else {
        }
        %add3A_185 = arith.constant 1 : i32
        %add3A_186 = arith.addi %while3A_108, %add3A_185 : i32
        %dma_start3A_187 = arith.constant 0 : i32
        %dma_start3A_188 = arith.constant 0 : i32
        %dma_start3A_189 = arith.constant 0 : i32
        %dma_start3A_190 = tpu.memref_slice %arg6[%select_n3A_178, %dma_start3A_188, %dma_start3A_189] : memref<2x128x128xf32, #tpu.memory_space<vmem>> -> memref<1x128x128xf32, #tpu.memory_space<vmem>>
        %dma_start3A_191 = tpu.memref_squeeze %dma_start3A_190 : memref<1x128x128xf32, #tpu.memory_space<vmem>> -> memref<128x128xf32, #tpu.memory_space<vmem>>
        %dma_start3A_192 = arith.constant 0 : i32
        %dma_start3A_193 = tpu.memref_slice %arg5[%add3A_186, %dma_start3A_187, %dma_start3A_192] : memref<20x1x128xi32, #tpu.memory_space<vmem>> -> memref<1x1x128xi32, #tpu.memory_space<vmem>>
        %dma_start3A_194 = tpu.memref_squeeze %dma_start3A_193 : memref<1x1x128xi32, #tpu.memory_space<vmem>> -> memref<128xi32, #tpu.memory_space<vmem>>
        %dma_start3A_195 = arith.constant 0 : i32
        %dma_start3A_196 = arith.constant 0 : i32
        %dma_start3A_197 = tpu.memref_slice %arg7[%dma_start3A_195, %dma_start3A_196] : memref<10000x128xf32, #tpu.memory_space<vmem_shared>> -> memref<10000x128xf32, #tpu.memory_space<vmem_shared>>
        %dma_start3A_198 = tpu.memref_slice %arg8[%select_n3A_178] : memref<2x!tpu.dma_semaphore, #tpu.memory_space<semaphore_mem>> -> memref<1x!tpu.dma_semaphore, #tpu.memory_space<semaphore_mem>>
        %dma_start3A_199 = tpu.memref_squeeze %dma_start3A_198 : memref<1x!tpu.dma_semaphore, #tpu.memory_space<semaphore_mem>> -> memref<!tpu.dma_semaphore, #tpu.memory_space<semaphore_mem>>
        tpu.enqueue_indirect_dma source(%dma_start3A_197 : memref<10000x128xf32, #tpu.memory_space<vmem_shared>>) target(%dma_start3A_191 : memref<128x128xf32, #tpu.memory_space<vmem>>) offsets(%dma_start3A_194 : memref<128xi32, #tpu.memory_space<vmem>>) semaphore(%dma_start3A_199 : memref<!tpu.dma_semaphore, #tpu.memory_space<semaphore_mem>>)
      } else {
      }
    }
    %sub3A = arith.constant 2 : i32
    %sub3A_39 = arith.subi %add3A_8, %sub3A : i32
    %jit3A_40 = arith.constant 2 : i32
    %eq3A_41 = arith.constant 0 : i32
    %eq3A_42 = arith.cmpi eq, %jit3A_40, %eq3A_41 : i32
    %jit3A_43 = arith.constant 1 : i32
    %select_n3A_44 = arith.select %eq3A_42, %jit3A_43, %jit3A_40 : i32
    %rem3A = arith.remsi %sub3A_39, %select_n3A_44 : i32
    %ne3A = arith.constant 0 : i32
    %ne3A_45 = arith.cmpi ne, %rem3A, %ne3A : i32
    %lt3A_46 = arith.constant 0 : i32
    %lt3A_47 = arith.cmpi slt, %rem3A, %lt3A_46 : i32
    %lt3A_48 = arith.constant 0 : i32
    %lt3A_49 = arith.cmpi slt, %select_n3A_44, %lt3A_48 : i32
    %ne3A_50 = arith.xori %lt3A_47, %lt3A_49 : i1
    %and3A = arith.andi %ne3A_50, %ne3A_45 : i1
    %add3A_51 = arith.addi %rem3A, %select_n3A_44 : i32
    %select_n3A_52 = arith.select %and3A, %add3A_51, %rem3A : i32
    %add3A_53 = arith.addi %add3A_4, %add3A_8 : i32
    %sub3A_54 = arith.constant 2 : i32
    %sub3A_55 = arith.subi %add3A_53, %sub3A_54 : i32
    %mul3A_56 = arith.constant 128 : i32
    %mul3A_57 = arith.muli %sub3A_55, %mul3A_56 : i32
    %dma_wait3A = arith.constant 0 : i32
    %dma_wait3A_58 = arith.constant 0 : i32
    %dma_wait3A_59 = tpu.memref_slice %arg6[%select_n3A_52, %dma_wait3A, %dma_wait3A_58] : memref<2x128x128xf32, #tpu.memory_space<vmem>> -> memref<1x128x128xf32, #tpu.memory_space<vmem>>
    %dma_wait3A_60 = tpu.memref_squeeze %dma_wait3A_59 : memref<1x128x128xf32, #tpu.memory_space<vmem>> -> memref<128x128xf32, #tpu.memory_space<vmem>>
    %dma_wait3A_61 = arith.constant 0 : i32
    %dma_wait3A_62 = tpu.memref_slice %arg4[%mul3A_57, %dma_wait3A_61] : memref<80000x128xf32, #tpu.memory_space<hbm>> -> memref<128x128xf32, #tpu.memory_space<hbm>>
    %dma_wait3A_63 = tpu.memref_slice %arg9[%select_n3A_52] : memref<2x!tpu.dma_semaphore, #tpu.memory_space<semaphore_mem>> -> memref<1x!tpu.dma_semaphore, #tpu.memory_space<semaphore_mem>>
    %dma_wait3A_64 = tpu.memref_squeeze %dma_wait3A_63 : memref<1x!tpu.dma_semaphore, #tpu.memory_space<semaphore_mem>> -> memref<!tpu.dma_semaphore, #tpu.memory_space<semaphore_mem>>
    %dma_wait3A_65 = arith.constant 0 : i32
    %dma_wait3A_66 = tpu.memref_slice %arg4[%mul3A_57, %dma_wait3A_65] : memref<80000x128xf32, #tpu.memory_space<hbm>> -> memref<128x128xf32, #tpu.memory_space<hbm>>
    %dma_wait3A_67 = arith.constant 0 : i32
    %dma_wait3A_68 = arith.constant 0 : i32
    %dma_wait3A_69 = tpu.memref_slice %arg6[%select_n3A_52, %dma_wait3A_67, %dma_wait3A_68] : memref<2x128x128xf32, #tpu.memory_space<vmem>> -> memref<1x128x128xf32, #tpu.memory_space<vmem>>
    %dma_wait3A_70 = tpu.memref_squeeze %dma_wait3A_69 : memref<1x128x128xf32, #tpu.memory_space<vmem>> -> memref<128x128xf32, #tpu.memory_space<vmem>>
    tpu.wait_dma2 semaphore(%dma_wait3A_64 : memref<!tpu.dma_semaphore, #tpu.memory_space<semaphore_mem>>) src(%dma_wait3A_70 : memref<128x128xf32, #tpu.memory_space<vmem>>) dst(%dma_wait3A_66 : memref<128x128xf32, #tpu.memory_space<hbm>>)
    %sub3A_71 = arith.constant 1 : i32
    %sub3A_72 = arith.subi %add3A_8, %sub3A_71 : i32
    %jit3A_73 = arith.constant 2 : i32
    %eq3A_74 = arith.constant 0 : i32
    %eq3A_75 = arith.cmpi eq, %jit3A_73, %eq3A_74 : i32
    %jit3A_76 = arith.constant 1 : i32
    %select_n3A_77 = arith.select %eq3A_75, %jit3A_76, %jit3A_73 : i32
    %rem3A_78 = arith.remsi %sub3A_72, %select_n3A_77 : i32
    %ne3A_79 = arith.constant 0 : i32
    %ne3A_80 = arith.cmpi ne, %rem3A_78, %ne3A_79 : i32
    %lt3A_81 = arith.constant 0 : i32
    %lt3A_82 = arith.cmpi slt, %rem3A_78, %lt3A_81 : i32
    %lt3A_83 = arith.constant 0 : i32
    %lt3A_84 = arith.cmpi slt, %select_n3A_77, %lt3A_83 : i32
    %ne3A_85 = arith.xori %lt3A_82, %lt3A_84 : i1
    %and3A_86 = arith.andi %ne3A_85, %ne3A_80 : i1
    %add3A_87 = arith.addi %rem3A_78, %select_n3A_77 : i32
    %select_n3A_88 = arith.select %and3A_86, %add3A_87, %rem3A_78 : i32
    %add3A_89 = arith.addi %add3A_4, %add3A_8 : i32
    %sub3A_90 = arith.constant 1 : i32
    %sub3A_91 = arith.subi %add3A_89, %sub3A_90 : i32
    %mul3A_92 = arith.constant 128 : i32
    %mul3A_93 = arith.muli %sub3A_91, %mul3A_92 : i32
    %dma_wait3A_94 = arith.constant 0 : i32
    %dma_wait3A_95 = arith.constant 0 : i32
    %dma_wait3A_96 = tpu.memref_slice %arg6[%select_n3A_88, %dma_wait3A_94, %dma_wait3A_95] : memref<2x128x128xf32, #tpu.memory_space<vmem>> -> memref<1x128x128xf32, #tpu.memory_space<vmem>>
    %dma_wait3A_97 = tpu.memref_squeeze %dma_wait3A_96 : memref<1x128x128xf32, #tpu.memory_space<vmem>> -> memref<128x128xf32, #tpu.memory_space<vmem>>
    %dma_wait3A_98 = arith.constant 0 : i32
    %dma_wait3A_99 = tpu.memref_slice %arg4[%mul3A_93, %dma_wait3A_98] : memref<80000x128xf32, #tpu.memory_space<hbm>> -> memref<128x128xf32, #tpu.memory_space<hbm>>
    %dma_wait3A_100 = tpu.memref_slice %arg9[%select_n3A_88] : memref<2x!tpu.dma_semaphore, #tpu.memory_space<semaphore_mem>> -> memref<1x!tpu.dma_semaphore, #tpu.memory_space<semaphore_mem>>
    %dma_wait3A_101 = tpu.memref_squeeze %dma_wait3A_100 : memref<1x!tpu.dma_semaphore, #tpu.memory_space<semaphore_mem>> -> memref<!tpu.dma_semaphore, #tpu.memory_space<semaphore_mem>>
    %dma_wait3A_102 = arith.constant 0 : i32
    %dma_wait3A_103 = tpu.memref_slice %arg4[%mul3A_93, %dma_wait3A_102] : memref<80000x128xf32, #tpu.memory_space<hbm>> -> memref<128x128xf32, #tpu.memory_space<hbm>>
    %dma_wait3A_104 = arith.constant 0 : i32
    %dma_wait3A_105 = arith.constant 0 : i32
    %dma_wait3A_106 = tpu.memref_slice %arg6[%select_n3A_88, %dma_wait3A_104, %dma_wait3A_105] : memref<2x128x128xf32, #tpu.memory_space<vmem>> -> memref<1x128x128xf32, #tpu.memory_space<vmem>>
    %dma_wait3A_107 = tpu.memref_squeeze %dma_wait3A_106 : memref<1x128x128xf32, #tpu.memory_space<vmem>> -> memref<128x128xf32, #tpu.memory_space<vmem>>
    tpu.wait_dma2 semaphore(%dma_wait3A_101 : memref<!tpu.dma_semaphore, #tpu.memory_space<semaphore_mem>>) src(%dma_wait3A_107 : memref<128x128xf32, #tpu.memory_space<vmem>>) dst(%dma_wait3A_103 : memref<128x128xf32, #tpu.memory_space<hbm>>)
    return
  }
}

#map = affine_map<(d0, d1) -> (0, 0)>
#map1 = affine_map<(d0, d1) -> (0, 0, 0)>
module attributes {stable_mosaic.version = 14 : i64} {
  func.func @sc_gather(%arg0: i32, %arg1: i32, %arg2: memref<10000x128xf32, #tpu.memory_space<hbm>>, %arg3: memref<626x1x128xi32, #tpu.memory_space<hbm>>, %arg4: memref<80000x128xf32, #tpu.memory_space<hbm>>, %arg5: memref<20x1x128xi32, #tpu.memory_space<vmem>>, %arg6: memref<2x128x128xf32, #tpu.memory_space<vmem>>, %arg7: memref<10000x128xf32, #tpu.memory_space<vmem_shared>>, %arg8: memref<2x!tpu.dma_semaphore, #tpu.memory_space<semaphore_mem>>, %arg9: memref<2x!tpu.dma_semaphore, #tpu.memory_space<semaphore_mem>>) attributes {dimension_semantics = [#tpu.dimension_semantics<core_parallel>, #tpu.dimension_semantics<subcore_parallel>], iteration_bounds = array<i64: 2, 16>, scalar_prefetch = 0 : i64, scratch_operands = 5 : i64, tpu.core_type = #tpu.core_type<sc_vector_subcore>, window_params = [{transform_indices = #map}, {transform_indices = #map1}, {transform_indices = #map}]} {
    %mul3A = arith.constant 2 : i32
    %mul3A_0 = arith.muli %arg1, %mul3A : i32
    %add3A = arith.addi %mul3A_0, %arg0 : i32
    %mul3A_1 = arith.constant 19 : i32
    %mul3A_2 = arith.muli %add3A, %mul3A_1 : i32
    %min3A = arith.constant 17 : i32
    %min3A_3 = arith.minsi %add3A, %min3A : i32
    %add3A_4 = arith.addi %mul3A_2, %min3A_3 : i32
    %lt3A = arith.constant 17 : i32
    %lt3A_5 = arith.cmpi slt, %add3A, %lt3A : i32
    %jit3A = arith.constant 1 : i32
    %jit3A_6 = arith.constant 0 : i32
    %select_n3A = arith.select %lt3A_5, %jit3A, %jit3A_6 : i32
    %add3A_7 = arith.constant 19 : i32
    %add3A_8 = arith.addi %add3A_7, %select_n3A : i32
    "tpu.region"() ({
      %run_scoped3A = tpu.sem_alloc : memref<!tpu.dma_semaphore, #tpu.memory_space<semaphore_mem>>
      %dma_start3A_108 = arith.constant 0 : i32
      %dma_start3A_109 = arith.constant 0 : i32
      %dma_start3A_110 = tpu.memref_slice %arg3[%add3A_4, %dma_start3A_108, %dma_start3A_109] : memref<626x1x128xi32, #tpu.memory_space<hbm>> -> memref<20x1x128xi32, #tpu.memory_space<hbm>>
      %dma_start3A_111 = arith.constant 0 : i32
      %dma_start3A_112 = arith.constant 0 : i32
      %dma_start3A_113 = tpu.memref_slice %arg3[%add3A_4, %dma_start3A_111, %dma_start3A_112] : memref<626x1x128xi32, #tpu.memory_space<hbm>> -> memref<20x1x128xi32, #tpu.memory_space<hbm>>
      tpu.enqueue_dma source(%dma_start3A_113 : memref<20x1x128xi32, #tpu.memory_space<hbm>>) target(%arg5 : memref<20x1x128xi32, #tpu.memory_space<vmem>>) target_semaphore(%run_scoped3A : memref<!tpu.dma_semaphore, #tpu.memory_space<semaphore_mem>>)
      %dma_wait3A_114 = arith.constant 0 : i32
      %dma_wait3A_115 = arith.constant 0 : i32
      %dma_wait3A_116 = tpu.memref_slice %arg3[%add3A_4, %dma_wait3A_114, %dma_wait3A_115] : memref<626x1x128xi32, #tpu.memory_space<hbm>> -> memref<20x1x128xi32, #tpu.memory_space<hbm>>
      %dma_wait3A_117 = arith.constant 0 : i32
      %dma_wait3A_118 = arith.constant 0 : i32
      %dma_wait3A_119 = tpu.memref_slice %arg3[%add3A_4, %dma_wait3A_117, %dma_wait3A_118] : memref<626x1x128xi32, #tpu.memory_space<hbm>> -> memref<20x1x128xi32, #tpu.memory_space<hbm>>
      tpu.wait_dma2 semaphore(%run_scoped3A : memref<!tpu.dma_semaphore, #tpu.memory_space<semaphore_mem>>) src(%dma_wait3A_119 : memref<20x1x128xi32, #tpu.memory_space<hbm>>) dst(%arg5 : memref<20x1x128xi32, #tpu.memory_space<vmem>>)
      tpu.yield
    }) : () -> ()
    %mul3A_9 = arith.constant 624 : i32
    %mul3A_10 = arith.muli %arg1, %mul3A_9 : i32
    %mul3A_11 = arith.constant 624 : i32
    %mul3A_12 = arith.muli %arg1, %mul3A_11 : i32
    "tpu.region"() ({
      %run_scoped3A = tpu.sem_alloc : memref<!tpu.dma_semaphore, #tpu.memory_space<semaphore_mem>>
      %dma_start3A_108 = arith.constant 0 : i32
      %dma_start3A_109 = tpu.memref_slice %arg7[%mul3A_12, %dma_start3A_108] : memref<10000x128xf32, #tpu.memory_space<vmem_shared>> -> memref<624x128xf32, #tpu.memory_space<vmem_shared>>
      %dma_start3A_110 = arith.constant 0 : i32
      %dma_start3A_111 = tpu.memref_slice %arg2[%mul3A_10, %dma_start3A_110] : memref<10000x128xf32, #tpu.memory_space<hbm>> -> memref<624x128xf32, #tpu.memory_space<hbm>>
      tpu.enqueue_dma source(%dma_start3A_111 : memref<624x128xf32, #tpu.memory_space<hbm>>) target(%dma_start3A_109 : memref<624x128xf32, #tpu.memory_space<vmem_shared>>) target_semaphore(%run_scoped3A : memref<!tpu.dma_semaphore, #tpu.memory_space<semaphore_mem>>)
      %dma_wait3A_112 = arith.constant 0 : i32
      %dma_wait3A_113 = tpu.memref_slice %arg7[%mul3A_12, %dma_wait3A_112] : memref<10000x128xf32, #tpu.memory_space<vmem_shared>> -> memref<624x128xf32, #tpu.memory_space<vmem_shared>>
      %dma_wait3A_114 = arith.constant 0 : i32
      %dma_wait3A_115 = tpu.memref_slice %arg2[%mul3A_10, %dma_wait3A_114] : memref<10000x128xf32, #tpu.memory_space<hbm>> -> memref<624x128xf32, #tpu.memory_space<hbm>>
      tpu.wait_dma2 semaphore(%run_scoped3A : memref<!tpu.dma_semaphore, #tpu.memory_space<semaphore_mem>>) src(%dma_wait3A_115 : memref<624x128xf32, #tpu.memory_space<hbm>>) dst(%dma_wait3A_113 : memref<624x128xf32, #tpu.memory_space<vmem_shared>>)
      tpu.yield
    }) : () -> ()
    %eq3A = arith.constant 15 : i32
    %eq3A_13 = arith.cmpi eq, %arg1, %eq3A : i32
    %convert_element_type3A = arith.extui %eq3A_13 : i1 to i32
    %cond3A = arith.constant 0 : i32
    %cond3A_14 = arith.cmpi ne, %convert_element_type3A, %cond3A : i32
    scf.if %cond3A_14 {
      "tpu.region"() ({
        %run_scoped3A = tpu.sem_alloc : memref<!tpu.dma_semaphore, #tpu.memory_space<semaphore_mem>>
        %dma_start3A_108 = arith.constant 9984 : i32
        %dma_start3A_109 = arith.constant 0 : i32
        %dma_start3A_110 = tpu.memref_slice %arg7[%dma_start3A_108, %dma_start3A_109] : memref<10000x128xf32, #tpu.memory_space<vmem_shared>> -> memref<16x128xf32, #tpu.memory_space<vmem_shared>>
        %dma_start3A_111 = arith.constant 9984 : i32
        %dma_start3A_112 = arith.constant 0 : i32
        %dma_start3A_113 = tpu.memref_slice %arg2[%dma_start3A_111, %dma_start3A_112] : memref<10000x128xf32, #tpu.memory_space<hbm>> -> memref<16x128xf32, #tpu.memory_space<hbm>>
        tpu.enqueue_dma source(%dma_start3A_113 : memref<16x128xf32, #tpu.memory_space<hbm>>) target(%dma_start3A_110 : memref<16x128xf32, #tpu.memory_space<vmem_shared>>) target_semaphore(%run_scoped3A : memref<!tpu.dma_semaphore, #tpu.memory_space<semaphore_mem>>)
        %dma_wait3A_114 = arith.constant 9984 : i32
        %dma_wait3A_115 = arith.constant 0 : i32
        %dma_wait3A_116 = tpu.memref_slice %arg7[%dma_wait3A_114, %dma_wait3A_115] : memref<10000x128xf32, #tpu.memory_space<vmem_shared>> -> memref<16x128xf32, #tpu.memory_space<vmem_shared>>
        %dma_wait3A_117 = arith.constant 9984 : i32
        %dma_wait3A_118 = arith.constant 0 : i32
        %dma_wait3A_119 = tpu.memref_slice %arg2[%dma_wait3A_117, %dma_wait3A_118] : memref<10000x128xf32, #tpu.memory_space<hbm>> -> memref<16x128xf32, #tpu.memory_space<hbm>>
        tpu.wait_dma2 semaphore(%run_scoped3A : memref<!tpu.dma_semaphore, #tpu.memory_space<semaphore_mem>>) src(%dma_wait3A_119 : memref<16x128xf32, #tpu.memory_space<hbm>>) dst(%dma_wait3A_116 : memref<16x128xf32, #tpu.memory_space<vmem_shared>>)
        tpu.yield
      }) : () -> ()
    } else {
    }
    %barrier3A = arith.constant 0 : index
    tpu.barrier barrier_id(%barrier3A)
    %dma_start3A = arith.constant 0 : i32
    %dma_start3A_15 = arith.constant 0 : i32
    %dma_start3A_16 = arith.constant 0 : i32
    %dma_start3A_17 = arith.constant 0 : i32
    %dma_start3A_18 = arith.constant 0 : i32
    %dma_start3A_19 = arith.constant 0 : i32
    %dma_start3A_20 = tpu.memref_slice %arg6[%dma_start3A_16, %dma_start3A_18, %dma_start3A_19] : memref<2x128x128xf32, #tpu.memory_space<vmem>> -> memref<1x128x128xf32, #tpu.memory_space<vmem>>
    %dma_start3A_21 = tpu.memref_squeeze %dma_start3A_20 : memref<1x128x128xf32, #tpu.memory_space<vmem>> -> memref<128x128xf32, #tpu.memory_space<vmem>>
    %dma_start3A_22 = arith.constant 0 : i32
    %dma_start3A_23 = tpu.memref_slice %arg5[%dma_start3A, %dma_start3A_15, %dma_start3A_22] : memref<20x1x128xi32, #tpu.memory_space<vmem>> -> memref<1x1x128xi32, #tpu.memory_space<vmem>>
    %dma_start3A_24 = tpu.memref_squeeze %dma_start3A_23 : memref<1x1x128xi32, #tpu.memory_space<vmem>> -> memref<128xi32, #tpu.memory_space<vmem>>
    %dma_start3A_25 = arith.constant 0 : i32
    %dma_start3A_26 = arith.constant 0 : i32
    %dma_start3A_27 = tpu.memref_slice %arg7[%dma_start3A_25, %dma_start3A_26] : memref<10000x128xf32, #tpu.memory_space<vmem_shared>> -> memref<10000x128xf32, #tpu.memory_space<vmem_shared>>
    %dma_start3A_28 = tpu.memref_slice %arg8[%dma_start3A_17] : memref<2x!tpu.dma_semaphore, #tpu.memory_space<semaphore_mem>> -> memref<1x!tpu.dma_semaphore, #tpu.memory_space<semaphore_mem>>
    %dma_start3A_29 = tpu.memref_squeeze %dma_start3A_28 : memref<1x!tpu.dma_semaphore, #tpu.memory_space<semaphore_mem>> -> memref<!tpu.dma_semaphore, #tpu.memory_space<semaphore_mem>>
    tpu.enqueue_indirect_dma source(%dma_start3A_27 : memref<10000x128xf32, #tpu.memory_space<vmem_shared>>) target(%dma_start3A_21 : memref<128x128xf32, #tpu.memory_space<vmem>>) offsets(%dma_start3A_24 : memref<128xi32, #tpu.memory_space<vmem>>) semaphore(%dma_start3A_29 : memref<!tpu.dma_semaphore, #tpu.memory_space<semaphore_mem>>)
    %while3A = arith.constant 0 : i32
    %while3A_30 = arith.constant 0 : i32
    %while3A_31 = arith.subi %add3A_8, %while3A_30 : i32
    %while3A_32 = arith.addi %while3A_30, %while3A_31 : i32
    %while3A_33 = arith.constant 1 : i32
    %while3A_34 = arith.divsi %while3A_31, %while3A_33 : i32
    %while3A_35 = arith.muli %while3A_34, %while3A_33 : i32
    %while3A_36 = arith.addi %while3A_30, %while3A_35 : i32
    %while3A_37 = arith.constant 1 : i32
    scf.for %while3A_108 = %while3A_30 to %while3A_36 step %while3A_37  : i32 {
      %jit3A_109 = arith.constant 2 : i32
      %eq3A_110 = arith.constant 0 : i32
      %eq3A_111 = arith.cmpi eq, %jit3A_109, %eq3A_110 : i32
      %jit3A_112 = arith.constant 1 : i32
      %select_n3A_113 = arith.select %eq3A_111, %jit3A_112, %jit3A_109 : i32
      %rem3A_114 = arith.remsi %while3A_108, %select_n3A_113 : i32
      %ne3A_115 = arith.constant 0 : i32
      %ne3A_116 = arith.cmpi ne, %rem3A_114, %ne3A_115 : i32
      %lt3A_117 = arith.constant 0 : i32
      %lt3A_118 = arith.cmpi slt, %rem3A_114, %lt3A_117 : i32
      %lt3A_119 = arith.constant 0 : i32
      %lt3A_120 = arith.cmpi slt, %select_n3A_113, %lt3A_119 : i32
      %ne3A_121 = arith.xori %lt3A_118, %lt3A_120 : i1
      %and3A_122 = arith.andi %ne3A_121, %ne3A_116 : i1
      %add3A_123 = arith.addi %rem3A_114, %select_n3A_113 : i32
      %select_n3A_124 = arith.select %and3A_122, %add3A_123, %rem3A_114 : i32
      %add3A_125 = arith.addi %add3A_4, %while3A_108 : i32
      %dma_wait3A_126 = arith.constant 0 : i32
      %dma_wait3A_127 = arith.constant 0 : i32
      %dma_wait3A_128 = arith.constant 0 : i32
      %dma_wait3A_129 = tpu.memref_slice %arg6[%select_n3A_124, %dma_wait3A_127, %dma_wait3A_128] : memref<2x128x128xf32, #tpu.memory_space<vmem>> -> memref<1x128x128xf32, #tpu.memory_space<vmem>>
      %dma_wait3A_130 = tpu.memref_squeeze %dma_wait3A_129 : memref<1x128x128xf32, #tpu.memory_space<vmem>> -> memref<128x128xf32, #tpu.memory_space<vmem>>
      %dma_wait3A_131 = arith.constant 0 : i32
      %dma_wait3A_132 = tpu.memref_slice %arg5[%while3A_108, %dma_wait3A_126, %dma_wait3A_131] : memref<20x1x128xi32, #tpu.memory_space<vmem>> -> memref<1x1x128xi32, #tpu.memory_space<vmem>>
      %dma_wait3A_133 = tpu.memref_squeeze %dma_wait3A_132 : memref<1x1x128xi32, #tpu.memory_space<vmem>> -> memref<128xi32, #tpu.memory_space<vmem>>
      %dma_wait3A_134 = arith.constant 0 : i32
      %dma_wait3A_135 = arith.constant 0 : i32
      %dma_wait3A_136 = tpu.memref_slice %arg7[%dma_wait3A_134, %dma_wait3A_135] : memref<10000x128xf32, #tpu.memory_space<vmem_shared>> -> memref<10000x128xf32, #tpu.memory_space<vmem_shared>>
      %dma_wait3A_137 = tpu.memref_slice %arg8[%select_n3A_124] : memref<2x!tpu.dma_semaphore, #tpu.memory_space<semaphore_mem>> -> memref<1x!tpu.dma_semaphore, #tpu.memory_space<semaphore_mem>>
      %dma_wait3A_138 = tpu.memref_squeeze %dma_wait3A_137 : memref<1x!tpu.dma_semaphore, #tpu.memory_space<semaphore_mem>> -> memref<!tpu.dma_semaphore, #tpu.memory_space<semaphore_mem>>
      tpu.wait_indirect_dma semaphore(%dma_wait3A_138 : memref<!tpu.dma_semaphore, #tpu.memory_space<semaphore_mem>>) src(%dma_wait3A_136 : memref<10000x128xf32, #tpu.memory_space<vmem_shared>>) dst(%dma_wait3A_130 : memref<128x128xf32, #tpu.memory_space<vmem>>)
      %mul3A_139 = arith.constant 128 : i32
      %mul3A_140 = arith.muli %add3A_125, %mul3A_139 : i32
      %dma_start3A_141 = arith.constant 0 : i32
      %dma_start3A_142 = arith.constant 0 : i32
      %dma_start3A_143 = tpu.memref_slice %arg6[%select_n3A_124, %dma_start3A_141, %dma_start3A_142] : memref<2x128x128xf32, #tpu.memory_space<vmem>> -> memref<1x128x128xf32, #tpu.memory_space<vmem>>
      %dma_start3A_144 = tpu.memref_squeeze %dma_start3A_143 : memref<1x128x128xf32, #tpu.memory_space<vmem>> -> memref<128x128xf32, #tpu.memory_space<vmem>>
      %dma_start3A_145 = arith.constant 0 : i32
      %dma_start3A_146 = tpu.memref_slice %arg4[%mul3A_140, %dma_start3A_145] : memref<80000x128xf32, #tpu.memory_space<hbm>> -> memref<128x128xf32, #tpu.memory_space<hbm>>
      %dma_start3A_147 = tpu.memref_slice %arg9[%select_n3A_124] : memref<2x!tpu.dma_semaphore, #tpu.memory_space<semaphore_mem>> -> memref<1x!tpu.dma_semaphore, #tpu.memory_space<semaphore_mem>>
      %dma_start3A_148 = tpu.memref_squeeze %dma_start3A_147 : memref<1x!tpu.dma_semaphore, #tpu.memory_space<semaphore_mem>> -> memref<!tpu.dma_semaphore, #tpu.memory_space<semaphore_mem>>
      %dma_start3A_149 = arith.constant 0 : i32
      %dma_start3A_150 = tpu.memref_slice %arg4[%mul3A_140, %dma_start3A_149] : memref<80000x128xf32, #tpu.memory_space<hbm>> -> memref<128x128xf32, #tpu.memory_space<hbm>>
      %dma_start3A_151 = arith.constant 0 : i32
      %dma_start3A_152 = arith.constant 0 : i32
      %dma_start3A_153 = tpu.memref_slice %arg6[%select_n3A_124, %dma_start3A_151, %dma_start3A_152] : memref<2x128x128xf32, #tpu.memory_space<vmem>> -> memref<1x128x128xf32, #tpu.memory_space<vmem>>
      %dma_start3A_154 = tpu.memref_squeeze %dma_start3A_153 : memref<1x128x128xf32, #tpu.memory_space<vmem>> -> memref<128x128xf32, #tpu.memory_space<vmem>>
      tpu.enqueue_dma source(%dma_start3A_154 : memref<128x128xf32, #tpu.memory_space<vmem>>) target(%dma_start3A_150 : memref<128x128xf32, #tpu.memory_space<hbm>>) target_semaphore(%dma_start3A_148 : memref<!tpu.dma_semaphore, #tpu.memory_space<semaphore_mem>>)
      %add3A_155 = arith.constant 1 : i32
      %add3A_156 = arith.addi %while3A_108, %add3A_155 : i32
      %lt3A_157 = arith.cmpi slt, %add3A_156, %add3A_8 : i32
      %convert_element_type3A_158 = arith.extui %lt3A_157 : i1 to i32
      %cond3A_159 = arith.constant 0 : i32
      %cond3A_160 = arith.cmpi ne, %convert_element_type3A_158, %cond3A_159 : i32
      scf.if %cond3A_160 {
        %add3A_161 = arith.constant 1 : i32
        %add3A_162 = arith.addi %while3A_108, %add3A_161 : i32
        %jit3A_163 = arith.constant 2 : i32
        %eq3A_164 = arith.constant 0 : i32
        %eq3A_165 = arith.cmpi eq, %jit3A_163, %eq3A_164 : i32
        %jit3A_166 = arith.constant 1 : i32
        %select_n3A_167 = arith.select %eq3A_165, %jit3A_166, %jit3A_163 : i32
        %rem3A_168 = arith.remsi %add3A_162, %select_n3A_167 : i32
        %ne3A_169 = arith.constant 0 : i32
        %ne3A_170 = arith.cmpi ne, %rem3A_168, %ne3A_169 : i32
        %lt3A_171 = arith.constant 0 : i32
        %lt3A_172 = arith.cmpi slt, %rem3A_168, %lt3A_171 : i32
        %lt3A_173 = arith.constant 0 : i32
        %lt3A_174 = arith.cmpi slt, %select_n3A_167, %lt3A_173 : i32
        %ne3A_175 = arith.xori %lt3A_172, %lt3A_174 : i1
        %and3A_176 = arith.andi %ne3A_175, %ne3A_170 : i1
        %add3A_177 = arith.addi %rem3A_168, %select_n3A_167 : i32
        %select_n3A_178 = arith.select %and3A_176, %add3A_177, %rem3A_168 : i32
        %add3A_179 = arith.constant 1 : i32
        %add3A_180 = arith.addi %while3A_108, %add3A_179 : i32
        %ge3A = arith.constant 2 : i32
        %ge3A_181 = arith.cmpi sge, %add3A_180, %ge3A : i32
        %convert_element_type3A_182 = arith.extui %ge3A_181 : i1 to i32
        %cond3A_183 = arith.constant 0 : i32
        %cond3A_184 = arith.cmpi ne, %convert_element_type3A_182, %cond3A_183 : i32
        scf.if %cond3A_184 {
          %add3A_200 = arith.addi %add3A_4, %while3A_108 : i32
          %sub3A_201 = arith.constant 1 : i32
          %sub3A_202 = arith.subi %add3A_200, %sub3A_201 : i32
          %mul3A_203 = arith.constant 128 : i32
          %mul3A_204 = arith.muli %sub3A_202, %mul3A_203 : i32
          %dma_wait3A_205 = arith.constant 0 : i32
          %dma_wait3A_206 = arith.constant 0 : i32
          %dma_wait3A_207 = tpu.memref_slice %arg6[%select_n3A_178, %dma_wait3A_205, %dma_wait3A_206] : memref<2x128x128xf32, #tpu.memory_space<vmem>> -> memref<1x128x128xf32, #tpu.memory_space<vmem>>
          %dma_wait3A_208 = tpu.memref_squeeze %dma_wait3A_207 : memref<1x128x128xf32, #tpu.memory_space<vmem>> -> memref<128x128xf32, #tpu.memory_space<vmem>>
          %dma_wait3A_209 = arith.constant 0 : i32
          %dma_wait3A_210 = tpu.memref_slice %arg4[%mul3A_204, %dma_wait3A_209] : memref<80000x128xf32, #tpu.memory_space<hbm>> -> memref<128x128xf32, #tpu.memory_space<hbm>>
          %dma_wait3A_211 = tpu.memref_slice %arg9[%select_n3A_178] : memref<2x!tpu.dma_semaphore, #tpu.memory_space<semaphore_mem>> -> memref<1x!tpu.dma_semaphore, #tpu.memory_space<semaphore_mem>>
          %dma_wait3A_212 = tpu.memref_squeeze %dma_wait3A_211 : memref<1x!tpu.dma_semaphore, #tpu.memory_space<semaphore_mem>> -> memref<!tpu.dma_semaphore, #tpu.memory_space<semaphore_mem>>
          %dma_wait3A_213 = arith.constant 0 : i32
          %dma_wait3A_214 = tpu.memref_slice %arg4[%mul3A_204, %dma_wait3A_213] : memref<80000x128xf32, #tpu.memory_space<hbm>> -> memref<128x128xf32, #tpu.memory_space<hbm>>
          %dma_wait3A_215 = arith.constant 0 : i32
          %dma_wait3A_216 = arith.constant 0 : i32
          %dma_wait3A_217 = tpu.memref_slice %arg6[%select_n3A_178, %dma_wait3A_215, %dma_wait3A_216] : memref<2x128x128xf32, #tpu.memory_space<vmem>> -> memref<1x128x128xf32, #tpu.memory_space<vmem>>
          %dma_wait3A_218 = tpu.memref_squeeze %dma_wait3A_217 : memref<1x128x128xf32, #tpu.memory_space<vmem>> -> memref<128x128xf32, #tpu.memory_space<vmem>>
          tpu.wait_dma2 semaphore(%dma_wait3A_212 : memref<!tpu.dma_semaphore, #tpu.memory_space<semaphore_mem>>) src(%dma_wait3A_218 : memref<128x128xf32, #tpu.memory_space<vmem>>) dst(%dma_wait3A_214 : memref<128x128xf32, #tpu.memory_space<hbm>>)
        } else {
        }
        %add3A_185 = arith.constant 1 : i32
        %add3A_186 = arith.addi %while3A_108, %add3A_185 : i32
        %dma_start3A_187 = arith.constant 0 : i32
        %dma_start3A_188 = arith.constant 0 : i32
        %dma_start3A_189 = arith.constant 0 : i32
        %dma_start3A_190 = tpu.memref_slice %arg6[%select_n3A_178, %dma_start3A_188, %dma_start3A_189] : memref<2x128x128xf32, #tpu.memory_space<vmem>> -> memref<1x128x128xf32, #tpu.memory_space<vmem>>
        %dma_start3A_191 = tpu.memref_squeeze %dma_start3A_190 : memref<1x128x128xf32, #tpu.memory_space<vmem>> -> memref<128x128xf32, #tpu.memory_space<vmem>>
        %dma_start3A_192 = arith.constant 0 : i32
        %dma_start3A_193 = tpu.memref_slice %arg5[%add3A_186, %dma_start3A_187, %dma_start3A_192] : memref<20x1x128xi32, #tpu.memory_space<vmem>> -> memref<1x1x128xi32, #tpu.memory_space<vmem>>
        %dma_start3A_194 = tpu.memref_squeeze %dma_start3A_193 : memref<1x1x128xi32, #tpu.memory_space<vmem>> -> memref<128xi32, #tpu.memory_space<vmem>>
        %dma_start3A_195 = arith.constant 0 : i32
        %dma_start3A_196 = arith.constant 0 : i32
        %dma_start3A_197 = tpu.memref_slice %arg7[%dma_start3A_195, %dma_start3A_196] : memref<10000x128xf32, #tpu.memory_space<vmem_shared>> -> memref<10000x128xf32, #tpu.memory_space<vmem_shared>>
        %dma_start3A_198 = tpu.memref_slice %arg8[%select_n3A_178] : memref<2x!tpu.dma_semaphore, #tpu.memory_space<semaphore_mem>> -> memref<1x!tpu.dma_semaphore, #tpu.memory_space<semaphore_mem>>
        %dma_start3A_199 = tpu.memref_squeeze %dma_start3A_198 : memref<1x!tpu.dma_semaphore, #tpu.memory_space<semaphore_mem>> -> memref<!tpu.dma_semaphore, #tpu.memory_space<semaphore_mem>>
        tpu.enqueue_indirect_dma source(%dma_start3A_197 : memref<10000x128xf32, #tpu.memory_space<vmem_shared>>) target(%dma_start3A_191 : memref<128x128xf32, #tpu.memory_space<vmem>>) offsets(%dma_start3A_194 : memref<128xi32, #tpu.memory_space<vmem>>) semaphore(%dma_start3A_199 : memref<!tpu.dma_semaphore, #tpu.memory_space<semaphore_mem>>)
      } else {
      }
    }
    %while3A_38 = arith.constant 1 : i32
    scf.for %while3A_108 = %while3A_36 to %while3A_32 step %while3A_38  : i32 {
      %jit3A_109 = arith.constant 2 : i32
      %eq3A_110 = arith.constant 0 : i32
      %eq3A_111 = arith.cmpi eq, %jit3A_109, %eq3A_110 : i32
      %jit3A_112 = arith.constant 1 : i32
      %select_n3A_113 = arith.select %eq3A_111, %jit3A_112, %jit3A_109 : i32
      %rem3A_114 = arith.remsi %while3A_108, %select_n3A_113 : i32
      %ne3A_115 = arith.constant 0 : i32
      %ne3A_116 = arith.cmpi ne, %rem3A_114, %ne3A_115 : i32
      %lt3A_117 = arith.constant 0 : i32
      %lt3A_118 = arith.cmpi slt, %rem3A_114, %lt3A_117 : i32
      %lt3A_119 = arith.constant 0 : i32
      %lt3A_120 = arith.cmpi slt, %select_n3A_113, %lt3A_119 : i32
      %ne3A_121 = arith.xori %lt3A_118, %lt3A_120 : i1
      %and3A_122 = arith.andi %ne3A_121, %ne3A_116 : i1
      %add3A_123 = arith.addi %rem3A_114, %select_n3A_113 : i32
      %select_n3A_124 = arith.select %and3A_122, %add3A_123, %rem3A_114 : i32
      %add3A_125 = arith.addi %add3A_4, %while3A_108 : i32
      %dma_wait3A_126 = arith.constant 0 : i32
      %dma_wait3A_127 = arith.constant 0 : i32
      %dma_wait3A_128 = arith.constant 0 : i32
      %dma_wait3A_129 = tpu.memref_slice %arg6[%select_n3A_124, %dma_wait3A_127, %dma_wait3A_128] : memref<2x128x128xf32, #tpu.memory_space<vmem>> -> memref<1x128x128xf32, #tpu.memory_space<vmem>>
      %dma_wait3A_130 = tpu.memref_squeeze %dma_wait3A_129 : memref<1x128x128xf32, #tpu.memory_space<vmem>> -> memref<128x128xf32, #tpu.memory_space<vmem>>
      %dma_wait3A_131 = arith.constant 0 : i32
      %dma_wait3A_132 = tpu.memref_slice %arg5[%while3A_108, %dma_wait3A_126, %dma_wait3A_131] : memref<20x1x128xi32, #tpu.memory_space<vmem>> -> memref<1x1x128xi32, #tpu.memory_space<vmem>>
      %dma_wait3A_133 = tpu.memref_squeeze %dma_wait3A_132 : memref<1x1x128xi32, #tpu.memory_space<vmem>> -> memref<128xi32, #tpu.memory_space<vmem>>
      %dma_wait3A_134 = arith.constant 0 : i32
      %dma_wait3A_135 = arith.constant 0 : i32
      %dma_wait3A_136 = tpu.memref_slice %arg7[%dma_wait3A_134, %dma_wait3A_135] : memref<10000x128xf32, #tpu.memory_space<vmem_shared>> -> memref<10000x128xf32, #tpu.memory_space<vmem_shared>>
      %dma_wait3A_137 = tpu.memref_slice %arg8[%select_n3A_124] : memref<2x!tpu.dma_semaphore, #tpu.memory_space<semaphore_mem>> -> memref<1x!tpu.dma_semaphore, #tpu.memory_space<semaphore_mem>>
      %dma_wait3A_138 = tpu.memref_squeeze %dma_wait3A_137 : memref<1x!tpu.dma_semaphore, #tpu.memory_space<semaphore_mem>> -> memref<!tpu.dma_semaphore, #tpu.memory_space<semaphore_mem>>
      tpu.wait_indirect_dma semaphore(%dma_wait3A_138 : memref<!tpu.dma_semaphore, #tpu.memory_space<semaphore_mem>>) src(%dma_wait3A_136 : memref<10000x128xf32, #tpu.memory_space<vmem_shared>>) dst(%dma_wait3A_130 : memref<128x128xf32, #tpu.memory_space<vmem>>)
      %mul3A_139 = arith.constant 128 : i32
      %mul3A_140 = arith.muli %add3A_125, %mul3A_139 : i32
      %dma_start3A_141 = arith.constant 0 : i32
      %dma_start3A_142 = arith.constant 0 : i32
      %dma_start3A_143 = tpu.memref_slice %arg6[%select_n3A_124, %dma_start3A_141, %dma_start3A_142] : memref<2x128x128xf32, #tpu.memory_space<vmem>> -> memref<1x128x128xf32, #tpu.memory_space<vmem>>
      %dma_start3A_144 = tpu.memref_squeeze %dma_start3A_143 : memref<1x128x128xf32, #tpu.memory_space<vmem>> -> memref<128x128xf32, #tpu.memory_space<vmem>>
      %dma_start3A_145 = arith.constant 0 : i32
      %dma_start3A_146 = tpu.memref_slice %arg4[%mul3A_140, %dma_start3A_145] : memref<80000x128xf32, #tpu.memory_space<hbm>> -> memref<128x128xf32, #tpu.memory_space<hbm>>
      %dma_start3A_147 = tpu.memref_slice %arg9[%select_n3A_124] : memref<2x!tpu.dma_semaphore, #tpu.memory_space<semaphore_mem>> -> memref<1x!tpu.dma_semaphore, #tpu.memory_space<semaphore_mem>>
      %dma_start3A_148 = tpu.memref_squeeze %dma_start3A_147 : memref<1x!tpu.dma_semaphore, #tpu.memory_space<semaphore_mem>> -> memref<!tpu.dma_semaphore, #tpu.memory_space<semaphore_mem>>
      %dma_start3A_149 = arith.constant 0 : i32
      %dma_start3A_150 = tpu.memref_slice %arg4[%mul3A_140, %dma_start3A_149] : memref<80000x128xf32, #tpu.memory_space<hbm>> -> memref<128x128xf32, #tpu.memory_space<hbm>>
      %dma_start3A_151 = arith.constant 0 : i32
      %dma_start3A_152 = arith.constant 0 : i32
      %dma_start3A_153 = tpu.memref_slice %arg6[%select_n3A_124, %dma_start3A_151, %dma_start3A_152] : memref<2x128x128xf32, #tpu.memory_space<vmem>> -> memref<1x128x128xf32, #tpu.memory_space<vmem>>
      %dma_start3A_154 = tpu.memref_squeeze %dma_start3A_153 : memref<1x128x128xf32, #tpu.memory_space<vmem>> -> memref<128x128xf32, #tpu.memory_space<vmem>>
      tpu.enqueue_dma source(%dma_start3A_154 : memref<128x128xf32, #tpu.memory_space<vmem>>) target(%dma_start3A_150 : memref<128x128xf32, #tpu.memory_space<hbm>>) target_semaphore(%dma_start3A_148 : memref<!tpu.dma_semaphore, #tpu.memory_space<semaphore_mem>>)
      %add3A_155 = arith.constant 1 : i32
      %add3A_156 = arith.addi %while3A_108, %add3A_155 : i32
      %lt3A_157 = arith.cmpi slt, %add3A_156, %add3A_8 : i32
      %convert_element_type3A_158 = arith.extui %lt3A_157 : i1 to i32
      %cond3A_159 = arith.constant 0 : i32
      %cond3A_160 = arith.cmpi ne, %convert_element_type3A_158, %cond3A_159 : i32
      scf.if %cond3A_160 {
        %add3A_161 = arith.constant 1 : i32
        %add3A_162 = arith.addi %while3A_108, %add3A_161 : i32
        %jit3A_163 = arith.constant 2 : i32
        %eq3A_164 = arith.constant 0 : i32
        %eq3A_165 = arith.cmpi eq, %jit3A_163, %eq3A_164 : i32
        %jit3A_166 = arith.constant 1 : i32
        %select_n3A_167 = arith.select %eq3A_165, %jit3A_166, %jit3A_163 : i32
        %rem3A_168 = arith.remsi %add3A_162, %select_n3A_167 : i32
        %ne3A_169 = arith.constant 0 : i32
        %ne3A_170 = arith.cmpi ne, %rem3A_168, %ne3A_169 : i32
        %lt3A_171 = arith.constant 0 : i32
        %lt3A_172 = arith.cmpi slt, %rem3A_168, %lt3A_171 : i32
        %lt3A_173 = arith.constant 0 : i32
        %lt3A_174 = arith.cmpi slt, %select_n3A_167, %lt3A_173 : i32
        %ne3A_175 = arith.xori %lt3A_172, %lt3A_174 : i1
        %and3A_176 = arith.andi %ne3A_175, %ne3A_170 : i1
        %add3A_177 = arith.addi %rem3A_168, %select_n3A_167 : i32
        %select_n3A_178 = arith.select %and3A_176, %add3A_177, %rem3A_168 : i32
        %add3A_179 = arith.constant 1 : i32
        %add3A_180 = arith.addi %while3A_108, %add3A_179 : i32
        %ge3A = arith.constant 2 : i32
        %ge3A_181 = arith.cmpi sge, %add3A_180, %ge3A : i32
        %convert_element_type3A_182 = arith.extui %ge3A_181 : i1 to i32
        %cond3A_183 = arith.constant 0 : i32
        %cond3A_184 = arith.cmpi ne, %convert_element_type3A_182, %cond3A_183 : i32
        scf.if %cond3A_184 {
          %add3A_200 = arith.addi %add3A_4, %while3A_108 : i32
          %sub3A_201 = arith.constant 1 : i32
          %sub3A_202 = arith.subi %add3A_200, %sub3A_201 : i32
          %mul3A_203 = arith.constant 128 : i32
          %mul3A_204 = arith.muli %sub3A_202, %mul3A_203 : i32
          %dma_wait3A_205 = arith.constant 0 : i32
          %dma_wait3A_206 = arith.constant 0 : i32
          %dma_wait3A_207 = tpu.memref_slice %arg6[%select_n3A_178, %dma_wait3A_205, %dma_wait3A_206] : memref<2x128x128xf32, #tpu.memory_space<vmem>> -> memref<1x128x128xf32, #tpu.memory_space<vmem>>
          %dma_wait3A_208 = tpu.memref_squeeze %dma_wait3A_207 : memref<1x128x128xf32, #tpu.memory_space<vmem>> -> memref<128x128xf32, #tpu.memory_space<vmem>>
          %dma_wait3A_209 = arith.constant 0 : i32
          %dma_wait3A_210 = tpu.memref_slice %arg4[%mul3A_204, %dma_wait3A_209] : memref<80000x128xf32, #tpu.memory_space<hbm>> -> memref<128x128xf32, #tpu.memory_space<hbm>>
          %dma_wait3A_211 = tpu.memref_slice %arg9[%select_n3A_178] : memref<2x!tpu.dma_semaphore, #tpu.memory_space<semaphore_mem>> -> memref<1x!tpu.dma_semaphore, #tpu.memory_space<semaphore_mem>>
          %dma_wait3A_212 = tpu.memref_squeeze %dma_wait3A_211 : memref<1x!tpu.dma_semaphore, #tpu.memory_space<semaphore_mem>> -> memref<!tpu.dma_semaphore, #tpu.memory_space<semaphore_mem>>
          %dma_wait3A_213 = arith.constant 0 : i32
          %dma_wait3A_214 = tpu.memref_slice %arg4[%mul3A_204, %dma_wait3A_213] : memref<80000x128xf32, #tpu.memory_space<hbm>> -> memref<128x128xf32, #tpu.memory_space<hbm>>
          %dma_wait3A_215 = arith.constant 0 : i32
          %dma_wait3A_216 = arith.constant 0 : i32
          %dma_wait3A_217 = tpu.memref_slice %arg6[%select_n3A_178, %dma_wait3A_215, %dma_wait3A_216] : memref<2x128x128xf32, #tpu.memory_space<vmem>> -> memref<1x128x128xf32, #tpu.memory_space<vmem>>
          %dma_wait3A_218 = tpu.memref_squeeze %dma_wait3A_217 : memref<1x128x128xf32, #tpu.memory_space<vmem>> -> memref<128x128xf32, #tpu.memory_space<vmem>>
          tpu.wait_dma2 semaphore(%dma_wait3A_212 : memref<!tpu.dma_semaphore, #tpu.memory_space<semaphore_mem>>) src(%dma_wait3A_218 : memref<128x128xf32, #tpu.memory_space<vmem>>) dst(%dma_wait3A_214 : memref<128x128xf32, #tpu.memory_space<hbm>>)
        } else {
        }
        %add3A_185 = arith.constant 1 : i32
        %add3A_186 = arith.addi %while3A_108, %add3A_185 : i32
        %dma_start3A_187 = arith.constant 0 : i32
        %dma_start3A_188 = arith.constant 0 : i32
        %dma_start3A_189 = arith.constant 0 : i32
        %dma_start3A_190 = tpu.memref_slice %arg6[%select_n3A_178, %dma_start3A_188, %dma_start3A_189] : memref<2x128x128xf32, #tpu.memory_space<vmem>> -> memref<1x128x128xf32, #tpu.memory_space<vmem>>
        %dma_start3A_191 = tpu.memref_squeeze %dma_start3A_190 : memref<1x128x128xf32, #tpu.memory_space<vmem>> -> memref<128x128xf32, #tpu.memory_space<vmem>>
        %dma_start3A_192 = arith.constant 0 : i32
        %dma_start3A_193 = tpu.memref_slice %arg5[%add3A_186, %dma_start3A_187, %dma_start3A_192] : memref<20x1x128xi32, #tpu.memory_space<vmem>> -> memref<1x1x128xi32, #tpu.memory_space<vmem>>
        %dma_start3A_194 = tpu.memref_squeeze %dma_start3A_193 : memref<1x1x128xi32, #tpu.memory_space<vmem>> -> memref<128xi32, #tpu.memory_space<vmem>>
        %dma_start3A_195 = arith.constant 0 : i32
        %dma_start3A_196 = arith.constant 0 : i32
        %dma_start3A_197 = tpu.memref_slice %arg7[%dma_start3A_195, %dma_start3A_196] : memref<10000x128xf32, #tpu.memory_space<vmem_shared>> -> memref<10000x128xf32, #tpu.memory_space<vmem_shared>>
        %dma_start3A_198 = tpu.memref_slice %arg8[%select_n3A_178] : memref<2x!tpu.dma_semaphore, #tpu.memory_space<semaphore_mem>> -> memref<1x!tpu.dma_semaphore, #tpu.memory_space<semaphore_mem>>
        %dma_start3A_199 = tpu.memref_squeeze %dma_start3A_198 : memref<1x!tpu.dma_semaphore, #tpu.memory_space<semaphore_mem>> -> memref<!tpu.dma_semaphore, #tpu.memory_space<semaphore_mem>>
        tpu.enqueue_indirect_dma source(%dma_start3A_197 : memref<10000x128xf32, #tpu.memory_space<vmem_shared>>) target(%dma_start3A_191 : memref<128x128xf32, #tpu.memory_space<vmem>>) offsets(%dma_start3A_194 : memref<128xi32, #tpu.memory_space<vmem>>) semaphore(%dma_start3A_199 : memref<!tpu.dma_semaphore, #tpu.memory_space<semaphore_mem>>)
      } else {
      }
    }
    %sub3A = arith.constant 2 : i32
    %sub3A_39 = arith.subi %add3A_8, %sub3A : i32
    %jit3A_40 = arith.constant 2 : i32
    %eq3A_41 = arith.constant 0 : i32
    %eq3A_42 = arith.cmpi eq, %jit3A_40, %eq3A_41 : i32
    %jit3A_43 = arith.constant 1 : i32
    %select_n3A_44 = arith.select %eq3A_42, %jit3A_43, %jit3A_40 : i32
    %rem3A = arith.remsi %sub3A_39, %select_n3A_44 : i32
    %ne3A = arith.constant 0 : i32
    %ne3A_45 = arith.cmpi ne, %rem3A, %ne3A : i32
    %lt3A_46 = arith.constant 0 : i32
    %lt3A_47 = arith.cmpi slt, %rem3A, %lt3A_46 : i32
    %lt3A_48 = arith.constant 0 : i32
    %lt3A_49 = arith.cmpi slt, %select_n3A_44, %lt3A_48 : i32
    %ne3A_50 = arith.xori %lt3A_47, %lt3A_49 : i1
    %and3A = arith.andi %ne3A_50, %ne3A_45 : i1
    %add3A_51 = arith.addi %rem3A, %select_n3A_44 : i32
    %select_n3A_52 = arith.select %and3A, %add3A_51, %rem3A : i32
    %add3A_53 = arith.addi %add3A_4, %add3A_8 : i32
    %sub3A_54 = arith.constant 2 : i32
    %sub3A_55 = arith.subi %add3A_53, %sub3A_54 : i32
    %mul3A_56 = arith.constant 128 : i32
    %mul3A_57 = arith.muli %sub3A_55, %mul3A_56 : i32
    %dma_wait3A = arith.constant 0 : i32
    %dma_wait3A_58 = arith.constant 0 : i32
    %dma_wait3A_59 = tpu.memref_slice %arg6[%select_n3A_52, %dma_wait3A, %dma_wait3A_58] : memref<2x128x128xf32, #tpu.memory_space<vmem>> -> memref<1x128x128xf32, #tpu.memory_space<vmem>>
    %dma_wait3A_60 = tpu.memref_squeeze %dma_wait3A_59 : memref<1x128x128xf32, #tpu.memory_space<vmem>> -> memref<128x128xf32, #tpu.memory_space<vmem>>
    %dma_wait3A_61 = arith.constant 0 : i32
    %dma_wait3A_62 = tpu.memref_slice %arg4[%mul3A_57, %dma_wait3A_61] : memref<80000x128xf32, #tpu.memory_space<hbm>> -> memref<128x128xf32, #tpu.memory_space<hbm>>
    %dma_wait3A_63 = tpu.memref_slice %arg9[%select_n3A_52] : memref<2x!tpu.dma_semaphore, #tpu.memory_space<semaphore_mem>> -> memref<1x!tpu.dma_semaphore, #tpu.memory_space<semaphore_mem>>
    %dma_wait3A_64 = tpu.memref_squeeze %dma_wait3A_63 : memref<1x!tpu.dma_semaphore, #tpu.memory_space<semaphore_mem>> -> memref<!tpu.dma_semaphore, #tpu.memory_space<semaphore_mem>>
    %dma_wait3A_65 = arith.constant 0 : i32
    %dma_wait3A_66 = tpu.memref_slice %arg4[%mul3A_57, %dma_wait3A_65] : memref<80000x128xf32, #tpu.memory_space<hbm>> -> memref<128x128xf32, #tpu.memory_space<hbm>>
    %dma_wait3A_67 = arith.constant 0 : i32
    %dma_wait3A_68 = arith.constant 0 : i32
    %dma_wait3A_69 = tpu.memref_slice %arg6[%select_n3A_52, %dma_wait3A_67, %dma_wait3A_68] : memref<2x128x128xf32, #tpu.memory_space<vmem>> -> memref<1x128x128xf32, #tpu.memory_space<vmem>>
    %dma_wait3A_70 = tpu.memref_squeeze %dma_wait3A_69 : memref<1x128x128xf32, #tpu.memory_space<vmem>> -> memref<128x128xf32, #tpu.memory_space<vmem>>
    tpu.wait_dma2 semaphore(%dma_wait3A_64 : memref<!tpu.dma_semaphore, #tpu.memory_space<semaphore_mem>>) src(%dma_wait3A_70 : memref<128x128xf32, #tpu.memory_space<vmem>>) dst(%dma_wait3A_66 : memref<128x128xf32, #tpu.memory_space<hbm>>)
    %sub3A_71 = arith.constant 1 : i32
    %sub3A_72 = arith.subi %add3A_8, %sub3A_71 : i32
    %jit3A_73 = arith.constant 2 : i32
    %eq3A_74 = arith.constant 0 : i32
    %eq3A_75 = arith.cmpi eq, %jit3A_73, %eq3A_74 : i32
    %jit3A_76 = arith.constant 1 : i32
    %select_n3A_77 = arith.select %eq3A_75, %jit3A_76, %jit3A_73 : i32
    %rem3A_78 = arith.remsi %sub3A_72, %select_n3A_77 : i32
    %ne3A_79 = arith.constant 0 : i32
    %ne3A_80 = arith.cmpi ne, %rem3A_78, %ne3A_79 : i32
    %lt3A_81 = arith.constant 0 : i32
    %lt3A_82 = arith.cmpi slt, %rem3A_78, %lt3A_81 : i32
    %lt3A_83 = arith.constant 0 : i32
    %lt3A_84 = arith.cmpi slt, %select_n3A_77, %lt3A_83 : i32
    %ne3A_85 = arith.xori %lt3A_82, %lt3A_84 : i1
    %and3A_86 = arith.andi %ne3A_85, %ne3A_80 : i1
    %add3A_87 = arith.addi %rem3A_78, %select_n3A_77 : i32
    %select_n3A_88 = arith.select %and3A_86, %add3A_87, %rem3A_78 : i32
    %add3A_89 = arith.addi %add3A_4, %add3A_8 : i32
    %sub3A_90 = arith.constant 1 : i32
    %sub3A_91 = arith.subi %add3A_89, %sub3A_90 : i32
    %mul3A_92 = arith.constant 128 : i32
    %mul3A_93 = arith.muli %sub3A_91, %mul3A_92 : i32
    %dma_wait3A_94 = arith.constant 0 : i32
    %dma_wait3A_95 = arith.constant 0 : i32
    %dma_wait3A_96 = tpu.memref_slice %arg6[%select_n3A_88, %dma_wait3A_94, %dma_wait3A_95] : memref<2x128x128xf32, #tpu.memory_space<vmem>> -> memref<1x128x128xf32, #tpu.memory_space<vmem>>
    %dma_wait3A_97 = tpu.memref_squeeze %dma_wait3A_96 : memref<1x128x128xf32, #tpu.memory_space<vmem>> -> memref<128x128xf32, #tpu.memory_space<vmem>>
    %dma_wait3A_98 = arith.constant 0 : i32
    %dma_wait3A_99 = tpu.memref_slice %arg4[%mul3A_93, %dma_wait3A_98] : memref<80000x128xf32, #tpu.memory_space<hbm>> -> memref<128x128xf32, #tpu.memory_space<hbm>>
    %dma_wait3A_100 = tpu.memref_slice %arg9[%select_n3A_88] : memref<2x!tpu.dma_semaphore, #tpu.memory_space<semaphore_mem>> -> memref<1x!tpu.dma_semaphore, #tpu.memory_space<semaphore_mem>>
    %dma_wait3A_101 = tpu.memref_squeeze %dma_wait3A_100 : memref<1x!tpu.dma_semaphore, #tpu.memory_space<semaphore_mem>> -> memref<!tpu.dma_semaphore, #tpu.memory_space<semaphore_mem>>
    %dma_wait3A_102 = arith.constant 0 : i32
    %dma_wait3A_103 = tpu.memref_slice %arg4[%mul3A_93, %dma_wait3A_102] : memref<80000x128xf32, #tpu.memory_space<hbm>> -> memref<128x128xf32, #tpu.memory_space<hbm>>
    %dma_wait3A_104 = arith.constant 0 : i32
    %dma_wait3A_105 = arith.constant 0 : i32
    %dma_wait3A_106 = tpu.memref_slice %arg6[%select_n3A_88, %dma_wait3A_104, %dma_wait3A_105] : memref<2x128x128xf32, #tpu.memory_space<vmem>> -> memref<1x128x128xf32, #tpu.memory_space<vmem>>
    %dma_wait3A_107 = tpu.memref_squeeze %dma_wait3A_106 : memref<1x128x128xf32, #tpu.memory_space<vmem>> -> memref<128x128xf32, #tpu.memory_space<vmem>>
    tpu.wait_dma2 semaphore(%dma_wait3A_101 : memref<!tpu.dma_semaphore, #tpu.memory_space<semaphore_mem>>) src(%dma_wait3A_107 : memref<128x128xf32, #tpu.memory_space<vmem>>) dst(%dma_wait3A_103 : memref<128x128xf32, #tpu.memory_space<hbm>>)
    return
  }
}

#map = affine_map<(d0, d1) -> (0, 0)>
#map1 = affine_map<(d0, d1) -> (0, 0, 0)>
module attributes {stable_mosaic.version = 14 : i64} {
  func.func @sc_gather(%arg0: i32, %arg1: i32, %arg2: memref<10000x128xf32, #tpu.memory_space<hbm>>, %arg3: memref<626x1x128xi32, #tpu.memory_space<hbm>>, %arg4: memref<80000x128xf32, #tpu.memory_space<hbm>>, %arg5: memref<20x1x128xi32, #tpu.memory_space<vmem>>, %arg6: memref<2x128x128xf32, #tpu.memory_space<vmem>>, %arg7: memref<10000x128xf32, #tpu.memory_space<vmem_shared>>, %arg8: memref<2x!tpu.dma_semaphore, #tpu.memory_space<semaphore_mem>>, %arg9: memref<2x!tpu.dma_semaphore, #tpu.memory_space<semaphore_mem>>) attributes {dimension_semantics = [#tpu.dimension_semantics<core_parallel>, #tpu.dimension_semantics<subcore_parallel>], iteration_bounds = array<i64: 2, 16>, scalar_prefetch = 0 : i64, scratch_operands = 5 : i64, tpu.core_type = #tpu.core_type<sc_vector_subcore>, window_params = [{transform_indices = #map}, {transform_indices = #map1}, {transform_indices = #map}]} {
    %mul3A = arith.constant 2 : i32
    %mul3A_0 = arith.muli %arg1, %mul3A : i32
    %add3A = arith.addi %mul3A_0, %arg0 : i32
    %mul3A_1 = arith.constant 19 : i32
    %mul3A_2 = arith.muli %add3A, %mul3A_1 : i32
    %min3A = arith.constant 17 : i32
    %min3A_3 = arith.minsi %add3A, %min3A : i32
    %add3A_4 = arith.addi %mul3A_2, %min3A_3 : i32
    %lt3A = arith.constant 17 : i32
    %lt3A_5 = arith.cmpi slt, %add3A, %lt3A : i32
    %jit3A = arith.constant 1 : i32
    %jit3A_6 = arith.constant 0 : i32
    %select_n3A = arith.select %lt3A_5, %jit3A, %jit3A_6 : i32
    %add3A_7 = arith.constant 19 : i32
    %add3A_8 = arith.addi %add3A_7, %select_n3A : i32
    "tpu.region"() ({
      %run_scoped3A = tpu.sem_alloc : memref<!tpu.dma_semaphore, #tpu.memory_space<semaphore_mem>>
      %dma_start3A_108 = arith.constant 0 : i32
      %dma_start3A_109 = arith.constant 0 : i32
      %dma_start3A_110 = tpu.memref_slice %arg3[%add3A_4, %dma_start3A_108, %dma_start3A_109] : memref<626x1x128xi32, #tpu.memory_space<hbm>> -> memref<20x1x128xi32, #tpu.memory_space<hbm>>
      %dma_start3A_111 = arith.constant 0 : i32
      %dma_start3A_112 = arith.constant 0 : i32
      %dma_start3A_113 = tpu.memref_slice %arg3[%add3A_4, %dma_start3A_111, %dma_start3A_112] : memref<626x1x128xi32, #tpu.memory_space<hbm>> -> memref<20x1x128xi32, #tpu.memory_space<hbm>>
      tpu.enqueue_dma source(%dma_start3A_113 : memref<20x1x128xi32, #tpu.memory_space<hbm>>) target(%arg5 : memref<20x1x128xi32, #tpu.memory_space<vmem>>) target_semaphore(%run_scoped3A : memref<!tpu.dma_semaphore, #tpu.memory_space<semaphore_mem>>)
      %dma_wait3A_114 = arith.constant 0 : i32
      %dma_wait3A_115 = arith.constant 0 : i32
      %dma_wait3A_116 = tpu.memref_slice %arg3[%add3A_4, %dma_wait3A_114, %dma_wait3A_115] : memref<626x1x128xi32, #tpu.memory_space<hbm>> -> memref<20x1x128xi32, #tpu.memory_space<hbm>>
      %dma_wait3A_117 = arith.constant 0 : i32
      %dma_wait3A_118 = arith.constant 0 : i32
      %dma_wait3A_119 = tpu.memref_slice %arg3[%add3A_4, %dma_wait3A_117, %dma_wait3A_118] : memref<626x1x128xi32, #tpu.memory_space<hbm>> -> memref<20x1x128xi32, #tpu.memory_space<hbm>>
      tpu.wait_dma2 semaphore(%run_scoped3A : memref<!tpu.dma_semaphore, #tpu.memory_space<semaphore_mem>>) src(%dma_wait3A_119 : memref<20x1x128xi32, #tpu.memory_space<hbm>>) dst(%arg5 : memref<20x1x128xi32, #tpu.memory_space<vmem>>)
      tpu.yield
    }) : () -> ()
    %mul3A_9 = arith.constant 624 : i32
    %mul3A_10 = arith.muli %arg1, %mul3A_9 : i32
    %mul3A_11 = arith.constant 624 : i32
    %mul3A_12 = arith.muli %arg1, %mul3A_11 : i32
    "tpu.region"() ({
      %run_scoped3A = tpu.sem_alloc : memref<!tpu.dma_semaphore, #tpu.memory_space<semaphore_mem>>
      %dma_start3A_108 = arith.constant 0 : i32
      %dma_start3A_109 = tpu.memref_slice %arg7[%mul3A_12, %dma_start3A_108] : memref<10000x128xf32, #tpu.memory_space<vmem_shared>> -> memref<624x128xf32, #tpu.memory_space<vmem_shared>>
      %dma_start3A_110 = arith.constant 0 : i32
      %dma_start3A_111 = tpu.memref_slice %arg2[%mul3A_10, %dma_start3A_110] : memref<10000x128xf32, #tpu.memory_space<hbm>> -> memref<624x128xf32, #tpu.memory_space<hbm>>
      tpu.enqueue_dma source(%dma_start3A_111 : memref<624x128xf32, #tpu.memory_space<hbm>>) target(%dma_start3A_109 : memref<624x128xf32, #tpu.memory_space<vmem_shared>>) target_semaphore(%run_scoped3A : memref<!tpu.dma_semaphore, #tpu.memory_space<semaphore_mem>>)
      %dma_wait3A_112 = arith.constant 0 : i32
      %dma_wait3A_113 = tpu.memref_slice %arg7[%mul3A_12, %dma_wait3A_112] : memref<10000x128xf32, #tpu.memory_space<vmem_shared>> -> memref<624x128xf32, #tpu.memory_space<vmem_shared>>
      %dma_wait3A_114 = arith.constant 0 : i32
      %dma_wait3A_115 = tpu.memref_slice %arg2[%mul3A_10, %dma_wait3A_114] : memref<10000x128xf32, #tpu.memory_space<hbm>> -> memref<624x128xf32, #tpu.memory_space<hbm>>
      tpu.wait_dma2 semaphore(%run_scoped3A : memref<!tpu.dma_semaphore, #tpu.memory_space<semaphore_mem>>) src(%dma_wait3A_115 : memref<624x128xf32, #tpu.memory_space<hbm>>) dst(%dma_wait3A_113 : memref<624x128xf32, #tpu.memory_space<vmem_shared>>)
      tpu.yield
    }) : () -> ()
    %eq3A = arith.constant 15 : i32
    %eq3A_13 = arith.cmpi eq, %arg1, %eq3A : i32
    %convert_element_type3A = arith.extui %eq3A_13 : i1 to i32
    %cond3A = arith.constant 0 : i32
    %cond3A_14 = arith.cmpi ne, %convert_element_type3A, %cond3A : i32
    scf.if %cond3A_14 {
      "tpu.region"() ({
        %run_scoped3A = tpu.sem_alloc : memref<!tpu.dma_semaphore, #tpu.memory_space<semaphore_mem>>
        %dma_start3A_108 = arith.constant 9984 : i32
        %dma_start3A_109 = arith.constant 0 : i32
        %dma_start3A_110 = tpu.memref_slice %arg7[%dma_start3A_108, %dma_start3A_109] : memref<10000x128xf32, #tpu.memory_space<vmem_shared>> -> memref<16x128xf32, #tpu.memory_space<vmem_shared>>
        %dma_start3A_111 = arith.constant 9984 : i32
        %dma_start3A_112 = arith.constant 0 : i32
        %dma_start3A_113 = tpu.memref_slice %arg2[%dma_start3A_111, %dma_start3A_112] : memref<10000x128xf32, #tpu.memory_space<hbm>> -> memref<16x128xf32, #tpu.memory_space<hbm>>
        tpu.enqueue_dma source(%dma_start3A_113 : memref<16x128xf32, #tpu.memory_space<hbm>>) target(%dma_start3A_110 : memref<16x128xf32, #tpu.memory_space<vmem_shared>>) target_semaphore(%run_scoped3A : memref<!tpu.dma_semaphore, #tpu.memory_space<semaphore_mem>>)
        %dma_wait3A_114 = arith.constant 9984 : i32
        %dma_wait3A_115 = arith.constant 0 : i32
        %dma_wait3A_116 = tpu.memref_slice %arg7[%dma_wait3A_114, %dma_wait3A_115] : memref<10000x128xf32, #tpu.memory_space<vmem_shared>> -> memref<16x128xf32, #tpu.memory_space<vmem_shared>>
        %dma_wait3A_117 = arith.constant 9984 : i32
        %dma_wait3A_118 = arith.constant 0 : i32
        %dma_wait3A_119 = tpu.memref_slice %arg2[%dma_wait3A_117, %dma_wait3A_118] : memref<10000x128xf32, #tpu.memory_space<hbm>> -> memref<16x128xf32, #tpu.memory_space<hbm>>
        tpu.wait_dma2 semaphore(%run_scoped3A : memref<!tpu.dma_semaphore, #tpu.memory_space<semaphore_mem>>) src(%dma_wait3A_119 : memref<16x128xf32, #tpu.memory_space<hbm>>) dst(%dma_wait3A_116 : memref<16x128xf32, #tpu.memory_space<vmem_shared>>)
        tpu.yield
      }) : () -> ()
    } else {
    }
    %barrier3A = arith.constant 0 : index
    tpu.barrier barrier_id(%barrier3A)
    %dma_start3A = arith.constant 0 : i32
    %dma_start3A_15 = arith.constant 0 : i32
    %dma_start3A_16 = arith.constant 0 : i32
    %dma_start3A_17 = arith.constant 0 : i32
    %dma_start3A_18 = arith.constant 0 : i32
    %dma_start3A_19 = arith.constant 0 : i32
    %dma_start3A_20 = tpu.memref_slice %arg6[%dma_start3A_16, %dma_start3A_18, %dma_start3A_19] : memref<2x128x128xf32, #tpu.memory_space<vmem>> -> memref<1x128x128xf32, #tpu.memory_space<vmem>>
    %dma_start3A_21 = tpu.memref_squeeze %dma_start3A_20 : memref<1x128x128xf32, #tpu.memory_space<vmem>> -> memref<128x128xf32, #tpu.memory_space<vmem>>
    %dma_start3A_22 = arith.constant 0 : i32
    %dma_start3A_23 = tpu.memref_slice %arg5[%dma_start3A, %dma_start3A_15, %dma_start3A_22] : memref<20x1x128xi32, #tpu.memory_space<vmem>> -> memref<1x1x128xi32, #tpu.memory_space<vmem>>
    %dma_start3A_24 = tpu.memref_squeeze %dma_start3A_23 : memref<1x1x128xi32, #tpu.memory_space<vmem>> -> memref<128xi32, #tpu.memory_space<vmem>>
    %dma_start3A_25 = arith.constant 0 : i32
    %dma_start3A_26 = arith.constant 0 : i32
    %dma_start3A_27 = tpu.memref_slice %arg7[%dma_start3A_25, %dma_start3A_26] : memref<10000x128xf32, #tpu.memory_space<vmem_shared>> -> memref<10000x128xf32, #tpu.memory_space<vmem_shared>>
    %dma_start3A_28 = tpu.memref_slice %arg8[%dma_start3A_17] : memref<2x!tpu.dma_semaphore, #tpu.memory_space<semaphore_mem>> -> memref<1x!tpu.dma_semaphore, #tpu.memory_space<semaphore_mem>>
    %dma_start3A_29 = tpu.memref_squeeze %dma_start3A_28 : memref<1x!tpu.dma_semaphore, #tpu.memory_space<semaphore_mem>> -> memref<!tpu.dma_semaphore, #tpu.memory_space<semaphore_mem>>
    tpu.enqueue_indirect_dma source(%dma_start3A_27 : memref<10000x128xf32, #tpu.memory_space<vmem_shared>>) target(%dma_start3A_21 : memref<128x128xf32, #tpu.memory_space<vmem>>) offsets(%dma_start3A_24 : memref<128xi32, #tpu.memory_space<vmem>>) semaphore(%dma_start3A_29 : memref<!tpu.dma_semaphore, #tpu.memory_space<semaphore_mem>>)
    %while3A = arith.constant 0 : i32
    %while3A_30 = arith.constant 0 : i32
    %while3A_31 = arith.subi %add3A_8, %while3A_30 : i32
    %while3A_32 = arith.addi %while3A_30, %while3A_31 : i32
    %while3A_33 = arith.constant 1 : i32
    %while3A_34 = arith.divsi %while3A_31, %while3A_33 : i32
    %while3A_35 = arith.muli %while3A_34, %while3A_33 : i32
    %while3A_36 = arith.addi %while3A_30, %while3A_35 : i32
    %while3A_37 = arith.constant 1 : i32
    scf.for %while3A_108 = %while3A_30 to %while3A_36 step %while3A_37  : i32 {
      %jit3A_109 = arith.constant 2 : i32
      %eq3A_110 = arith.constant 0 : i32
      %eq3A_111 = arith.cmpi eq, %jit3A_109, %eq3A_110 : i32
      %jit3A_112 = arith.constant 1 : i32
      %select_n3A_113 = arith.select %eq3A_111, %jit3A_112, %jit3A_109 : i32
      %rem3A_114 = arith.remsi %while3A_108, %select_n3A_113 : i32
      %ne3A_115 = arith.constant 0 : i32
      %ne3A_116 = arith.cmpi ne, %rem3A_114, %ne3A_115 : i32
      %lt3A_117 = arith.constant 0 : i32
      %lt3A_118 = arith.cmpi slt, %rem3A_114, %lt3A_117 : i32
      %lt3A_119 = arith.constant 0 : i32
      %lt3A_120 = arith.cmpi slt, %select_n3A_113, %lt3A_119 : i32
      %ne3A_121 = arith.xori %lt3A_118, %lt3A_120 : i1
      %and3A_122 = arith.andi %ne3A_121, %ne3A_116 : i1
      %add3A_123 = arith.addi %rem3A_114, %select_n3A_113 : i32
      %select_n3A_124 = arith.select %and3A_122, %add3A_123, %rem3A_114 : i32
      %add3A_125 = arith.addi %add3A_4, %while3A_108 : i32
      %dma_wait3A_126 = arith.constant 0 : i32
      %dma_wait3A_127 = arith.constant 0 : i32
      %dma_wait3A_128 = arith.constant 0 : i32
      %dma_wait3A_129 = tpu.memref_slice %arg6[%select_n3A_124, %dma_wait3A_127, %dma_wait3A_128] : memref<2x128x128xf32, #tpu.memory_space<vmem>> -> memref<1x128x128xf32, #tpu.memory_space<vmem>>
      %dma_wait3A_130 = tpu.memref_squeeze %dma_wait3A_129 : memref<1x128x128xf32, #tpu.memory_space<vmem>> -> memref<128x128xf32, #tpu.memory_space<vmem>>
      %dma_wait3A_131 = arith.constant 0 : i32
      %dma_wait3A_132 = tpu.memref_slice %arg5[%while3A_108, %dma_wait3A_126, %dma_wait3A_131] : memref<20x1x128xi32, #tpu.memory_space<vmem>> -> memref<1x1x128xi32, #tpu.memory_space<vmem>>
      %dma_wait3A_133 = tpu.memref_squeeze %dma_wait3A_132 : memref<1x1x128xi32, #tpu.memory_space<vmem>> -> memref<128xi32, #tpu.memory_space<vmem>>
      %dma_wait3A_134 = arith.constant 0 : i32
      %dma_wait3A_135 = arith.constant 0 : i32
      %dma_wait3A_136 = tpu.memref_slice %arg7[%dma_wait3A_134, %dma_wait3A_135] : memref<10000x128xf32, #tpu.memory_space<vmem_shared>> -> memref<10000x128xf32, #tpu.memory_space<vmem_shared>>
      %dma_wait3A_137 = tpu.memref_slice %arg8[%select_n3A_124] : memref<2x!tpu.dma_semaphore, #tpu.memory_space<semaphore_mem>> -> memref<1x!tpu.dma_semaphore, #tpu.memory_space<semaphore_mem>>
      %dma_wait3A_138 = tpu.memref_squeeze %dma_wait3A_137 : memref<1x!tpu.dma_semaphore, #tpu.memory_space<semaphore_mem>> -> memref<!tpu.dma_semaphore, #tpu.memory_space<semaphore_mem>>
      tpu.wait_indirect_dma semaphore(%dma_wait3A_138 : memref<!tpu.dma_semaphore, #tpu.memory_space<semaphore_mem>>) src(%dma_wait3A_136 : memref<10000x128xf32, #tpu.memory_space<vmem_shared>>) dst(%dma_wait3A_130 : memref<128x128xf32, #tpu.memory_space<vmem>>)
      %mul3A_139 = arith.constant 128 : i32
      %mul3A_140 = arith.muli %add3A_125, %mul3A_139 : i32
      %dma_start3A_141 = arith.constant 0 : i32
      %dma_start3A_142 = arith.constant 0 : i32
      %dma_start3A_143 = tpu.memref_slice %arg6[%select_n3A_124, %dma_start3A_141, %dma_start3A_142] : memref<2x128x128xf32, #tpu.memory_space<vmem>> -> memref<1x128x128xf32, #tpu.memory_space<vmem>>
      %dma_start3A_144 = tpu.memref_squeeze %dma_start3A_143 : memref<1x128x128xf32, #tpu.memory_space<vmem>> -> memref<128x128xf32, #tpu.memory_space<vmem>>
      %dma_start3A_145 = arith.constant 0 : i32
      %dma_start3A_146 = tpu.memref_slice %arg4[%mul3A_140, %dma_start3A_145] : memref<80000x128xf32, #tpu.memory_space<hbm>> -> memref<128x128xf32, #tpu.memory_space<hbm>>
      %dma_start3A_147 = tpu.memref_slice %arg9[%select_n3A_124] : memref<2x!tpu.dma_semaphore, #tpu.memory_space<semaphore_mem>> -> memref<1x!tpu.dma_semaphore, #tpu.memory_space<semaphore_mem>>
      %dma_start3A_148 = tpu.memref_squeeze %dma_start3A_147 : memref<1x!tpu.dma_semaphore, #tpu.memory_space<semaphore_mem>> -> memref<!tpu.dma_semaphore, #tpu.memory_space<semaphore_mem>>
      %dma_start3A_149 = arith.constant 0 : i32
      %dma_start3A_150 = tpu.memref_slice %arg4[%mul3A_140, %dma_start3A_149] : memref<80000x128xf32, #tpu.memory_space<hbm>> -> memref<128x128xf32, #tpu.memory_space<hbm>>
      %dma_start3A_151 = arith.constant 0 : i32
      %dma_start3A_152 = arith.constant 0 : i32
      %dma_start3A_153 = tpu.memref_slice %arg6[%select_n3A_124, %dma_start3A_151, %dma_start3A_152] : memref<2x128x128xf32, #tpu.memory_space<vmem>> -> memref<1x128x128xf32, #tpu.memory_space<vmem>>
      %dma_start3A_154 = tpu.memref_squeeze %dma_start3A_153 : memref<1x128x128xf32, #tpu.memory_space<vmem>> -> memref<128x128xf32, #tpu.memory_space<vmem>>
      tpu.enqueue_dma source(%dma_start3A_154 : memref<128x128xf32, #tpu.memory_space<vmem>>) target(%dma_start3A_150 : memref<128x128xf32, #tpu.memory_space<hbm>>) target_semaphore(%dma_start3A_148 : memref<!tpu.dma_semaphore, #tpu.memory_space<semaphore_mem>>)
      %add3A_155 = arith.constant 1 : i32
      %add3A_156 = arith.addi %while3A_108, %add3A_155 : i32
      %lt3A_157 = arith.cmpi slt, %add3A_156, %add3A_8 : i32
      %convert_element_type3A_158 = arith.extui %lt3A_157 : i1 to i32
      %cond3A_159 = arith.constant 0 : i32
      %cond3A_160 = arith.cmpi ne, %convert_element_type3A_158, %cond3A_159 : i32
      scf.if %cond3A_160 {
        %add3A_161 = arith.constant 1 : i32
        %add3A_162 = arith.addi %while3A_108, %add3A_161 : i32
        %jit3A_163 = arith.constant 2 : i32
        %eq3A_164 = arith.constant 0 : i32
        %eq3A_165 = arith.cmpi eq, %jit3A_163, %eq3A_164 : i32
        %jit3A_166 = arith.constant 1 : i32
        %select_n3A_167 = arith.select %eq3A_165, %jit3A_166, %jit3A_163 : i32
        %rem3A_168 = arith.remsi %add3A_162, %select_n3A_167 : i32
        %ne3A_169 = arith.constant 0 : i32
        %ne3A_170 = arith.cmpi ne, %rem3A_168, %ne3A_169 : i32
        %lt3A_171 = arith.constant 0 : i32
        %lt3A_172 = arith.cmpi slt, %rem3A_168, %lt3A_171 : i32
        %lt3A_173 = arith.constant 0 : i32
        %lt3A_174 = arith.cmpi slt, %select_n3A_167, %lt3A_173 : i32
        %ne3A_175 = arith.xori %lt3A_172, %lt3A_174 : i1
        %and3A_176 = arith.andi %ne3A_175, %ne3A_170 : i1
        %add3A_177 = arith.addi %rem3A_168, %select_n3A_167 : i32
        %select_n3A_178 = arith.select %and3A_176, %add3A_177, %rem3A_168 : i32
        %add3A_179 = arith.constant 1 : i32
        %add3A_180 = arith.addi %while3A_108, %add3A_179 : i32
        %ge3A = arith.constant 2 : i32
        %ge3A_181 = arith.cmpi sge, %add3A_180, %ge3A : i32
        %convert_element_type3A_182 = arith.extui %ge3A_181 : i1 to i32
        %cond3A_183 = arith.constant 0 : i32
        %cond3A_184 = arith.cmpi ne, %convert_element_type3A_182, %cond3A_183 : i32
        scf.if %cond3A_184 {
          %add3A_200 = arith.addi %add3A_4, %while3A_108 : i32
          %sub3A_201 = arith.constant 1 : i32
          %sub3A_202 = arith.subi %add3A_200, %sub3A_201 : i32
          %mul3A_203 = arith.constant 128 : i32
          %mul3A_204 = arith.muli %sub3A_202, %mul3A_203 : i32
          %dma_wait3A_205 = arith.constant 0 : i32
          %dma_wait3A_206 = arith.constant 0 : i32
          %dma_wait3A_207 = tpu.memref_slice %arg6[%select_n3A_178, %dma_wait3A_205, %dma_wait3A_206] : memref<2x128x128xf32, #tpu.memory_space<vmem>> -> memref<1x128x128xf32, #tpu.memory_space<vmem>>
          %dma_wait3A_208 = tpu.memref_squeeze %dma_wait3A_207 : memref<1x128x128xf32, #tpu.memory_space<vmem>> -> memref<128x128xf32, #tpu.memory_space<vmem>>
          %dma_wait3A_209 = arith.constant 0 : i32
          %dma_wait3A_210 = tpu.memref_slice %arg4[%mul3A_204, %dma_wait3A_209] : memref<80000x128xf32, #tpu.memory_space<hbm>> -> memref<128x128xf32, #tpu.memory_space<hbm>>
          %dma_wait3A_211 = tpu.memref_slice %arg9[%select_n3A_178] : memref<2x!tpu.dma_semaphore, #tpu.memory_space<semaphore_mem>> -> memref<1x!tpu.dma_semaphore, #tpu.memory_space<semaphore_mem>>
          %dma_wait3A_212 = tpu.memref_squeeze %dma_wait3A_211 : memref<1x!tpu.dma_semaphore, #tpu.memory_space<semaphore_mem>> -> memref<!tpu.dma_semaphore, #tpu.memory_space<semaphore_mem>>
          %dma_wait3A_213 = arith.constant 0 : i32
          %dma_wait3A_214 = tpu.memref_slice %arg4[%mul3A_204, %dma_wait3A_213] : memref<80000x128xf32, #tpu.memory_space<hbm>> -> memref<128x128xf32, #tpu.memory_space<hbm>>
          %dma_wait3A_215 = arith.constant 0 : i32
          %dma_wait3A_216 = arith.constant 0 : i32
          %dma_wait3A_217 = tpu.memref_slice %arg6[%select_n3A_178, %dma_wait3A_215, %dma_wait3A_216] : memref<2x128x128xf32, #tpu.memory_space<vmem>> -> memref<1x128x128xf32, #tpu.memory_space<vmem>>
          %dma_wait3A_218 = tpu.memref_squeeze %dma_wait3A_217 : memref<1x128x128xf32, #tpu.memory_space<vmem>> -> memref<128x128xf32, #tpu.memory_space<vmem>>
          tpu.wait_dma2 semaphore(%dma_wait3A_212 : memref<!tpu.dma_semaphore, #tpu.memory_space<semaphore_mem>>) src(%dma_wait3A_218 : memref<128x128xf32, #tpu.memory_space<vmem>>) dst(%dma_wait3A_214 : memref<128x128xf32, #tpu.memory_space<hbm>>)
        } else {
        }
        %add3A_185 = arith.constant 1 : i32
        %add3A_186 = arith.addi %while3A_108, %add3A_185 : i32
        %dma_start3A_187 = arith.constant 0 : i32
        %dma_start3A_188 = arith.constant 0 : i32
        %dma_start3A_189 = arith.constant 0 : i32
        %dma_start3A_190 = tpu.memref_slice %arg6[%select_n3A_178, %dma_start3A_188, %dma_start3A_189] : memref<2x128x128xf32, #tpu.memory_space<vmem>> -> memref<1x128x128xf32, #tpu.memory_space<vmem>>
        %dma_start3A_191 = tpu.memref_squeeze %dma_start3A_190 : memref<1x128x128xf32, #tpu.memory_space<vmem>> -> memref<128x128xf32, #tpu.memory_space<vmem>>
        %dma_start3A_192 = arith.constant 0 : i32
        %dma_start3A_193 = tpu.memref_slice %arg5[%add3A_186, %dma_start3A_187, %dma_start3A_192] : memref<20x1x128xi32, #tpu.memory_space<vmem>> -> memref<1x1x128xi32, #tpu.memory_space<vmem>>
        %dma_start3A_194 = tpu.memref_squeeze %dma_start3A_193 : memref<1x1x128xi32, #tpu.memory_space<vmem>> -> memref<128xi32, #tpu.memory_space<vmem>>
        %dma_start3A_195 = arith.constant 0 : i32
        %dma_start3A_196 = arith.constant 0 : i32
        %dma_start3A_197 = tpu.memref_slice %arg7[%dma_start3A_195, %dma_start3A_196] : memref<10000x128xf32, #tpu.memory_space<vmem_shared>> -> memref<10000x128xf32, #tpu.memory_space<vmem_shared>>
        %dma_start3A_198 = tpu.memref_slice %arg8[%select_n3A_178] : memref<2x!tpu.dma_semaphore, #tpu.memory_space<semaphore_mem>> -> memref<1x!tpu.dma_semaphore, #tpu.memory_space<semaphore_mem>>
        %dma_start3A_199 = tpu.memref_squeeze %dma_start3A_198 : memref<1x!tpu.dma_semaphore, #tpu.memory_space<semaphore_mem>> -> memref<!tpu.dma_semaphore, #tpu.memory_space<semaphore_mem>>
        tpu.enqueue_indirect_dma source(%dma_start3A_197 : memref<10000x128xf32, #tpu.memory_space<vmem_shared>>) target(%dma_start3A_191 : memref<128x128xf32, #tpu.memory_space<vmem>>) offsets(%dma_start3A_194 : memref<128xi32, #tpu.memory_space<vmem>>) semaphore(%dma_start3A_199 : memref<!tpu.dma_semaphore, #tpu.memory_space<semaphore_mem>>)
      } else {
      }
    }
    %while3A_38 = arith.constant 1 : i32
    scf.for %while3A_108 = %while3A_36 to %while3A_32 step %while3A_38  : i32 {
      %jit3A_109 = arith.constant 2 : i32
      %eq3A_110 = arith.constant 0 : i32
      %eq3A_111 = arith.cmpi eq, %jit3A_109, %eq3A_110 : i32
      %jit3A_112 = arith.constant 1 : i32
      %select_n3A_113 = arith.select %eq3A_111, %jit3A_112, %jit3A_109 : i32
      %rem3A_114 = arith.remsi %while3A_108, %select_n3A_113 : i32
      %ne3A_115 = arith.constant 0 : i32
      %ne3A_116 = arith.cmpi ne, %rem3A_114, %ne3A_115 : i32
      %lt3A_117 = arith.constant 0 : i32
      %lt3A_118 = arith.cmpi slt, %rem3A_114, %lt3A_117 : i32
      %lt3A_119 = arith.constant 0 : i32
      %lt3A_120 = arith.cmpi slt, %select_n3A_113, %lt3A_119 : i32
      %ne3A_121 = arith.xori %lt3A_118, %lt3A_120 : i1
      %and3A_122 = arith.andi %ne3A_121, %ne3A_116 : i1
      %add3A_123 = arith.addi %rem3A_114, %select_n3A_113 : i32
      %select_n3A_124 = arith.select %and3A_122, %add3A_123, %rem3A_114 : i32
      %add3A_125 = arith.addi %add3A_4, %while3A_108 : i32
      %dma_wait3A_126 = arith.constant 0 : i32
      %dma_wait3A_127 = arith.constant 0 : i32
      %dma_wait3A_128 = arith.constant 0 : i32
      %dma_wait3A_129 = tpu.memref_slice %arg6[%select_n3A_124, %dma_wait3A_127, %dma_wait3A_128] : memref<2x128x128xf32, #tpu.memory_space<vmem>> -> memref<1x128x128xf32, #tpu.memory_space<vmem>>
      %dma_wait3A_130 = tpu.memref_squeeze %dma_wait3A_129 : memref<1x128x128xf32, #tpu.memory_space<vmem>> -> memref<128x128xf32, #tpu.memory_space<vmem>>
      %dma_wait3A_131 = arith.constant 0 : i32
      %dma_wait3A_132 = tpu.memref_slice %arg5[%while3A_108, %dma_wait3A_126, %dma_wait3A_131] : memref<20x1x128xi32, #tpu.memory_space<vmem>> -> memref<1x1x128xi32, #tpu.memory_space<vmem>>
      %dma_wait3A_133 = tpu.memref_squeeze %dma_wait3A_132 : memref<1x1x128xi32, #tpu.memory_space<vmem>> -> memref<128xi32, #tpu.memory_space<vmem>>
      %dma_wait3A_134 = arith.constant 0 : i32
      %dma_wait3A_135 = arith.constant 0 : i32
      %dma_wait3A_136 = tpu.memref_slice %arg7[%dma_wait3A_134, %dma_wait3A_135] : memref<10000x128xf32, #tpu.memory_space<vmem_shared>> -> memref<10000x128xf32, #tpu.memory_space<vmem_shared>>
      %dma_wait3A_137 = tpu.memref_slice %arg8[%select_n3A_124] : memref<2x!tpu.dma_semaphore, #tpu.memory_space<semaphore_mem>> -> memref<1x!tpu.dma_semaphore, #tpu.memory_space<semaphore_mem>>
      %dma_wait3A_138 = tpu.memref_squeeze %dma_wait3A_137 : memref<1x!tpu.dma_semaphore, #tpu.memory_space<semaphore_mem>> -> memref<!tpu.dma_semaphore, #tpu.memory_space<semaphore_mem>>
      tpu.wait_indirect_dma semaphore(%dma_wait3A_138 : memref<!tpu.dma_semaphore, #tpu.memory_space<semaphore_mem>>) src(%dma_wait3A_136 : memref<10000x128xf32, #tpu.memory_space<vmem_shared>>) dst(%dma_wait3A_130 : memref<128x128xf32, #tpu.memory_space<vmem>>)
      %mul3A_139 = arith.constant 128 : i32
      %mul3A_140 = arith.muli %add3A_125, %mul3A_139 : i32
      %dma_start3A_141 = arith.constant 0 : i32
      %dma_start3A_142 = arith.constant 0 : i32
      %dma_start3A_143 = tpu.memref_slice %arg6[%select_n3A_124, %dma_start3A_141, %dma_start3A_142] : memref<2x128x128xf32, #tpu.memory_space<vmem>> -> memref<1x128x128xf32, #tpu.memory_space<vmem>>
      %dma_start3A_144 = tpu.memref_squeeze %dma_start3A_143 : memref<1x128x128xf32, #tpu.memory_space<vmem>> -> memref<128x128xf32, #tpu.memory_space<vmem>>
      %dma_start3A_145 = arith.constant 0 : i32
      %dma_start3A_146 = tpu.memref_slice %arg4[%mul3A_140, %dma_start3A_145] : memref<80000x128xf32, #tpu.memory_space<hbm>> -> memref<128x128xf32, #tpu.memory_space<hbm>>
      %dma_start3A_147 = tpu.memref_slice %arg9[%select_n3A_124] : memref<2x!tpu.dma_semaphore, #tpu.memory_space<semaphore_mem>> -> memref<1x!tpu.dma_semaphore, #tpu.memory_space<semaphore_mem>>
      %dma_start3A_148 = tpu.memref_squeeze %dma_start3A_147 : memref<1x!tpu.dma_semaphore, #tpu.memory_space<semaphore_mem>> -> memref<!tpu.dma_semaphore, #tpu.memory_space<semaphore_mem>>
      %dma_start3A_149 = arith.constant 0 : i32
      %dma_start3A_150 = tpu.memref_slice %arg4[%mul3A_140, %dma_start3A_149] : memref<80000x128xf32, #tpu.memory_space<hbm>> -> memref<128x128xf32, #tpu.memory_space<hbm>>
      %dma_start3A_151 = arith.constant 0 : i32
      %dma_start3A_152 = arith.constant 0 : i32
      %dma_start3A_153 = tpu.memref_slice %arg6[%select_n3A_124, %dma_start3A_151, %dma_start3A_152] : memref<2x128x128xf32, #tpu.memory_space<vmem>> -> memref<1x128x128xf32, #tpu.memory_space<vmem>>
      %dma_start3A_154 = tpu.memref_squeeze %dma_start3A_153 : memref<1x128x128xf32, #tpu.memory_space<vmem>> -> memref<128x128xf32, #tpu.memory_space<vmem>>
      tpu.enqueue_dma source(%dma_start3A_154 : memref<128x128xf32, #tpu.memory_space<vmem>>) target(%dma_start3A_150 : memref<128x128xf32, #tpu.memory_space<hbm>>) target_semaphore(%dma_start3A_148 : memref<!tpu.dma_semaphore, #tpu.memory_space<semaphore_mem>>)
      %add3A_155 = arith.constant 1 : i32
      %add3A_156 = arith.addi %while3A_108, %add3A_155 : i32
      %lt3A_157 = arith.cmpi slt, %add3A_156, %add3A_8 : i32
      %convert_element_type3A_158 = arith.extui %lt3A_157 : i1 to i32
      %cond3A_159 = arith.constant 0 : i32
      %cond3A_160 = arith.cmpi ne, %convert_element_type3A_158, %cond3A_159 : i32
      scf.if %cond3A_160 {
        %add3A_161 = arith.constant 1 : i32
        %add3A_162 = arith.addi %while3A_108, %add3A_161 : i32
        %jit3A_163 = arith.constant 2 : i32
        %eq3A_164 = arith.constant 0 : i32
        %eq3A_165 = arith.cmpi eq, %jit3A_163, %eq3A_164 : i32
        %jit3A_166 = arith.constant 1 : i32
        %select_n3A_167 = arith.select %eq3A_165, %jit3A_166, %jit3A_163 : i32
        %rem3A_168 = arith.remsi %add3A_162, %select_n3A_167 : i32
        %ne3A_169 = arith.constant 0 : i32
        %ne3A_170 = arith.cmpi ne, %rem3A_168, %ne3A_169 : i32
        %lt3A_171 = arith.constant 0 : i32
        %lt3A_172 = arith.cmpi slt, %rem3A_168, %lt3A_171 : i32
        %lt3A_173 = arith.constant 0 : i32
        %lt3A_174 = arith.cmpi slt, %select_n3A_167, %lt3A_173 : i32
        %ne3A_175 = arith.xori %lt3A_172, %lt3A_174 : i1
        %and3A_176 = arith.andi %ne3A_175, %ne3A_170 : i1
        %add3A_177 = arith.addi %rem3A_168, %select_n3A_167 : i32
        %select_n3A_178 = arith.select %and3A_176, %add3A_177, %rem3A_168 : i32
        %add3A_179 = arith.constant 1 : i32
        %add3A_180 = arith.addi %while3A_108, %add3A_179 : i32
        %ge3A = arith.constant 2 : i32
        %ge3A_181 = arith.cmpi sge, %add3A_180, %ge3A : i32
        %convert_element_type3A_182 = arith.extui %ge3A_181 : i1 to i32
        %cond3A_183 = arith.constant 0 : i32
        %cond3A_184 = arith.cmpi ne, %convert_element_type3A_182, %cond3A_183 : i32
        scf.if %cond3A_184 {
          %add3A_200 = arith.addi %add3A_4, %while3A_108 : i32
          %sub3A_201 = arith.constant 1 : i32
          %sub3A_202 = arith.subi %add3A_200, %sub3A_201 : i32
          %mul3A_203 = arith.constant 128 : i32
          %mul3A_204 = arith.muli %sub3A_202, %mul3A_203 : i32
          %dma_wait3A_205 = arith.constant 0 : i32
          %dma_wait3A_206 = arith.constant 0 : i32
          %dma_wait3A_207 = tpu.memref_slice %arg6[%select_n3A_178, %dma_wait3A_205, %dma_wait3A_206] : memref<2x128x128xf32, #tpu.memory_space<vmem>> -> memref<1x128x128xf32, #tpu.memory_space<vmem>>
          %dma_wait3A_208 = tpu.memref_squeeze %dma_wait3A_207 : memref<1x128x128xf32, #tpu.memory_space<vmem>> -> memref<128x128xf32, #tpu.memory_space<vmem>>
          %dma_wait3A_209 = arith.constant 0 : i32
          %dma_wait3A_210 = tpu.memref_slice %arg4[%mul3A_204, %dma_wait3A_209] : memref<80000x128xf32, #tpu.memory_space<hbm>> -> memref<128x128xf32, #tpu.memory_space<hbm>>
          %dma_wait3A_211 = tpu.memref_slice %arg9[%select_n3A_178] : memref<2x!tpu.dma_semaphore, #tpu.memory_space<semaphore_mem>> -> memref<1x!tpu.dma_semaphore, #tpu.memory_space<semaphore_mem>>
          %dma_wait3A_212 = tpu.memref_squeeze %dma_wait3A_211 : memref<1x!tpu.dma_semaphore, #tpu.memory_space<semaphore_mem>> -> memref<!tpu.dma_semaphore, #tpu.memory_space<semaphore_mem>>
          %dma_wait3A_213 = arith.constant 0 : i32
          %dma_wait3A_214 = tpu.memref_slice %arg4[%mul3A_204, %dma_wait3A_213] : memref<80000x128xf32, #tpu.memory_space<hbm>> -> memref<128x128xf32, #tpu.memory_space<hbm>>
          %dma_wait3A_215 = arith.constant 0 : i32
          %dma_wait3A_216 = arith.constant 0 : i32
          %dma_wait3A_217 = tpu.memref_slice %arg6[%select_n3A_178, %dma_wait3A_215, %dma_wait3A_216] : memref<2x128x128xf32, #tpu.memory_space<vmem>> -> memref<1x128x128xf32, #tpu.memory_space<vmem>>
          %dma_wait3A_218 = tpu.memref_squeeze %dma_wait3A_217 : memref<1x128x128xf32, #tpu.memory_space<vmem>> -> memref<128x128xf32, #tpu.memory_space<vmem>>
          tpu.wait_dma2 semaphore(%dma_wait3A_212 : memref<!tpu.dma_semaphore, #tpu.memory_space<semaphore_mem>>) src(%dma_wait3A_218 : memref<128x128xf32, #tpu.memory_space<vmem>>) dst(%dma_wait3A_214 : memref<128x128xf32, #tpu.memory_space<hbm>>)
        } else {
        }
        %add3A_185 = arith.constant 1 : i32
        %add3A_186 = arith.addi %while3A_108, %add3A_185 : i32
        %dma_start3A_187 = arith.constant 0 : i32
        %dma_start3A_188 = arith.constant 0 : i32
        %dma_start3A_189 = arith.constant 0 : i32
        %dma_start3A_190 = tpu.memref_slice %arg6[%select_n3A_178, %dma_start3A_188, %dma_start3A_189] : memref<2x128x128xf32, #tpu.memory_space<vmem>> -> memref<1x128x128xf32, #tpu.memory_space<vmem>>
        %dma_start3A_191 = tpu.memref_squeeze %dma_start3A_190 : memref<1x128x128xf32, #tpu.memory_space<vmem>> -> memref<128x128xf32, #tpu.memory_space<vmem>>
        %dma_start3A_192 = arith.constant 0 : i32
        %dma_start3A_193 = tpu.memref_slice %arg5[%add3A_186, %dma_start3A_187, %dma_start3A_192] : memref<20x1x128xi32, #tpu.memory_space<vmem>> -> memref<1x1x128xi32, #tpu.memory_space<vmem>>
        %dma_start3A_194 = tpu.memref_squeeze %dma_start3A_193 : memref<1x1x128xi32, #tpu.memory_space<vmem>> -> memref<128xi32, #tpu.memory_space<vmem>>
        %dma_start3A_195 = arith.constant 0 : i32
        %dma_start3A_196 = arith.constant 0 : i32
        %dma_start3A_197 = tpu.memref_slice %arg7[%dma_start3A_195, %dma_start3A_196] : memref<10000x128xf32, #tpu.memory_space<vmem_shared>> -> memref<10000x128xf32, #tpu.memory_space<vmem_shared>>
        %dma_start3A_198 = tpu.memref_slice %arg8[%select_n3A_178] : memref<2x!tpu.dma_semaphore, #tpu.memory_space<semaphore_mem>> -> memref<1x!tpu.dma_semaphore, #tpu.memory_space<semaphore_mem>>
        %dma_start3A_199 = tpu.memref_squeeze %dma_start3A_198 : memref<1x!tpu.dma_semaphore, #tpu.memory_space<semaphore_mem>> -> memref<!tpu.dma_semaphore, #tpu.memory_space<semaphore_mem>>
        tpu.enqueue_indirect_dma source(%dma_start3A_197 : memref<10000x128xf32, #tpu.memory_space<vmem_shared>>) target(%dma_start3A_191 : memref<128x128xf32, #tpu.memory_space<vmem>>) offsets(%dma_start3A_194 : memref<128xi32, #tpu.memory_space<vmem>>) semaphore(%dma_start3A_199 : memref<!tpu.dma_semaphore, #tpu.memory_space<semaphore_mem>>)
      } else {
      }
    }
    %sub3A = arith.constant 2 : i32
    %sub3A_39 = arith.subi %add3A_8, %sub3A : i32
    %jit3A_40 = arith.constant 2 : i32
    %eq3A_41 = arith.constant 0 : i32
    %eq3A_42 = arith.cmpi eq, %jit3A_40, %eq3A_41 : i32
    %jit3A_43 = arith.constant 1 : i32
    %select_n3A_44 = arith.select %eq3A_42, %jit3A_43, %jit3A_40 : i32
    %rem3A = arith.remsi %sub3A_39, %select_n3A_44 : i32
    %ne3A = arith.constant 0 : i32
    %ne3A_45 = arith.cmpi ne, %rem3A, %ne3A : i32
    %lt3A_46 = arith.constant 0 : i32
    %lt3A_47 = arith.cmpi slt, %rem3A, %lt3A_46 : i32
    %lt3A_48 = arith.constant 0 : i32
    %lt3A_49 = arith.cmpi slt, %select_n3A_44, %lt3A_48 : i32
    %ne3A_50 = arith.xori %lt3A_47, %lt3A_49 : i1
    %and3A = arith.andi %ne3A_50, %ne3A_45 : i1
    %add3A_51 = arith.addi %rem3A, %select_n3A_44 : i32
    %select_n3A_52 = arith.select %and3A, %add3A_51, %rem3A : i32
    %add3A_53 = arith.addi %add3A_4, %add3A_8 : i32
    %sub3A_54 = arith.constant 2 : i32
    %sub3A_55 = arith.subi %add3A_53, %sub3A_54 : i32
    %mul3A_56 = arith.constant 128 : i32
    %mul3A_57 = arith.muli %sub3A_55, %mul3A_56 : i32
    %dma_wait3A = arith.constant 0 : i32
    %dma_wait3A_58 = arith.constant 0 : i32
    %dma_wait3A_59 = tpu.memref_slice %arg6[%select_n3A_52, %dma_wait3A, %dma_wait3A_58] : memref<2x128x128xf32, #tpu.memory_space<vmem>> -> memref<1x128x128xf32, #tpu.memory_space<vmem>>
    %dma_wait3A_60 = tpu.memref_squeeze %dma_wait3A_59 : memref<1x128x128xf32, #tpu.memory_space<vmem>> -> memref<128x128xf32, #tpu.memory_space<vmem>>
    %dma_wait3A_61 = arith.constant 0 : i32
    %dma_wait3A_62 = tpu.memref_slice %arg4[%mul3A_57, %dma_wait3A_61] : memref<80000x128xf32, #tpu.memory_space<hbm>> -> memref<128x128xf32, #tpu.memory_space<hbm>>
    %dma_wait3A_63 = tpu.memref_slice %arg9[%select_n3A_52] : memref<2x!tpu.dma_semaphore, #tpu.memory_space<semaphore_mem>> -> memref<1x!tpu.dma_semaphore, #tpu.memory_space<semaphore_mem>>
    %dma_wait3A_64 = tpu.memref_squeeze %dma_wait3A_63 : memref<1x!tpu.dma_semaphore, #tpu.memory_space<semaphore_mem>> -> memref<!tpu.dma_semaphore, #tpu.memory_space<semaphore_mem>>
    %dma_wait3A_65 = arith.constant 0 : i32
    %dma_wait3A_66 = tpu.memref_slice %arg4[%mul3A_57, %dma_wait3A_65] : memref<80000x128xf32, #tpu.memory_space<hbm>> -> memref<128x128xf32, #tpu.memory_space<hbm>>
    %dma_wait3A_67 = arith.constant 0 : i32
    %dma_wait3A_68 = arith.constant 0 : i32
    %dma_wait3A_69 = tpu.memref_slice %arg6[%select_n3A_52, %dma_wait3A_67, %dma_wait3A_68] : memref<2x128x128xf32, #tpu.memory_space<vmem>> -> memref<1x128x128xf32, #tpu.memory_space<vmem>>
    %dma_wait3A_70 = tpu.memref_squeeze %dma_wait3A_69 : memref<1x128x128xf32, #tpu.memory_space<vmem>> -> memref<128x128xf32, #tpu.memory_space<vmem>>
    tpu.wait_dma2 semaphore(%dma_wait3A_64 : memref<!tpu.dma_semaphore, #tpu.memory_space<semaphore_mem>>) src(%dma_wait3A_70 : memref<128x128xf32, #tpu.memory_space<vmem>>) dst(%dma_wait3A_66 : memref<128x128xf32, #tpu.memory_space<hbm>>)
    %sub3A_71 = arith.constant 1 : i32
    %sub3A_72 = arith.subi %add3A_8, %sub3A_71 : i32
    %jit3A_73 = arith.constant 2 : i32
    %eq3A_74 = arith.constant 0 : i32
    %eq3A_75 = arith.cmpi eq, %jit3A_73, %eq3A_74 : i32
    %jit3A_76 = arith.constant 1 : i32
    %select_n3A_77 = arith.select %eq3A_75, %jit3A_76, %jit3A_73 : i32
    %rem3A_78 = arith.remsi %sub3A_72, %select_n3A_77 : i32
    %ne3A_79 = arith.constant 0 : i32
    %ne3A_80 = arith.cmpi ne, %rem3A_78, %ne3A_79 : i32
    %lt3A_81 = arith.constant 0 : i32
    %lt3A_82 = arith.cmpi slt, %rem3A_78, %lt3A_81 : i32
    %lt3A_83 = arith.constant 0 : i32
    %lt3A_84 = arith.cmpi slt, %select_n3A_77, %lt3A_83 : i32
    %ne3A_85 = arith.xori %lt3A_82, %lt3A_84 : i1
    %and3A_86 = arith.andi %ne3A_85, %ne3A_80 : i1
    %add3A_87 = arith.addi %rem3A_78, %select_n3A_77 : i32
    %select_n3A_88 = arith.select %and3A_86, %add3A_87, %rem3A_78 : i32
    %add3A_89 = arith.addi %add3A_4, %add3A_8 : i32
    %sub3A_90 = arith.constant 1 : i32
    %sub3A_91 = arith.subi %add3A_89, %sub3A_90 : i32
    %mul3A_92 = arith.constant 128 : i32
    %mul3A_93 = arith.muli %sub3A_91, %mul3A_92 : i32
    %dma_wait3A_94 = arith.constant 0 : i32
    %dma_wait3A_95 = arith.constant 0 : i32
    %dma_wait3A_96 = tpu.memref_slice %arg6[%select_n3A_88, %dma_wait3A_94, %dma_wait3A_95] : memref<2x128x128xf32, #tpu.memory_space<vmem>> -> memref<1x128x128xf32, #tpu.memory_space<vmem>>
    %dma_wait3A_97 = tpu.memref_squeeze %dma_wait3A_96 : memref<1x128x128xf32, #tpu.memory_space<vmem>> -> memref<128x128xf32, #tpu.memory_space<vmem>>
    %dma_wait3A_98 = arith.constant 0 : i32
    %dma_wait3A_99 = tpu.memref_slice %arg4[%mul3A_93, %dma_wait3A_98] : memref<80000x128xf32, #tpu.memory_space<hbm>> -> memref<128x128xf32, #tpu.memory_space<hbm>>
    %dma_wait3A_100 = tpu.memref_slice %arg9[%select_n3A_88] : memref<2x!tpu.dma_semaphore, #tpu.memory_space<semaphore_mem>> -> memref<1x!tpu.dma_semaphore, #tpu.memory_space<semaphore_mem>>
    %dma_wait3A_101 = tpu.memref_squeeze %dma_wait3A_100 : memref<1x!tpu.dma_semaphore, #tpu.memory_space<semaphore_mem>> -> memref<!tpu.dma_semaphore, #tpu.memory_space<semaphore_mem>>
    %dma_wait3A_102 = arith.constant 0 : i32
    %dma_wait3A_103 = tpu.memref_slice %arg4[%mul3A_93, %dma_wait3A_102] : memref<80000x128xf32, #tpu.memory_space<hbm>> -> memref<128x128xf32, #tpu.memory_space<hbm>>
    %dma_wait3A_104 = arith.constant 0 : i32
    %dma_wait3A_105 = arith.constant 0 : i32
    %dma_wait3A_106 = tpu.memref_slice %arg6[%select_n3A_88, %dma_wait3A_104, %dma_wait3A_105] : memref<2x128x128xf32, #tpu.memory_space<vmem>> -> memref<1x128x128xf32, #tpu.memory_space<vmem>>
    %dma_wait3A_107 = tpu.memref_squeeze %dma_wait3A_106 : memref<1x128x128xf32, #tpu.memory_space<vmem>> -> memref<128x128xf32, #tpu.memory_space<vmem>>
    tpu.wait_dma2 semaphore(%dma_wait3A_101 : memref<!tpu.dma_semaphore, #tpu.memory_space<semaphore_mem>>) src(%dma_wait3A_107 : memref<128x128xf32, #tpu.memory_space<vmem>>) dst(%dma_wait3A_103 : memref<128x128xf32, #tpu.memory_space<hbm>>)
    return
  }
}

#map = affine_map<(d0, d1) -> (0, 0)>
#map1 = affine_map<(d0, d1) -> (0, 0, 0)>
module attributes {stable_mosaic.version = 14 : i64} {
  func.func @sc_gather(%arg0: i32, %arg1: i32, %arg2: memref<10000x128xf32, #tpu.memory_space<hbm>>, %arg3: memref<626x1x128xi32, #tpu.memory_space<hbm>>, %arg4: memref<80000x128xf32, #tpu.memory_space<hbm>>, %arg5: memref<20x1x128xi32, #tpu.memory_space<vmem>>, %arg6: memref<2x128x128xf32, #tpu.memory_space<vmem>>, %arg7: memref<10000x128xf32, #tpu.memory_space<vmem_shared>>, %arg8: memref<2x!tpu.dma_semaphore, #tpu.memory_space<semaphore_mem>>, %arg9: memref<2x!tpu.dma_semaphore, #tpu.memory_space<semaphore_mem>>) attributes {dimension_semantics = [#tpu.dimension_semantics<core_parallel>, #tpu.dimension_semantics<subcore_parallel>], iteration_bounds = array<i64: 2, 16>, scalar_prefetch = 0 : i64, scratch_operands = 5 : i64, tpu.core_type = #tpu.core_type<sc_vector_subcore>, window_params = [{transform_indices = #map}, {transform_indices = #map1}, {transform_indices = #map}]} {
    %mul3A = arith.constant 2 : i32
    %mul3A_0 = arith.muli %arg1, %mul3A : i32
    %add3A = arith.addi %mul3A_0, %arg0 : i32
    %mul3A_1 = arith.constant 19 : i32
    %mul3A_2 = arith.muli %add3A, %mul3A_1 : i32
    %min3A = arith.constant 17 : i32
    %min3A_3 = arith.minsi %add3A, %min3A : i32
    %add3A_4 = arith.addi %mul3A_2, %min3A_3 : i32
    %lt3A = arith.constant 17 : i32
    %lt3A_5 = arith.cmpi slt, %add3A, %lt3A : i32
    %jit3A = arith.constant 1 : i32
    %jit3A_6 = arith.constant 0 : i32
    %select_n3A = arith.select %lt3A_5, %jit3A, %jit3A_6 : i32
    %add3A_7 = arith.constant 19 : i32
    %add3A_8 = arith.addi %add3A_7, %select_n3A : i32
    "tpu.region"() ({
      %run_scoped3A = tpu.sem_alloc : memref<!tpu.dma_semaphore, #tpu.memory_space<semaphore_mem>>
      %dma_start3A_108 = arith.constant 0 : i32
      %dma_start3A_109 = arith.constant 0 : i32
      %dma_start3A_110 = tpu.memref_slice %arg3[%add3A_4, %dma_start3A_108, %dma_start3A_109] : memref<626x1x128xi32, #tpu.memory_space<hbm>> -> memref<20x1x128xi32, #tpu.memory_space<hbm>>
      %dma_start3A_111 = arith.constant 0 : i32
      %dma_start3A_112 = arith.constant 0 : i32
      %dma_start3A_113 = tpu.memref_slice %arg3[%add3A_4, %dma_start3A_111, %dma_start3A_112] : memref<626x1x128xi32, #tpu.memory_space<hbm>> -> memref<20x1x128xi32, #tpu.memory_space<hbm>>
      tpu.enqueue_dma source(%dma_start3A_113 : memref<20x1x128xi32, #tpu.memory_space<hbm>>) target(%arg5 : memref<20x1x128xi32, #tpu.memory_space<vmem>>) target_semaphore(%run_scoped3A : memref<!tpu.dma_semaphore, #tpu.memory_space<semaphore_mem>>)
      %dma_wait3A_114 = arith.constant 0 : i32
      %dma_wait3A_115 = arith.constant 0 : i32
      %dma_wait3A_116 = tpu.memref_slice %arg3[%add3A_4, %dma_wait3A_114, %dma_wait3A_115] : memref<626x1x128xi32, #tpu.memory_space<hbm>> -> memref<20x1x128xi32, #tpu.memory_space<hbm>>
      %dma_wait3A_117 = arith.constant 0 : i32
      %dma_wait3A_118 = arith.constant 0 : i32
      %dma_wait3A_119 = tpu.memref_slice %arg3[%add3A_4, %dma_wait3A_117, %dma_wait3A_118] : memref<626x1x128xi32, #tpu.memory_space<hbm>> -> memref<20x1x128xi32, #tpu.memory_space<hbm>>
      tpu.wait_dma2 semaphore(%run_scoped3A : memref<!tpu.dma_semaphore, #tpu.memory_space<semaphore_mem>>) src(%dma_wait3A_119 : memref<20x1x128xi32, #tpu.memory_space<hbm>>) dst(%arg5 : memref<20x1x128xi32, #tpu.memory_space<vmem>>)
      tpu.yield
    }) : () -> ()
    %mul3A_9 = arith.constant 624 : i32
    %mul3A_10 = arith.muli %arg1, %mul3A_9 : i32
    %mul3A_11 = arith.constant 624 : i32
    %mul3A_12 = arith.muli %arg1, %mul3A_11 : i32
    "tpu.region"() ({
      %run_scoped3A = tpu.sem_alloc : memref<!tpu.dma_semaphore, #tpu.memory_space<semaphore_mem>>
      %dma_start3A_108 = arith.constant 0 : i32
      %dma_start3A_109 = tpu.memref_slice %arg7[%mul3A_12, %dma_start3A_108] : memref<10000x128xf32, #tpu.memory_space<vmem_shared>> -> memref<624x128xf32, #tpu.memory_space<vmem_shared>>
      %dma_start3A_110 = arith.constant 0 : i32
      %dma_start3A_111 = tpu.memref_slice %arg2[%mul3A_10, %dma_start3A_110] : memref<10000x128xf32, #tpu.memory_space<hbm>> -> memref<624x128xf32, #tpu.memory_space<hbm>>
      tpu.enqueue_dma source(%dma_start3A_111 : memref<624x128xf32, #tpu.memory_space<hbm>>) target(%dma_start3A_109 : memref<624x128xf32, #tpu.memory_space<vmem_shared>>) target_semaphore(%run_scoped3A : memref<!tpu.dma_semaphore, #tpu.memory_space<semaphore_mem>>)
      %dma_wait3A_112 = arith.constant 0 : i32
      %dma_wait3A_113 = tpu.memref_slice %arg7[%mul3A_12, %dma_wait3A_112] : memref<10000x128xf32, #tpu.memory_space<vmem_shared>> -> memref<624x128xf32, #tpu.memory_space<vmem_shared>>
      %dma_wait3A_114 = arith.constant 0 : i32
      %dma_wait3A_115 = tpu.memref_slice %arg2[%mul3A_10, %dma_wait3A_114] : memref<10000x128xf32, #tpu.memory_space<hbm>> -> memref<624x128xf32, #tpu.memory_space<hbm>>
      tpu.wait_dma2 semaphore(%run_scoped3A : memref<!tpu.dma_semaphore, #tpu.memory_space<semaphore_mem>>) src(%dma_wait3A_115 : memref<624x128xf32, #tpu.memory_space<hbm>>) dst(%dma_wait3A_113 : memref<624x128xf32, #tpu.memory_space<vmem_shared>>)
      tpu.yield
    }) : () -> ()
    %eq3A = arith.constant 15 : i32
    %eq3A_13 = arith.cmpi eq, %arg1, %eq3A : i32
    %convert_element_type3A = arith.extui %eq3A_13 : i1 to i32
    %cond3A = arith.constant 0 : i32
    %cond3A_14 = arith.cmpi ne, %convert_element_type3A, %cond3A : i32
    scf.if %cond3A_14 {
      "tpu.region"() ({
        %run_scoped3A = tpu.sem_alloc : memref<!tpu.dma_semaphore, #tpu.memory_space<semaphore_mem>>
        %dma_start3A_108 = arith.constant 9984 : i32
        %dma_start3A_109 = arith.constant 0 : i32
        %dma_start3A_110 = tpu.memref_slice %arg7[%dma_start3A_108, %dma_start3A_109] : memref<10000x128xf32, #tpu.memory_space<vmem_shared>> -> memref<16x128xf32, #tpu.memory_space<vmem_shared>>
        %dma_start3A_111 = arith.constant 9984 : i32
        %dma_start3A_112 = arith.constant 0 : i32
        %dma_start3A_113 = tpu.memref_slice %arg2[%dma_start3A_111, %dma_start3A_112] : memref<10000x128xf32, #tpu.memory_space<hbm>> -> memref<16x128xf32, #tpu.memory_space<hbm>>
        tpu.enqueue_dma source(%dma_start3A_113 : memref<16x128xf32, #tpu.memory_space<hbm>>) target(%dma_start3A_110 : memref<16x128xf32, #tpu.memory_space<vmem_shared>>) target_semaphore(%run_scoped3A : memref<!tpu.dma_semaphore, #tpu.memory_space<semaphore_mem>>)
        %dma_wait3A_114 = arith.constant 9984 : i32
        %dma_wait3A_115 = arith.constant 0 : i32
        %dma_wait3A_116 = tpu.memref_slice %arg7[%dma_wait3A_114, %dma_wait3A_115] : memref<10000x128xf32, #tpu.memory_space<vmem_shared>> -> memref<16x128xf32, #tpu.memory_space<vmem_shared>>
        %dma_wait3A_117 = arith.constant 9984 : i32
        %dma_wait3A_118 = arith.constant 0 : i32
        %dma_wait3A_119 = tpu.memref_slice %arg2[%dma_wait3A_117, %dma_wait3A_118] : memref<10000x128xf32, #tpu.memory_space<hbm>> -> memref<16x128xf32, #tpu.memory_space<hbm>>
        tpu.wait_dma2 semaphore(%run_scoped3A : memref<!tpu.dma_semaphore, #tpu.memory_space<semaphore_mem>>) src(%dma_wait3A_119 : memref<16x128xf32, #tpu.memory_space<hbm>>) dst(%dma_wait3A_116 : memref<16x128xf32, #tpu.memory_space<vmem_shared>>)
        tpu.yield
      }) : () -> ()
    } else {
    }
    %barrier3A = arith.constant 0 : index
    tpu.barrier barrier_id(%barrier3A)
    %dma_start3A = arith.constant 0 : i32
    %dma_start3A_15 = arith.constant 0 : i32
    %dma_start3A_16 = arith.constant 0 : i32
    %dma_start3A_17 = arith.constant 0 : i32
    %dma_start3A_18 = arith.constant 0 : i32
    %dma_start3A_19 = arith.constant 0 : i32
    %dma_start3A_20 = tpu.memref_slice %arg6[%dma_start3A_16, %dma_start3A_18, %dma_start3A_19] : memref<2x128x128xf32, #tpu.memory_space<vmem>> -> memref<1x128x128xf32, #tpu.memory_space<vmem>>
    %dma_start3A_21 = tpu.memref_squeeze %dma_start3A_20 : memref<1x128x128xf32, #tpu.memory_space<vmem>> -> memref<128x128xf32, #tpu.memory_space<vmem>>
    %dma_start3A_22 = arith.constant 0 : i32
    %dma_start3A_23 = tpu.memref_slice %arg5[%dma_start3A, %dma_start3A_15, %dma_start3A_22] : memref<20x1x128xi32, #tpu.memory_space<vmem>> -> memref<1x1x128xi32, #tpu.memory_space<vmem>>
    %dma_start3A_24 = tpu.memref_squeeze %dma_start3A_23 : memref<1x1x128xi32, #tpu.memory_space<vmem>> -> memref<128xi32, #tpu.memory_space<vmem>>
    %dma_start3A_25 = arith.constant 0 : i32
    %dma_start3A_26 = arith.constant 0 : i32
    %dma_start3A_27 = tpu.memref_slice %arg7[%dma_start3A_25, %dma_start3A_26] : memref<10000x128xf32, #tpu.memory_space<vmem_shared>> -> memref<10000x128xf32, #tpu.memory_space<vmem_shared>>
    %dma_start3A_28 = tpu.memref_slice %arg8[%dma_start3A_17] : memref<2x!tpu.dma_semaphore, #tpu.memory_space<semaphore_mem>> -> memref<1x!tpu.dma_semaphore, #tpu.memory_space<semaphore_mem>>
    %dma_start3A_29 = tpu.memref_squeeze %dma_start3A_28 : memref<1x!tpu.dma_semaphore, #tpu.memory_space<semaphore_mem>> -> memref<!tpu.dma_semaphore, #tpu.memory_space<semaphore_mem>>
    tpu.enqueue_indirect_dma source(%dma_start3A_27 : memref<10000x128xf32, #tpu.memory_space<vmem_shared>>) target(%dma_start3A_21 : memref<128x128xf32, #tpu.memory_space<vmem>>) offsets(%dma_start3A_24 : memref<128xi32, #tpu.memory_space<vmem>>) semaphore(%dma_start3A_29 : memref<!tpu.dma_semaphore, #tpu.memory_space<semaphore_mem>>)
    %while3A = arith.constant 0 : i32
    %while3A_30 = arith.constant 0 : i32
    %while3A_31 = arith.subi %add3A_8, %while3A_30 : i32
    %while3A_32 = arith.addi %while3A_30, %while3A_31 : i32
    %while3A_33 = arith.constant 1 : i32
    %while3A_34 = arith.divsi %while3A_31, %while3A_33 : i32
    %while3A_35 = arith.muli %while3A_34, %while3A_33 : i32
    %while3A_36 = arith.addi %while3A_30, %while3A_35 : i32
    %while3A_37 = arith.constant 1 : i32
    scf.for %while3A_108 = %while3A_30 to %while3A_36 step %while3A_37  : i32 {
      %jit3A_109 = arith.constant 2 : i32
      %eq3A_110 = arith.constant 0 : i32
      %eq3A_111 = arith.cmpi eq, %jit3A_109, %eq3A_110 : i32
      %jit3A_112 = arith.constant 1 : i32
      %select_n3A_113 = arith.select %eq3A_111, %jit3A_112, %jit3A_109 : i32
      %rem3A_114 = arith.remsi %while3A_108, %select_n3A_113 : i32
      %ne3A_115 = arith.constant 0 : i32
      %ne3A_116 = arith.cmpi ne, %rem3A_114, %ne3A_115 : i32
      %lt3A_117 = arith.constant 0 : i32
      %lt3A_118 = arith.cmpi slt, %rem3A_114, %lt3A_117 : i32
      %lt3A_119 = arith.constant 0 : i32
      %lt3A_120 = arith.cmpi slt, %select_n3A_113, %lt3A_119 : i32
      %ne3A_121 = arith.xori %lt3A_118, %lt3A_120 : i1
      %and3A_122 = arith.andi %ne3A_121, %ne3A_116 : i1
      %add3A_123 = arith.addi %rem3A_114, %select_n3A_113 : i32
      %select_n3A_124 = arith.select %and3A_122, %add3A_123, %rem3A_114 : i32
      %add3A_125 = arith.addi %add3A_4, %while3A_108 : i32
      %dma_wait3A_126 = arith.constant 0 : i32
      %dma_wait3A_127 = arith.constant 0 : i32
      %dma_wait3A_128 = arith.constant 0 : i32
      %dma_wait3A_129 = tpu.memref_slice %arg6[%select_n3A_124, %dma_wait3A_127, %dma_wait3A_128] : memref<2x128x128xf32, #tpu.memory_space<vmem>> -> memref<1x128x128xf32, #tpu.memory_space<vmem>>
      %dma_wait3A_130 = tpu.memref_squeeze %dma_wait3A_129 : memref<1x128x128xf32, #tpu.memory_space<vmem>> -> memref<128x128xf32, #tpu.memory_space<vmem>>
      %dma_wait3A_131 = arith.constant 0 : i32
      %dma_wait3A_132 = tpu.memref_slice %arg5[%while3A_108, %dma_wait3A_126, %dma_wait3A_131] : memref<20x1x128xi32, #tpu.memory_space<vmem>> -> memref<1x1x128xi32, #tpu.memory_space<vmem>>
      %dma_wait3A_133 = tpu.memref_squeeze %dma_wait3A_132 : memref<1x1x128xi32, #tpu.memory_space<vmem>> -> memref<128xi32, #tpu.memory_space<vmem>>
      %dma_wait3A_134 = arith.constant 0 : i32
      %dma_wait3A_135 = arith.constant 0 : i32
      %dma_wait3A_136 = tpu.memref_slice %arg7[%dma_wait3A_134, %dma_wait3A_135] : memref<10000x128xf32, #tpu.memory_space<vmem_shared>> -> memref<10000x128xf32, #tpu.memory_space<vmem_shared>>
      %dma_wait3A_137 = tpu.memref_slice %arg8[%select_n3A_124] : memref<2x!tpu.dma_semaphore, #tpu.memory_space<semaphore_mem>> -> memref<1x!tpu.dma_semaphore, #tpu.memory_space<semaphore_mem>>
      %dma_wait3A_138 = tpu.memref_squeeze %dma_wait3A_137 : memref<1x!tpu.dma_semaphore, #tpu.memory_space<semaphore_mem>> -> memref<!tpu.dma_semaphore, #tpu.memory_space<semaphore_mem>>
      tpu.wait_indirect_dma semaphore(%dma_wait3A_138 : memref<!tpu.dma_semaphore, #tpu.memory_space<semaphore_mem>>) src(%dma_wait3A_136 : memref<10000x128xf32, #tpu.memory_space<vmem_shared>>) dst(%dma_wait3A_130 : memref<128x128xf32, #tpu.memory_space<vmem>>)
      %mul3A_139 = arith.constant 128 : i32
      %mul3A_140 = arith.muli %add3A_125, %mul3A_139 : i32
      %dma_start3A_141 = arith.constant 0 : i32
      %dma_start3A_142 = arith.constant 0 : i32
      %dma_start3A_143 = tpu.memref_slice %arg6[%select_n3A_124, %dma_start3A_141, %dma_start3A_142] : memref<2x128x128xf32, #tpu.memory_space<vmem>> -> memref<1x128x128xf32, #tpu.memory_space<vmem>>
      %dma_start3A_144 = tpu.memref_squeeze %dma_start3A_143 : memref<1x128x128xf32, #tpu.memory_space<vmem>> -> memref<128x128xf32, #tpu.memory_space<vmem>>
      %dma_start3A_145 = arith.constant 0 : i32
      %dma_start3A_146 = tpu.memref_slice %arg4[%mul3A_140, %dma_start3A_145] : memref<80000x128xf32, #tpu.memory_space<hbm>> -> memref<128x128xf32, #tpu.memory_space<hbm>>
      %dma_start3A_147 = tpu.memref_slice %arg9[%select_n3A_124] : memref<2x!tpu.dma_semaphore, #tpu.memory_space<semaphore_mem>> -> memref<1x!tpu.dma_semaphore, #tpu.memory_space<semaphore_mem>>
      %dma_start3A_148 = tpu.memref_squeeze %dma_start3A_147 : memref<1x!tpu.dma_semaphore, #tpu.memory_space<semaphore_mem>> -> memref<!tpu.dma_semaphore, #tpu.memory_space<semaphore_mem>>
      %dma_start3A_149 = arith.constant 0 : i32
      %dma_start3A_150 = tpu.memref_slice %arg4[%mul3A_140, %dma_start3A_149] : memref<80000x128xf32, #tpu.memory_space<hbm>> -> memref<128x128xf32, #tpu.memory_space<hbm>>
      %dma_start3A_151 = arith.constant 0 : i32
      %dma_start3A_152 = arith.constant 0 : i32
      %dma_start3A_153 = tpu.memref_slice %arg6[%select_n3A_124, %dma_start3A_151, %dma_start3A_152] : memref<2x128x128xf32, #tpu.memory_space<vmem>> -> memref<1x128x128xf32, #tpu.memory_space<vmem>>
      %dma_start3A_154 = tpu.memref_squeeze %dma_start3A_153 : memref<1x128x128xf32, #tpu.memory_space<vmem>> -> memref<128x128xf32, #tpu.memory_space<vmem>>
      tpu.enqueue_dma source(%dma_start3A_154 : memref<128x128xf32, #tpu.memory_space<vmem>>) target(%dma_start3A_150 : memref<128x128xf32, #tpu.memory_space<hbm>>) target_semaphore(%dma_start3A_148 : memref<!tpu.dma_semaphore, #tpu.memory_space<semaphore_mem>>)
      %add3A_155 = arith.constant 1 : i32
      %add3A_156 = arith.addi %while3A_108, %add3A_155 : i32
      %lt3A_157 = arith.cmpi slt, %add3A_156, %add3A_8 : i32
      %convert_element_type3A_158 = arith.extui %lt3A_157 : i1 to i32
      %cond3A_159 = arith.constant 0 : i32
      %cond3A_160 = arith.cmpi ne, %convert_element_type3A_158, %cond3A_159 : i32
      scf.if %cond3A_160 {
        %add3A_161 = arith.constant 1 : i32
        %add3A_162 = arith.addi %while3A_108, %add3A_161 : i32
        %jit3A_163 = arith.constant 2 : i32
        %eq3A_164 = arith.constant 0 : i32
        %eq3A_165 = arith.cmpi eq, %jit3A_163, %eq3A_164 : i32
        %jit3A_166 = arith.constant 1 : i32
        %select_n3A_167 = arith.select %eq3A_165, %jit3A_166, %jit3A_163 : i32
        %rem3A_168 = arith.remsi %add3A_162, %select_n3A_167 : i32
        %ne3A_169 = arith.constant 0 : i32
        %ne3A_170 = arith.cmpi ne, %rem3A_168, %ne3A_169 : i32
        %lt3A_171 = arith.constant 0 : i32
        %lt3A_172 = arith.cmpi slt, %rem3A_168, %lt3A_171 : i32
        %lt3A_173 = arith.constant 0 : i32
        %lt3A_174 = arith.cmpi slt, %select_n3A_167, %lt3A_173 : i32
        %ne3A_175 = arith.xori %lt3A_172, %lt3A_174 : i1
        %and3A_176 = arith.andi %ne3A_175, %ne3A_170 : i1
        %add3A_177 = arith.addi %rem3A_168, %select_n3A_167 : i32
        %select_n3A_178 = arith.select %and3A_176, %add3A_177, %rem3A_168 : i32
        %add3A_179 = arith.constant 1 : i32
        %add3A_180 = arith.addi %while3A_108, %add3A_179 : i32
        %ge3A = arith.constant 2 : i32
        %ge3A_181 = arith.cmpi sge, %add3A_180, %ge3A : i32
        %convert_element_type3A_182 = arith.extui %ge3A_181 : i1 to i32
        %cond3A_183 = arith.constant 0 : i32
        %cond3A_184 = arith.cmpi ne, %convert_element_type3A_182, %cond3A_183 : i32
        scf.if %cond3A_184 {
          %add3A_200 = arith.addi %add3A_4, %while3A_108 : i32
          %sub3A_201 = arith.constant 1 : i32
          %sub3A_202 = arith.subi %add3A_200, %sub3A_201 : i32
          %mul3A_203 = arith.constant 128 : i32
          %mul3A_204 = arith.muli %sub3A_202, %mul3A_203 : i32
          %dma_wait3A_205 = arith.constant 0 : i32
          %dma_wait3A_206 = arith.constant 0 : i32
          %dma_wait3A_207 = tpu.memref_slice %arg6[%select_n3A_178, %dma_wait3A_205, %dma_wait3A_206] : memref<2x128x128xf32, #tpu.memory_space<vmem>> -> memref<1x128x128xf32, #tpu.memory_space<vmem>>
          %dma_wait3A_208 = tpu.memref_squeeze %dma_wait3A_207 : memref<1x128x128xf32, #tpu.memory_space<vmem>> -> memref<128x128xf32, #tpu.memory_space<vmem>>
          %dma_wait3A_209 = arith.constant 0 : i32
          %dma_wait3A_210 = tpu.memref_slice %arg4[%mul3A_204, %dma_wait3A_209] : memref<80000x128xf32, #tpu.memory_space<hbm>> -> memref<128x128xf32, #tpu.memory_space<hbm>>
          %dma_wait3A_211 = tpu.memref_slice %arg9[%select_n3A_178] : memref<2x!tpu.dma_semaphore, #tpu.memory_space<semaphore_mem>> -> memref<1x!tpu.dma_semaphore, #tpu.memory_space<semaphore_mem>>
          %dma_wait3A_212 = tpu.memref_squeeze %dma_wait3A_211 : memref<1x!tpu.dma_semaphore, #tpu.memory_space<semaphore_mem>> -> memref<!tpu.dma_semaphore, #tpu.memory_space<semaphore_mem>>
          %dma_wait3A_213 = arith.constant 0 : i32
          %dma_wait3A_214 = tpu.memref_slice %arg4[%mul3A_204, %dma_wait3A_213] : memref<80000x128xf32, #tpu.memory_space<hbm>> -> memref<128x128xf32, #tpu.memory_space<hbm>>
          %dma_wait3A_215 = arith.constant 0 : i32
          %dma_wait3A_216 = arith.constant 0 : i32
          %dma_wait3A_217 = tpu.memref_slice %arg6[%select_n3A_178, %dma_wait3A_215, %dma_wait3A_216] : memref<2x128x128xf32, #tpu.memory_space<vmem>> -> memref<1x128x128xf32, #tpu.memory_space<vmem>>
          %dma_wait3A_218 = tpu.memref_squeeze %dma_wait3A_217 : memref<1x128x128xf32, #tpu.memory_space<vmem>> -> memref<128x128xf32, #tpu.memory_space<vmem>>
          tpu.wait_dma2 semaphore(%dma_wait3A_212 : memref<!tpu.dma_semaphore, #tpu.memory_space<semaphore_mem>>) src(%dma_wait3A_218 : memref<128x128xf32, #tpu.memory_space<vmem>>) dst(%dma_wait3A_214 : memref<128x128xf32, #tpu.memory_space<hbm>>)
        } else {
        }
        %add3A_185 = arith.constant 1 : i32
        %add3A_186 = arith.addi %while3A_108, %add3A_185 : i32
        %dma_start3A_187 = arith.constant 0 : i32
        %dma_start3A_188 = arith.constant 0 : i32
        %dma_start3A_189 = arith.constant 0 : i32
        %dma_start3A_190 = tpu.memref_slice %arg6[%select_n3A_178, %dma_start3A_188, %dma_start3A_189] : memref<2x128x128xf32, #tpu.memory_space<vmem>> -> memref<1x128x128xf32, #tpu.memory_space<vmem>>
        %dma_start3A_191 = tpu.memref_squeeze %dma_start3A_190 : memref<1x128x128xf32, #tpu.memory_space<vmem>> -> memref<128x128xf32, #tpu.memory_space<vmem>>
        %dma_start3A_192 = arith.constant 0 : i32
        %dma_start3A_193 = tpu.memref_slice %arg5[%add3A_186, %dma_start3A_187, %dma_start3A_192] : memref<20x1x128xi32, #tpu.memory_space<vmem>> -> memref<1x1x128xi32, #tpu.memory_space<vmem>>
        %dma_start3A_194 = tpu.memref_squeeze %dma_start3A_193 : memref<1x1x128xi32, #tpu.memory_space<vmem>> -> memref<128xi32, #tpu.memory_space<vmem>>
        %dma_start3A_195 = arith.constant 0 : i32
        %dma_start3A_196 = arith.constant 0 : i32
        %dma_start3A_197 = tpu.memref_slice %arg7[%dma_start3A_195, %dma_start3A_196] : memref<10000x128xf32, #tpu.memory_space<vmem_shared>> -> memref<10000x128xf32, #tpu.memory_space<vmem_shared>>
        %dma_start3A_198 = tpu.memref_slice %arg8[%select_n3A_178] : memref<2x!tpu.dma_semaphore, #tpu.memory_space<semaphore_mem>> -> memref<1x!tpu.dma_semaphore, #tpu.memory_space<semaphore_mem>>
        %dma_start3A_199 = tpu.memref_squeeze %dma_start3A_198 : memref<1x!tpu.dma_semaphore, #tpu.memory_space<semaphore_mem>> -> memref<!tpu.dma_semaphore, #tpu.memory_space<semaphore_mem>>
        tpu.enqueue_indirect_dma source(%dma_start3A_197 : memref<10000x128xf32, #tpu.memory_space<vmem_shared>>) target(%dma_start3A_191 : memref<128x128xf32, #tpu.memory_space<vmem>>) offsets(%dma_start3A_194 : memref<128xi32, #tpu.memory_space<vmem>>) semaphore(%dma_start3A_199 : memref<!tpu.dma_semaphore, #tpu.memory_space<semaphore_mem>>)
      } else {
      }
    }
    %while3A_38 = arith.constant 1 : i32
    scf.for %while3A_108 = %while3A_36 to %while3A_32 step %while3A_38  : i32 {
      %jit3A_109 = arith.constant 2 : i32
      %eq3A_110 = arith.constant 0 : i32
      %eq3A_111 = arith.cmpi eq, %jit3A_109, %eq3A_110 : i32
      %jit3A_112 = arith.constant 1 : i32
      %select_n3A_113 = arith.select %eq3A_111, %jit3A_112, %jit3A_109 : i32
      %rem3A_114 = arith.remsi %while3A_108, %select_n3A_113 : i32
      %ne3A_115 = arith.constant 0 : i32
      %ne3A_116 = arith.cmpi ne, %rem3A_114, %ne3A_115 : i32
      %lt3A_117 = arith.constant 0 : i32
      %lt3A_118 = arith.cmpi slt, %rem3A_114, %lt3A_117 : i32
      %lt3A_119 = arith.constant 0 : i32
      %lt3A_120 = arith.cmpi slt, %select_n3A_113, %lt3A_119 : i32
      %ne3A_121 = arith.xori %lt3A_118, %lt3A_120 : i1
      %and3A_122 = arith.andi %ne3A_121, %ne3A_116 : i1
      %add3A_123 = arith.addi %rem3A_114, %select_n3A_113 : i32
      %select_n3A_124 = arith.select %and3A_122, %add3A_123, %rem3A_114 : i32
      %add3A_125 = arith.addi %add3A_4, %while3A_108 : i32
      %dma_wait3A_126 = arith.constant 0 : i32
      %dma_wait3A_127 = arith.constant 0 : i32
      %dma_wait3A_128 = arith.constant 0 : i32
      %dma_wait3A_129 = tpu.memref_slice %arg6[%select_n3A_124, %dma_wait3A_127, %dma_wait3A_128] : memref<2x128x128xf32, #tpu.memory_space<vmem>> -> memref<1x128x128xf32, #tpu.memory_space<vmem>>
      %dma_wait3A_130 = tpu.memref_squeeze %dma_wait3A_129 : memref<1x128x128xf32, #tpu.memory_space<vmem>> -> memref<128x128xf32, #tpu.memory_space<vmem>>
      %dma_wait3A_131 = arith.constant 0 : i32
      %dma_wait3A_132 = tpu.memref_slice %arg5[%while3A_108, %dma_wait3A_126, %dma_wait3A_131] : memref<20x1x128xi32, #tpu.memory_space<vmem>> -> memref<1x1x128xi32, #tpu.memory_space<vmem>>
      %dma_wait3A_133 = tpu.memref_squeeze %dma_wait3A_132 : memref<1x1x128xi32, #tpu.memory_space<vmem>> -> memref<128xi32, #tpu.memory_space<vmem>>
      %dma_wait3A_134 = arith.constant 0 : i32
      %dma_wait3A_135 = arith.constant 0 : i32
      %dma_wait3A_136 = tpu.memref_slice %arg7[%dma_wait3A_134, %dma_wait3A_135] : memref<10000x128xf32, #tpu.memory_space<vmem_shared>> -> memref<10000x128xf32, #tpu.memory_space<vmem_shared>>
      %dma_wait3A_137 = tpu.memref_slice %arg8[%select_n3A_124] : memref<2x!tpu.dma_semaphore, #tpu.memory_space<semaphore_mem>> -> memref<1x!tpu.dma_semaphore, #tpu.memory_space<semaphore_mem>>
      %dma_wait3A_138 = tpu.memref_squeeze %dma_wait3A_137 : memref<1x!tpu.dma_semaphore, #tpu.memory_space<semaphore_mem>> -> memref<!tpu.dma_semaphore, #tpu.memory_space<semaphore_mem>>
      tpu.wait_indirect_dma semaphore(%dma_wait3A_138 : memref<!tpu.dma_semaphore, #tpu.memory_space<semaphore_mem>>) src(%dma_wait3A_136 : memref<10000x128xf32, #tpu.memory_space<vmem_shared>>) dst(%dma_wait3A_130 : memref<128x128xf32, #tpu.memory_space<vmem>>)
      %mul3A_139 = arith.constant 128 : i32
      %mul3A_140 = arith.muli %add3A_125, %mul3A_139 : i32
      %dma_start3A_141 = arith.constant 0 : i32
      %dma_start3A_142 = arith.constant 0 : i32
      %dma_start3A_143 = tpu.memref_slice %arg6[%select_n3A_124, %dma_start3A_141, %dma_start3A_142] : memref<2x128x128xf32, #tpu.memory_space<vmem>> -> memref<1x128x128xf32, #tpu.memory_space<vmem>>
      %dma_start3A_144 = tpu.memref_squeeze %dma_start3A_143 : memref<1x128x128xf32, #tpu.memory_space<vmem>> -> memref<128x128xf32, #tpu.memory_space<vmem>>
      %dma_start3A_145 = arith.constant 0 : i32
      %dma_start3A_146 = tpu.memref_slice %arg4[%mul3A_140, %dma_start3A_145] : memref<80000x128xf32, #tpu.memory_space<hbm>> -> memref<128x128xf32, #tpu.memory_space<hbm>>
      %dma_start3A_147 = tpu.memref_slice %arg9[%select_n3A_124] : memref<2x!tpu.dma_semaphore, #tpu.memory_space<semaphore_mem>> -> memref<1x!tpu.dma_semaphore, #tpu.memory_space<semaphore_mem>>
      %dma_start3A_148 = tpu.memref_squeeze %dma_start3A_147 : memref<1x!tpu.dma_semaphore, #tpu.memory_space<semaphore_mem>> -> memref<!tpu.dma_semaphore, #tpu.memory_space<semaphore_mem>>
      %dma_start3A_149 = arith.constant 0 : i32
      %dma_start3A_150 = tpu.memref_slice %arg4[%mul3A_140, %dma_start3A_149] : memref<80000x128xf32, #tpu.memory_space<hbm>> -> memref<128x128xf32, #tpu.memory_space<hbm>>
      %dma_start3A_151 = arith.constant 0 : i32
      %dma_start3A_152 = arith.constant 0 : i32
      %dma_start3A_153 = tpu.memref_slice %arg6[%select_n3A_124, %dma_start3A_151, %dma_start3A_152] : memref<2x128x128xf32, #tpu.memory_space<vmem>> -> memref<1x128x128xf32, #tpu.memory_space<vmem>>
      %dma_start3A_154 = tpu.memref_squeeze %dma_start3A_153 : memref<1x128x128xf32, #tpu.memory_space<vmem>> -> memref<128x128xf32, #tpu.memory_space<vmem>>
      tpu.enqueue_dma source(%dma_start3A_154 : memref<128x128xf32, #tpu.memory_space<vmem>>) target(%dma_start3A_150 : memref<128x128xf32, #tpu.memory_space<hbm>>) target_semaphore(%dma_start3A_148 : memref<!tpu.dma_semaphore, #tpu.memory_space<semaphore_mem>>)
      %add3A_155 = arith.constant 1 : i32
      %add3A_156 = arith.addi %while3A_108, %add3A_155 : i32
      %lt3A_157 = arith.cmpi slt, %add3A_156, %add3A_8 : i32
      %convert_element_type3A_158 = arith.extui %lt3A_157 : i1 to i32
      %cond3A_159 = arith.constant 0 : i32
      %cond3A_160 = arith.cmpi ne, %convert_element_type3A_158, %cond3A_159 : i32
      scf.if %cond3A_160 {
        %add3A_161 = arith.constant 1 : i32
        %add3A_162 = arith.addi %while3A_108, %add3A_161 : i32
        %jit3A_163 = arith.constant 2 : i32
        %eq3A_164 = arith.constant 0 : i32
        %eq3A_165 = arith.cmpi eq, %jit3A_163, %eq3A_164 : i32
        %jit3A_166 = arith.constant 1 : i32
        %select_n3A_167 = arith.select %eq3A_165, %jit3A_166, %jit3A_163 : i32
        %rem3A_168 = arith.remsi %add3A_162, %select_n3A_167 : i32
        %ne3A_169 = arith.constant 0 : i32
        %ne3A_170 = arith.cmpi ne, %rem3A_168, %ne3A_169 : i32
        %lt3A_171 = arith.constant 0 : i32
        %lt3A_172 = arith.cmpi slt, %rem3A_168, %lt3A_171 : i32
        %lt3A_173 = arith.constant 0 : i32
        %lt3A_174 = arith.cmpi slt, %select_n3A_167, %lt3A_173 : i32
        %ne3A_175 = arith.xori %lt3A_172, %lt3A_174 : i1
        %and3A_176 = arith.andi %ne3A_175, %ne3A_170 : i1
        %add3A_177 = arith.addi %rem3A_168, %select_n3A_167 : i32
        %select_n3A_178 = arith.select %and3A_176, %add3A_177, %rem3A_168 : i32
        %add3A_179 = arith.constant 1 : i32
        %add3A_180 = arith.addi %while3A_108, %add3A_179 : i32
        %ge3A = arith.constant 2 : i32
        %ge3A_181 = arith.cmpi sge, %add3A_180, %ge3A : i32
        %convert_element_type3A_182 = arith.extui %ge3A_181 : i1 to i32
        %cond3A_183 = arith.constant 0 : i32
        %cond3A_184 = arith.cmpi ne, %convert_element_type3A_182, %cond3A_183 : i32
        scf.if %cond3A_184 {
          %add3A_200 = arith.addi %add3A_4, %while3A_108 : i32
          %sub3A_201 = arith.constant 1 : i32
          %sub3A_202 = arith.subi %add3A_200, %sub3A_201 : i32
          %mul3A_203 = arith.constant 128 : i32
          %mul3A_204 = arith.muli %sub3A_202, %mul3A_203 : i32
          %dma_wait3A_205 = arith.constant 0 : i32
          %dma_wait3A_206 = arith.constant 0 : i32
          %dma_wait3A_207 = tpu.memref_slice %arg6[%select_n3A_178, %dma_wait3A_205, %dma_wait3A_206] : memref<2x128x128xf32, #tpu.memory_space<vmem>> -> memref<1x128x128xf32, #tpu.memory_space<vmem>>
          %dma_wait3A_208 = tpu.memref_squeeze %dma_wait3A_207 : memref<1x128x128xf32, #tpu.memory_space<vmem>> -> memref<128x128xf32, #tpu.memory_space<vmem>>
          %dma_wait3A_209 = arith.constant 0 : i32
          %dma_wait3A_210 = tpu.memref_slice %arg4[%mul3A_204, %dma_wait3A_209] : memref<80000x128xf32, #tpu.memory_space<hbm>> -> memref<128x128xf32, #tpu.memory_space<hbm>>
          %dma_wait3A_211 = tpu.memref_slice %arg9[%select_n3A_178] : memref<2x!tpu.dma_semaphore, #tpu.memory_space<semaphore_mem>> -> memref<1x!tpu.dma_semaphore, #tpu.memory_space<semaphore_mem>>
          %dma_wait3A_212 = tpu.memref_squeeze %dma_wait3A_211 : memref<1x!tpu.dma_semaphore, #tpu.memory_space<semaphore_mem>> -> memref<!tpu.dma_semaphore, #tpu.memory_space<semaphore_mem>>
          %dma_wait3A_213 = arith.constant 0 : i32
          %dma_wait3A_214 = tpu.memref_slice %arg4[%mul3A_204, %dma_wait3A_213] : memref<80000x128xf32, #tpu.memory_space<hbm>> -> memref<128x128xf32, #tpu.memory_space<hbm>>
          %dma_wait3A_215 = arith.constant 0 : i32
          %dma_wait3A_216 = arith.constant 0 : i32
          %dma_wait3A_217 = tpu.memref_slice %arg6[%select_n3A_178, %dma_wait3A_215, %dma_wait3A_216] : memref<2x128x128xf32, #tpu.memory_space<vmem>> -> memref<1x128x128xf32, #tpu.memory_space<vmem>>
          %dma_wait3A_218 = tpu.memref_squeeze %dma_wait3A_217 : memref<1x128x128xf32, #tpu.memory_space<vmem>> -> memref<128x128xf32, #tpu.memory_space<vmem>>
          tpu.wait_dma2 semaphore(%dma_wait3A_212 : memref<!tpu.dma_semaphore, #tpu.memory_space<semaphore_mem>>) src(%dma_wait3A_218 : memref<128x128xf32, #tpu.memory_space<vmem>>) dst(%dma_wait3A_214 : memref<128x128xf32, #tpu.memory_space<hbm>>)
        } else {
        }
        %add3A_185 = arith.constant 1 : i32
        %add3A_186 = arith.addi %while3A_108, %add3A_185 : i32
        %dma_start3A_187 = arith.constant 0 : i32
        %dma_start3A_188 = arith.constant 0 : i32
        %dma_start3A_189 = arith.constant 0 : i32
        %dma_start3A_190 = tpu.memref_slice %arg6[%select_n3A_178, %dma_start3A_188, %dma_start3A_189] : memref<2x128x128xf32, #tpu.memory_space<vmem>> -> memref<1x128x128xf32, #tpu.memory_space<vmem>>
        %dma_start3A_191 = tpu.memref_squeeze %dma_start3A_190 : memref<1x128x128xf32, #tpu.memory_space<vmem>> -> memref<128x128xf32, #tpu.memory_space<vmem>>
        %dma_start3A_192 = arith.constant 0 : i32
        %dma_start3A_193 = tpu.memref_slice %arg5[%add3A_186, %dma_start3A_187, %dma_start3A_192] : memref<20x1x128xi32, #tpu.memory_space<vmem>> -> memref<1x1x128xi32, #tpu.memory_space<vmem>>
        %dma_start3A_194 = tpu.memref_squeeze %dma_start3A_193 : memref<1x1x128xi32, #tpu.memory_space<vmem>> -> memref<128xi32, #tpu.memory_space<vmem>>
        %dma_start3A_195 = arith.constant 0 : i32
        %dma_start3A_196 = arith.constant 0 : i32
        %dma_start3A_197 = tpu.memref_slice %arg7[%dma_start3A_195, %dma_start3A_196] : memref<10000x128xf32, #tpu.memory_space<vmem_shared>> -> memref<10000x128xf32, #tpu.memory_space<vmem_shared>>
        %dma_start3A_198 = tpu.memref_slice %arg8[%select_n3A_178] : memref<2x!tpu.dma_semaphore, #tpu.memory_space<semaphore_mem>> -> memref<1x!tpu.dma_semaphore, #tpu.memory_space<semaphore_mem>>
        %dma_start3A_199 = tpu.memref_squeeze %dma_start3A_198 : memref<1x!tpu.dma_semaphore, #tpu.memory_space<semaphore_mem>> -> memref<!tpu.dma_semaphore, #tpu.memory_space<semaphore_mem>>
        tpu.enqueue_indirect_dma source(%dma_start3A_197 : memref<10000x128xf32, #tpu.memory_space<vmem_shared>>) target(%dma_start3A_191 : memref<128x128xf32, #tpu.memory_space<vmem>>) offsets(%dma_start3A_194 : memref<128xi32, #tpu.memory_space<vmem>>) semaphore(%dma_start3A_199 : memref<!tpu.dma_semaphore, #tpu.memory_space<semaphore_mem>>)
      } else {
      }
    }
    %sub3A = arith.constant 2 : i32
    %sub3A_39 = arith.subi %add3A_8, %sub3A : i32
    %jit3A_40 = arith.constant 2 : i32
    %eq3A_41 = arith.constant 0 : i32
    %eq3A_42 = arith.cmpi eq, %jit3A_40, %eq3A_41 : i32
    %jit3A_43 = arith.constant 1 : i32
    %select_n3A_44 = arith.select %eq3A_42, %jit3A_43, %jit3A_40 : i32
    %rem3A = arith.remsi %sub3A_39, %select_n3A_44 : i32
    %ne3A = arith.constant 0 : i32
    %ne3A_45 = arith.cmpi ne, %rem3A, %ne3A : i32
    %lt3A_46 = arith.constant 0 : i32
    %lt3A_47 = arith.cmpi slt, %rem3A, %lt3A_46 : i32
    %lt3A_48 = arith.constant 0 : i32
    %lt3A_49 = arith.cmpi slt, %select_n3A_44, %lt3A_48 : i32
    %ne3A_50 = arith.xori %lt3A_47, %lt3A_49 : i1
    %and3A = arith.andi %ne3A_50, %ne3A_45 : i1
    %add3A_51 = arith.addi %rem3A, %select_n3A_44 : i32
    %select_n3A_52 = arith.select %and3A, %add3A_51, %rem3A : i32
    %add3A_53 = arith.addi %add3A_4, %add3A_8 : i32
    %sub3A_54 = arith.constant 2 : i32
    %sub3A_55 = arith.subi %add3A_53, %sub3A_54 : i32
    %mul3A_56 = arith.constant 128 : i32
    %mul3A_57 = arith.muli %sub3A_55, %mul3A_56 : i32
    %dma_wait3A = arith.constant 0 : i32
    %dma_wait3A_58 = arith.constant 0 : i32
    %dma_wait3A_59 = tpu.memref_slice %arg6[%select_n3A_52, %dma_wait3A, %dma_wait3A_58] : memref<2x128x128xf32, #tpu.memory_space<vmem>> -> memref<1x128x128xf32, #tpu.memory_space<vmem>>
    %dma_wait3A_60 = tpu.memref_squeeze %dma_wait3A_59 : memref<1x128x128xf32, #tpu.memory_space<vmem>> -> memref<128x128xf32, #tpu.memory_space<vmem>>
    %dma_wait3A_61 = arith.constant 0 : i32
    %dma_wait3A_62 = tpu.memref_slice %arg4[%mul3A_57, %dma_wait3A_61] : memref<80000x128xf32, #tpu.memory_space<hbm>> -> memref<128x128xf32, #tpu.memory_space<hbm>>
    %dma_wait3A_63 = tpu.memref_slice %arg9[%select_n3A_52] : memref<2x!tpu.dma_semaphore, #tpu.memory_space<semaphore_mem>> -> memref<1x!tpu.dma_semaphore, #tpu.memory_space<semaphore_mem>>
    %dma_wait3A_64 = tpu.memref_squeeze %dma_wait3A_63 : memref<1x!tpu.dma_semaphore, #tpu.memory_space<semaphore_mem>> -> memref<!tpu.dma_semaphore, #tpu.memory_space<semaphore_mem>>
    %dma_wait3A_65 = arith.constant 0 : i32
    %dma_wait3A_66 = tpu.memref_slice %arg4[%mul3A_57, %dma_wait3A_65] : memref<80000x128xf32, #tpu.memory_space<hbm>> -> memref<128x128xf32, #tpu.memory_space<hbm>>
    %dma_wait3A_67 = arith.constant 0 : i32
    %dma_wait3A_68 = arith.constant 0 : i32
    %dma_wait3A_69 = tpu.memref_slice %arg6[%select_n3A_52, %dma_wait3A_67, %dma_wait3A_68] : memref<2x128x128xf32, #tpu.memory_space<vmem>> -> memref<1x128x128xf32, #tpu.memory_space<vmem>>
    %dma_wait3A_70 = tpu.memref_squeeze %dma_wait3A_69 : memref<1x128x128xf32, #tpu.memory_space<vmem>> -> memref<128x128xf32, #tpu.memory_space<vmem>>
    tpu.wait_dma2 semaphore(%dma_wait3A_64 : memref<!tpu.dma_semaphore, #tpu.memory_space<semaphore_mem>>) src(%dma_wait3A_70 : memref<128x128xf32, #tpu.memory_space<vmem>>) dst(%dma_wait3A_66 : memref<128x128xf32, #tpu.memory_space<hbm>>)
    %sub3A_71 = arith.constant 1 : i32
    %sub3A_72 = arith.subi %add3A_8, %sub3A_71 : i32
    %jit3A_73 = arith.constant 2 : i32
    %eq3A_74 = arith.constant 0 : i32
    %eq3A_75 = arith.cmpi eq, %jit3A_73, %eq3A_74 : i32
    %jit3A_76 = arith.constant 1 : i32
    %select_n3A_77 = arith.select %eq3A_75, %jit3A_76, %jit3A_73 : i32
    %rem3A_78 = arith.remsi %sub3A_72, %select_n3A_77 : i32
    %ne3A_79 = arith.constant 0 : i32
    %ne3A_80 = arith.cmpi ne, %rem3A_78, %ne3A_79 : i32
    %lt3A_81 = arith.constant 0 : i32
    %lt3A_82 = arith.cmpi slt, %rem3A_78, %lt3A_81 : i32
    %lt3A_83 = arith.constant 0 : i32
    %lt3A_84 = arith.cmpi slt, %select_n3A_77, %lt3A_83 : i32
    %ne3A_85 = arith.xori %lt3A_82, %lt3A_84 : i1
    %and3A_86 = arith.andi %ne3A_85, %ne3A_80 : i1
    %add3A_87 = arith.addi %rem3A_78, %select_n3A_77 : i32
    %select_n3A_88 = arith.select %and3A_86, %add3A_87, %rem3A_78 : i32
    %add3A_89 = arith.addi %add3A_4, %add3A_8 : i32
    %sub3A_90 = arith.constant 1 : i32
    %sub3A_91 = arith.subi %add3A_89, %sub3A_90 : i32
    %mul3A_92 = arith.constant 128 : i32
    %mul3A_93 = arith.muli %sub3A_91, %mul3A_92 : i32
    %dma_wait3A_94 = arith.constant 0 : i32
    %dma_wait3A_95 = arith.constant 0 : i32
    %dma_wait3A_96 = tpu.memref_slice %arg6[%select_n3A_88, %dma_wait3A_94, %dma_wait3A_95] : memref<2x128x128xf32, #tpu.memory_space<vmem>> -> memref<1x128x128xf32, #tpu.memory_space<vmem>>
    %dma_wait3A_97 = tpu.memref_squeeze %dma_wait3A_96 : memref<1x128x128xf32, #tpu.memory_space<vmem>> -> memref<128x128xf32, #tpu.memory_space<vmem>>
    %dma_wait3A_98 = arith.constant 0 : i32
    %dma_wait3A_99 = tpu.memref_slice %arg4[%mul3A_93, %dma_wait3A_98] : memref<80000x128xf32, #tpu.memory_space<hbm>> -> memref<128x128xf32, #tpu.memory_space<hbm>>
    %dma_wait3A_100 = tpu.memref_slice %arg9[%select_n3A_88] : memref<2x!tpu.dma_semaphore, #tpu.memory_space<semaphore_mem>> -> memref<1x!tpu.dma_semaphore, #tpu.memory_space<semaphore_mem>>
    %dma_wait3A_101 = tpu.memref_squeeze %dma_wait3A_100 : memref<1x!tpu.dma_semaphore, #tpu.memory_space<semaphore_mem>> -> memref<!tpu.dma_semaphore, #tpu.memory_space<semaphore_mem>>
    %dma_wait3A_102 = arith.constant 0 : i32
    %dma_wait3A_103 = tpu.memref_slice %arg4[%mul3A_93, %dma_wait3A_102] : memref<80000x128xf32, #tpu.memory_space<hbm>> -> memref<128x128xf32, #tpu.memory_space<hbm>>
    %dma_wait3A_104 = arith.constant 0 : i32
    %dma_wait3A_105 = arith.constant 0 : i32
    %dma_wait3A_106 = tpu.memref_slice %arg6[%select_n3A_88, %dma_wait3A_104, %dma_wait3A_105] : memref<2x128x128xf32, #tpu.memory_space<vmem>> -> memref<1x128x128xf32, #tpu.memory_space<vmem>>
    %dma_wait3A_107 = tpu.memref_squeeze %dma_wait3A_106 : memref<1x128x128xf32, #tpu.memory_space<vmem>> -> memref<128x128xf32, #tpu.memory_space<vmem>>
    tpu.wait_dma2 semaphore(%dma_wait3A_101 : memref<!tpu.dma_semaphore, #tpu.memory_space<semaphore_mem>>) src(%dma_wait3A_107 : memref<128x128xf32, #tpu.memory_space<vmem>>) dst(%dma_wait3A_103 : memref<128x128xf32, #tpu.memory_space<hbm>>)
    return
  }
}

#map = affine_map<(d0, d1) -> (0, 0)>
#map1 = affine_map<(d0, d1) -> (0, 0, 0)>
module attributes {stable_mosaic.version = 14 : i64} {
  func.func @sc_scatter(%arg0: i32, %arg1: i32, %arg2: memref<80000x128xf32, #tpu.memory_space<hbm>>, %arg3: memref<80000x128xf32, #tpu.memory_space<hbm>>, %arg4: memref<1251x1x128xi32, #tpu.memory_space<hbm>>, %arg5: memref<10000x128xf32, #tpu.memory_space<hbm>>, %arg6: memref<2x10000x128xf32, #tpu.memory_space<hbm>>, %arg7: memref<20x1x128xi32, #tpu.memory_space<vmem>>, %arg8: memref<20x1x128xi32, #tpu.memory_space<vmem>>, %arg9: memref<2x128x128xf32, #tpu.memory_space<vmem>>, %arg10: memref<10000x128xf32, #tpu.memory_space<vmem_shared>>, %arg11: memref<2x!tpu.dma_semaphore, #tpu.memory_space<semaphore_mem>>, %arg12: memref<2x!tpu.dma_semaphore, #tpu.memory_space<semaphore_mem>>) attributes {dimension_semantics = [#tpu.dimension_semantics<core_parallel>, #tpu.dimension_semantics<subcore_parallel>], iteration_bounds = array<i64: 2, 16>, scalar_prefetch = 0 : i64, scratch_operands = 6 : i64, tpu.core_type = #tpu.core_type<sc_vector_subcore>, window_params = [{transform_indices = #map}, {transform_indices = #map}, {transform_indices = #map1}, {transform_indices = #map}, {transform_indices = #map1}]} {
    %mul3A = arith.constant 2 : i32
    %mul3A_0 = arith.muli %arg1, %mul3A : i32
    %add3A = arith.addi %mul3A_0, %arg0 : i32
    %mul3A_1 = arith.constant 19 : i32
    %mul3A_2 = arith.muli %add3A, %mul3A_1 : i32
    %min3A = arith.constant 17 : i32
    %min3A_3 = arith.minsi %add3A, %min3A : i32
    %add3A_4 = arith.addi %mul3A_2, %min3A_3 : i32
    %lt3A = arith.constant 17 : i32
    %lt3A_5 = arith.cmpi slt, %add3A, %lt3A : i32
    %jit3A = arith.constant 1 : i32
    %jit3A_6 = arith.constant 0 : i32
    %select_n3A = arith.select %lt3A_5, %jit3A, %jit3A_6 : i32
    %add3A_7 = arith.constant 19 : i32
    %add3A_8 = arith.addi %add3A_7, %select_n3A : i32
    %add3A_9 = arith.constant 0 : i32
    %add3A_10 = arith.addi %add3A_9, %add3A_4 : i32
    "tpu.region"() ({
      %run_scoped3A = tpu.sem_alloc : memref<!tpu.dma_semaphore, #tpu.memory_space<semaphore_mem>>
      %dma_start3A_210 = arith.constant 0 : i32
      %dma_start3A_211 = arith.constant 0 : i32
      %dma_start3A_212 = tpu.memref_slice %arg4[%add3A_10, %dma_start3A_210, %dma_start3A_211] : memref<1251x1x128xi32, #tpu.memory_space<hbm>> -> memref<20x1x128xi32, #tpu.memory_space<hbm>>
      %dma_start3A_213 = arith.constant 0 : i32
      %dma_start3A_214 = arith.constant 0 : i32
      %dma_start3A_215 = tpu.memref_slice %arg4[%add3A_10, %dma_start3A_213, %dma_start3A_214] : memref<1251x1x128xi32, #tpu.memory_space<hbm>> -> memref<20x1x128xi32, #tpu.memory_space<hbm>>
      tpu.enqueue_dma source(%dma_start3A_215 : memref<20x1x128xi32, #tpu.memory_space<hbm>>) target(%arg7 : memref<20x1x128xi32, #tpu.memory_space<vmem>>) target_semaphore(%run_scoped3A : memref<!tpu.dma_semaphore, #tpu.memory_space<semaphore_mem>>)
      %dma_wait3A_216 = arith.constant 0 : i32
      %dma_wait3A_217 = arith.constant 0 : i32
      %dma_wait3A_218 = tpu.memref_slice %arg4[%add3A_10, %dma_wait3A_216, %dma_wait3A_217] : memref<1251x1x128xi32, #tpu.memory_space<hbm>> -> memref<20x1x128xi32, #tpu.memory_space<hbm>>
      %dma_wait3A_219 = arith.constant 0 : i32
      %dma_wait3A_220 = arith.constant 0 : i32
      %dma_wait3A_221 = tpu.memref_slice %arg4[%add3A_10, %dma_wait3A_219, %dma_wait3A_220] : memref<1251x1x128xi32, #tpu.memory_space<hbm>> -> memref<20x1x128xi32, #tpu.memory_space<hbm>>
      tpu.wait_dma2 semaphore(%run_scoped3A : memref<!tpu.dma_semaphore, #tpu.memory_space<semaphore_mem>>) src(%dma_wait3A_221 : memref<20x1x128xi32, #tpu.memory_space<hbm>>) dst(%arg7 : memref<20x1x128xi32, #tpu.memory_space<vmem>>)
      tpu.yield
    }) : () -> ()
    %add3A_11 = arith.constant 625 : i32
    %add3A_12 = arith.addi %add3A_11, %add3A_4 : i32
    "tpu.region"() ({
      %run_scoped3A = tpu.sem_alloc : memref<!tpu.dma_semaphore, #tpu.memory_space<semaphore_mem>>
      %dma_start3A_210 = arith.constant 0 : i32
      %dma_start3A_211 = arith.constant 0 : i32
      %dma_start3A_212 = tpu.memref_slice %arg4[%add3A_12, %dma_start3A_210, %dma_start3A_211] : memref<1251x1x128xi32, #tpu.memory_space<hbm>> -> memref<20x1x128xi32, #tpu.memory_space<hbm>>
      %dma_start3A_213 = arith.constant 0 : i32
      %dma_start3A_214 = arith.constant 0 : i32
      %dma_start3A_215 = tpu.memref_slice %arg4[%add3A_12, %dma_start3A_213, %dma_start3A_214] : memref<1251x1x128xi32, #tpu.memory_space<hbm>> -> memref<20x1x128xi32, #tpu.memory_space<hbm>>
      tpu.enqueue_dma source(%dma_start3A_215 : memref<20x1x128xi32, #tpu.memory_space<hbm>>) target(%arg8 : memref<20x1x128xi32, #tpu.memory_space<vmem>>) target_semaphore(%run_scoped3A : memref<!tpu.dma_semaphore, #tpu.memory_space<semaphore_mem>>)
      %dma_wait3A_216 = arith.constant 0 : i32
      %dma_wait3A_217 = arith.constant 0 : i32
      %dma_wait3A_218 = tpu.memref_slice %arg4[%add3A_12, %dma_wait3A_216, %dma_wait3A_217] : memref<1251x1x128xi32, #tpu.memory_space<hbm>> -> memref<20x1x128xi32, #tpu.memory_space<hbm>>
      %dma_wait3A_219 = arith.constant 0 : i32
      %dma_wait3A_220 = arith.constant 0 : i32
      %dma_wait3A_221 = tpu.memref_slice %arg4[%add3A_12, %dma_wait3A_219, %dma_wait3A_220] : memref<1251x1x128xi32, #tpu.memory_space<hbm>> -> memref<20x1x128xi32, #tpu.memory_space<hbm>>
      tpu.wait_dma2 semaphore(%run_scoped3A : memref<!tpu.dma_semaphore, #tpu.memory_space<semaphore_mem>>) src(%dma_wait3A_221 : memref<20x1x128xi32, #tpu.memory_space<hbm>>) dst(%arg8 : memref<20x1x128xi32, #tpu.memory_space<vmem>>)
      tpu.yield
    }) : () -> ()
    %mul3A_13 = arith.constant 624 : i32
    %mul3A_14 = arith.muli %arg1, %mul3A_13 : i32
    %mul3A_15 = arith.constant 624 : i32
    %mul3A_16 = arith.muli %arg1, %mul3A_15 : i32
    "tpu.region"() ({
      %run_scoped3A = tpu.sem_alloc : memref<!tpu.dma_semaphore, #tpu.memory_space<semaphore_mem>>
      %dma_start3A_210 = arith.constant 0 : i32
      %dma_start3A_211 = tpu.memref_slice %arg10[%mul3A_16, %dma_start3A_210] : memref<10000x128xf32, #tpu.memory_space<vmem_shared>> -> memref<624x128xf32, #tpu.memory_space<vmem_shared>>
      %dma_start3A_212 = arith.constant 0 : i32
      %dma_start3A_213 = tpu.memref_slice %arg5[%mul3A_14, %dma_start3A_212] : memref<10000x128xf32, #tpu.memory_space<hbm>> -> memref<624x128xf32, #tpu.memory_space<hbm>>
      tpu.enqueue_dma source(%dma_start3A_213 : memref<624x128xf32, #tpu.memory_space<hbm>>) target(%dma_start3A_211 : memref<624x128xf32, #tpu.memory_space<vmem_shared>>) target_semaphore(%run_scoped3A : memref<!tpu.dma_semaphore, #tpu.memory_space<semaphore_mem>>)
      %dma_wait3A_214 = arith.constant 0 : i32
      %dma_wait3A_215 = tpu.memref_slice %arg10[%mul3A_16, %dma_wait3A_214] : memref<10000x128xf32, #tpu.memory_space<vmem_shared>> -> memref<624x128xf32, #tpu.memory_space<vmem_shared>>
      %dma_wait3A_216 = arith.constant 0 : i32
      %dma_wait3A_217 = tpu.memref_slice %arg5[%mul3A_14, %dma_wait3A_216] : memref<10000x128xf32, #tpu.memory_space<hbm>> -> memref<624x128xf32, #tpu.memory_space<hbm>>
      tpu.wait_dma2 semaphore(%run_scoped3A : memref<!tpu.dma_semaphore, #tpu.memory_space<semaphore_mem>>) src(%dma_wait3A_217 : memref<624x128xf32, #tpu.memory_space<hbm>>) dst(%dma_wait3A_215 : memref<624x128xf32, #tpu.memory_space<vmem_shared>>)
      tpu.yield
    }) : () -> ()
    %eq3A = arith.constant 15 : i32
    %eq3A_17 = arith.cmpi eq, %arg1, %eq3A : i32
    %convert_element_type3A = arith.extui %eq3A_17 : i1 to i32
    %cond3A = arith.constant 0 : i32
    %cond3A_18 = arith.cmpi ne, %convert_element_type3A, %cond3A : i32
    scf.if %cond3A_18 {
      "tpu.region"() ({
        %run_scoped3A = tpu.sem_alloc : memref<!tpu.dma_semaphore, #tpu.memory_space<semaphore_mem>>
        %dma_start3A_210 = arith.constant 9984 : i32
        %dma_start3A_211 = arith.constant 0 : i32
        %dma_start3A_212 = tpu.memref_slice %arg10[%dma_start3A_210, %dma_start3A_211] : memref<10000x128xf32, #tpu.memory_space<vmem_shared>> -> memref<16x128xf32, #tpu.memory_space<vmem_shared>>
        %dma_start3A_213 = arith.constant 9984 : i32
        %dma_start3A_214 = arith.constant 0 : i32
        %dma_start3A_215 = tpu.memref_slice %arg5[%dma_start3A_213, %dma_start3A_214] : memref<10000x128xf32, #tpu.memory_space<hbm>> -> memref<16x128xf32, #tpu.memory_space<hbm>>
        tpu.enqueue_dma source(%dma_start3A_215 : memref<16x128xf32, #tpu.memory_space<hbm>>) target(%dma_start3A_212 : memref<16x128xf32, #tpu.memory_space<vmem_shared>>) target_semaphore(%run_scoped3A : memref<!tpu.dma_semaphore, #tpu.memory_space<semaphore_mem>>)
        %dma_wait3A_216 = arith.constant 9984 : i32
        %dma_wait3A_217 = arith.constant 0 : i32
        %dma_wait3A_218 = tpu.memref_slice %arg10[%dma_wait3A_216, %dma_wait3A_217] : memref<10000x128xf32, #tpu.memory_space<vmem_shared>> -> memref<16x128xf32, #tpu.memory_space<vmem_shared>>
        %dma_wait3A_219 = arith.constant 9984 : i32
        %dma_wait3A_220 = arith.constant 0 : i32
        %dma_wait3A_221 = tpu.memref_slice %arg5[%dma_wait3A_219, %dma_wait3A_220] : memref<10000x128xf32, #tpu.memory_space<hbm>> -> memref<16x128xf32, #tpu.memory_space<hbm>>
        tpu.wait_dma2 semaphore(%run_scoped3A : memref<!tpu.dma_semaphore, #tpu.memory_space<semaphore_mem>>) src(%dma_wait3A_221 : memref<16x128xf32, #tpu.memory_space<hbm>>) dst(%dma_wait3A_218 : memref<16x128xf32, #tpu.memory_space<vmem_shared>>)
        tpu.yield
      }) : () -> ()
    } else {
    }
    %barrier3A = arith.constant 0 : index
    tpu.barrier barrier_id(%barrier3A)
    %mul3A_19 = arith.constant 128 : i32
    %mul3A_20 = arith.muli %add3A_4, %mul3A_19 : i32
    %dma_start3A = arith.constant 0 : i32
    %dma_start3A_21 = arith.constant 0 : i32
    %dma_start3A_22 = arith.constant 0 : i32
    %dma_start3A_23 = arith.constant 0 : i32
    %dma_start3A_24 = tpu.memref_slice %arg9[%dma_start3A, %dma_start3A_22, %dma_start3A_23] : memref<2x128x128xf32, #tpu.memory_space<vmem>> -> memref<1x128x128xf32, #tpu.memory_space<vmem>>
    %dma_start3A_25 = tpu.memref_squeeze %dma_start3A_24 : memref<1x128x128xf32, #tpu.memory_space<vmem>> -> memref<128x128xf32, #tpu.memory_space<vmem>>
    %dma_start3A_26 = arith.constant 0 : i32
    %dma_start3A_27 = tpu.memref_slice %arg2[%mul3A_20, %dma_start3A_26] : memref<80000x128xf32, #tpu.memory_space<hbm>> -> memref<128x128xf32, #tpu.memory_space<hbm>>
    %dma_start3A_28 = tpu.memref_slice %arg11[%dma_start3A_21] : memref<2x!tpu.dma_semaphore, #tpu.memory_space<semaphore_mem>> -> memref<1x!tpu.dma_semaphore, #tpu.memory_space<semaphore_mem>>
    %dma_start3A_29 = tpu.memref_squeeze %dma_start3A_28 : memref<1x!tpu.dma_semaphore, #tpu.memory_space<semaphore_mem>> -> memref<!tpu.dma_semaphore, #tpu.memory_space<semaphore_mem>>
    %dma_start3A_30 = arith.constant 0 : i32
    %dma_start3A_31 = arith.constant 0 : i32
    %dma_start3A_32 = tpu.memref_slice %arg9[%dma_start3A, %dma_start3A_30, %dma_start3A_31] : memref<2x128x128xf32, #tpu.memory_space<vmem>> -> memref<1x128x128xf32, #tpu.memory_space<vmem>>
    %dma_start3A_33 = tpu.memref_squeeze %dma_start3A_32 : memref<1x128x128xf32, #tpu.memory_space<vmem>> -> memref<128x128xf32, #tpu.memory_space<vmem>>
    %dma_start3A_34 = arith.constant 0 : i32
    %dma_start3A_35 = tpu.memref_slice %arg2[%mul3A_20, %dma_start3A_34] : memref<80000x128xf32, #tpu.memory_space<hbm>> -> memref<128x128xf32, #tpu.memory_space<hbm>>
    tpu.enqueue_dma source(%dma_start3A_35 : memref<128x128xf32, #tpu.memory_space<hbm>>) target(%dma_start3A_33 : memref<128x128xf32, #tpu.memory_space<vmem>>) target_semaphore(%dma_start3A_29 : memref<!tpu.dma_semaphore, #tpu.memory_space<semaphore_mem>>)
    %while3A = arith.constant 0 : i32
    %while3A_36 = arith.constant 0 : i32
    %while3A_37 = arith.subi %add3A_8, %while3A_36 : i32
    %while3A_38 = arith.addi %while3A_36, %while3A_37 : i32
    %while3A_39 = arith.constant 1 : i32
    %while3A_40 = arith.divsi %while3A_37, %while3A_39 : i32
    %while3A_41 = arith.muli %while3A_40, %while3A_39 : i32
    %while3A_42 = arith.addi %while3A_36, %while3A_41 : i32
    %while3A_43 = arith.constant 1 : i32
    scf.for %while3A_210 = %while3A_36 to %while3A_42 step %while3A_43  : i32 {
      %jit3A_211 = arith.constant 2 : i32
      %eq3A_212 = arith.constant 0 : i32
      %eq3A_213 = arith.cmpi eq, %jit3A_211, %eq3A_212 : i32
      %jit3A_214 = arith.constant 1 : i32
      %select_n3A_215 = arith.select %eq3A_213, %jit3A_214, %jit3A_211 : i32
      %rem3A_216 = arith.remsi %while3A_210, %select_n3A_215 : i32
      %ne3A_217 = arith.constant 0 : i32
      %ne3A_218 = arith.cmpi ne, %rem3A_216, %ne3A_217 : i32
      %lt3A_219 = arith.constant 0 : i32
      %lt3A_220 = arith.cmpi slt, %rem3A_216, %lt3A_219 : i32
      %lt3A_221 = arith.constant 0 : i32
      %lt3A_222 = arith.cmpi slt, %select_n3A_215, %lt3A_221 : i32
      %ne3A_223 = arith.xori %lt3A_220, %lt3A_222 : i1
      %and3A_224 = arith.andi %ne3A_223, %ne3A_218 : i1
      %add3A_225 = arith.addi %rem3A_216, %select_n3A_215 : i32
      %select_n3A_226 = arith.select %and3A_224, %add3A_225, %rem3A_216 : i32
      %add3A_227 = arith.addi %add3A_4, %while3A_210 : i32
      %mul3A_228 = arith.constant 128 : i32
      %mul3A_229 = arith.muli %add3A_227, %mul3A_228 : i32
      %dma_wait3A_230 = arith.constant 0 : i32
      %dma_wait3A_231 = arith.constant 0 : i32
      %dma_wait3A_232 = tpu.memref_slice %arg9[%select_n3A_226, %dma_wait3A_230, %dma_wait3A_231] : memref<2x128x128xf32, #tpu.memory_space<vmem>> -> memref<1x128x128xf32, #tpu.memory_space<vmem>>
      %dma_wait3A_233 = tpu.memref_squeeze %dma_wait3A_232 : memref<1x128x128xf32, #tpu.memory_space<vmem>> -> memref<128x128xf32, #tpu.memory_space<vmem>>
      %dma_wait3A_234 = arith.constant 0 : i32
      %dma_wait3A_235 = tpu.memref_slice %arg2[%mul3A_229, %dma_wait3A_234] : memref<80000x128xf32, #tpu.memory_space<hbm>> -> memref<128x128xf32, #tpu.memory_space<hbm>>
      %dma_wait3A_236 = tpu.memref_slice %arg11[%select_n3A_226] : memref<2x!tpu.dma_semaphore, #tpu.memory_space<semaphore_mem>> -> memref<1x!tpu.dma_semaphore, #tpu.memory_space<semaphore_mem>>
      %dma_wait3A_237 = tpu.memref_squeeze %dma_wait3A_236 : memref<1x!tpu.dma_semaphore, #tpu.memory_space<semaphore_mem>> -> memref<!tpu.dma_semaphore, #tpu.memory_space<semaphore_mem>>
      %dma_wait3A_238 = arith.constant 0 : i32
      %dma_wait3A_239 = arith.constant 0 : i32
      %dma_wait3A_240 = tpu.memref_slice %arg9[%select_n3A_226, %dma_wait3A_238, %dma_wait3A_239] : memref<2x128x128xf32, #tpu.memory_space<vmem>> -> memref<1x128x128xf32, #tpu.memory_space<vmem>>
      %dma_wait3A_241 = tpu.memref_squeeze %dma_wait3A_240 : memref<1x128x128xf32, #tpu.memory_space<vmem>> -> memref<128x128xf32, #tpu.memory_space<vmem>>
      %dma_wait3A_242 = arith.constant 0 : i32
      %dma_wait3A_243 = tpu.memref_slice %arg2[%mul3A_229, %dma_wait3A_242] : memref<80000x128xf32, #tpu.memory_space<hbm>> -> memref<128x128xf32, #tpu.memory_space<hbm>>
      tpu.wait_dma2 semaphore(%dma_wait3A_237 : memref<!tpu.dma_semaphore, #tpu.memory_space<semaphore_mem>>) src(%dma_wait3A_243 : memref<128x128xf32, #tpu.memory_space<hbm>>) dst(%dma_wait3A_241 : memref<128x128xf32, #tpu.memory_space<vmem>>)
      %dma_start3A_244 = arith.constant 0 : i32
      %dma_start3A_245 = arith.constant 0 : i32
      %dma_start3A_246 = arith.constant 0 : i32
      %dma_start3A_247 = tpu.memref_slice %arg9[%select_n3A_226, %dma_start3A_245, %dma_start3A_246] : memref<2x128x128xf32, #tpu.memory_space<vmem>> -> memref<1x128x128xf32, #tpu.memory_space<vmem>>
      %dma_start3A_248 = tpu.memref_squeeze %dma_start3A_247 : memref<1x128x128xf32, #tpu.memory_space<vmem>> -> memref<128x128xf32, #tpu.memory_space<vmem>>
      %dma_start3A_249 = arith.constant 0 : i32
      %dma_start3A_250 = tpu.memref_slice %arg7[%while3A_210, %dma_start3A_244, %dma_start3A_249] : memref<20x1x128xi32, #tpu.memory_space<vmem>> -> memref<1x1x128xi32, #tpu.memory_space<vmem>>
      %dma_start3A_251 = tpu.memref_squeeze %dma_start3A_250 : memref<1x1x128xi32, #tpu.memory_space<vmem>> -> memref<128xi32, #tpu.memory_space<vmem>>
      %dma_start3A_252 = arith.constant 0 : i32
      %dma_start3A_253 = arith.constant 0 : i32
      %dma_start3A_254 = tpu.memref_slice %arg10[%dma_start3A_252, %dma_start3A_253] : memref<10000x128xf32, #tpu.memory_space<vmem_shared>> -> memref<10000x128xf32, #tpu.memory_space<vmem_shared>>
      %dma_start3A_255 = tpu.memref_slice %arg12[%select_n3A_226] : memref<2x!tpu.dma_semaphore, #tpu.memory_space<semaphore_mem>> -> memref<1x!tpu.dma_semaphore, #tpu.memory_space<semaphore_mem>>
      %dma_start3A_256 = tpu.memref_squeeze %dma_start3A_255 : memref<1x!tpu.dma_semaphore, #tpu.memory_space<semaphore_mem>> -> memref<!tpu.dma_semaphore, #tpu.memory_space<semaphore_mem>>
      tpu.enqueue_indirect_dma source(%dma_start3A_248 : memref<128x128xf32, #tpu.memory_space<vmem>>) target(%dma_start3A_254 : memref<10000x128xf32, #tpu.memory_space<vmem_shared>>) offsets(%dma_start3A_251 : memref<128xi32, #tpu.memory_space<vmem>>) semaphore(%dma_start3A_256 : memref<!tpu.dma_semaphore, #tpu.memory_space<semaphore_mem>>) {add = true}
      %add3A_257 = arith.constant 1 : i32
      %add3A_258 = arith.addi %while3A_210, %add3A_257 : i32
      %lt3A_259 = arith.cmpi slt, %add3A_258, %add3A_8 : i32
      %convert_element_type3A_260 = arith.extui %lt3A_259 : i1 to i32
      %cond3A_261 = arith.constant 0 : i32
      %cond3A_262 = arith.cmpi ne, %convert_element_type3A_260, %cond3A_261 : i32
      scf.if %cond3A_262 {
        %add3A_263 = arith.constant 1 : i32
        %add3A_264 = arith.addi %while3A_210, %add3A_263 : i32
        %jit3A_265 = arith.constant 2 : i32
        %eq3A_266 = arith.constant 0 : i32
        %eq3A_267 = arith.cmpi eq, %jit3A_265, %eq3A_266 : i32
        %jit3A_268 = arith.constant 1 : i32
        %select_n3A_269 = arith.select %eq3A_267, %jit3A_268, %jit3A_265 : i32
        %rem3A_270 = arith.remsi %add3A_264, %select_n3A_269 : i32
        %ne3A_271 = arith.constant 0 : i32
        %ne3A_272 = arith.cmpi ne, %rem3A_270, %ne3A_271 : i32
        %lt3A_273 = arith.constant 0 : i32
        %lt3A_274 = arith.cmpi slt, %rem3A_270, %lt3A_273 : i32
        %lt3A_275 = arith.constant 0 : i32
        %lt3A_276 = arith.cmpi slt, %select_n3A_269, %lt3A_275 : i32
        %ne3A_277 = arith.xori %lt3A_274, %lt3A_276 : i1
        %and3A_278 = arith.andi %ne3A_277, %ne3A_272 : i1
        %add3A_279 = arith.addi %rem3A_270, %select_n3A_269 : i32
        %select_n3A_280 = arith.select %and3A_278, %add3A_279, %rem3A_270 : i32
        %add3A_281 = arith.constant 1 : i32
        %add3A_282 = arith.addi %while3A_210, %add3A_281 : i32
        %ge3A = arith.constant 2 : i32
        %ge3A_283 = arith.cmpi sge, %add3A_282, %ge3A : i32
        %convert_element_type3A_284 = arith.extui %ge3A_283 : i1 to i32
        %cond3A_285 = arith.constant 0 : i32
        %cond3A_286 = arith.cmpi ne, %convert_element_type3A_284, %cond3A_285 : i32
        scf.if %cond3A_286 {
          %sub3A_306 = arith.constant 1 : i32
          %sub3A_307 = arith.subi %while3A_210, %sub3A_306 : i32
          %dma_wait3A_308 = arith.constant 0 : i32
          %dma_wait3A_309 = arith.constant 0 : i32
          %dma_wait3A_310 = arith.constant 0 : i32
          %dma_wait3A_311 = tpu.memref_slice %arg9[%select_n3A_280, %dma_wait3A_309, %dma_wait3A_310] : memref<2x128x128xf32, #tpu.memory_space<vmem>> -> memref<1x128x128xf32, #tpu.memory_space<vmem>>
          %dma_wait3A_312 = tpu.memref_squeeze %dma_wait3A_311 : memref<1x128x128xf32, #tpu.memory_space<vmem>> -> memref<128x128xf32, #tpu.memory_space<vmem>>
          %dma_wait3A_313 = arith.constant 0 : i32
          %dma_wait3A_314 = tpu.memref_slice %arg7[%sub3A_307, %dma_wait3A_308, %dma_wait3A_313] : memref<20x1x128xi32, #tpu.memory_space<vmem>> -> memref<1x1x128xi32, #tpu.memory_space<vmem>>
          %dma_wait3A_315 = tpu.memref_squeeze %dma_wait3A_314 : memref<1x1x128xi32, #tpu.memory_space<vmem>> -> memref<128xi32, #tpu.memory_space<vmem>>
          %dma_wait3A_316 = arith.constant 0 : i32
          %dma_wait3A_317 = arith.constant 0 : i32
          %dma_wait3A_318 = tpu.memref_slice %arg10[%dma_wait3A_316, %dma_wait3A_317] : memref<10000x128xf32, #tpu.memory_space<vmem_shared>> -> memref<10000x128xf32, #tpu.memory_space<vmem_shared>>
          %dma_wait3A_319 = tpu.memref_slice %arg12[%select_n3A_280] : memref<2x!tpu.dma_semaphore, #tpu.memory_space<semaphore_mem>> -> memref<1x!tpu.dma_semaphore, #tpu.memory_space<semaphore_mem>>
          %dma_wait3A_320 = tpu.memref_squeeze %dma_wait3A_319 : memref<1x!tpu.dma_semaphore, #tpu.memory_space<semaphore_mem>> -> memref<!tpu.dma_semaphore, #tpu.memory_space<semaphore_mem>>
          tpu.wait_indirect_dma semaphore(%dma_wait3A_320 : memref<!tpu.dma_semaphore, #tpu.memory_space<semaphore_mem>>) src(%dma_wait3A_312 : memref<128x128xf32, #tpu.memory_space<vmem>>) dst(%dma_wait3A_318 : memref<10000x128xf32, #tpu.memory_space<vmem_shared>>)
        } else {
        }
        %add3A_287 = arith.addi %add3A_4, %while3A_210 : i32
        %add3A_288 = arith.constant 1 : i32
        %add3A_289 = arith.addi %add3A_287, %add3A_288 : i32
        %mul3A_290 = arith.constant 128 : i32
        %mul3A_291 = arith.muli %add3A_289, %mul3A_290 : i32
        %dma_start3A_292 = arith.constant 0 : i32
        %dma_start3A_293 = arith.constant 0 : i32
        %dma_start3A_294 = tpu.memref_slice %arg9[%select_n3A_280, %dma_start3A_292, %dma_start3A_293] : memref<2x128x128xf32, #tpu.memory_space<vmem>> -> memref<1x128x128xf32, #tpu.memory_space<vmem>>
        %dma_start3A_295 = tpu.memref_squeeze %dma_start3A_294 : memref<1x128x128xf32, #tpu.memory_space<vmem>> -> memref<128x128xf32, #tpu.memory_space<vmem>>
        %dma_start3A_296 = arith.constant 0 : i32
        %dma_start3A_297 = tpu.memref_slice %arg2[%mul3A_291, %dma_start3A_296] : memref<80000x128xf32, #tpu.memory_space<hbm>> -> memref<128x128xf32, #tpu.memory_space<hbm>>
        %dma_start3A_298 = tpu.memref_slice %arg11[%select_n3A_280] : memref<2x!tpu.dma_semaphore, #tpu.memory_space<semaphore_mem>> -> memref<1x!tpu.dma_semaphore, #tpu.memory_space<semaphore_mem>>
        %dma_start3A_299 = tpu.memref_squeeze %dma_start3A_298 : memref<1x!tpu.dma_semaphore, #tpu.memory_space<semaphore_mem>> -> memref<!tpu.dma_semaphore, #tpu.memory_space<semaphore_mem>>
        %dma_start3A_300 = arith.constant 0 : i32
        %dma_start3A_301 = arith.constant 0 : i32
        %dma_start3A_302 = tpu.memref_slice %arg9[%select_n3A_280, %dma_start3A_300, %dma_start3A_301] : memref<2x128x128xf32, #tpu.memory_space<vmem>> -> memref<1x128x128xf32, #tpu.memory_space<vmem>>
        %dma_start3A_303 = tpu.memref_squeeze %dma_start3A_302 : memref<1x128x128xf32, #tpu.memory_space<vmem>> -> memref<128x128xf32, #tpu.memory_space<vmem>>
        %dma_start3A_304 = arith.constant 0 : i32
        %dma_start3A_305 = tpu.memref_slice %arg2[%mul3A_291, %dma_start3A_304] : memref<80000x128xf32, #tpu.memory_space<hbm>> -> memref<128x128xf32, #tpu.memory_space<hbm>>
        tpu.enqueue_dma source(%dma_start3A_305 : memref<128x128xf32, #tpu.memory_space<hbm>>) target(%dma_start3A_303 : memref<128x128xf32, #tpu.memory_space<vmem>>) target_semaphore(%dma_start3A_299 : memref<!tpu.dma_semaphore, #tpu.memory_space<semaphore_mem>>)
      } else {
      }
    }
    %while3A_44 = arith.constant 1 : i32
    scf.for %while3A_210 = %while3A_42 to %while3A_38 step %while3A_44  : i32 {
      %jit3A_211 = arith.constant 2 : i32
      %eq3A_212 = arith.constant 0 : i32
      %eq3A_213 = arith.cmpi eq, %jit3A_211, %eq3A_212 : i32
      %jit3A_214 = arith.constant 1 : i32
      %select_n3A_215 = arith.select %eq3A_213, %jit3A_214, %jit3A_211 : i32
      %rem3A_216 = arith.remsi %while3A_210, %select_n3A_215 : i32
      %ne3A_217 = arith.constant 0 : i32
      %ne3A_218 = arith.cmpi ne, %rem3A_216, %ne3A_217 : i32
      %lt3A_219 = arith.constant 0 : i32
      %lt3A_220 = arith.cmpi slt, %rem3A_216, %lt3A_219 : i32
      %lt3A_221 = arith.constant 0 : i32
      %lt3A_222 = arith.cmpi slt, %select_n3A_215, %lt3A_221 : i32
      %ne3A_223 = arith.xori %lt3A_220, %lt3A_222 : i1
      %and3A_224 = arith.andi %ne3A_223, %ne3A_218 : i1
      %add3A_225 = arith.addi %rem3A_216, %select_n3A_215 : i32
      %select_n3A_226 = arith.select %and3A_224, %add3A_225, %rem3A_216 : i32
      %add3A_227 = arith.addi %add3A_4, %while3A_210 : i32
      %mul3A_228 = arith.constant 128 : i32
      %mul3A_229 = arith.muli %add3A_227, %mul3A_228 : i32
      %dma_wait3A_230 = arith.constant 0 : i32
      %dma_wait3A_231 = arith.constant 0 : i32
      %dma_wait3A_232 = tpu.memref_slice %arg9[%select_n3A_226, %dma_wait3A_230, %dma_wait3A_231] : memref<2x128x128xf32, #tpu.memory_space<vmem>> -> memref<1x128x128xf32, #tpu.memory_space<vmem>>
      %dma_wait3A_233 = tpu.memref_squeeze %dma_wait3A_232 : memref<1x128x128xf32, #tpu.memory_space<vmem>> -> memref<128x128xf32, #tpu.memory_space<vmem>>
      %dma_wait3A_234 = arith.constant 0 : i32
      %dma_wait3A_235 = tpu.memref_slice %arg2[%mul3A_229, %dma_wait3A_234] : memref<80000x128xf32, #tpu.memory_space<hbm>> -> memref<128x128xf32, #tpu.memory_space<hbm>>
      %dma_wait3A_236 = tpu.memref_slice %arg11[%select_n3A_226] : memref<2x!tpu.dma_semaphore, #tpu.memory_space<semaphore_mem>> -> memref<1x!tpu.dma_semaphore, #tpu.memory_space<semaphore_mem>>
      %dma_wait3A_237 = tpu.memref_squeeze %dma_wait3A_236 : memref<1x!tpu.dma_semaphore, #tpu.memory_space<semaphore_mem>> -> memref<!tpu.dma_semaphore, #tpu.memory_space<semaphore_mem>>
      %dma_wait3A_238 = arith.constant 0 : i32
      %dma_wait3A_239 = arith.constant 0 : i32
      %dma_wait3A_240 = tpu.memref_slice %arg9[%select_n3A_226, %dma_wait3A_238, %dma_wait3A_239] : memref<2x128x128xf32, #tpu.memory_space<vmem>> -> memref<1x128x128xf32, #tpu.memory_space<vmem>>
      %dma_wait3A_241 = tpu.memref_squeeze %dma_wait3A_240 : memref<1x128x128xf32, #tpu.memory_space<vmem>> -> memref<128x128xf32, #tpu.memory_space<vmem>>
      %dma_wait3A_242 = arith.constant 0 : i32
      %dma_wait3A_243 = tpu.memref_slice %arg2[%mul3A_229, %dma_wait3A_242] : memref<80000x128xf32, #tpu.memory_space<hbm>> -> memref<128x128xf32, #tpu.memory_space<hbm>>
      tpu.wait_dma2 semaphore(%dma_wait3A_237 : memref<!tpu.dma_semaphore, #tpu.memory_space<semaphore_mem>>) src(%dma_wait3A_243 : memref<128x128xf32, #tpu.memory_space<hbm>>) dst(%dma_wait3A_241 : memref<128x128xf32, #tpu.memory_space<vmem>>)
      %dma_start3A_244 = arith.constant 0 : i32
      %dma_start3A_245 = arith.constant 0 : i32
      %dma_start3A_246 = arith.constant 0 : i32
      %dma_start3A_247 = tpu.memref_slice %arg9[%select_n3A_226, %dma_start3A_245, %dma_start3A_246] : memref<2x128x128xf32, #tpu.memory_space<vmem>> -> memref<1x128x128xf32, #tpu.memory_space<vmem>>
      %dma_start3A_248 = tpu.memref_squeeze %dma_start3A_247 : memref<1x128x128xf32, #tpu.memory_space<vmem>> -> memref<128x128xf32, #tpu.memory_space<vmem>>
      %dma_start3A_249 = arith.constant 0 : i32
      %dma_start3A_250 = tpu.memref_slice %arg7[%while3A_210, %dma_start3A_244, %dma_start3A_249] : memref<20x1x128xi32, #tpu.memory_space<vmem>> -> memref<1x1x128xi32, #tpu.memory_space<vmem>>
      %dma_start3A_251 = tpu.memref_squeeze %dma_start3A_250 : memref<1x1x128xi32, #tpu.memory_space<vmem>> -> memref<128xi32, #tpu.memory_space<vmem>>
      %dma_start3A_252 = arith.constant 0 : i32
      %dma_start3A_253 = arith.constant 0 : i32
      %dma_start3A_254 = tpu.memref_slice %arg10[%dma_start3A_252, %dma_start3A_253] : memref<10000x128xf32, #tpu.memory_space<vmem_shared>> -> memref<10000x128xf32, #tpu.memory_space<vmem_shared>>
      %dma_start3A_255 = tpu.memref_slice %arg12[%select_n3A_226] : memref<2x!tpu.dma_semaphore, #tpu.memory_space<semaphore_mem>> -> memref<1x!tpu.dma_semaphore, #tpu.memory_space<semaphore_mem>>
      %dma_start3A_256 = tpu.memref_squeeze %dma_start3A_255 : memref<1x!tpu.dma_semaphore, #tpu.memory_space<semaphore_mem>> -> memref<!tpu.dma_semaphore, #tpu.memory_space<semaphore_mem>>
      tpu.enqueue_indirect_dma source(%dma_start3A_248 : memref<128x128xf32, #tpu.memory_space<vmem>>) target(%dma_start3A_254 : memref<10000x128xf32, #tpu.memory_space<vmem_shared>>) offsets(%dma_start3A_251 : memref<128xi32, #tpu.memory_space<vmem>>) semaphore(%dma_start3A_256 : memref<!tpu.dma_semaphore, #tpu.memory_space<semaphore_mem>>) {add = true}
      %add3A_257 = arith.constant 1 : i32
      %add3A_258 = arith.addi %while3A_210, %add3A_257 : i32
      %lt3A_259 = arith.cmpi slt, %add3A_258, %add3A_8 : i32
      %convert_element_type3A_260 = arith.extui %lt3A_259 : i1 to i32
      %cond3A_261 = arith.constant 0 : i32
      %cond3A_262 = arith.cmpi ne, %convert_element_type3A_260, %cond3A_261 : i32
      scf.if %cond3A_262 {
        %add3A_263 = arith.constant 1 : i32
        %add3A_264 = arith.addi %while3A_210, %add3A_263 : i32
        %jit3A_265 = arith.constant 2 : i32
        %eq3A_266 = arith.constant 0 : i32
        %eq3A_267 = arith.cmpi eq, %jit3A_265, %eq3A_266 : i32
        %jit3A_268 = arith.constant 1 : i32
        %select_n3A_269 = arith.select %eq3A_267, %jit3A_268, %jit3A_265 : i32
        %rem3A_270 = arith.remsi %add3A_264, %select_n3A_269 : i32
        %ne3A_271 = arith.constant 0 : i32
        %ne3A_272 = arith.cmpi ne, %rem3A_270, %ne3A_271 : i32
        %lt3A_273 = arith.constant 0 : i32
        %lt3A_274 = arith.cmpi slt, %rem3A_270, %lt3A_273 : i32
        %lt3A_275 = arith.constant 0 : i32
        %lt3A_276 = arith.cmpi slt, %select_n3A_269, %lt3A_275 : i32
        %ne3A_277 = arith.xori %lt3A_274, %lt3A_276 : i1
        %and3A_278 = arith.andi %ne3A_277, %ne3A_272 : i1
        %add3A_279 = arith.addi %rem3A_270, %select_n3A_269 : i32
        %select_n3A_280 = arith.select %and3A_278, %add3A_279, %rem3A_270 : i32
        %add3A_281 = arith.constant 1 : i32
        %add3A_282 = arith.addi %while3A_210, %add3A_281 : i32
        %ge3A = arith.constant 2 : i32
        %ge3A_283 = arith.cmpi sge, %add3A_282, %ge3A : i32
        %convert_element_type3A_284 = arith.extui %ge3A_283 : i1 to i32
        %cond3A_285 = arith.constant 0 : i32
        %cond3A_286 = arith.cmpi ne, %convert_element_type3A_284, %cond3A_285 : i32
        scf.if %cond3A_286 {
          %sub3A_306 = arith.constant 1 : i32
          %sub3A_307 = arith.subi %while3A_210, %sub3A_306 : i32
          %dma_wait3A_308 = arith.constant 0 : i32
          %dma_wait3A_309 = arith.constant 0 : i32
          %dma_wait3A_310 = arith.constant 0 : i32
          %dma_wait3A_311 = tpu.memref_slice %arg9[%select_n3A_280, %dma_wait3A_309, %dma_wait3A_310] : memref<2x128x128xf32, #tpu.memory_space<vmem>> -> memref<1x128x128xf32, #tpu.memory_space<vmem>>
          %dma_wait3A_312 = tpu.memref_squeeze %dma_wait3A_311 : memref<1x128x128xf32, #tpu.memory_space<vmem>> -> memref<128x128xf32, #tpu.memory_space<vmem>>
          %dma_wait3A_313 = arith.constant 0 : i32
          %dma_wait3A_314 = tpu.memref_slice %arg7[%sub3A_307, %dma_wait3A_308, %dma_wait3A_313] : memref<20x1x128xi32, #tpu.memory_space<vmem>> -> memref<1x1x128xi32, #tpu.memory_space<vmem>>
          %dma_wait3A_315 = tpu.memref_squeeze %dma_wait3A_314 : memref<1x1x128xi32, #tpu.memory_space<vmem>> -> memref<128xi32, #tpu.memory_space<vmem>>
          %dma_wait3A_316 = arith.constant 0 : i32
          %dma_wait3A_317 = arith.constant 0 : i32
          %dma_wait3A_318 = tpu.memref_slice %arg10[%dma_wait3A_316, %dma_wait3A_317] : memref<10000x128xf32, #tpu.memory_space<vmem_shared>> -> memref<10000x128xf32, #tpu.memory_space<vmem_shared>>
          %dma_wait3A_319 = tpu.memref_slice %arg12[%select_n3A_280] : memref<2x!tpu.dma_semaphore, #tpu.memory_space<semaphore_mem>> -> memref<1x!tpu.dma_semaphore, #tpu.memory_space<semaphore_mem>>
          %dma_wait3A_320 = tpu.memref_squeeze %dma_wait3A_319 : memref<1x!tpu.dma_semaphore, #tpu.memory_space<semaphore_mem>> -> memref<!tpu.dma_semaphore, #tpu.memory_space<semaphore_mem>>
          tpu.wait_indirect_dma semaphore(%dma_wait3A_320 : memref<!tpu.dma_semaphore, #tpu.memory_space<semaphore_mem>>) src(%dma_wait3A_312 : memref<128x128xf32, #tpu.memory_space<vmem>>) dst(%dma_wait3A_318 : memref<10000x128xf32, #tpu.memory_space<vmem_shared>>)
        } else {
        }
        %add3A_287 = arith.addi %add3A_4, %while3A_210 : i32
        %add3A_288 = arith.constant 1 : i32
        %add3A_289 = arith.addi %add3A_287, %add3A_288 : i32
        %mul3A_290 = arith.constant 128 : i32
        %mul3A_291 = arith.muli %add3A_289, %mul3A_290 : i32
        %dma_start3A_292 = arith.constant 0 : i32
        %dma_start3A_293 = arith.constant 0 : i32
        %dma_start3A_294 = tpu.memref_slice %arg9[%select_n3A_280, %dma_start3A_292, %dma_start3A_293] : memref<2x128x128xf32, #tpu.memory_space<vmem>> -> memref<1x128x128xf32, #tpu.memory_space<vmem>>
        %dma_start3A_295 = tpu.memref_squeeze %dma_start3A_294 : memref<1x128x128xf32, #tpu.memory_space<vmem>> -> memref<128x128xf32, #tpu.memory_space<vmem>>
        %dma_start3A_296 = arith.constant 0 : i32
        %dma_start3A_297 = tpu.memref_slice %arg2[%mul3A_291, %dma_start3A_296] : memref<80000x128xf32, #tpu.memory_space<hbm>> -> memref<128x128xf32, #tpu.memory_space<hbm>>
        %dma_start3A_298 = tpu.memref_slice %arg11[%select_n3A_280] : memref<2x!tpu.dma_semaphore, #tpu.memory_space<semaphore_mem>> -> memref<1x!tpu.dma_semaphore, #tpu.memory_space<semaphore_mem>>
        %dma_start3A_299 = tpu.memref_squeeze %dma_start3A_298 : memref<1x!tpu.dma_semaphore, #tpu.memory_space<semaphore_mem>> -> memref<!tpu.dma_semaphore, #tpu.memory_space<semaphore_mem>>
        %dma_start3A_300 = arith.constant 0 : i32
        %dma_start3A_301 = arith.constant 0 : i32
        %dma_start3A_302 = tpu.memref_slice %arg9[%select_n3A_280, %dma_start3A_300, %dma_start3A_301] : memref<2x128x128xf32, #tpu.memory_space<vmem>> -> memref<1x128x128xf32, #tpu.memory_space<vmem>>
        %dma_start3A_303 = tpu.memref_squeeze %dma_start3A_302 : memref<1x128x128xf32, #tpu.memory_space<vmem>> -> memref<128x128xf32, #tpu.memory_space<vmem>>
        %dma_start3A_304 = arith.constant 0 : i32
        %dma_start3A_305 = tpu.memref_slice %arg2[%mul3A_291, %dma_start3A_304] : memref<80000x128xf32, #tpu.memory_space<hbm>> -> memref<128x128xf32, #tpu.memory_space<hbm>>
        tpu.enqueue_dma source(%dma_start3A_305 : memref<128x128xf32, #tpu.memory_space<hbm>>) target(%dma_start3A_303 : memref<128x128xf32, #tpu.memory_space<vmem>>) target_semaphore(%dma_start3A_299 : memref<!tpu.dma_semaphore, #tpu.memory_space<semaphore_mem>>)
      } else {
      }
    }
    %sub3A = arith.constant 2 : i32
    %sub3A_45 = arith.subi %add3A_8, %sub3A : i32
    %jit3A_46 = arith.constant 2 : i32
    %eq3A_47 = arith.constant 0 : i32
    %eq3A_48 = arith.cmpi eq, %jit3A_46, %eq3A_47 : i32
    %jit3A_49 = arith.constant 1 : i32
    %select_n3A_50 = arith.select %eq3A_48, %jit3A_49, %jit3A_46 : i32
    %rem3A = arith.remsi %sub3A_45, %select_n3A_50 : i32
    %ne3A = arith.constant 0 : i32
    %ne3A_51 = arith.cmpi ne, %rem3A, %ne3A : i32
    %lt3A_52 = arith.constant 0 : i32
    %lt3A_53 = arith.cmpi slt, %rem3A, %lt3A_52 : i32
    %lt3A_54 = arith.constant 0 : i32
    %lt3A_55 = arith.cmpi slt, %select_n3A_50, %lt3A_54 : i32
    %ne3A_56 = arith.xori %lt3A_53, %lt3A_55 : i1
    %and3A = arith.andi %ne3A_56, %ne3A_51 : i1
    %add3A_57 = arith.addi %rem3A, %select_n3A_50 : i32
    %select_n3A_58 = arith.select %and3A, %add3A_57, %rem3A : i32
    %sub3A_59 = arith.constant 2 : i32
    %sub3A_60 = arith.subi %add3A_8, %sub3A_59 : i32
    %dma_wait3A = arith.constant 0 : i32
    %dma_wait3A_61 = arith.constant 0 : i32
    %dma_wait3A_62 = arith.constant 0 : i32
    %dma_wait3A_63 = tpu.memref_slice %arg9[%select_n3A_58, %dma_wait3A_61, %dma_wait3A_62] : memref<2x128x128xf32, #tpu.memory_space<vmem>> -> memref<1x128x128xf32, #tpu.memory_space<vmem>>
    %dma_wait3A_64 = tpu.memref_squeeze %dma_wait3A_63 : memref<1x128x128xf32, #tpu.memory_space<vmem>> -> memref<128x128xf32, #tpu.memory_space<vmem>>
    %dma_wait3A_65 = arith.constant 0 : i32
    %dma_wait3A_66 = tpu.memref_slice %arg7[%sub3A_60, %dma_wait3A, %dma_wait3A_65] : memref<20x1x128xi32, #tpu.memory_space<vmem>> -> memref<1x1x128xi32, #tpu.memory_space<vmem>>
    %dma_wait3A_67 = tpu.memref_squeeze %dma_wait3A_66 : memref<1x1x128xi32, #tpu.memory_space<vmem>> -> memref<128xi32, #tpu.memory_space<vmem>>
    %dma_wait3A_68 = arith.constant 0 : i32
    %dma_wait3A_69 = arith.constant 0 : i32
    %dma_wait3A_70 = tpu.memref_slice %arg10[%dma_wait3A_68, %dma_wait3A_69] : memref<10000x128xf32, #tpu.memory_space<vmem_shared>> -> memref<10000x128xf32, #tpu.memory_space<vmem_shared>>
    %dma_wait3A_71 = tpu.memref_slice %arg12[%select_n3A_58] : memref<2x!tpu.dma_semaphore, #tpu.memory_space<semaphore_mem>> -> memref<1x!tpu.dma_semaphore, #tpu.memory_space<semaphore_mem>>
    %dma_wait3A_72 = tpu.memref_squeeze %dma_wait3A_71 : memref<1x!tpu.dma_semaphore, #tpu.memory_space<semaphore_mem>> -> memref<!tpu.dma_semaphore, #tpu.memory_space<semaphore_mem>>
    tpu.wait_indirect_dma semaphore(%dma_wait3A_72 : memref<!tpu.dma_semaphore, #tpu.memory_space<semaphore_mem>>) src(%dma_wait3A_64 : memref<128x128xf32, #tpu.memory_space<vmem>>) dst(%dma_wait3A_70 : memref<10000x128xf32, #tpu.memory_space<vmem_shared>>)
    %sub3A_73 = arith.constant 1 : i32
    %sub3A_74 = arith.subi %add3A_8, %sub3A_73 : i32
    %jit3A_75 = arith.constant 2 : i32
    %eq3A_76 = arith.constant 0 : i32
    %eq3A_77 = arith.cmpi eq, %jit3A_75, %eq3A_76 : i32
    %jit3A_78 = arith.constant 1 : i32
    %select_n3A_79 = arith.select %eq3A_77, %jit3A_78, %jit3A_75 : i32
    %rem3A_80 = arith.remsi %sub3A_74, %select_n3A_79 : i32
    %ne3A_81 = arith.constant 0 : i32
    %ne3A_82 = arith.cmpi ne, %rem3A_80, %ne3A_81 : i32
    %lt3A_83 = arith.constant 0 : i32
    %lt3A_84 = arith.cmpi slt, %rem3A_80, %lt3A_83 : i32
    %lt3A_85 = arith.constant 0 : i32
    %lt3A_86 = arith.cmpi slt, %select_n3A_79, %lt3A_85 : i32
    %ne3A_87 = arith.xori %lt3A_84, %lt3A_86 : i1
    %and3A_88 = arith.andi %ne3A_87, %ne3A_82 : i1
    %add3A_89 = arith.addi %rem3A_80, %select_n3A_79 : i32
    %select_n3A_90 = arith.select %and3A_88, %add3A_89, %rem3A_80 : i32
    %sub3A_91 = arith.constant 1 : i32
    %sub3A_92 = arith.subi %add3A_8, %sub3A_91 : i32
    %dma_wait3A_93 = arith.constant 0 : i32
    %dma_wait3A_94 = arith.constant 0 : i32
    %dma_wait3A_95 = arith.constant 0 : i32
    %dma_wait3A_96 = tpu.memref_slice %arg9[%select_n3A_90, %dma_wait3A_94, %dma_wait3A_95] : memref<2x128x128xf32, #tpu.memory_space<vmem>> -> memref<1x128x128xf32, #tpu.memory_space<vmem>>
    %dma_wait3A_97 = tpu.memref_squeeze %dma_wait3A_96 : memref<1x128x128xf32, #tpu.memory_space<vmem>> -> memref<128x128xf32, #tpu.memory_space<vmem>>
    %dma_wait3A_98 = arith.constant 0 : i32
    %dma_wait3A_99 = tpu.memref_slice %arg7[%sub3A_92, %dma_wait3A_93, %dma_wait3A_98] : memref<20x1x128xi32, #tpu.memory_space<vmem>> -> memref<1x1x128xi32, #tpu.memory_space<vmem>>
    %dma_wait3A_100 = tpu.memref_squeeze %dma_wait3A_99 : memref<1x1x128xi32, #tpu.memory_space<vmem>> -> memref<128xi32, #tpu.memory_space<vmem>>
    %dma_wait3A_101 = arith.constant 0 : i32
    %dma_wait3A_102 = arith.constant 0 : i32
    %dma_wait3A_103 = tpu.memref_slice %arg10[%dma_wait3A_101, %dma_wait3A_102] : memref<10000x128xf32, #tpu.memory_space<vmem_shared>> -> memref<10000x128xf32, #tpu.memory_space<vmem_shared>>
    %dma_wait3A_104 = tpu.memref_slice %arg12[%select_n3A_90] : memref<2x!tpu.dma_semaphore, #tpu.memory_space<semaphore_mem>> -> memref<1x!tpu.dma_semaphore, #tpu.memory_space<semaphore_mem>>
    %dma_wait3A_105 = tpu.memref_squeeze %dma_wait3A_104 : memref<1x!tpu.dma_semaphore, #tpu.memory_space<semaphore_mem>> -> memref<!tpu.dma_semaphore, #tpu.memory_space<semaphore_mem>>
    tpu.wait_indirect_dma semaphore(%dma_wait3A_105 : memref<!tpu.dma_semaphore, #tpu.memory_space<semaphore_mem>>) src(%dma_wait3A_97 : memref<128x128xf32, #tpu.memory_space<vmem>>) dst(%dma_wait3A_103 : memref<10000x128xf32, #tpu.memory_space<vmem_shared>>)
    %mul3A_106 = arith.constant 128 : i32
    %mul3A_107 = arith.muli %add3A_4, %mul3A_106 : i32
    %dma_start3A_108 = arith.constant 0 : i32
    %dma_start3A_109 = arith.constant 0 : i32
    %dma_start3A_110 = arith.constant 0 : i32
    %dma_start3A_111 = arith.constant 0 : i32
    %dma_start3A_112 = tpu.memref_slice %arg9[%dma_start3A_108, %dma_start3A_110, %dma_start3A_111] : memref<2x128x128xf32, #tpu.memory_space<vmem>> -> memref<1x128x128xf32, #tpu.memory_space<vmem>>
    %dma_start3A_113 = tpu.memref_squeeze %dma_start3A_112 : memref<1x128x128xf32, #tpu.memory_space<vmem>> -> memref<128x128xf32, #tpu.memory_space<vmem>>
    %dma_start3A_114 = arith.constant 0 : i32
    %dma_start3A_115 = tpu.memref_slice %arg3[%mul3A_107, %dma_start3A_114] : memref<80000x128xf32, #tpu.memory_space<hbm>> -> memref<128x128xf32, #tpu.memory_space<hbm>>
    %dma_start3A_116 = tpu.memref_slice %arg11[%dma_start3A_109] : memref<2x!tpu.dma_semaphore, #tpu.memory_space<semaphore_mem>> -> memref<1x!tpu.dma_semaphore, #tpu.memory_space<semaphore_mem>>
    %dma_start3A_117 = tpu.memref_squeeze %dma_start3A_116 : memref<1x!tpu.dma_semaphore, #tpu.memory_space<semaphore_mem>> -> memref<!tpu.dma_semaphore, #tpu.memory_space<semaphore_mem>>
    %dma_start3A_118 = arith.constant 0 : i32
    %dma_start3A_119 = arith.constant 0 : i32
    %dma_start3A_120 = tpu.memref_slice %arg9[%dma_start3A_108, %dma_start3A_118, %dma_start3A_119] : memref<2x128x128xf32, #tpu.memory_space<vmem>> -> memref<1x128x128xf32, #tpu.memory_space<vmem>>
    %dma_start3A_121 = tpu.memref_squeeze %dma_start3A_120 : memref<1x128x128xf32, #tpu.memory_space<vmem>> -> memref<128x128xf32, #tpu.memory_space<vmem>>
    %dma_start3A_122 = arith.constant 0 : i32
    %dma_start3A_123 = tpu.memref_slice %arg3[%mul3A_107, %dma_start3A_122] : memref<80000x128xf32, #tpu.memory_space<hbm>> -> memref<128x128xf32, #tpu.memory_space<hbm>>
    tpu.enqueue_dma source(%dma_start3A_123 : memref<128x128xf32, #tpu.memory_space<hbm>>) target(%dma_start3A_121 : memref<128x128xf32, #tpu.memory_space<vmem>>) target_semaphore(%dma_start3A_117 : memref<!tpu.dma_semaphore, #tpu.memory_space<semaphore_mem>>)
    %while3A_124 = arith.constant 0 : i32
    %while3A_125 = arith.constant 0 : i32
    %while3A_126 = arith.subi %add3A_8, %while3A_125 : i32
    %while3A_127 = arith.addi %while3A_125, %while3A_126 : i32
    %while3A_128 = arith.constant 1 : i32
    %while3A_129 = arith.divsi %while3A_126, %while3A_128 : i32
    %while3A_130 = arith.muli %while3A_129, %while3A_128 : i32
    %while3A_131 = arith.addi %while3A_125, %while3A_130 : i32
    %while3A_132 = arith.constant 1 : i32
    scf.for %while3A_210 = %while3A_125 to %while3A_131 step %while3A_132  : i32 {
      %jit3A_211 = arith.constant 2 : i32
      %eq3A_212 = arith.constant 0 : i32
      %eq3A_213 = arith.cmpi eq, %jit3A_211, %eq3A_212 : i32
      %jit3A_214 = arith.constant 1 : i32
      %select_n3A_215 = arith.select %eq3A_213, %jit3A_214, %jit3A_211 : i32
      %rem3A_216 = arith.remsi %while3A_210, %select_n3A_215 : i32
      %ne3A_217 = arith.constant 0 : i32
      %ne3A_218 = arith.cmpi ne, %rem3A_216, %ne3A_217 : i32
      %lt3A_219 = arith.constant 0 : i32
      %lt3A_220 = arith.cmpi slt, %rem3A_216, %lt3A_219 : i32
      %lt3A_221 = arith.constant 0 : i32
      %lt3A_222 = arith.cmpi slt, %select_n3A_215, %lt3A_221 : i32
      %ne3A_223 = arith.xori %lt3A_220, %lt3A_222 : i1
      %and3A_224 = arith.andi %ne3A_223, %ne3A_218 : i1
      %add3A_225 = arith.addi %rem3A_216, %select_n3A_215 : i32
      %select_n3A_226 = arith.select %and3A_224, %add3A_225, %rem3A_216 : i32
      %add3A_227 = arith.addi %add3A_4, %while3A_210 : i32
      %mul3A_228 = arith.constant 128 : i32
      %mul3A_229 = arith.muli %add3A_227, %mul3A_228 : i32
      %dma_wait3A_230 = arith.constant 0 : i32
      %dma_wait3A_231 = arith.constant 0 : i32
      %dma_wait3A_232 = tpu.memref_slice %arg9[%select_n3A_226, %dma_wait3A_230, %dma_wait3A_231] : memref<2x128x128xf32, #tpu.memory_space<vmem>> -> memref<1x128x128xf32, #tpu.memory_space<vmem>>
      %dma_wait3A_233 = tpu.memref_squeeze %dma_wait3A_232 : memref<1x128x128xf32, #tpu.memory_space<vmem>> -> memref<128x128xf32, #tpu.memory_space<vmem>>
      %dma_wait3A_234 = arith.constant 0 : i32
      %dma_wait3A_235 = tpu.memref_slice %arg3[%mul3A_229, %dma_wait3A_234] : memref<80000x128xf32, #tpu.memory_space<hbm>> -> memref<128x128xf32, #tpu.memory_space<hbm>>
      %dma_wait3A_236 = tpu.memref_slice %arg11[%select_n3A_226] : memref<2x!tpu.dma_semaphore, #tpu.memory_space<semaphore_mem>> -> memref<1x!tpu.dma_semaphore, #tpu.memory_space<semaphore_mem>>
      %dma_wait3A_237 = tpu.memref_squeeze %dma_wait3A_236 : memref<1x!tpu.dma_semaphore, #tpu.memory_space<semaphore_mem>> -> memref<!tpu.dma_semaphore, #tpu.memory_space<semaphore_mem>>
      %dma_wait3A_238 = arith.constant 0 : i32
      %dma_wait3A_239 = arith.constant 0 : i32
      %dma_wait3A_240 = tpu.memref_slice %arg9[%select_n3A_226, %dma_wait3A_238, %dma_wait3A_239] : memref<2x128x128xf32, #tpu.memory_space<vmem>> -> memref<1x128x128xf32, #tpu.memory_space<vmem>>
      %dma_wait3A_241 = tpu.memref_squeeze %dma_wait3A_240 : memref<1x128x128xf32, #tpu.memory_space<vmem>> -> memref<128x128xf32, #tpu.memory_space<vmem>>
      %dma_wait3A_242 = arith.constant 0 : i32
      %dma_wait3A_243 = tpu.memref_slice %arg3[%mul3A_229, %dma_wait3A_242] : memref<80000x128xf32, #tpu.memory_space<hbm>> -> memref<128x128xf32, #tpu.memory_space<hbm>>
      tpu.wait_dma2 semaphore(%dma_wait3A_237 : memref<!tpu.dma_semaphore, #tpu.memory_space<semaphore_mem>>) src(%dma_wait3A_243 : memref<128x128xf32, #tpu.memory_space<hbm>>) dst(%dma_wait3A_241 : memref<128x128xf32, #tpu.memory_space<vmem>>)
      %dma_start3A_244 = arith.constant 0 : i32
      %dma_start3A_245 = arith.constant 0 : i32
      %dma_start3A_246 = arith.constant 0 : i32
      %dma_start3A_247 = tpu.memref_slice %arg9[%select_n3A_226, %dma_start3A_245, %dma_start3A_246] : memref<2x128x128xf32, #tpu.memory_space<vmem>> -> memref<1x128x128xf32, #tpu.memory_space<vmem>>
      %dma_start3A_248 = tpu.memref_squeeze %dma_start3A_247 : memref<1x128x128xf32, #tpu.memory_space<vmem>> -> memref<128x128xf32, #tpu.memory_space<vmem>>
      %dma_start3A_249 = arith.constant 0 : i32
      %dma_start3A_250 = tpu.memref_slice %arg8[%while3A_210, %dma_start3A_244, %dma_start3A_249] : memref<20x1x128xi32, #tpu.memory_space<vmem>> -> memref<1x1x128xi32, #tpu.memory_space<vmem>>
      %dma_start3A_251 = tpu.memref_squeeze %dma_start3A_250 : memref<1x1x128xi32, #tpu.memory_space<vmem>> -> memref<128xi32, #tpu.memory_space<vmem>>
      %dma_start3A_252 = arith.constant 0 : i32
      %dma_start3A_253 = arith.constant 0 : i32
      %dma_start3A_254 = tpu.memref_slice %arg10[%dma_start3A_252, %dma_start3A_253] : memref<10000x128xf32, #tpu.memory_space<vmem_shared>> -> memref<10000x128xf32, #tpu.memory_space<vmem_shared>>
      %dma_start3A_255 = tpu.memref_slice %arg12[%select_n3A_226] : memref<2x!tpu.dma_semaphore, #tpu.memory_space<semaphore_mem>> -> memref<1x!tpu.dma_semaphore, #tpu.memory_space<semaphore_mem>>
      %dma_start3A_256 = tpu.memref_squeeze %dma_start3A_255 : memref<1x!tpu.dma_semaphore, #tpu.memory_space<semaphore_mem>> -> memref<!tpu.dma_semaphore, #tpu.memory_space<semaphore_mem>>
      tpu.enqueue_indirect_dma source(%dma_start3A_248 : memref<128x128xf32, #tpu.memory_space<vmem>>) target(%dma_start3A_254 : memref<10000x128xf32, #tpu.memory_space<vmem_shared>>) offsets(%dma_start3A_251 : memref<128xi32, #tpu.memory_space<vmem>>) semaphore(%dma_start3A_256 : memref<!tpu.dma_semaphore, #tpu.memory_space<semaphore_mem>>) {add = true}
      %add3A_257 = arith.constant 1 : i32
      %add3A_258 = arith.addi %while3A_210, %add3A_257 : i32
      %lt3A_259 = arith.cmpi slt, %add3A_258, %add3A_8 : i32
      %convert_element_type3A_260 = arith.extui %lt3A_259 : i1 to i32
      %cond3A_261 = arith.constant 0 : i32
      %cond3A_262 = arith.cmpi ne, %convert_element_type3A_260, %cond3A_261 : i32
      scf.if %cond3A_262 {
        %add3A_263 = arith.constant 1 : i32
        %add3A_264 = arith.addi %while3A_210, %add3A_263 : i32
        %jit3A_265 = arith.constant 2 : i32
        %eq3A_266 = arith.constant 0 : i32
        %eq3A_267 = arith.cmpi eq, %jit3A_265, %eq3A_266 : i32
        %jit3A_268 = arith.constant 1 : i32
        %select_n3A_269 = arith.select %eq3A_267, %jit3A_268, %jit3A_265 : i32
        %rem3A_270 = arith.remsi %add3A_264, %select_n3A_269 : i32
        %ne3A_271 = arith.constant 0 : i32
        %ne3A_272 = arith.cmpi ne, %rem3A_270, %ne3A_271 : i32
        %lt3A_273 = arith.constant 0 : i32
        %lt3A_274 = arith.cmpi slt, %rem3A_270, %lt3A_273 : i32
        %lt3A_275 = arith.constant 0 : i32
        %lt3A_276 = arith.cmpi slt, %select_n3A_269, %lt3A_275 : i32
        %ne3A_277 = arith.xori %lt3A_274, %lt3A_276 : i1
        %and3A_278 = arith.andi %ne3A_277, %ne3A_272 : i1
        %add3A_279 = arith.addi %rem3A_270, %select_n3A_269 : i32
        %select_n3A_280 = arith.select %and3A_278, %add3A_279, %rem3A_270 : i32
        %add3A_281 = arith.constant 1 : i32
        %add3A_282 = arith.addi %while3A_210, %add3A_281 : i32
        %ge3A = arith.constant 2 : i32
        %ge3A_283 = arith.cmpi sge, %add3A_282, %ge3A : i32
        %convert_element_type3A_284 = arith.extui %ge3A_283 : i1 to i32
        %cond3A_285 = arith.constant 0 : i32
        %cond3A_286 = arith.cmpi ne, %convert_element_type3A_284, %cond3A_285 : i32
        scf.if %cond3A_286 {
          %sub3A_306 = arith.constant 1 : i32
          %sub3A_307 = arith.subi %while3A_210, %sub3A_306 : i32
          %dma_wait3A_308 = arith.constant 0 : i32
          %dma_wait3A_309 = arith.constant 0 : i32
          %dma_wait3A_310 = arith.constant 0 : i32
          %dma_wait3A_311 = tpu.memref_slice %arg9[%select_n3A_280, %dma_wait3A_309, %dma_wait3A_310] : memref<2x128x128xf32, #tpu.memory_space<vmem>> -> memref<1x128x128xf32, #tpu.memory_space<vmem>>
          %dma_wait3A_312 = tpu.memref_squeeze %dma_wait3A_311 : memref<1x128x128xf32, #tpu.memory_space<vmem>> -> memref<128x128xf32, #tpu.memory_space<vmem>>
          %dma_wait3A_313 = arith.constant 0 : i32
          %dma_wait3A_314 = tpu.memref_slice %arg8[%sub3A_307, %dma_wait3A_308, %dma_wait3A_313] : memref<20x1x128xi32, #tpu.memory_space<vmem>> -> memref<1x1x128xi32, #tpu.memory_space<vmem>>
          %dma_wait3A_315 = tpu.memref_squeeze %dma_wait3A_314 : memref<1x1x128xi32, #tpu.memory_space<vmem>> -> memref<128xi32, #tpu.memory_space<vmem>>
          %dma_wait3A_316 = arith.constant 0 : i32
          %dma_wait3A_317 = arith.constant 0 : i32
          %dma_wait3A_318 = tpu.memref_slice %arg10[%dma_wait3A_316, %dma_wait3A_317] : memref<10000x128xf32, #tpu.memory_space<vmem_shared>> -> memref<10000x128xf32, #tpu.memory_space<vmem_shared>>
          %dma_wait3A_319 = tpu.memref_slice %arg12[%select_n3A_280] : memref<2x!tpu.dma_semaphore, #tpu.memory_space<semaphore_mem>> -> memref<1x!tpu.dma_semaphore, #tpu.memory_space<semaphore_mem>>
          %dma_wait3A_320 = tpu.memref_squeeze %dma_wait3A_319 : memref<1x!tpu.dma_semaphore, #tpu.memory_space<semaphore_mem>> -> memref<!tpu.dma_semaphore, #tpu.memory_space<semaphore_mem>>
          tpu.wait_indirect_dma semaphore(%dma_wait3A_320 : memref<!tpu.dma_semaphore, #tpu.memory_space<semaphore_mem>>) src(%dma_wait3A_312 : memref<128x128xf32, #tpu.memory_space<vmem>>) dst(%dma_wait3A_318 : memref<10000x128xf32, #tpu.memory_space<vmem_shared>>)
        } else {
        }
        %add3A_287 = arith.addi %add3A_4, %while3A_210 : i32
        %add3A_288 = arith.constant 1 : i32
        %add3A_289 = arith.addi %add3A_287, %add3A_288 : i32
        %mul3A_290 = arith.constant 128 : i32
        %mul3A_291 = arith.muli %add3A_289, %mul3A_290 : i32
        %dma_start3A_292 = arith.constant 0 : i32
        %dma_start3A_293 = arith.constant 0 : i32
        %dma_start3A_294 = tpu.memref_slice %arg9[%select_n3A_280, %dma_start3A_292, %dma_start3A_293] : memref<2x128x128xf32, #tpu.memory_space<vmem>> -> memref<1x128x128xf32, #tpu.memory_space<vmem>>
        %dma_start3A_295 = tpu.memref_squeeze %dma_start3A_294 : memref<1x128x128xf32, #tpu.memory_space<vmem>> -> memref<128x128xf32, #tpu.memory_space<vmem>>
        %dma_start3A_296 = arith.constant 0 : i32
        %dma_start3A_297 = tpu.memref_slice %arg3[%mul3A_291, %dma_start3A_296] : memref<80000x128xf32, #tpu.memory_space<hbm>> -> memref<128x128xf32, #tpu.memory_space<hbm>>
        %dma_start3A_298 = tpu.memref_slice %arg11[%select_n3A_280] : memref<2x!tpu.dma_semaphore, #tpu.memory_space<semaphore_mem>> -> memref<1x!tpu.dma_semaphore, #tpu.memory_space<semaphore_mem>>
        %dma_start3A_299 = tpu.memref_squeeze %dma_start3A_298 : memref<1x!tpu.dma_semaphore, #tpu.memory_space<semaphore_mem>> -> memref<!tpu.dma_semaphore, #tpu.memory_space<semaphore_mem>>
        %dma_start3A_300 = arith.constant 0 : i32
        %dma_start3A_301 = arith.constant 0 : i32
        %dma_start3A_302 = tpu.memref_slice %arg9[%select_n3A_280, %dma_start3A_300, %dma_start3A_301] : memref<2x128x128xf32, #tpu.memory_space<vmem>> -> memref<1x128x128xf32, #tpu.memory_space<vmem>>
        %dma_start3A_303 = tpu.memref_squeeze %dma_start3A_302 : memref<1x128x128xf32, #tpu.memory_space<vmem>> -> memref<128x128xf32, #tpu.memory_space<vmem>>
        %dma_start3A_304 = arith.constant 0 : i32
        %dma_start3A_305 = tpu.memref_slice %arg3[%mul3A_291, %dma_start3A_304] : memref<80000x128xf32, #tpu.memory_space<hbm>> -> memref<128x128xf32, #tpu.memory_space<hbm>>
        tpu.enqueue_dma source(%dma_start3A_305 : memref<128x128xf32, #tpu.memory_space<hbm>>) target(%dma_start3A_303 : memref<128x128xf32, #tpu.memory_space<vmem>>) target_semaphore(%dma_start3A_299 : memref<!tpu.dma_semaphore, #tpu.memory_space<semaphore_mem>>)
      } else {
      }
    }
    %while3A_133 = arith.constant 1 : i32
    scf.for %while3A_210 = %while3A_131 to %while3A_127 step %while3A_133  : i32 {
      %jit3A_211 = arith.constant 2 : i32
      %eq3A_212 = arith.constant 0 : i32
      %eq3A_213 = arith.cmpi eq, %jit3A_211, %eq3A_212 : i32
      %jit3A_214 = arith.constant 1 : i32
      %select_n3A_215 = arith.select %eq3A_213, %jit3A_214, %jit3A_211 : i32
      %rem3A_216 = arith.remsi %while3A_210, %select_n3A_215 : i32
      %ne3A_217 = arith.constant 0 : i32
      %ne3A_218 = arith.cmpi ne, %rem3A_216, %ne3A_217 : i32
      %lt3A_219 = arith.constant 0 : i32
      %lt3A_220 = arith.cmpi slt, %rem3A_216, %lt3A_219 : i32
      %lt3A_221 = arith.constant 0 : i32
      %lt3A_222 = arith.cmpi slt, %select_n3A_215, %lt3A_221 : i32
      %ne3A_223 = arith.xori %lt3A_220, %lt3A_222 : i1
      %and3A_224 = arith.andi %ne3A_223, %ne3A_218 : i1
      %add3A_225 = arith.addi %rem3A_216, %select_n3A_215 : i32
      %select_n3A_226 = arith.select %and3A_224, %add3A_225, %rem3A_216 : i32
      %add3A_227 = arith.addi %add3A_4, %while3A_210 : i32
      %mul3A_228 = arith.constant 128 : i32
      %mul3A_229 = arith.muli %add3A_227, %mul3A_228 : i32
      %dma_wait3A_230 = arith.constant 0 : i32
      %dma_wait3A_231 = arith.constant 0 : i32
      %dma_wait3A_232 = tpu.memref_slice %arg9[%select_n3A_226, %dma_wait3A_230, %dma_wait3A_231] : memref<2x128x128xf32, #tpu.memory_space<vmem>> -> memref<1x128x128xf32, #tpu.memory_space<vmem>>
      %dma_wait3A_233 = tpu.memref_squeeze %dma_wait3A_232 : memref<1x128x128xf32, #tpu.memory_space<vmem>> -> memref<128x128xf32, #tpu.memory_space<vmem>>
      %dma_wait3A_234 = arith.constant 0 : i32
      %dma_wait3A_235 = tpu.memref_slice %arg3[%mul3A_229, %dma_wait3A_234] : memref<80000x128xf32, #tpu.memory_space<hbm>> -> memref<128x128xf32, #tpu.memory_space<hbm>>
      %dma_wait3A_236 = tpu.memref_slice %arg11[%select_n3A_226] : memref<2x!tpu.dma_semaphore, #tpu.memory_space<semaphore_mem>> -> memref<1x!tpu.dma_semaphore, #tpu.memory_space<semaphore_mem>>
      %dma_wait3A_237 = tpu.memref_squeeze %dma_wait3A_236 : memref<1x!tpu.dma_semaphore, #tpu.memory_space<semaphore_mem>> -> memref<!tpu.dma_semaphore, #tpu.memory_space<semaphore_mem>>
      %dma_wait3A_238 = arith.constant 0 : i32
      %dma_wait3A_239 = arith.constant 0 : i32
      %dma_wait3A_240 = tpu.memref_slice %arg9[%select_n3A_226, %dma_wait3A_238, %dma_wait3A_239] : memref<2x128x128xf32, #tpu.memory_space<vmem>> -> memref<1x128x128xf32, #tpu.memory_space<vmem>>
      %dma_wait3A_241 = tpu.memref_squeeze %dma_wait3A_240 : memref<1x128x128xf32, #tpu.memory_space<vmem>> -> memref<128x128xf32, #tpu.memory_space<vmem>>
      %dma_wait3A_242 = arith.constant 0 : i32
      %dma_wait3A_243 = tpu.memref_slice %arg3[%mul3A_229, %dma_wait3A_242] : memref<80000x128xf32, #tpu.memory_space<hbm>> -> memref<128x128xf32, #tpu.memory_space<hbm>>
      tpu.wait_dma2 semaphore(%dma_wait3A_237 : memref<!tpu.dma_semaphore, #tpu.memory_space<semaphore_mem>>) src(%dma_wait3A_243 : memref<128x128xf32, #tpu.memory_space<hbm>>) dst(%dma_wait3A_241 : memref<128x128xf32, #tpu.memory_space<vmem>>)
      %dma_start3A_244 = arith.constant 0 : i32
      %dma_start3A_245 = arith.constant 0 : i32
      %dma_start3A_246 = arith.constant 0 : i32
      %dma_start3A_247 = tpu.memref_slice %arg9[%select_n3A_226, %dma_start3A_245, %dma_start3A_246] : memref<2x128x128xf32, #tpu.memory_space<vmem>> -> memref<1x128x128xf32, #tpu.memory_space<vmem>>
      %dma_start3A_248 = tpu.memref_squeeze %dma_start3A_247 : memref<1x128x128xf32, #tpu.memory_space<vmem>> -> memref<128x128xf32, #tpu.memory_space<vmem>>
      %dma_start3A_249 = arith.constant 0 : i32
      %dma_start3A_250 = tpu.memref_slice %arg8[%while3A_210, %dma_start3A_244, %dma_start3A_249] : memref<20x1x128xi32, #tpu.memory_space<vmem>> -> memref<1x1x128xi32, #tpu.memory_space<vmem>>
      %dma_start3A_251 = tpu.memref_squeeze %dma_start3A_250 : memref<1x1x128xi32, #tpu.memory_space<vmem>> -> memref<128xi32, #tpu.memory_space<vmem>>
      %dma_start3A_252 = arith.constant 0 : i32
      %dma_start3A_253 = arith.constant 0 : i32
      %dma_start3A_254 = tpu.memref_slice %arg10[%dma_start3A_252, %dma_start3A_253] : memref<10000x128xf32, #tpu.memory_space<vmem_shared>> -> memref<10000x128xf32, #tpu.memory_space<vmem_shared>>
      %dma_start3A_255 = tpu.memref_slice %arg12[%select_n3A_226] : memref<2x!tpu.dma_semaphore, #tpu.memory_space<semaphore_mem>> -> memref<1x!tpu.dma_semaphore, #tpu.memory_space<semaphore_mem>>
      %dma_start3A_256 = tpu.memref_squeeze %dma_start3A_255 : memref<1x!tpu.dma_semaphore, #tpu.memory_space<semaphore_mem>> -> memref<!tpu.dma_semaphore, #tpu.memory_space<semaphore_mem>>
      tpu.enqueue_indirect_dma source(%dma_start3A_248 : memref<128x128xf32, #tpu.memory_space<vmem>>) target(%dma_start3A_254 : memref<10000x128xf32, #tpu.memory_space<vmem_shared>>) offsets(%dma_start3A_251 : memref<128xi32, #tpu.memory_space<vmem>>) semaphore(%dma_start3A_256 : memref<!tpu.dma_semaphore, #tpu.memory_space<semaphore_mem>>) {add = true}
      %add3A_257 = arith.constant 1 : i32
      %add3A_258 = arith.addi %while3A_210, %add3A_257 : i32
      %lt3A_259 = arith.cmpi slt, %add3A_258, %add3A_8 : i32
      %convert_element_type3A_260 = arith.extui %lt3A_259 : i1 to i32
      %cond3A_261 = arith.constant 0 : i32
      %cond3A_262 = arith.cmpi ne, %convert_element_type3A_260, %cond3A_261 : i32
      scf.if %cond3A_262 {
        %add3A_263 = arith.constant 1 : i32
        %add3A_264 = arith.addi %while3A_210, %add3A_263 : i32
        %jit3A_265 = arith.constant 2 : i32
        %eq3A_266 = arith.constant 0 : i32
        %eq3A_267 = arith.cmpi eq, %jit3A_265, %eq3A_266 : i32
        %jit3A_268 = arith.constant 1 : i32
        %select_n3A_269 = arith.select %eq3A_267, %jit3A_268, %jit3A_265 : i32
        %rem3A_270 = arith.remsi %add3A_264, %select_n3A_269 : i32
        %ne3A_271 = arith.constant 0 : i32
        %ne3A_272 = arith.cmpi ne, %rem3A_270, %ne3A_271 : i32
        %lt3A_273 = arith.constant 0 : i32
        %lt3A_274 = arith.cmpi slt, %rem3A_270, %lt3A_273 : i32
        %lt3A_275 = arith.constant 0 : i32
        %lt3A_276 = arith.cmpi slt, %select_n3A_269, %lt3A_275 : i32
        %ne3A_277 = arith.xori %lt3A_274, %lt3A_276 : i1
        %and3A_278 = arith.andi %ne3A_277, %ne3A_272 : i1
        %add3A_279 = arith.addi %rem3A_270, %select_n3A_269 : i32
        %select_n3A_280 = arith.select %and3A_278, %add3A_279, %rem3A_270 : i32
        %add3A_281 = arith.constant 1 : i32
        %add3A_282 = arith.addi %while3A_210, %add3A_281 : i32
        %ge3A = arith.constant 2 : i32
        %ge3A_283 = arith.cmpi sge, %add3A_282, %ge3A : i32
        %convert_element_type3A_284 = arith.extui %ge3A_283 : i1 to i32
        %cond3A_285 = arith.constant 0 : i32
        %cond3A_286 = arith.cmpi ne, %convert_element_type3A_284, %cond3A_285 : i32
        scf.if %cond3A_286 {
          %sub3A_306 = arith.constant 1 : i32
          %sub3A_307 = arith.subi %while3A_210, %sub3A_306 : i32
          %dma_wait3A_308 = arith.constant 0 : i32
          %dma_wait3A_309 = arith.constant 0 : i32
          %dma_wait3A_310 = arith.constant 0 : i32
          %dma_wait3A_311 = tpu.memref_slice %arg9[%select_n3A_280, %dma_wait3A_309, %dma_wait3A_310] : memref<2x128x128xf32, #tpu.memory_space<vmem>> -> memref<1x128x128xf32, #tpu.memory_space<vmem>>
          %dma_wait3A_312 = tpu.memref_squeeze %dma_wait3A_311 : memref<1x128x128xf32, #tpu.memory_space<vmem>> -> memref<128x128xf32, #tpu.memory_space<vmem>>
          %dma_wait3A_313 = arith.constant 0 : i32
          %dma_wait3A_314 = tpu.memref_slice %arg8[%sub3A_307, %dma_wait3A_308, %dma_wait3A_313] : memref<20x1x128xi32, #tpu.memory_space<vmem>> -> memref<1x1x128xi32, #tpu.memory_space<vmem>>
          %dma_wait3A_315 = tpu.memref_squeeze %dma_wait3A_314 : memref<1x1x128xi32, #tpu.memory_space<vmem>> -> memref<128xi32, #tpu.memory_space<vmem>>
          %dma_wait3A_316 = arith.constant 0 : i32
          %dma_wait3A_317 = arith.constant 0 : i32
          %dma_wait3A_318 = tpu.memref_slice %arg10[%dma_wait3A_316, %dma_wait3A_317] : memref<10000x128xf32, #tpu.memory_space<vmem_shared>> -> memref<10000x128xf32, #tpu.memory_space<vmem_shared>>
          %dma_wait3A_319 = tpu.memref_slice %arg12[%select_n3A_280] : memref<2x!tpu.dma_semaphore, #tpu.memory_space<semaphore_mem>> -> memref<1x!tpu.dma_semaphore, #tpu.memory_space<semaphore_mem>>
          %dma_wait3A_320 = tpu.memref_squeeze %dma_wait3A_319 : memref<1x!tpu.dma_semaphore, #tpu.memory_space<semaphore_mem>> -> memref<!tpu.dma_semaphore, #tpu.memory_space<semaphore_mem>>
          tpu.wait_indirect_dma semaphore(%dma_wait3A_320 : memref<!tpu.dma_semaphore, #tpu.memory_space<semaphore_mem>>) src(%dma_wait3A_312 : memref<128x128xf32, #tpu.memory_space<vmem>>) dst(%dma_wait3A_318 : memref<10000x128xf32, #tpu.memory_space<vmem_shared>>)
        } else {
        }
        %add3A_287 = arith.addi %add3A_4, %while3A_210 : i32
        %add3A_288 = arith.constant 1 : i32
        %add3A_289 = arith.addi %add3A_287, %add3A_288 : i32
        %mul3A_290 = arith.constant 128 : i32
        %mul3A_291 = arith.muli %add3A_289, %mul3A_290 : i32
        %dma_start3A_292 = arith.constant 0 : i32
        %dma_start3A_293 = arith.constant 0 : i32
        %dma_start3A_294 = tpu.memref_slice %arg9[%select_n3A_280, %dma_start3A_292, %dma_start3A_293] : memref<2x128x128xf32, #tpu.memory_space<vmem>> -> memref<1x128x128xf32, #tpu.memory_space<vmem>>
        %dma_start3A_295 = tpu.memref_squeeze %dma_start3A_294 : memref<1x128x128xf32, #tpu.memory_space<vmem>> -> memref<128x128xf32, #tpu.memory_space<vmem>>
        %dma_start3A_296 = arith.constant 0 : i32
        %dma_start3A_297 = tpu.memref_slice %arg3[%mul3A_291, %dma_start3A_296] : memref<80000x128xf32, #tpu.memory_space<hbm>> -> memref<128x128xf32, #tpu.memory_space<hbm>>
        %dma_start3A_298 = tpu.memref_slice %arg11[%select_n3A_280] : memref<2x!tpu.dma_semaphore, #tpu.memory_space<semaphore_mem>> -> memref<1x!tpu.dma_semaphore, #tpu.memory_space<semaphore_mem>>
        %dma_start3A_299 = tpu.memref_squeeze %dma_start3A_298 : memref<1x!tpu.dma_semaphore, #tpu.memory_space<semaphore_mem>> -> memref<!tpu.dma_semaphore, #tpu.memory_space<semaphore_mem>>
        %dma_start3A_300 = arith.constant 0 : i32
        %dma_start3A_301 = arith.constant 0 : i32
        %dma_start3A_302 = tpu.memref_slice %arg9[%select_n3A_280, %dma_start3A_300, %dma_start3A_301] : memref<2x128x128xf32, #tpu.memory_space<vmem>> -> memref<1x128x128xf32, #tpu.memory_space<vmem>>
        %dma_start3A_303 = tpu.memref_squeeze %dma_start3A_302 : memref<1x128x128xf32, #tpu.memory_space<vmem>> -> memref<128x128xf32, #tpu.memory_space<vmem>>
        %dma_start3A_304 = arith.constant 0 : i32
        %dma_start3A_305 = tpu.memref_slice %arg3[%mul3A_291, %dma_start3A_304] : memref<80000x128xf32, #tpu.memory_space<hbm>> -> memref<128x128xf32, #tpu.memory_space<hbm>>
        tpu.enqueue_dma source(%dma_start3A_305 : memref<128x128xf32, #tpu.memory_space<hbm>>) target(%dma_start3A_303 : memref<128x128xf32, #tpu.memory_space<vmem>>) target_semaphore(%dma_start3A_299 : memref<!tpu.dma_semaphore, #tpu.memory_space<semaphore_mem>>)
      } else {
      }
    }
    %sub3A_134 = arith.constant 2 : i32
    %sub3A_135 = arith.subi %add3A_8, %sub3A_134 : i32
    %jit3A_136 = arith.constant 2 : i32
    %eq3A_137 = arith.constant 0 : i32
    %eq3A_138 = arith.cmpi eq, %jit3A_136, %eq3A_137 : i32
    %jit3A_139 = arith.constant 1 : i32
    %select_n3A_140 = arith.select %eq3A_138, %jit3A_139, %jit3A_136 : i32
    %rem3A_141 = arith.remsi %sub3A_135, %select_n3A_140 : i32
    %ne3A_142 = arith.constant 0 : i32
    %ne3A_143 = arith.cmpi ne, %rem3A_141, %ne3A_142 : i32
    %lt3A_144 = arith.constant 0 : i32
    %lt3A_145 = arith.cmpi slt, %rem3A_141, %lt3A_144 : i32
    %lt3A_146 = arith.constant 0 : i32
    %lt3A_147 = arith.cmpi slt, %select_n3A_140, %lt3A_146 : i32
    %ne3A_148 = arith.xori %lt3A_145, %lt3A_147 : i1
    %and3A_149 = arith.andi %ne3A_148, %ne3A_143 : i1
    %add3A_150 = arith.addi %rem3A_141, %select_n3A_140 : i32
    %select_n3A_151 = arith.select %and3A_149, %add3A_150, %rem3A_141 : i32
    %sub3A_152 = arith.constant 2 : i32
    %sub3A_153 = arith.subi %add3A_8, %sub3A_152 : i32
    %dma_wait3A_154 = arith.constant 0 : i32
    %dma_wait3A_155 = arith.constant 0 : i32
    %dma_wait3A_156 = arith.constant 0 : i32
    %dma_wait3A_157 = tpu.memref_slice %arg9[%select_n3A_151, %dma_wait3A_155, %dma_wait3A_156] : memref<2x128x128xf32, #tpu.memory_space<vmem>> -> memref<1x128x128xf32, #tpu.memory_space<vmem>>
    %dma_wait3A_158 = tpu.memref_squeeze %dma_wait3A_157 : memref<1x128x128xf32, #tpu.memory_space<vmem>> -> memref<128x128xf32, #tpu.memory_space<vmem>>
    %dma_wait3A_159 = arith.constant 0 : i32
    %dma_wait3A_160 = tpu.memref_slice %arg8[%sub3A_153, %dma_wait3A_154, %dma_wait3A_159] : memref<20x1x128xi32, #tpu.memory_space<vmem>> -> memref<1x1x128xi32, #tpu.memory_space<vmem>>
    %dma_wait3A_161 = tpu.memref_squeeze %dma_wait3A_160 : memref<1x1x128xi32, #tpu.memory_space<vmem>> -> memref<128xi32, #tpu.memory_space<vmem>>
    %dma_wait3A_162 = arith.constant 0 : i32
    %dma_wait3A_163 = arith.constant 0 : i32
    %dma_wait3A_164 = tpu.memref_slice %arg10[%dma_wait3A_162, %dma_wait3A_163] : memref<10000x128xf32, #tpu.memory_space<vmem_shared>> -> memref<10000x128xf32, #tpu.memory_space<vmem_shared>>
    %dma_wait3A_165 = tpu.memref_slice %arg12[%select_n3A_151] : memref<2x!tpu.dma_semaphore, #tpu.memory_space<semaphore_mem>> -> memref<1x!tpu.dma_semaphore, #tpu.memory_space<semaphore_mem>>
    %dma_wait3A_166 = tpu.memref_squeeze %dma_wait3A_165 : memref<1x!tpu.dma_semaphore, #tpu.memory_space<semaphore_mem>> -> memref<!tpu.dma_semaphore, #tpu.memory_space<semaphore_mem>>
    tpu.wait_indirect_dma semaphore(%dma_wait3A_166 : memref<!tpu.dma_semaphore, #tpu.memory_space<semaphore_mem>>) src(%dma_wait3A_158 : memref<128x128xf32, #tpu.memory_space<vmem>>) dst(%dma_wait3A_164 : memref<10000x128xf32, #tpu.memory_space<vmem_shared>>)
    %sub3A_167 = arith.constant 1 : i32
    %sub3A_168 = arith.subi %add3A_8, %sub3A_167 : i32
    %jit3A_169 = arith.constant 2 : i32
    %eq3A_170 = arith.constant 0 : i32
    %eq3A_171 = arith.cmpi eq, %jit3A_169, %eq3A_170 : i32
    %jit3A_172 = arith.constant 1 : i32
    %select_n3A_173 = arith.select %eq3A_171, %jit3A_172, %jit3A_169 : i32
    %rem3A_174 = arith.remsi %sub3A_168, %select_n3A_173 : i32
    %ne3A_175 = arith.constant 0 : i32
    %ne3A_176 = arith.cmpi ne, %rem3A_174, %ne3A_175 : i32
    %lt3A_177 = arith.constant 0 : i32
    %lt3A_178 = arith.cmpi slt, %rem3A_174, %lt3A_177 : i32
    %lt3A_179 = arith.constant 0 : i32
    %lt3A_180 = arith.cmpi slt, %select_n3A_173, %lt3A_179 : i32
    %ne3A_181 = arith.xori %lt3A_178, %lt3A_180 : i1
    %and3A_182 = arith.andi %ne3A_181, %ne3A_176 : i1
    %add3A_183 = arith.addi %rem3A_174, %select_n3A_173 : i32
    %select_n3A_184 = arith.select %and3A_182, %add3A_183, %rem3A_174 : i32
    %sub3A_185 = arith.constant 1 : i32
    %sub3A_186 = arith.subi %add3A_8, %sub3A_185 : i32
    %dma_wait3A_187 = arith.constant 0 : i32
    %dma_wait3A_188 = arith.constant 0 : i32
    %dma_wait3A_189 = arith.constant 0 : i32
    %dma_wait3A_190 = tpu.memref_slice %arg9[%select_n3A_184, %dma_wait3A_188, %dma_wait3A_189] : memref<2x128x128xf32, #tpu.memory_space<vmem>> -> memref<1x128x128xf32, #tpu.memory_space<vmem>>
    %dma_wait3A_191 = tpu.memref_squeeze %dma_wait3A_190 : memref<1x128x128xf32, #tpu.memory_space<vmem>> -> memref<128x128xf32, #tpu.memory_space<vmem>>
    %dma_wait3A_192 = arith.constant 0 : i32
    %dma_wait3A_193 = tpu.memref_slice %arg8[%sub3A_186, %dma_wait3A_187, %dma_wait3A_192] : memref<20x1x128xi32, #tpu.memory_space<vmem>> -> memref<1x1x128xi32, #tpu.memory_space<vmem>>
    %dma_wait3A_194 = tpu.memref_squeeze %dma_wait3A_193 : memref<1x1x128xi32, #tpu.memory_space<vmem>> -> memref<128xi32, #tpu.memory_space<vmem>>
    %dma_wait3A_195 = arith.constant 0 : i32
    %dma_wait3A_196 = arith.constant 0 : i32
    %dma_wait3A_197 = tpu.memref_slice %arg10[%dma_wait3A_195, %dma_wait3A_196] : memref<10000x128xf32, #tpu.memory_space<vmem_shared>> -> memref<10000x128xf32, #tpu.memory_space<vmem_shared>>
    %dma_wait3A_198 = tpu.memref_slice %arg12[%select_n3A_184] : memref<2x!tpu.dma_semaphore, #tpu.memory_space<semaphore_mem>> -> memref<1x!tpu.dma_semaphore, #tpu.memory_space<semaphore_mem>>
    %dma_wait3A_199 = tpu.memref_squeeze %dma_wait3A_198 : memref<1x!tpu.dma_semaphore, #tpu.memory_space<semaphore_mem>> -> memref<!tpu.dma_semaphore, #tpu.memory_space<semaphore_mem>>
    tpu.wait_indirect_dma semaphore(%dma_wait3A_199 : memref<!tpu.dma_semaphore, #tpu.memory_space<semaphore_mem>>) src(%dma_wait3A_191 : memref<128x128xf32, #tpu.memory_space<vmem>>) dst(%dma_wait3A_197 : memref<10000x128xf32, #tpu.memory_space<vmem_shared>>)
    %barrier3A_200 = arith.constant 0 : index
    tpu.barrier barrier_id(%barrier3A_200)
    %mul3A_201 = arith.constant 624 : i32
    %mul3A_202 = arith.muli %arg1, %mul3A_201 : i32
    %mul3A_203 = arith.constant 624 : i32
    %mul3A_204 = arith.muli %arg1, %mul3A_203 : i32
    "tpu.region"() ({
      %run_scoped3A = tpu.sem_alloc : memref<!tpu.dma_semaphore, #tpu.memory_space<semaphore_mem>>
      %dma_start3A_210 = arith.constant 0 : i32
      %dma_start3A_211 = tpu.memref_slice %arg6[%arg0, %mul3A_204, %dma_start3A_210] : memref<2x10000x128xf32, #tpu.memory_space<hbm>> -> memref<1x624x128xf32, #tpu.memory_space<hbm>>
      %dma_start3A_212 = tpu.memref_squeeze %dma_start3A_211 : memref<1x624x128xf32, #tpu.memory_space<hbm>> -> memref<624x128xf32, #tpu.memory_space<hbm>>
      %dma_start3A_213 = arith.constant 0 : i32
      %dma_start3A_214 = tpu.memref_slice %arg10[%mul3A_202, %dma_start3A_213] : memref<10000x128xf32, #tpu.memory_space<vmem_shared>> -> memref<624x128xf32, #tpu.memory_space<vmem_shared>>
      tpu.enqueue_dma source(%dma_start3A_214 : memref<624x128xf32, #tpu.memory_space<vmem_shared>>) target(%dma_start3A_212 : memref<624x128xf32, #tpu.memory_space<hbm>>) target_semaphore(%run_scoped3A : memref<!tpu.dma_semaphore, #tpu.memory_space<semaphore_mem>>)
      %dma_wait3A_215 = arith.constant 0 : i32
      %dma_wait3A_216 = tpu.memref_slice %arg6[%arg0, %mul3A_204, %dma_wait3A_215] : memref<2x10000x128xf32, #tpu.memory_space<hbm>> -> memref<1x624x128xf32, #tpu.memory_space<hbm>>
      %dma_wait3A_217 = tpu.memref_squeeze %dma_wait3A_216 : memref<1x624x128xf32, #tpu.memory_space<hbm>> -> memref<624x128xf32, #tpu.memory_space<hbm>>
      %dma_wait3A_218 = arith.constant 0 : i32
      %dma_wait3A_219 = tpu.memref_slice %arg10[%mul3A_202, %dma_wait3A_218] : memref<10000x128xf32, #tpu.memory_space<vmem_shared>> -> memref<624x128xf32, #tpu.memory_space<vmem_shared>>
      tpu.wait_dma2 semaphore(%run_scoped3A : memref<!tpu.dma_semaphore, #tpu.memory_space<semaphore_mem>>) src(%dma_wait3A_219 : memref<624x128xf32, #tpu.memory_space<vmem_shared>>) dst(%dma_wait3A_217 : memref<624x128xf32, #tpu.memory_space<hbm>>)
      tpu.yield
    }) : () -> ()
    %eq3A_205 = arith.constant 15 : i32
    %eq3A_206 = arith.cmpi eq, %arg1, %eq3A_205 : i32
    %convert_element_type3A_207 = arith.extui %eq3A_206 : i1 to i32
    %cond3A_208 = arith.constant 0 : i32
    %cond3A_209 = arith.cmpi ne, %convert_element_type3A_207, %cond3A_208 : i32
    scf.if %cond3A_209 {
      "tpu.region"() ({
        %run_scoped3A = tpu.sem_alloc : memref<!tpu.dma_semaphore, #tpu.memory_space<semaphore_mem>>
        %dma_start3A_210 = arith.constant 9984 : i32
        %dma_start3A_211 = arith.constant 0 : i32
        %dma_start3A_212 = tpu.memref_slice %arg6[%arg0, %dma_start3A_210, %dma_start3A_211] : memref<2x10000x128xf32, #tpu.memory_space<hbm>> -> memref<1x16x128xf32, #tpu.memory_space<hbm>>
        %dma_start3A_213 = tpu.memref_squeeze %dma_start3A_212 : memref<1x16x128xf32, #tpu.memory_space<hbm>> -> memref<16x128xf32, #tpu.memory_space<hbm>>
        %dma_start3A_214 = arith.constant 9984 : i32
        %dma_start3A_215 = arith.constant 0 : i32
        %dma_start3A_216 = tpu.memref_slice %arg10[%dma_start3A_214, %dma_start3A_215] : memref<10000x128xf32, #tpu.memory_space<vmem_shared>> -> memref<16x128xf32, #tpu.memory_space<vmem_shared>>
        tpu.enqueue_dma source(%dma_start3A_216 : memref<16x128xf32, #tpu.memory_space<vmem_shared>>) target(%dma_start3A_213 : memref<16x128xf32, #tpu.memory_space<hbm>>) target_semaphore(%run_scoped3A : memref<!tpu.dma_semaphore, #tpu.memory_space<semaphore_mem>>)
        %dma_wait3A_217 = arith.constant 9984 : i32
        %dma_wait3A_218 = arith.constant 0 : i32
        %dma_wait3A_219 = tpu.memref_slice %arg6[%arg0, %dma_wait3A_217, %dma_wait3A_218] : memref<2x10000x128xf32, #tpu.memory_space<hbm>> -> memref<1x16x128xf32, #tpu.memory_space<hbm>>
        %dma_wait3A_220 = tpu.memref_squeeze %dma_wait3A_219 : memref<1x16x128xf32, #tpu.memory_space<hbm>> -> memref<16x128xf32, #tpu.memory_space<hbm>>
        %dma_wait3A_221 = arith.constant 9984 : i32
        %dma_wait3A_222 = arith.constant 0 : i32
        %dma_wait3A_223 = tpu.memref_slice %arg10[%dma_wait3A_221, %dma_wait3A_222] : memref<10000x128xf32, #tpu.memory_space<vmem_shared>> -> memref<16x128xf32, #tpu.memory_space<vmem_shared>>
        tpu.wait_dma2 semaphore(%run_scoped3A : memref<!tpu.dma_semaphore, #tpu.memory_space<semaphore_mem>>) src(%dma_wait3A_223 : memref<16x128xf32, #tpu.memory_space<vmem_shared>>) dst(%dma_wait3A_220 : memref<16x128xf32, #tpu.memory_space<hbm>>)
        tpu.yield
      }) : () -> ()
    } else {
    }
    return
  }
}

#map = affine_map<(d0, d1) -> (0, 0)>
#map1 = affine_map<(d0, d1) -> (0, 0, 0)>
module attributes {stable_mosaic.version = 14 : i64} {
  func.func @sc_scatter(%arg0: i32, %arg1: i32, %arg2: memref<80000x128xf32, #tpu.memory_space<hbm>>, %arg3: memref<80000x128xf32, #tpu.memory_space<hbm>>, %arg4: memref<1251x1x128xi32, #tpu.memory_space<hbm>>, %arg5: memref<10000x128xf32, #tpu.memory_space<hbm>>, %arg6: memref<2x10000x128xf32, #tpu.memory_space<hbm>>, %arg7: memref<20x1x128xi32, #tpu.memory_space<vmem>>, %arg8: memref<20x1x128xi32, #tpu.memory_space<vmem>>, %arg9: memref<2x128x128xf32, #tpu.memory_space<vmem>>, %arg10: memref<10000x128xf32, #tpu.memory_space<vmem_shared>>, %arg11: memref<2x!tpu.dma_semaphore, #tpu.memory_space<semaphore_mem>>, %arg12: memref<2x!tpu.dma_semaphore, #tpu.memory_space<semaphore_mem>>) attributes {dimension_semantics = [#tpu.dimension_semantics<core_parallel>, #tpu.dimension_semantics<subcore_parallel>], iteration_bounds = array<i64: 2, 16>, scalar_prefetch = 0 : i64, scratch_operands = 6 : i64, tpu.core_type = #tpu.core_type<sc_vector_subcore>, window_params = [{transform_indices = #map}, {transform_indices = #map}, {transform_indices = #map1}, {transform_indices = #map}, {transform_indices = #map1}]} {
    %mul3A = arith.constant 2 : i32
    %mul3A_0 = arith.muli %arg1, %mul3A : i32
    %add3A = arith.addi %mul3A_0, %arg0 : i32
    %mul3A_1 = arith.constant 19 : i32
    %mul3A_2 = arith.muli %add3A, %mul3A_1 : i32
    %min3A = arith.constant 17 : i32
    %min3A_3 = arith.minsi %add3A, %min3A : i32
    %add3A_4 = arith.addi %mul3A_2, %min3A_3 : i32
    %lt3A = arith.constant 17 : i32
    %lt3A_5 = arith.cmpi slt, %add3A, %lt3A : i32
    %jit3A = arith.constant 1 : i32
    %jit3A_6 = arith.constant 0 : i32
    %select_n3A = arith.select %lt3A_5, %jit3A, %jit3A_6 : i32
    %add3A_7 = arith.constant 19 : i32
    %add3A_8 = arith.addi %add3A_7, %select_n3A : i32
    %add3A_9 = arith.constant 0 : i32
    %add3A_10 = arith.addi %add3A_9, %add3A_4 : i32
    "tpu.region"() ({
      %run_scoped3A = tpu.sem_alloc : memref<!tpu.dma_semaphore, #tpu.memory_space<semaphore_mem>>
      %dma_start3A_210 = arith.constant 0 : i32
      %dma_start3A_211 = arith.constant 0 : i32
      %dma_start3A_212 = tpu.memref_slice %arg4[%add3A_10, %dma_start3A_210, %dma_start3A_211] : memref<1251x1x128xi32, #tpu.memory_space<hbm>> -> memref<20x1x128xi32, #tpu.memory_space<hbm>>
      %dma_start3A_213 = arith.constant 0 : i32
      %dma_start3A_214 = arith.constant 0 : i32
      %dma_start3A_215 = tpu.memref_slice %arg4[%add3A_10, %dma_start3A_213, %dma_start3A_214] : memref<1251x1x128xi32, #tpu.memory_space<hbm>> -> memref<20x1x128xi32, #tpu.memory_space<hbm>>
      tpu.enqueue_dma source(%dma_start3A_215 : memref<20x1x128xi32, #tpu.memory_space<hbm>>) target(%arg7 : memref<20x1x128xi32, #tpu.memory_space<vmem>>) target_semaphore(%run_scoped3A : memref<!tpu.dma_semaphore, #tpu.memory_space<semaphore_mem>>)
      %dma_wait3A_216 = arith.constant 0 : i32
      %dma_wait3A_217 = arith.constant 0 : i32
      %dma_wait3A_218 = tpu.memref_slice %arg4[%add3A_10, %dma_wait3A_216, %dma_wait3A_217] : memref<1251x1x128xi32, #tpu.memory_space<hbm>> -> memref<20x1x128xi32, #tpu.memory_space<hbm>>
      %dma_wait3A_219 = arith.constant 0 : i32
      %dma_wait3A_220 = arith.constant 0 : i32
      %dma_wait3A_221 = tpu.memref_slice %arg4[%add3A_10, %dma_wait3A_219, %dma_wait3A_220] : memref<1251x1x128xi32, #tpu.memory_space<hbm>> -> memref<20x1x128xi32, #tpu.memory_space<hbm>>
      tpu.wait_dma2 semaphore(%run_scoped3A : memref<!tpu.dma_semaphore, #tpu.memory_space<semaphore_mem>>) src(%dma_wait3A_221 : memref<20x1x128xi32, #tpu.memory_space<hbm>>) dst(%arg7 : memref<20x1x128xi32, #tpu.memory_space<vmem>>)
      tpu.yield
    }) : () -> ()
    %add3A_11 = arith.constant 625 : i32
    %add3A_12 = arith.addi %add3A_11, %add3A_4 : i32
    "tpu.region"() ({
      %run_scoped3A = tpu.sem_alloc : memref<!tpu.dma_semaphore, #tpu.memory_space<semaphore_mem>>
      %dma_start3A_210 = arith.constant 0 : i32
      %dma_start3A_211 = arith.constant 0 : i32
      %dma_start3A_212 = tpu.memref_slice %arg4[%add3A_12, %dma_start3A_210, %dma_start3A_211] : memref<1251x1x128xi32, #tpu.memory_space<hbm>> -> memref<20x1x128xi32, #tpu.memory_space<hbm>>
      %dma_start3A_213 = arith.constant 0 : i32
      %dma_start3A_214 = arith.constant 0 : i32
      %dma_start3A_215 = tpu.memref_slice %arg4[%add3A_12, %dma_start3A_213, %dma_start3A_214] : memref<1251x1x128xi32, #tpu.memory_space<hbm>> -> memref<20x1x128xi32, #tpu.memory_space<hbm>>
      tpu.enqueue_dma source(%dma_start3A_215 : memref<20x1x128xi32, #tpu.memory_space<hbm>>) target(%arg8 : memref<20x1x128xi32, #tpu.memory_space<vmem>>) target_semaphore(%run_scoped3A : memref<!tpu.dma_semaphore, #tpu.memory_space<semaphore_mem>>)
      %dma_wait3A_216 = arith.constant 0 : i32
      %dma_wait3A_217 = arith.constant 0 : i32
      %dma_wait3A_218 = tpu.memref_slice %arg4[%add3A_12, %dma_wait3A_216, %dma_wait3A_217] : memref<1251x1x128xi32, #tpu.memory_space<hbm>> -> memref<20x1x128xi32, #tpu.memory_space<hbm>>
      %dma_wait3A_219 = arith.constant 0 : i32
      %dma_wait3A_220 = arith.constant 0 : i32
      %dma_wait3A_221 = tpu.memref_slice %arg4[%add3A_12, %dma_wait3A_219, %dma_wait3A_220] : memref<1251x1x128xi32, #tpu.memory_space<hbm>> -> memref<20x1x128xi32, #tpu.memory_space<hbm>>
      tpu.wait_dma2 semaphore(%run_scoped3A : memref<!tpu.dma_semaphore, #tpu.memory_space<semaphore_mem>>) src(%dma_wait3A_221 : memref<20x1x128xi32, #tpu.memory_space<hbm>>) dst(%arg8 : memref<20x1x128xi32, #tpu.memory_space<vmem>>)
      tpu.yield
    }) : () -> ()
    %mul3A_13 = arith.constant 624 : i32
    %mul3A_14 = arith.muli %arg1, %mul3A_13 : i32
    %mul3A_15 = arith.constant 624 : i32
    %mul3A_16 = arith.muli %arg1, %mul3A_15 : i32
    "tpu.region"() ({
      %run_scoped3A = tpu.sem_alloc : memref<!tpu.dma_semaphore, #tpu.memory_space<semaphore_mem>>
      %dma_start3A_210 = arith.constant 0 : i32
      %dma_start3A_211 = tpu.memref_slice %arg10[%mul3A_16, %dma_start3A_210] : memref<10000x128xf32, #tpu.memory_space<vmem_shared>> -> memref<624x128xf32, #tpu.memory_space<vmem_shared>>
      %dma_start3A_212 = arith.constant 0 : i32
      %dma_start3A_213 = tpu.memref_slice %arg5[%mul3A_14, %dma_start3A_212] : memref<10000x128xf32, #tpu.memory_space<hbm>> -> memref<624x128xf32, #tpu.memory_space<hbm>>
      tpu.enqueue_dma source(%dma_start3A_213 : memref<624x128xf32, #tpu.memory_space<hbm>>) target(%dma_start3A_211 : memref<624x128xf32, #tpu.memory_space<vmem_shared>>) target_semaphore(%run_scoped3A : memref<!tpu.dma_semaphore, #tpu.memory_space<semaphore_mem>>)
      %dma_wait3A_214 = arith.constant 0 : i32
      %dma_wait3A_215 = tpu.memref_slice %arg10[%mul3A_16, %dma_wait3A_214] : memref<10000x128xf32, #tpu.memory_space<vmem_shared>> -> memref<624x128xf32, #tpu.memory_space<vmem_shared>>
      %dma_wait3A_216 = arith.constant 0 : i32
      %dma_wait3A_217 = tpu.memref_slice %arg5[%mul3A_14, %dma_wait3A_216] : memref<10000x128xf32, #tpu.memory_space<hbm>> -> memref<624x128xf32, #tpu.memory_space<hbm>>
      tpu.wait_dma2 semaphore(%run_scoped3A : memref<!tpu.dma_semaphore, #tpu.memory_space<semaphore_mem>>) src(%dma_wait3A_217 : memref<624x128xf32, #tpu.memory_space<hbm>>) dst(%dma_wait3A_215 : memref<624x128xf32, #tpu.memory_space<vmem_shared>>)
      tpu.yield
    }) : () -> ()
    %eq3A = arith.constant 15 : i32
    %eq3A_17 = arith.cmpi eq, %arg1, %eq3A : i32
    %convert_element_type3A = arith.extui %eq3A_17 : i1 to i32
    %cond3A = arith.constant 0 : i32
    %cond3A_18 = arith.cmpi ne, %convert_element_type3A, %cond3A : i32
    scf.if %cond3A_18 {
      "tpu.region"() ({
        %run_scoped3A = tpu.sem_alloc : memref<!tpu.dma_semaphore, #tpu.memory_space<semaphore_mem>>
        %dma_start3A_210 = arith.constant 9984 : i32
        %dma_start3A_211 = arith.constant 0 : i32
        %dma_start3A_212 = tpu.memref_slice %arg10[%dma_start3A_210, %dma_start3A_211] : memref<10000x128xf32, #tpu.memory_space<vmem_shared>> -> memref<16x128xf32, #tpu.memory_space<vmem_shared>>
        %dma_start3A_213 = arith.constant 9984 : i32
        %dma_start3A_214 = arith.constant 0 : i32
        %dma_start3A_215 = tpu.memref_slice %arg5[%dma_start3A_213, %dma_start3A_214] : memref<10000x128xf32, #tpu.memory_space<hbm>> -> memref<16x128xf32, #tpu.memory_space<hbm>>
        tpu.enqueue_dma source(%dma_start3A_215 : memref<16x128xf32, #tpu.memory_space<hbm>>) target(%dma_start3A_212 : memref<16x128xf32, #tpu.memory_space<vmem_shared>>) target_semaphore(%run_scoped3A : memref<!tpu.dma_semaphore, #tpu.memory_space<semaphore_mem>>)
        %dma_wait3A_216 = arith.constant 9984 : i32
        %dma_wait3A_217 = arith.constant 0 : i32
        %dma_wait3A_218 = tpu.memref_slice %arg10[%dma_wait3A_216, %dma_wait3A_217] : memref<10000x128xf32, #tpu.memory_space<vmem_shared>> -> memref<16x128xf32, #tpu.memory_space<vmem_shared>>
        %dma_wait3A_219 = arith.constant 9984 : i32
        %dma_wait3A_220 = arith.constant 0 : i32
        %dma_wait3A_221 = tpu.memref_slice %arg5[%dma_wait3A_219, %dma_wait3A_220] : memref<10000x128xf32, #tpu.memory_space<hbm>> -> memref<16x128xf32, #tpu.memory_space<hbm>>
        tpu.wait_dma2 semaphore(%run_scoped3A : memref<!tpu.dma_semaphore, #tpu.memory_space<semaphore_mem>>) src(%dma_wait3A_221 : memref<16x128xf32, #tpu.memory_space<hbm>>) dst(%dma_wait3A_218 : memref<16x128xf32, #tpu.memory_space<vmem_shared>>)
        tpu.yield
      }) : () -> ()
    } else {
    }
    %barrier3A = arith.constant 0 : index
    tpu.barrier barrier_id(%barrier3A)
    %mul3A_19 = arith.constant 128 : i32
    %mul3A_20 = arith.muli %add3A_4, %mul3A_19 : i32
    %dma_start3A = arith.constant 0 : i32
    %dma_start3A_21 = arith.constant 0 : i32
    %dma_start3A_22 = arith.constant 0 : i32
    %dma_start3A_23 = arith.constant 0 : i32
    %dma_start3A_24 = tpu.memref_slice %arg9[%dma_start3A, %dma_start3A_22, %dma_start3A_23] : memref<2x128x128xf32, #tpu.memory_space<vmem>> -> memref<1x128x128xf32, #tpu.memory_space<vmem>>
    %dma_start3A_25 = tpu.memref_squeeze %dma_start3A_24 : memref<1x128x128xf32, #tpu.memory_space<vmem>> -> memref<128x128xf32, #tpu.memory_space<vmem>>
    %dma_start3A_26 = arith.constant 0 : i32
    %dma_start3A_27 = tpu.memref_slice %arg2[%mul3A_20, %dma_start3A_26] : memref<80000x128xf32, #tpu.memory_space<hbm>> -> memref<128x128xf32, #tpu.memory_space<hbm>>
    %dma_start3A_28 = tpu.memref_slice %arg11[%dma_start3A_21] : memref<2x!tpu.dma_semaphore, #tpu.memory_space<semaphore_mem>> -> memref<1x!tpu.dma_semaphore, #tpu.memory_space<semaphore_mem>>
    %dma_start3A_29 = tpu.memref_squeeze %dma_start3A_28 : memref<1x!tpu.dma_semaphore, #tpu.memory_space<semaphore_mem>> -> memref<!tpu.dma_semaphore, #tpu.memory_space<semaphore_mem>>
    %dma_start3A_30 = arith.constant 0 : i32
    %dma_start3A_31 = arith.constant 0 : i32
    %dma_start3A_32 = tpu.memref_slice %arg9[%dma_start3A, %dma_start3A_30, %dma_start3A_31] : memref<2x128x128xf32, #tpu.memory_space<vmem>> -> memref<1x128x128xf32, #tpu.memory_space<vmem>>
    %dma_start3A_33 = tpu.memref_squeeze %dma_start3A_32 : memref<1x128x128xf32, #tpu.memory_space<vmem>> -> memref<128x128xf32, #tpu.memory_space<vmem>>
    %dma_start3A_34 = arith.constant 0 : i32
    %dma_start3A_35 = tpu.memref_slice %arg2[%mul3A_20, %dma_start3A_34] : memref<80000x128xf32, #tpu.memory_space<hbm>> -> memref<128x128xf32, #tpu.memory_space<hbm>>
    tpu.enqueue_dma source(%dma_start3A_35 : memref<128x128xf32, #tpu.memory_space<hbm>>) target(%dma_start3A_33 : memref<128x128xf32, #tpu.memory_space<vmem>>) target_semaphore(%dma_start3A_29 : memref<!tpu.dma_semaphore, #tpu.memory_space<semaphore_mem>>)
    %while3A = arith.constant 0 : i32
    %while3A_36 = arith.constant 0 : i32
    %while3A_37 = arith.subi %add3A_8, %while3A_36 : i32
    %while3A_38 = arith.addi %while3A_36, %while3A_37 : i32
    %while3A_39 = arith.constant 1 : i32
    %while3A_40 = arith.divsi %while3A_37, %while3A_39 : i32
    %while3A_41 = arith.muli %while3A_40, %while3A_39 : i32
    %while3A_42 = arith.addi %while3A_36, %while3A_41 : i32
    %while3A_43 = arith.constant 1 : i32
    scf.for %while3A_210 = %while3A_36 to %while3A_42 step %while3A_43  : i32 {
      %jit3A_211 = arith.constant 2 : i32
      %eq3A_212 = arith.constant 0 : i32
      %eq3A_213 = arith.cmpi eq, %jit3A_211, %eq3A_212 : i32
      %jit3A_214 = arith.constant 1 : i32
      %select_n3A_215 = arith.select %eq3A_213, %jit3A_214, %jit3A_211 : i32
      %rem3A_216 = arith.remsi %while3A_210, %select_n3A_215 : i32
      %ne3A_217 = arith.constant 0 : i32
      %ne3A_218 = arith.cmpi ne, %rem3A_216, %ne3A_217 : i32
      %lt3A_219 = arith.constant 0 : i32
      %lt3A_220 = arith.cmpi slt, %rem3A_216, %lt3A_219 : i32
      %lt3A_221 = arith.constant 0 : i32
      %lt3A_222 = arith.cmpi slt, %select_n3A_215, %lt3A_221 : i32
      %ne3A_223 = arith.xori %lt3A_220, %lt3A_222 : i1
      %and3A_224 = arith.andi %ne3A_223, %ne3A_218 : i1
      %add3A_225 = arith.addi %rem3A_216, %select_n3A_215 : i32
      %select_n3A_226 = arith.select %and3A_224, %add3A_225, %rem3A_216 : i32
      %add3A_227 = arith.addi %add3A_4, %while3A_210 : i32
      %mul3A_228 = arith.constant 128 : i32
      %mul3A_229 = arith.muli %add3A_227, %mul3A_228 : i32
      %dma_wait3A_230 = arith.constant 0 : i32
      %dma_wait3A_231 = arith.constant 0 : i32
      %dma_wait3A_232 = tpu.memref_slice %arg9[%select_n3A_226, %dma_wait3A_230, %dma_wait3A_231] : memref<2x128x128xf32, #tpu.memory_space<vmem>> -> memref<1x128x128xf32, #tpu.memory_space<vmem>>
      %dma_wait3A_233 = tpu.memref_squeeze %dma_wait3A_232 : memref<1x128x128xf32, #tpu.memory_space<vmem>> -> memref<128x128xf32, #tpu.memory_space<vmem>>
      %dma_wait3A_234 = arith.constant 0 : i32
      %dma_wait3A_235 = tpu.memref_slice %arg2[%mul3A_229, %dma_wait3A_234] : memref<80000x128xf32, #tpu.memory_space<hbm>> -> memref<128x128xf32, #tpu.memory_space<hbm>>
      %dma_wait3A_236 = tpu.memref_slice %arg11[%select_n3A_226] : memref<2x!tpu.dma_semaphore, #tpu.memory_space<semaphore_mem>> -> memref<1x!tpu.dma_semaphore, #tpu.memory_space<semaphore_mem>>
      %dma_wait3A_237 = tpu.memref_squeeze %dma_wait3A_236 : memref<1x!tpu.dma_semaphore, #tpu.memory_space<semaphore_mem>> -> memref<!tpu.dma_semaphore, #tpu.memory_space<semaphore_mem>>
      %dma_wait3A_238 = arith.constant 0 : i32
      %dma_wait3A_239 = arith.constant 0 : i32
      %dma_wait3A_240 = tpu.memref_slice %arg9[%select_n3A_226, %dma_wait3A_238, %dma_wait3A_239] : memref<2x128x128xf32, #tpu.memory_space<vmem>> -> memref<1x128x128xf32, #tpu.memory_space<vmem>>
      %dma_wait3A_241 = tpu.memref_squeeze %dma_wait3A_240 : memref<1x128x128xf32, #tpu.memory_space<vmem>> -> memref<128x128xf32, #tpu.memory_space<vmem>>
      %dma_wait3A_242 = arith.constant 0 : i32
      %dma_wait3A_243 = tpu.memref_slice %arg2[%mul3A_229, %dma_wait3A_242] : memref<80000x128xf32, #tpu.memory_space<hbm>> -> memref<128x128xf32, #tpu.memory_space<hbm>>
      tpu.wait_dma2 semaphore(%dma_wait3A_237 : memref<!tpu.dma_semaphore, #tpu.memory_space<semaphore_mem>>) src(%dma_wait3A_243 : memref<128x128xf32, #tpu.memory_space<hbm>>) dst(%dma_wait3A_241 : memref<128x128xf32, #tpu.memory_space<vmem>>)
      %dma_start3A_244 = arith.constant 0 : i32
      %dma_start3A_245 = arith.constant 0 : i32
      %dma_start3A_246 = arith.constant 0 : i32
      %dma_start3A_247 = tpu.memref_slice %arg9[%select_n3A_226, %dma_start3A_245, %dma_start3A_246] : memref<2x128x128xf32, #tpu.memory_space<vmem>> -> memref<1x128x128xf32, #tpu.memory_space<vmem>>
      %dma_start3A_248 = tpu.memref_squeeze %dma_start3A_247 : memref<1x128x128xf32, #tpu.memory_space<vmem>> -> memref<128x128xf32, #tpu.memory_space<vmem>>
      %dma_start3A_249 = arith.constant 0 : i32
      %dma_start3A_250 = tpu.memref_slice %arg7[%while3A_210, %dma_start3A_244, %dma_start3A_249] : memref<20x1x128xi32, #tpu.memory_space<vmem>> -> memref<1x1x128xi32, #tpu.memory_space<vmem>>
      %dma_start3A_251 = tpu.memref_squeeze %dma_start3A_250 : memref<1x1x128xi32, #tpu.memory_space<vmem>> -> memref<128xi32, #tpu.memory_space<vmem>>
      %dma_start3A_252 = arith.constant 0 : i32
      %dma_start3A_253 = arith.constant 0 : i32
      %dma_start3A_254 = tpu.memref_slice %arg10[%dma_start3A_252, %dma_start3A_253] : memref<10000x128xf32, #tpu.memory_space<vmem_shared>> -> memref<10000x128xf32, #tpu.memory_space<vmem_shared>>
      %dma_start3A_255 = tpu.memref_slice %arg12[%select_n3A_226] : memref<2x!tpu.dma_semaphore, #tpu.memory_space<semaphore_mem>> -> memref<1x!tpu.dma_semaphore, #tpu.memory_space<semaphore_mem>>
      %dma_start3A_256 = tpu.memref_squeeze %dma_start3A_255 : memref<1x!tpu.dma_semaphore, #tpu.memory_space<semaphore_mem>> -> memref<!tpu.dma_semaphore, #tpu.memory_space<semaphore_mem>>
      tpu.enqueue_indirect_dma source(%dma_start3A_248 : memref<128x128xf32, #tpu.memory_space<vmem>>) target(%dma_start3A_254 : memref<10000x128xf32, #tpu.memory_space<vmem_shared>>) offsets(%dma_start3A_251 : memref<128xi32, #tpu.memory_space<vmem>>) semaphore(%dma_start3A_256 : memref<!tpu.dma_semaphore, #tpu.memory_space<semaphore_mem>>) {add = true}
      %add3A_257 = arith.constant 1 : i32
      %add3A_258 = arith.addi %while3A_210, %add3A_257 : i32
      %lt3A_259 = arith.cmpi slt, %add3A_258, %add3A_8 : i32
      %convert_element_type3A_260 = arith.extui %lt3A_259 : i1 to i32
      %cond3A_261 = arith.constant 0 : i32
      %cond3A_262 = arith.cmpi ne, %convert_element_type3A_260, %cond3A_261 : i32
      scf.if %cond3A_262 {
        %add3A_263 = arith.constant 1 : i32
        %add3A_264 = arith.addi %while3A_210, %add3A_263 : i32
        %jit3A_265 = arith.constant 2 : i32
        %eq3A_266 = arith.constant 0 : i32
        %eq3A_267 = arith.cmpi eq, %jit3A_265, %eq3A_266 : i32
        %jit3A_268 = arith.constant 1 : i32
        %select_n3A_269 = arith.select %eq3A_267, %jit3A_268, %jit3A_265 : i32
        %rem3A_270 = arith.remsi %add3A_264, %select_n3A_269 : i32
        %ne3A_271 = arith.constant 0 : i32
        %ne3A_272 = arith.cmpi ne, %rem3A_270, %ne3A_271 : i32
        %lt3A_273 = arith.constant 0 : i32
        %lt3A_274 = arith.cmpi slt, %rem3A_270, %lt3A_273 : i32
        %lt3A_275 = arith.constant 0 : i32
        %lt3A_276 = arith.cmpi slt, %select_n3A_269, %lt3A_275 : i32
        %ne3A_277 = arith.xori %lt3A_274, %lt3A_276 : i1
        %and3A_278 = arith.andi %ne3A_277, %ne3A_272 : i1
        %add3A_279 = arith.addi %rem3A_270, %select_n3A_269 : i32
        %select_n3A_280 = arith.select %and3A_278, %add3A_279, %rem3A_270 : i32
        %add3A_281 = arith.constant 1 : i32
        %add3A_282 = arith.addi %while3A_210, %add3A_281 : i32
        %ge3A = arith.constant 2 : i32
        %ge3A_283 = arith.cmpi sge, %add3A_282, %ge3A : i32
        %convert_element_type3A_284 = arith.extui %ge3A_283 : i1 to i32
        %cond3A_285 = arith.constant 0 : i32
        %cond3A_286 = arith.cmpi ne, %convert_element_type3A_284, %cond3A_285 : i32
        scf.if %cond3A_286 {
          %sub3A_306 = arith.constant 1 : i32
          %sub3A_307 = arith.subi %while3A_210, %sub3A_306 : i32
          %dma_wait3A_308 = arith.constant 0 : i32
          %dma_wait3A_309 = arith.constant 0 : i32
          %dma_wait3A_310 = arith.constant 0 : i32
          %dma_wait3A_311 = tpu.memref_slice %arg9[%select_n3A_280, %dma_wait3A_309, %dma_wait3A_310] : memref<2x128x128xf32, #tpu.memory_space<vmem>> -> memref<1x128x128xf32, #tpu.memory_space<vmem>>
          %dma_wait3A_312 = tpu.memref_squeeze %dma_wait3A_311 : memref<1x128x128xf32, #tpu.memory_space<vmem>> -> memref<128x128xf32, #tpu.memory_space<vmem>>
          %dma_wait3A_313 = arith.constant 0 : i32
          %dma_wait3A_314 = tpu.memref_slice %arg7[%sub3A_307, %dma_wait3A_308, %dma_wait3A_313] : memref<20x1x128xi32, #tpu.memory_space<vmem>> -> memref<1x1x128xi32, #tpu.memory_space<vmem>>
          %dma_wait3A_315 = tpu.memref_squeeze %dma_wait3A_314 : memref<1x1x128xi32, #tpu.memory_space<vmem>> -> memref<128xi32, #tpu.memory_space<vmem>>
          %dma_wait3A_316 = arith.constant 0 : i32
          %dma_wait3A_317 = arith.constant 0 : i32
          %dma_wait3A_318 = tpu.memref_slice %arg10[%dma_wait3A_316, %dma_wait3A_317] : memref<10000x128xf32, #tpu.memory_space<vmem_shared>> -> memref<10000x128xf32, #tpu.memory_space<vmem_shared>>
          %dma_wait3A_319 = tpu.memref_slice %arg12[%select_n3A_280] : memref<2x!tpu.dma_semaphore, #tpu.memory_space<semaphore_mem>> -> memref<1x!tpu.dma_semaphore, #tpu.memory_space<semaphore_mem>>
          %dma_wait3A_320 = tpu.memref_squeeze %dma_wait3A_319 : memref<1x!tpu.dma_semaphore, #tpu.memory_space<semaphore_mem>> -> memref<!tpu.dma_semaphore, #tpu.memory_space<semaphore_mem>>
          tpu.wait_indirect_dma semaphore(%dma_wait3A_320 : memref<!tpu.dma_semaphore, #tpu.memory_space<semaphore_mem>>) src(%dma_wait3A_312 : memref<128x128xf32, #tpu.memory_space<vmem>>) dst(%dma_wait3A_318 : memref<10000x128xf32, #tpu.memory_space<vmem_shared>>)
        } else {
        }
        %add3A_287 = arith.addi %add3A_4, %while3A_210 : i32
        %add3A_288 = arith.constant 1 : i32
        %add3A_289 = arith.addi %add3A_287, %add3A_288 : i32
        %mul3A_290 = arith.constant 128 : i32
        %mul3A_291 = arith.muli %add3A_289, %mul3A_290 : i32
        %dma_start3A_292 = arith.constant 0 : i32
        %dma_start3A_293 = arith.constant 0 : i32
        %dma_start3A_294 = tpu.memref_slice %arg9[%select_n3A_280, %dma_start3A_292, %dma_start3A_293] : memref<2x128x128xf32, #tpu.memory_space<vmem>> -> memref<1x128x128xf32, #tpu.memory_space<vmem>>
        %dma_start3A_295 = tpu.memref_squeeze %dma_start3A_294 : memref<1x128x128xf32, #tpu.memory_space<vmem>> -> memref<128x128xf32, #tpu.memory_space<vmem>>
        %dma_start3A_296 = arith.constant 0 : i32
        %dma_start3A_297 = tpu.memref_slice %arg2[%mul3A_291, %dma_start3A_296] : memref<80000x128xf32, #tpu.memory_space<hbm>> -> memref<128x128xf32, #tpu.memory_space<hbm>>
        %dma_start3A_298 = tpu.memref_slice %arg11[%select_n3A_280] : memref<2x!tpu.dma_semaphore, #tpu.memory_space<semaphore_mem>> -> memref<1x!tpu.dma_semaphore, #tpu.memory_space<semaphore_mem>>
        %dma_start3A_299 = tpu.memref_squeeze %dma_start3A_298 : memref<1x!tpu.dma_semaphore, #tpu.memory_space<semaphore_mem>> -> memref<!tpu.dma_semaphore, #tpu.memory_space<semaphore_mem>>
        %dma_start3A_300 = arith.constant 0 : i32
        %dma_start3A_301 = arith.constant 0 : i32
        %dma_start3A_302 = tpu.memref_slice %arg9[%select_n3A_280, %dma_start3A_300, %dma_start3A_301] : memref<2x128x128xf32, #tpu.memory_space<vmem>> -> memref<1x128x128xf32, #tpu.memory_space<vmem>>
        %dma_start3A_303 = tpu.memref_squeeze %dma_start3A_302 : memref<1x128x128xf32, #tpu.memory_space<vmem>> -> memref<128x128xf32, #tpu.memory_space<vmem>>
        %dma_start3A_304 = arith.constant 0 : i32
        %dma_start3A_305 = tpu.memref_slice %arg2[%mul3A_291, %dma_start3A_304] : memref<80000x128xf32, #tpu.memory_space<hbm>> -> memref<128x128xf32, #tpu.memory_space<hbm>>
        tpu.enqueue_dma source(%dma_start3A_305 : memref<128x128xf32, #tpu.memory_space<hbm>>) target(%dma_start3A_303 : memref<128x128xf32, #tpu.memory_space<vmem>>) target_semaphore(%dma_start3A_299 : memref<!tpu.dma_semaphore, #tpu.memory_space<semaphore_mem>>)
      } else {
      }
    }
    %while3A_44 = arith.constant 1 : i32
    scf.for %while3A_210 = %while3A_42 to %while3A_38 step %while3A_44  : i32 {
      %jit3A_211 = arith.constant 2 : i32
      %eq3A_212 = arith.constant 0 : i32
      %eq3A_213 = arith.cmpi eq, %jit3A_211, %eq3A_212 : i32
      %jit3A_214 = arith.constant 1 : i32
      %select_n3A_215 = arith.select %eq3A_213, %jit3A_214, %jit3A_211 : i32
      %rem3A_216 = arith.remsi %while3A_210, %select_n3A_215 : i32
      %ne3A_217 = arith.constant 0 : i32
      %ne3A_218 = arith.cmpi ne, %rem3A_216, %ne3A_217 : i32
      %lt3A_219 = arith.constant 0 : i32
      %lt3A_220 = arith.cmpi slt, %rem3A_216, %lt3A_219 : i32
      %lt3A_221 = arith.constant 0 : i32
      %lt3A_222 = arith.cmpi slt, %select_n3A_215, %lt3A_221 : i32
      %ne3A_223 = arith.xori %lt3A_220, %lt3A_222 : i1
      %and3A_224 = arith.andi %ne3A_223, %ne3A_218 : i1
      %add3A_225 = arith.addi %rem3A_216, %select_n3A_215 : i32
      %select_n3A_226 = arith.select %and3A_224, %add3A_225, %rem3A_216 : i32
      %add3A_227 = arith.addi %add3A_4, %while3A_210 : i32
      %mul3A_228 = arith.constant 128 : i32
      %mul3A_229 = arith.muli %add3A_227, %mul3A_228 : i32
      %dma_wait3A_230 = arith.constant 0 : i32
      %dma_wait3A_231 = arith.constant 0 : i32
      %dma_wait3A_232 = tpu.memref_slice %arg9[%select_n3A_226, %dma_wait3A_230, %dma_wait3A_231] : memref<2x128x128xf32, #tpu.memory_space<vmem>> -> memref<1x128x128xf32, #tpu.memory_space<vmem>>
      %dma_wait3A_233 = tpu.memref_squeeze %dma_wait3A_232 : memref<1x128x128xf32, #tpu.memory_space<vmem>> -> memref<128x128xf32, #tpu.memory_space<vmem>>
      %dma_wait3A_234 = arith.constant 0 : i32
      %dma_wait3A_235 = tpu.memref_slice %arg2[%mul3A_229, %dma_wait3A_234] : memref<80000x128xf32, #tpu.memory_space<hbm>> -> memref<128x128xf32, #tpu.memory_space<hbm>>
      %dma_wait3A_236 = tpu.memref_slice %arg11[%select_n3A_226] : memref<2x!tpu.dma_semaphore, #tpu.memory_space<semaphore_mem>> -> memref<1x!tpu.dma_semaphore, #tpu.memory_space<semaphore_mem>>
      %dma_wait3A_237 = tpu.memref_squeeze %dma_wait3A_236 : memref<1x!tpu.dma_semaphore, #tpu.memory_space<semaphore_mem>> -> memref<!tpu.dma_semaphore, #tpu.memory_space<semaphore_mem>>
      %dma_wait3A_238 = arith.constant 0 : i32
      %dma_wait3A_239 = arith.constant 0 : i32
      %dma_wait3A_240 = tpu.memref_slice %arg9[%select_n3A_226, %dma_wait3A_238, %dma_wait3A_239] : memref<2x128x128xf32, #tpu.memory_space<vmem>> -> memref<1x128x128xf32, #tpu.memory_space<vmem>>
      %dma_wait3A_241 = tpu.memref_squeeze %dma_wait3A_240 : memref<1x128x128xf32, #tpu.memory_space<vmem>> -> memref<128x128xf32, #tpu.memory_space<vmem>>
      %dma_wait3A_242 = arith.constant 0 : i32
      %dma_wait3A_243 = tpu.memref_slice %arg2[%mul3A_229, %dma_wait3A_242] : memref<80000x128xf32, #tpu.memory_space<hbm>> -> memref<128x128xf32, #tpu.memory_space<hbm>>
      tpu.wait_dma2 semaphore(%dma_wait3A_237 : memref<!tpu.dma_semaphore, #tpu.memory_space<semaphore_mem>>) src(%dma_wait3A_243 : memref<128x128xf32, #tpu.memory_space<hbm>>) dst(%dma_wait3A_241 : memref<128x128xf32, #tpu.memory_space<vmem>>)
      %dma_start3A_244 = arith.constant 0 : i32
      %dma_start3A_245 = arith.constant 0 : i32
      %dma_start3A_246 = arith.constant 0 : i32
      %dma_start3A_247 = tpu.memref_slice %arg9[%select_n3A_226, %dma_start3A_245, %dma_start3A_246] : memref<2x128x128xf32, #tpu.memory_space<vmem>> -> memref<1x128x128xf32, #tpu.memory_space<vmem>>
      %dma_start3A_248 = tpu.memref_squeeze %dma_start3A_247 : memref<1x128x128xf32, #tpu.memory_space<vmem>> -> memref<128x128xf32, #tpu.memory_space<vmem>>
      %dma_start3A_249 = arith.constant 0 : i32
      %dma_start3A_250 = tpu.memref_slice %arg7[%while3A_210, %dma_start3A_244, %dma_start3A_249] : memref<20x1x128xi32, #tpu.memory_space<vmem>> -> memref<1x1x128xi32, #tpu.memory_space<vmem>>
      %dma_start3A_251 = tpu.memref_squeeze %dma_start3A_250 : memref<1x1x128xi32, #tpu.memory_space<vmem>> -> memref<128xi32, #tpu.memory_space<vmem>>
      %dma_start3A_252 = arith.constant 0 : i32
      %dma_start3A_253 = arith.constant 0 : i32
      %dma_start3A_254 = tpu.memref_slice %arg10[%dma_start3A_252, %dma_start3A_253] : memref<10000x128xf32, #tpu.memory_space<vmem_shared>> -> memref<10000x128xf32, #tpu.memory_space<vmem_shared>>
      %dma_start3A_255 = tpu.memref_slice %arg12[%select_n3A_226] : memref<2x!tpu.dma_semaphore, #tpu.memory_space<semaphore_mem>> -> memref<1x!tpu.dma_semaphore, #tpu.memory_space<semaphore_mem>>
      %dma_start3A_256 = tpu.memref_squeeze %dma_start3A_255 : memref<1x!tpu.dma_semaphore, #tpu.memory_space<semaphore_mem>> -> memref<!tpu.dma_semaphore, #tpu.memory_space<semaphore_mem>>
      tpu.enqueue_indirect_dma source(%dma_start3A_248 : memref<128x128xf32, #tpu.memory_space<vmem>>) target(%dma_start3A_254 : memref<10000x128xf32, #tpu.memory_space<vmem_shared>>) offsets(%dma_start3A_251 : memref<128xi32, #tpu.memory_space<vmem>>) semaphore(%dma_start3A_256 : memref<!tpu.dma_semaphore, #tpu.memory_space<semaphore_mem>>) {add = true}
      %add3A_257 = arith.constant 1 : i32
      %add3A_258 = arith.addi %while3A_210, %add3A_257 : i32
      %lt3A_259 = arith.cmpi slt, %add3A_258, %add3A_8 : i32
      %convert_element_type3A_260 = arith.extui %lt3A_259 : i1 to i32
      %cond3A_261 = arith.constant 0 : i32
      %cond3A_262 = arith.cmpi ne, %convert_element_type3A_260, %cond3A_261 : i32
      scf.if %cond3A_262 {
        %add3A_263 = arith.constant 1 : i32
        %add3A_264 = arith.addi %while3A_210, %add3A_263 : i32
        %jit3A_265 = arith.constant 2 : i32
        %eq3A_266 = arith.constant 0 : i32
        %eq3A_267 = arith.cmpi eq, %jit3A_265, %eq3A_266 : i32
        %jit3A_268 = arith.constant 1 : i32
        %select_n3A_269 = arith.select %eq3A_267, %jit3A_268, %jit3A_265 : i32
        %rem3A_270 = arith.remsi %add3A_264, %select_n3A_269 : i32
        %ne3A_271 = arith.constant 0 : i32
        %ne3A_272 = arith.cmpi ne, %rem3A_270, %ne3A_271 : i32
        %lt3A_273 = arith.constant 0 : i32
        %lt3A_274 = arith.cmpi slt, %rem3A_270, %lt3A_273 : i32
        %lt3A_275 = arith.constant 0 : i32
        %lt3A_276 = arith.cmpi slt, %select_n3A_269, %lt3A_275 : i32
        %ne3A_277 = arith.xori %lt3A_274, %lt3A_276 : i1
        %and3A_278 = arith.andi %ne3A_277, %ne3A_272 : i1
        %add3A_279 = arith.addi %rem3A_270, %select_n3A_269 : i32
        %select_n3A_280 = arith.select %and3A_278, %add3A_279, %rem3A_270 : i32
        %add3A_281 = arith.constant 1 : i32
        %add3A_282 = arith.addi %while3A_210, %add3A_281 : i32
        %ge3A = arith.constant 2 : i32
        %ge3A_283 = arith.cmpi sge, %add3A_282, %ge3A : i32
        %convert_element_type3A_284 = arith.extui %ge3A_283 : i1 to i32
        %cond3A_285 = arith.constant 0 : i32
        %cond3A_286 = arith.cmpi ne, %convert_element_type3A_284, %cond3A_285 : i32
        scf.if %cond3A_286 {
          %sub3A_306 = arith.constant 1 : i32
          %sub3A_307 = arith.subi %while3A_210, %sub3A_306 : i32
          %dma_wait3A_308 = arith.constant 0 : i32
          %dma_wait3A_309 = arith.constant 0 : i32
          %dma_wait3A_310 = arith.constant 0 : i32
          %dma_wait3A_311 = tpu.memref_slice %arg9[%select_n3A_280, %dma_wait3A_309, %dma_wait3A_310] : memref<2x128x128xf32, #tpu.memory_space<vmem>> -> memref<1x128x128xf32, #tpu.memory_space<vmem>>
          %dma_wait3A_312 = tpu.memref_squeeze %dma_wait3A_311 : memref<1x128x128xf32, #tpu.memory_space<vmem>> -> memref<128x128xf32, #tpu.memory_space<vmem>>
          %dma_wait3A_313 = arith.constant 0 : i32
          %dma_wait3A_314 = tpu.memref_slice %arg7[%sub3A_307, %dma_wait3A_308, %dma_wait3A_313] : memref<20x1x128xi32, #tpu.memory_space<vmem>> -> memref<1x1x128xi32, #tpu.memory_space<vmem>>
          %dma_wait3A_315 = tpu.memref_squeeze %dma_wait3A_314 : memref<1x1x128xi32, #tpu.memory_space<vmem>> -> memref<128xi32, #tpu.memory_space<vmem>>
          %dma_wait3A_316 = arith.constant 0 : i32
          %dma_wait3A_317 = arith.constant 0 : i32
          %dma_wait3A_318 = tpu.memref_slice %arg10[%dma_wait3A_316, %dma_wait3A_317] : memref<10000x128xf32, #tpu.memory_space<vmem_shared>> -> memref<10000x128xf32, #tpu.memory_space<vmem_shared>>
          %dma_wait3A_319 = tpu.memref_slice %arg12[%select_n3A_280] : memref<2x!tpu.dma_semaphore, #tpu.memory_space<semaphore_mem>> -> memref<1x!tpu.dma_semaphore, #tpu.memory_space<semaphore_mem>>
          %dma_wait3A_320 = tpu.memref_squeeze %dma_wait3A_319 : memref<1x!tpu.dma_semaphore, #tpu.memory_space<semaphore_mem>> -> memref<!tpu.dma_semaphore, #tpu.memory_space<semaphore_mem>>
          tpu.wait_indirect_dma semaphore(%dma_wait3A_320 : memref<!tpu.dma_semaphore, #tpu.memory_space<semaphore_mem>>) src(%dma_wait3A_312 : memref<128x128xf32, #tpu.memory_space<vmem>>) dst(%dma_wait3A_318 : memref<10000x128xf32, #tpu.memory_space<vmem_shared>>)
        } else {
        }
        %add3A_287 = arith.addi %add3A_4, %while3A_210 : i32
        %add3A_288 = arith.constant 1 : i32
        %add3A_289 = arith.addi %add3A_287, %add3A_288 : i32
        %mul3A_290 = arith.constant 128 : i32
        %mul3A_291 = arith.muli %add3A_289, %mul3A_290 : i32
        %dma_start3A_292 = arith.constant 0 : i32
        %dma_start3A_293 = arith.constant 0 : i32
        %dma_start3A_294 = tpu.memref_slice %arg9[%select_n3A_280, %dma_start3A_292, %dma_start3A_293] : memref<2x128x128xf32, #tpu.memory_space<vmem>> -> memref<1x128x128xf32, #tpu.memory_space<vmem>>
        %dma_start3A_295 = tpu.memref_squeeze %dma_start3A_294 : memref<1x128x128xf32, #tpu.memory_space<vmem>> -> memref<128x128xf32, #tpu.memory_space<vmem>>
        %dma_start3A_296 = arith.constant 0 : i32
        %dma_start3A_297 = tpu.memref_slice %arg2[%mul3A_291, %dma_start3A_296] : memref<80000x128xf32, #tpu.memory_space<hbm>> -> memref<128x128xf32, #tpu.memory_space<hbm>>
        %dma_start3A_298 = tpu.memref_slice %arg11[%select_n3A_280] : memref<2x!tpu.dma_semaphore, #tpu.memory_space<semaphore_mem>> -> memref<1x!tpu.dma_semaphore, #tpu.memory_space<semaphore_mem>>
        %dma_start3A_299 = tpu.memref_squeeze %dma_start3A_298 : memref<1x!tpu.dma_semaphore, #tpu.memory_space<semaphore_mem>> -> memref<!tpu.dma_semaphore, #tpu.memory_space<semaphore_mem>>
        %dma_start3A_300 = arith.constant 0 : i32
        %dma_start3A_301 = arith.constant 0 : i32
        %dma_start3A_302 = tpu.memref_slice %arg9[%select_n3A_280, %dma_start3A_300, %dma_start3A_301] : memref<2x128x128xf32, #tpu.memory_space<vmem>> -> memref<1x128x128xf32, #tpu.memory_space<vmem>>
        %dma_start3A_303 = tpu.memref_squeeze %dma_start3A_302 : memref<1x128x128xf32, #tpu.memory_space<vmem>> -> memref<128x128xf32, #tpu.memory_space<vmem>>
        %dma_start3A_304 = arith.constant 0 : i32
        %dma_start3A_305 = tpu.memref_slice %arg2[%mul3A_291, %dma_start3A_304] : memref<80000x128xf32, #tpu.memory_space<hbm>> -> memref<128x128xf32, #tpu.memory_space<hbm>>
        tpu.enqueue_dma source(%dma_start3A_305 : memref<128x128xf32, #tpu.memory_space<hbm>>) target(%dma_start3A_303 : memref<128x128xf32, #tpu.memory_space<vmem>>) target_semaphore(%dma_start3A_299 : memref<!tpu.dma_semaphore, #tpu.memory_space<semaphore_mem>>)
      } else {
      }
    }
    %sub3A = arith.constant 2 : i32
    %sub3A_45 = arith.subi %add3A_8, %sub3A : i32
    %jit3A_46 = arith.constant 2 : i32
    %eq3A_47 = arith.constant 0 : i32
    %eq3A_48 = arith.cmpi eq, %jit3A_46, %eq3A_47 : i32
    %jit3A_49 = arith.constant 1 : i32
    %select_n3A_50 = arith.select %eq3A_48, %jit3A_49, %jit3A_46 : i32
    %rem3A = arith.remsi %sub3A_45, %select_n3A_50 : i32
    %ne3A = arith.constant 0 : i32
    %ne3A_51 = arith.cmpi ne, %rem3A, %ne3A : i32
    %lt3A_52 = arith.constant 0 : i32
    %lt3A_53 = arith.cmpi slt, %rem3A, %lt3A_52 : i32
    %lt3A_54 = arith.constant 0 : i32
    %lt3A_55 = arith.cmpi slt, %select_n3A_50, %lt3A_54 : i32
    %ne3A_56 = arith.xori %lt3A_53, %lt3A_55 : i1
    %and3A = arith.andi %ne3A_56, %ne3A_51 : i1
    %add3A_57 = arith.addi %rem3A, %select_n3A_50 : i32
    %select_n3A_58 = arith.select %and3A, %add3A_57, %rem3A : i32
    %sub3A_59 = arith.constant 2 : i32
    %sub3A_60 = arith.subi %add3A_8, %sub3A_59 : i32
    %dma_wait3A = arith.constant 0 : i32
    %dma_wait3A_61 = arith.constant 0 : i32
    %dma_wait3A_62 = arith.constant 0 : i32
    %dma_wait3A_63 = tpu.memref_slice %arg9[%select_n3A_58, %dma_wait3A_61, %dma_wait3A_62] : memref<2x128x128xf32, #tpu.memory_space<vmem>> -> memref<1x128x128xf32, #tpu.memory_space<vmem>>
    %dma_wait3A_64 = tpu.memref_squeeze %dma_wait3A_63 : memref<1x128x128xf32, #tpu.memory_space<vmem>> -> memref<128x128xf32, #tpu.memory_space<vmem>>
    %dma_wait3A_65 = arith.constant 0 : i32
    %dma_wait3A_66 = tpu.memref_slice %arg7[%sub3A_60, %dma_wait3A, %dma_wait3A_65] : memref<20x1x128xi32, #tpu.memory_space<vmem>> -> memref<1x1x128xi32, #tpu.memory_space<vmem>>
    %dma_wait3A_67 = tpu.memref_squeeze %dma_wait3A_66 : memref<1x1x128xi32, #tpu.memory_space<vmem>> -> memref<128xi32, #tpu.memory_space<vmem>>
    %dma_wait3A_68 = arith.constant 0 : i32
    %dma_wait3A_69 = arith.constant 0 : i32
    %dma_wait3A_70 = tpu.memref_slice %arg10[%dma_wait3A_68, %dma_wait3A_69] : memref<10000x128xf32, #tpu.memory_space<vmem_shared>> -> memref<10000x128xf32, #tpu.memory_space<vmem_shared>>
    %dma_wait3A_71 = tpu.memref_slice %arg12[%select_n3A_58] : memref<2x!tpu.dma_semaphore, #tpu.memory_space<semaphore_mem>> -> memref<1x!tpu.dma_semaphore, #tpu.memory_space<semaphore_mem>>
    %dma_wait3A_72 = tpu.memref_squeeze %dma_wait3A_71 : memref<1x!tpu.dma_semaphore, #tpu.memory_space<semaphore_mem>> -> memref<!tpu.dma_semaphore, #tpu.memory_space<semaphore_mem>>
    tpu.wait_indirect_dma semaphore(%dma_wait3A_72 : memref<!tpu.dma_semaphore, #tpu.memory_space<semaphore_mem>>) src(%dma_wait3A_64 : memref<128x128xf32, #tpu.memory_space<vmem>>) dst(%dma_wait3A_70 : memref<10000x128xf32, #tpu.memory_space<vmem_shared>>)
    %sub3A_73 = arith.constant 1 : i32
    %sub3A_74 = arith.subi %add3A_8, %sub3A_73 : i32
    %jit3A_75 = arith.constant 2 : i32
    %eq3A_76 = arith.constant 0 : i32
    %eq3A_77 = arith.cmpi eq, %jit3A_75, %eq3A_76 : i32
    %jit3A_78 = arith.constant 1 : i32
    %select_n3A_79 = arith.select %eq3A_77, %jit3A_78, %jit3A_75 : i32
    %rem3A_80 = arith.remsi %sub3A_74, %select_n3A_79 : i32
    %ne3A_81 = arith.constant 0 : i32
    %ne3A_82 = arith.cmpi ne, %rem3A_80, %ne3A_81 : i32
    %lt3A_83 = arith.constant 0 : i32
    %lt3A_84 = arith.cmpi slt, %rem3A_80, %lt3A_83 : i32
    %lt3A_85 = arith.constant 0 : i32
    %lt3A_86 = arith.cmpi slt, %select_n3A_79, %lt3A_85 : i32
    %ne3A_87 = arith.xori %lt3A_84, %lt3A_86 : i1
    %and3A_88 = arith.andi %ne3A_87, %ne3A_82 : i1
    %add3A_89 = arith.addi %rem3A_80, %select_n3A_79 : i32
    %select_n3A_90 = arith.select %and3A_88, %add3A_89, %rem3A_80 : i32
    %sub3A_91 = arith.constant 1 : i32
    %sub3A_92 = arith.subi %add3A_8, %sub3A_91 : i32
    %dma_wait3A_93 = arith.constant 0 : i32
    %dma_wait3A_94 = arith.constant 0 : i32
    %dma_wait3A_95 = arith.constant 0 : i32
    %dma_wait3A_96 = tpu.memref_slice %arg9[%select_n3A_90, %dma_wait3A_94, %dma_wait3A_95] : memref<2x128x128xf32, #tpu.memory_space<vmem>> -> memref<1x128x128xf32, #tpu.memory_space<vmem>>
    %dma_wait3A_97 = tpu.memref_squeeze %dma_wait3A_96 : memref<1x128x128xf32, #tpu.memory_space<vmem>> -> memref<128x128xf32, #tpu.memory_space<vmem>>
    %dma_wait3A_98 = arith.constant 0 : i32
    %dma_wait3A_99 = tpu.memref_slice %arg7[%sub3A_92, %dma_wait3A_93, %dma_wait3A_98] : memref<20x1x128xi32, #tpu.memory_space<vmem>> -> memref<1x1x128xi32, #tpu.memory_space<vmem>>
    %dma_wait3A_100 = tpu.memref_squeeze %dma_wait3A_99 : memref<1x1x128xi32, #tpu.memory_space<vmem>> -> memref<128xi32, #tpu.memory_space<vmem>>
    %dma_wait3A_101 = arith.constant 0 : i32
    %dma_wait3A_102 = arith.constant 0 : i32
    %dma_wait3A_103 = tpu.memref_slice %arg10[%dma_wait3A_101, %dma_wait3A_102] : memref<10000x128xf32, #tpu.memory_space<vmem_shared>> -> memref<10000x128xf32, #tpu.memory_space<vmem_shared>>
    %dma_wait3A_104 = tpu.memref_slice %arg12[%select_n3A_90] : memref<2x!tpu.dma_semaphore, #tpu.memory_space<semaphore_mem>> -> memref<1x!tpu.dma_semaphore, #tpu.memory_space<semaphore_mem>>
    %dma_wait3A_105 = tpu.memref_squeeze %dma_wait3A_104 : memref<1x!tpu.dma_semaphore, #tpu.memory_space<semaphore_mem>> -> memref<!tpu.dma_semaphore, #tpu.memory_space<semaphore_mem>>
    tpu.wait_indirect_dma semaphore(%dma_wait3A_105 : memref<!tpu.dma_semaphore, #tpu.memory_space<semaphore_mem>>) src(%dma_wait3A_97 : memref<128x128xf32, #tpu.memory_space<vmem>>) dst(%dma_wait3A_103 : memref<10000x128xf32, #tpu.memory_space<vmem_shared>>)
    %mul3A_106 = arith.constant 128 : i32
    %mul3A_107 = arith.muli %add3A_4, %mul3A_106 : i32
    %dma_start3A_108 = arith.constant 0 : i32
    %dma_start3A_109 = arith.constant 0 : i32
    %dma_start3A_110 = arith.constant 0 : i32
    %dma_start3A_111 = arith.constant 0 : i32
    %dma_start3A_112 = tpu.memref_slice %arg9[%dma_start3A_108, %dma_start3A_110, %dma_start3A_111] : memref<2x128x128xf32, #tpu.memory_space<vmem>> -> memref<1x128x128xf32, #tpu.memory_space<vmem>>
    %dma_start3A_113 = tpu.memref_squeeze %dma_start3A_112 : memref<1x128x128xf32, #tpu.memory_space<vmem>> -> memref<128x128xf32, #tpu.memory_space<vmem>>
    %dma_start3A_114 = arith.constant 0 : i32
    %dma_start3A_115 = tpu.memref_slice %arg3[%mul3A_107, %dma_start3A_114] : memref<80000x128xf32, #tpu.memory_space<hbm>> -> memref<128x128xf32, #tpu.memory_space<hbm>>
    %dma_start3A_116 = tpu.memref_slice %arg11[%dma_start3A_109] : memref<2x!tpu.dma_semaphore, #tpu.memory_space<semaphore_mem>> -> memref<1x!tpu.dma_semaphore, #tpu.memory_space<semaphore_mem>>
    %dma_start3A_117 = tpu.memref_squeeze %dma_start3A_116 : memref<1x!tpu.dma_semaphore, #tpu.memory_space<semaphore_mem>> -> memref<!tpu.dma_semaphore, #tpu.memory_space<semaphore_mem>>
    %dma_start3A_118 = arith.constant 0 : i32
    %dma_start3A_119 = arith.constant 0 : i32
    %dma_start3A_120 = tpu.memref_slice %arg9[%dma_start3A_108, %dma_start3A_118, %dma_start3A_119] : memref<2x128x128xf32, #tpu.memory_space<vmem>> -> memref<1x128x128xf32, #tpu.memory_space<vmem>>
    %dma_start3A_121 = tpu.memref_squeeze %dma_start3A_120 : memref<1x128x128xf32, #tpu.memory_space<vmem>> -> memref<128x128xf32, #tpu.memory_space<vmem>>
    %dma_start3A_122 = arith.constant 0 : i32
    %dma_start3A_123 = tpu.memref_slice %arg3[%mul3A_107, %dma_start3A_122] : memref<80000x128xf32, #tpu.memory_space<hbm>> -> memref<128x128xf32, #tpu.memory_space<hbm>>
    tpu.enqueue_dma source(%dma_start3A_123 : memref<128x128xf32, #tpu.memory_space<hbm>>) target(%dma_start3A_121 : memref<128x128xf32, #tpu.memory_space<vmem>>) target_semaphore(%dma_start3A_117 : memref<!tpu.dma_semaphore, #tpu.memory_space<semaphore_mem>>)
    %while3A_124 = arith.constant 0 : i32
    %while3A_125 = arith.constant 0 : i32
    %while3A_126 = arith.subi %add3A_8, %while3A_125 : i32
    %while3A_127 = arith.addi %while3A_125, %while3A_126 : i32
    %while3A_128 = arith.constant 1 : i32
    %while3A_129 = arith.divsi %while3A_126, %while3A_128 : i32
    %while3A_130 = arith.muli %while3A_129, %while3A_128 : i32
    %while3A_131 = arith.addi %while3A_125, %while3A_130 : i32
    %while3A_132 = arith.constant 1 : i32
    scf.for %while3A_210 = %while3A_125 to %while3A_131 step %while3A_132  : i32 {
      %jit3A_211 = arith.constant 2 : i32
      %eq3A_212 = arith.constant 0 : i32
      %eq3A_213 = arith.cmpi eq, %jit3A_211, %eq3A_212 : i32
      %jit3A_214 = arith.constant 1 : i32
      %select_n3A_215 = arith.select %eq3A_213, %jit3A_214, %jit3A_211 : i32
      %rem3A_216 = arith.remsi %while3A_210, %select_n3A_215 : i32
      %ne3A_217 = arith.constant 0 : i32
      %ne3A_218 = arith.cmpi ne, %rem3A_216, %ne3A_217 : i32
      %lt3A_219 = arith.constant 0 : i32
      %lt3A_220 = arith.cmpi slt, %rem3A_216, %lt3A_219 : i32
      %lt3A_221 = arith.constant 0 : i32
      %lt3A_222 = arith.cmpi slt, %select_n3A_215, %lt3A_221 : i32
      %ne3A_223 = arith.xori %lt3A_220, %lt3A_222 : i1
      %and3A_224 = arith.andi %ne3A_223, %ne3A_218 : i1
      %add3A_225 = arith.addi %rem3A_216, %select_n3A_215 : i32
      %select_n3A_226 = arith.select %and3A_224, %add3A_225, %rem3A_216 : i32
      %add3A_227 = arith.addi %add3A_4, %while3A_210 : i32
      %mul3A_228 = arith.constant 128 : i32
      %mul3A_229 = arith.muli %add3A_227, %mul3A_228 : i32
      %dma_wait3A_230 = arith.constant 0 : i32
      %dma_wait3A_231 = arith.constant 0 : i32
      %dma_wait3A_232 = tpu.memref_slice %arg9[%select_n3A_226, %dma_wait3A_230, %dma_wait3A_231] : memref<2x128x128xf32, #tpu.memory_space<vmem>> -> memref<1x128x128xf32, #tpu.memory_space<vmem>>
      %dma_wait3A_233 = tpu.memref_squeeze %dma_wait3A_232 : memref<1x128x128xf32, #tpu.memory_space<vmem>> -> memref<128x128xf32, #tpu.memory_space<vmem>>
      %dma_wait3A_234 = arith.constant 0 : i32
      %dma_wait3A_235 = tpu.memref_slice %arg3[%mul3A_229, %dma_wait3A_234] : memref<80000x128xf32, #tpu.memory_space<hbm>> -> memref<128x128xf32, #tpu.memory_space<hbm>>
      %dma_wait3A_236 = tpu.memref_slice %arg11[%select_n3A_226] : memref<2x!tpu.dma_semaphore, #tpu.memory_space<semaphore_mem>> -> memref<1x!tpu.dma_semaphore, #tpu.memory_space<semaphore_mem>>
      %dma_wait3A_237 = tpu.memref_squeeze %dma_wait3A_236 : memref<1x!tpu.dma_semaphore, #tpu.memory_space<semaphore_mem>> -> memref<!tpu.dma_semaphore, #tpu.memory_space<semaphore_mem>>
      %dma_wait3A_238 = arith.constant 0 : i32
      %dma_wait3A_239 = arith.constant 0 : i32
      %dma_wait3A_240 = tpu.memref_slice %arg9[%select_n3A_226, %dma_wait3A_238, %dma_wait3A_239] : memref<2x128x128xf32, #tpu.memory_space<vmem>> -> memref<1x128x128xf32, #tpu.memory_space<vmem>>
      %dma_wait3A_241 = tpu.memref_squeeze %dma_wait3A_240 : memref<1x128x128xf32, #tpu.memory_space<vmem>> -> memref<128x128xf32, #tpu.memory_space<vmem>>
      %dma_wait3A_242 = arith.constant 0 : i32
      %dma_wait3A_243 = tpu.memref_slice %arg3[%mul3A_229, %dma_wait3A_242] : memref<80000x128xf32, #tpu.memory_space<hbm>> -> memref<128x128xf32, #tpu.memory_space<hbm>>
      tpu.wait_dma2 semaphore(%dma_wait3A_237 : memref<!tpu.dma_semaphore, #tpu.memory_space<semaphore_mem>>) src(%dma_wait3A_243 : memref<128x128xf32, #tpu.memory_space<hbm>>) dst(%dma_wait3A_241 : memref<128x128xf32, #tpu.memory_space<vmem>>)
      %dma_start3A_244 = arith.constant 0 : i32
      %dma_start3A_245 = arith.constant 0 : i32
      %dma_start3A_246 = arith.constant 0 : i32
      %dma_start3A_247 = tpu.memref_slice %arg9[%select_n3A_226, %dma_start3A_245, %dma_start3A_246] : memref<2x128x128xf32, #tpu.memory_space<vmem>> -> memref<1x128x128xf32, #tpu.memory_space<vmem>>
      %dma_start3A_248 = tpu.memref_squeeze %dma_start3A_247 : memref<1x128x128xf32, #tpu.memory_space<vmem>> -> memref<128x128xf32, #tpu.memory_space<vmem>>
      %dma_start3A_249 = arith.constant 0 : i32
      %dma_start3A_250 = tpu.memref_slice %arg8[%while3A_210, %dma_start3A_244, %dma_start3A_249] : memref<20x1x128xi32, #tpu.memory_space<vmem>> -> memref<1x1x128xi32, #tpu.memory_space<vmem>>
      %dma_start3A_251 = tpu.memref_squeeze %dma_start3A_250 : memref<1x1x128xi32, #tpu.memory_space<vmem>> -> memref<128xi32, #tpu.memory_space<vmem>>
      %dma_start3A_252 = arith.constant 0 : i32
      %dma_start3A_253 = arith.constant 0 : i32
      %dma_start3A_254 = tpu.memref_slice %arg10[%dma_start3A_252, %dma_start3A_253] : memref<10000x128xf32, #tpu.memory_space<vmem_shared>> -> memref<10000x128xf32, #tpu.memory_space<vmem_shared>>
      %dma_start3A_255 = tpu.memref_slice %arg12[%select_n3A_226] : memref<2x!tpu.dma_semaphore, #tpu.memory_space<semaphore_mem>> -> memref<1x!tpu.dma_semaphore, #tpu.memory_space<semaphore_mem>>
      %dma_start3A_256 = tpu.memref_squeeze %dma_start3A_255 : memref<1x!tpu.dma_semaphore, #tpu.memory_space<semaphore_mem>> -> memref<!tpu.dma_semaphore, #tpu.memory_space<semaphore_mem>>
      tpu.enqueue_indirect_dma source(%dma_start3A_248 : memref<128x128xf32, #tpu.memory_space<vmem>>) target(%dma_start3A_254 : memref<10000x128xf32, #tpu.memory_space<vmem_shared>>) offsets(%dma_start3A_251 : memref<128xi32, #tpu.memory_space<vmem>>) semaphore(%dma_start3A_256 : memref<!tpu.dma_semaphore, #tpu.memory_space<semaphore_mem>>) {add = true}
      %add3A_257 = arith.constant 1 : i32
      %add3A_258 = arith.addi %while3A_210, %add3A_257 : i32
      %lt3A_259 = arith.cmpi slt, %add3A_258, %add3A_8 : i32
      %convert_element_type3A_260 = arith.extui %lt3A_259 : i1 to i32
      %cond3A_261 = arith.constant 0 : i32
      %cond3A_262 = arith.cmpi ne, %convert_element_type3A_260, %cond3A_261 : i32
      scf.if %cond3A_262 {
        %add3A_263 = arith.constant 1 : i32
        %add3A_264 = arith.addi %while3A_210, %add3A_263 : i32
        %jit3A_265 = arith.constant 2 : i32
        %eq3A_266 = arith.constant 0 : i32
        %eq3A_267 = arith.cmpi eq, %jit3A_265, %eq3A_266 : i32
        %jit3A_268 = arith.constant 1 : i32
        %select_n3A_269 = arith.select %eq3A_267, %jit3A_268, %jit3A_265 : i32
        %rem3A_270 = arith.remsi %add3A_264, %select_n3A_269 : i32
        %ne3A_271 = arith.constant 0 : i32
        %ne3A_272 = arith.cmpi ne, %rem3A_270, %ne3A_271 : i32
        %lt3A_273 = arith.constant 0 : i32
        %lt3A_274 = arith.cmpi slt, %rem3A_270, %lt3A_273 : i32
        %lt3A_275 = arith.constant 0 : i32
        %lt3A_276 = arith.cmpi slt, %select_n3A_269, %lt3A_275 : i32
        %ne3A_277 = arith.xori %lt3A_274, %lt3A_276 : i1
        %and3A_278 = arith.andi %ne3A_277, %ne3A_272 : i1
        %add3A_279 = arith.addi %rem3A_270, %select_n3A_269 : i32
        %select_n3A_280 = arith.select %and3A_278, %add3A_279, %rem3A_270 : i32
        %add3A_281 = arith.constant 1 : i32
        %add3A_282 = arith.addi %while3A_210, %add3A_281 : i32
        %ge3A = arith.constant 2 : i32
        %ge3A_283 = arith.cmpi sge, %add3A_282, %ge3A : i32
        %convert_element_type3A_284 = arith.extui %ge3A_283 : i1 to i32
        %cond3A_285 = arith.constant 0 : i32
        %cond3A_286 = arith.cmpi ne, %convert_element_type3A_284, %cond3A_285 : i32
        scf.if %cond3A_286 {
          %sub3A_306 = arith.constant 1 : i32
          %sub3A_307 = arith.subi %while3A_210, %sub3A_306 : i32
          %dma_wait3A_308 = arith.constant 0 : i32
          %dma_wait3A_309 = arith.constant 0 : i32
          %dma_wait3A_310 = arith.constant 0 : i32
          %dma_wait3A_311 = tpu.memref_slice %arg9[%select_n3A_280, %dma_wait3A_309, %dma_wait3A_310] : memref<2x128x128xf32, #tpu.memory_space<vmem>> -> memref<1x128x128xf32, #tpu.memory_space<vmem>>
          %dma_wait3A_312 = tpu.memref_squeeze %dma_wait3A_311 : memref<1x128x128xf32, #tpu.memory_space<vmem>> -> memref<128x128xf32, #tpu.memory_space<vmem>>
          %dma_wait3A_313 = arith.constant 0 : i32
          %dma_wait3A_314 = tpu.memref_slice %arg8[%sub3A_307, %dma_wait3A_308, %dma_wait3A_313] : memref<20x1x128xi32, #tpu.memory_space<vmem>> -> memref<1x1x128xi32, #tpu.memory_space<vmem>>
          %dma_wait3A_315 = tpu.memref_squeeze %dma_wait3A_314 : memref<1x1x128xi32, #tpu.memory_space<vmem>> -> memref<128xi32, #tpu.memory_space<vmem>>
          %dma_wait3A_316 = arith.constant 0 : i32
          %dma_wait3A_317 = arith.constant 0 : i32
          %dma_wait3A_318 = tpu.memref_slice %arg10[%dma_wait3A_316, %dma_wait3A_317] : memref<10000x128xf32, #tpu.memory_space<vmem_shared>> -> memref<10000x128xf32, #tpu.memory_space<vmem_shared>>
          %dma_wait3A_319 = tpu.memref_slice %arg12[%select_n3A_280] : memref<2x!tpu.dma_semaphore, #tpu.memory_space<semaphore_mem>> -> memref<1x!tpu.dma_semaphore, #tpu.memory_space<semaphore_mem>>
          %dma_wait3A_320 = tpu.memref_squeeze %dma_wait3A_319 : memref<1x!tpu.dma_semaphore, #tpu.memory_space<semaphore_mem>> -> memref<!tpu.dma_semaphore, #tpu.memory_space<semaphore_mem>>
          tpu.wait_indirect_dma semaphore(%dma_wait3A_320 : memref<!tpu.dma_semaphore, #tpu.memory_space<semaphore_mem>>) src(%dma_wait3A_312 : memref<128x128xf32, #tpu.memory_space<vmem>>) dst(%dma_wait3A_318 : memref<10000x128xf32, #tpu.memory_space<vmem_shared>>)
        } else {
        }
        %add3A_287 = arith.addi %add3A_4, %while3A_210 : i32
        %add3A_288 = arith.constant 1 : i32
        %add3A_289 = arith.addi %add3A_287, %add3A_288 : i32
        %mul3A_290 = arith.constant 128 : i32
        %mul3A_291 = arith.muli %add3A_289, %mul3A_290 : i32
        %dma_start3A_292 = arith.constant 0 : i32
        %dma_start3A_293 = arith.constant 0 : i32
        %dma_start3A_294 = tpu.memref_slice %arg9[%select_n3A_280, %dma_start3A_292, %dma_start3A_293] : memref<2x128x128xf32, #tpu.memory_space<vmem>> -> memref<1x128x128xf32, #tpu.memory_space<vmem>>
        %dma_start3A_295 = tpu.memref_squeeze %dma_start3A_294 : memref<1x128x128xf32, #tpu.memory_space<vmem>> -> memref<128x128xf32, #tpu.memory_space<vmem>>
        %dma_start3A_296 = arith.constant 0 : i32
        %dma_start3A_297 = tpu.memref_slice %arg3[%mul3A_291, %dma_start3A_296] : memref<80000x128xf32, #tpu.memory_space<hbm>> -> memref<128x128xf32, #tpu.memory_space<hbm>>
        %dma_start3A_298 = tpu.memref_slice %arg11[%select_n3A_280] : memref<2x!tpu.dma_semaphore, #tpu.memory_space<semaphore_mem>> -> memref<1x!tpu.dma_semaphore, #tpu.memory_space<semaphore_mem>>
        %dma_start3A_299 = tpu.memref_squeeze %dma_start3A_298 : memref<1x!tpu.dma_semaphore, #tpu.memory_space<semaphore_mem>> -> memref<!tpu.dma_semaphore, #tpu.memory_space<semaphore_mem>>
        %dma_start3A_300 = arith.constant 0 : i32
        %dma_start3A_301 = arith.constant 0 : i32
        %dma_start3A_302 = tpu.memref_slice %arg9[%select_n3A_280, %dma_start3A_300, %dma_start3A_301] : memref<2x128x128xf32, #tpu.memory_space<vmem>> -> memref<1x128x128xf32, #tpu.memory_space<vmem>>
        %dma_start3A_303 = tpu.memref_squeeze %dma_start3A_302 : memref<1x128x128xf32, #tpu.memory_space<vmem>> -> memref<128x128xf32, #tpu.memory_space<vmem>>
        %dma_start3A_304 = arith.constant 0 : i32
        %dma_start3A_305 = tpu.memref_slice %arg3[%mul3A_291, %dma_start3A_304] : memref<80000x128xf32, #tpu.memory_space<hbm>> -> memref<128x128xf32, #tpu.memory_space<hbm>>
        tpu.enqueue_dma source(%dma_start3A_305 : memref<128x128xf32, #tpu.memory_space<hbm>>) target(%dma_start3A_303 : memref<128x128xf32, #tpu.memory_space<vmem>>) target_semaphore(%dma_start3A_299 : memref<!tpu.dma_semaphore, #tpu.memory_space<semaphore_mem>>)
      } else {
      }
    }
    %while3A_133 = arith.constant 1 : i32
    scf.for %while3A_210 = %while3A_131 to %while3A_127 step %while3A_133  : i32 {
      %jit3A_211 = arith.constant 2 : i32
      %eq3A_212 = arith.constant 0 : i32
      %eq3A_213 = arith.cmpi eq, %jit3A_211, %eq3A_212 : i32
      %jit3A_214 = arith.constant 1 : i32
      %select_n3A_215 = arith.select %eq3A_213, %jit3A_214, %jit3A_211 : i32
      %rem3A_216 = arith.remsi %while3A_210, %select_n3A_215 : i32
      %ne3A_217 = arith.constant 0 : i32
      %ne3A_218 = arith.cmpi ne, %rem3A_216, %ne3A_217 : i32
      %lt3A_219 = arith.constant 0 : i32
      %lt3A_220 = arith.cmpi slt, %rem3A_216, %lt3A_219 : i32
      %lt3A_221 = arith.constant 0 : i32
      %lt3A_222 = arith.cmpi slt, %select_n3A_215, %lt3A_221 : i32
      %ne3A_223 = arith.xori %lt3A_220, %lt3A_222 : i1
      %and3A_224 = arith.andi %ne3A_223, %ne3A_218 : i1
      %add3A_225 = arith.addi %rem3A_216, %select_n3A_215 : i32
      %select_n3A_226 = arith.select %and3A_224, %add3A_225, %rem3A_216 : i32
      %add3A_227 = arith.addi %add3A_4, %while3A_210 : i32
      %mul3A_228 = arith.constant 128 : i32
      %mul3A_229 = arith.muli %add3A_227, %mul3A_228 : i32
      %dma_wait3A_230 = arith.constant 0 : i32
      %dma_wait3A_231 = arith.constant 0 : i32
      %dma_wait3A_232 = tpu.memref_slice %arg9[%select_n3A_226, %dma_wait3A_230, %dma_wait3A_231] : memref<2x128x128xf32, #tpu.memory_space<vmem>> -> memref<1x128x128xf32, #tpu.memory_space<vmem>>
      %dma_wait3A_233 = tpu.memref_squeeze %dma_wait3A_232 : memref<1x128x128xf32, #tpu.memory_space<vmem>> -> memref<128x128xf32, #tpu.memory_space<vmem>>
      %dma_wait3A_234 = arith.constant 0 : i32
      %dma_wait3A_235 = tpu.memref_slice %arg3[%mul3A_229, %dma_wait3A_234] : memref<80000x128xf32, #tpu.memory_space<hbm>> -> memref<128x128xf32, #tpu.memory_space<hbm>>
      %dma_wait3A_236 = tpu.memref_slice %arg11[%select_n3A_226] : memref<2x!tpu.dma_semaphore, #tpu.memory_space<semaphore_mem>> -> memref<1x!tpu.dma_semaphore, #tpu.memory_space<semaphore_mem>>
      %dma_wait3A_237 = tpu.memref_squeeze %dma_wait3A_236 : memref<1x!tpu.dma_semaphore, #tpu.memory_space<semaphore_mem>> -> memref<!tpu.dma_semaphore, #tpu.memory_space<semaphore_mem>>
      %dma_wait3A_238 = arith.constant 0 : i32
      %dma_wait3A_239 = arith.constant 0 : i32
      %dma_wait3A_240 = tpu.memref_slice %arg9[%select_n3A_226, %dma_wait3A_238, %dma_wait3A_239] : memref<2x128x128xf32, #tpu.memory_space<vmem>> -> memref<1x128x128xf32, #tpu.memory_space<vmem>>
      %dma_wait3A_241 = tpu.memref_squeeze %dma_wait3A_240 : memref<1x128x128xf32, #tpu.memory_space<vmem>> -> memref<128x128xf32, #tpu.memory_space<vmem>>
      %dma_wait3A_242 = arith.constant 0 : i32
      %dma_wait3A_243 = tpu.memref_slice %arg3[%mul3A_229, %dma_wait3A_242] : memref<80000x128xf32, #tpu.memory_space<hbm>> -> memref<128x128xf32, #tpu.memory_space<hbm>>
      tpu.wait_dma2 semaphore(%dma_wait3A_237 : memref<!tpu.dma_semaphore, #tpu.memory_space<semaphore_mem>>) src(%dma_wait3A_243 : memref<128x128xf32, #tpu.memory_space<hbm>>) dst(%dma_wait3A_241 : memref<128x128xf32, #tpu.memory_space<vmem>>)
      %dma_start3A_244 = arith.constant 0 : i32
      %dma_start3A_245 = arith.constant 0 : i32
      %dma_start3A_246 = arith.constant 0 : i32
      %dma_start3A_247 = tpu.memref_slice %arg9[%select_n3A_226, %dma_start3A_245, %dma_start3A_246] : memref<2x128x128xf32, #tpu.memory_space<vmem>> -> memref<1x128x128xf32, #tpu.memory_space<vmem>>
      %dma_start3A_248 = tpu.memref_squeeze %dma_start3A_247 : memref<1x128x128xf32, #tpu.memory_space<vmem>> -> memref<128x128xf32, #tpu.memory_space<vmem>>
      %dma_start3A_249 = arith.constant 0 : i32
      %dma_start3A_250 = tpu.memref_slice %arg8[%while3A_210, %dma_start3A_244, %dma_start3A_249] : memref<20x1x128xi32, #tpu.memory_space<vmem>> -> memref<1x1x128xi32, #tpu.memory_space<vmem>>
      %dma_start3A_251 = tpu.memref_squeeze %dma_start3A_250 : memref<1x1x128xi32, #tpu.memory_space<vmem>> -> memref<128xi32, #tpu.memory_space<vmem>>
      %dma_start3A_252 = arith.constant 0 : i32
      %dma_start3A_253 = arith.constant 0 : i32
      %dma_start3A_254 = tpu.memref_slice %arg10[%dma_start3A_252, %dma_start3A_253] : memref<10000x128xf32, #tpu.memory_space<vmem_shared>> -> memref<10000x128xf32, #tpu.memory_space<vmem_shared>>
      %dma_start3A_255 = tpu.memref_slice %arg12[%select_n3A_226] : memref<2x!tpu.dma_semaphore, #tpu.memory_space<semaphore_mem>> -> memref<1x!tpu.dma_semaphore, #tpu.memory_space<semaphore_mem>>
      %dma_start3A_256 = tpu.memref_squeeze %dma_start3A_255 : memref<1x!tpu.dma_semaphore, #tpu.memory_space<semaphore_mem>> -> memref<!tpu.dma_semaphore, #tpu.memory_space<semaphore_mem>>
      tpu.enqueue_indirect_dma source(%dma_start3A_248 : memref<128x128xf32, #tpu.memory_space<vmem>>) target(%dma_start3A_254 : memref<10000x128xf32, #tpu.memory_space<vmem_shared>>) offsets(%dma_start3A_251 : memref<128xi32, #tpu.memory_space<vmem>>) semaphore(%dma_start3A_256 : memref<!tpu.dma_semaphore, #tpu.memory_space<semaphore_mem>>) {add = true}
      %add3A_257 = arith.constant 1 : i32
      %add3A_258 = arith.addi %while3A_210, %add3A_257 : i32
      %lt3A_259 = arith.cmpi slt, %add3A_258, %add3A_8 : i32
      %convert_element_type3A_260 = arith.extui %lt3A_259 : i1 to i32
      %cond3A_261 = arith.constant 0 : i32
      %cond3A_262 = arith.cmpi ne, %convert_element_type3A_260, %cond3A_261 : i32
      scf.if %cond3A_262 {
        %add3A_263 = arith.constant 1 : i32
        %add3A_264 = arith.addi %while3A_210, %add3A_263 : i32
        %jit3A_265 = arith.constant 2 : i32
        %eq3A_266 = arith.constant 0 : i32
        %eq3A_267 = arith.cmpi eq, %jit3A_265, %eq3A_266 : i32
        %jit3A_268 = arith.constant 1 : i32
        %select_n3A_269 = arith.select %eq3A_267, %jit3A_268, %jit3A_265 : i32
        %rem3A_270 = arith.remsi %add3A_264, %select_n3A_269 : i32
        %ne3A_271 = arith.constant 0 : i32
        %ne3A_272 = arith.cmpi ne, %rem3A_270, %ne3A_271 : i32
        %lt3A_273 = arith.constant 0 : i32
        %lt3A_274 = arith.cmpi slt, %rem3A_270, %lt3A_273 : i32
        %lt3A_275 = arith.constant 0 : i32
        %lt3A_276 = arith.cmpi slt, %select_n3A_269, %lt3A_275 : i32
        %ne3A_277 = arith.xori %lt3A_274, %lt3A_276 : i1
        %and3A_278 = arith.andi %ne3A_277, %ne3A_272 : i1
        %add3A_279 = arith.addi %rem3A_270, %select_n3A_269 : i32
        %select_n3A_280 = arith.select %and3A_278, %add3A_279, %rem3A_270 : i32
        %add3A_281 = arith.constant 1 : i32
        %add3A_282 = arith.addi %while3A_210, %add3A_281 : i32
        %ge3A = arith.constant 2 : i32
        %ge3A_283 = arith.cmpi sge, %add3A_282, %ge3A : i32
        %convert_element_type3A_284 = arith.extui %ge3A_283 : i1 to i32
        %cond3A_285 = arith.constant 0 : i32
        %cond3A_286 = arith.cmpi ne, %convert_element_type3A_284, %cond3A_285 : i32
        scf.if %cond3A_286 {
          %sub3A_306 = arith.constant 1 : i32
          %sub3A_307 = arith.subi %while3A_210, %sub3A_306 : i32
          %dma_wait3A_308 = arith.constant 0 : i32
          %dma_wait3A_309 = arith.constant 0 : i32
          %dma_wait3A_310 = arith.constant 0 : i32
          %dma_wait3A_311 = tpu.memref_slice %arg9[%select_n3A_280, %dma_wait3A_309, %dma_wait3A_310] : memref<2x128x128xf32, #tpu.memory_space<vmem>> -> memref<1x128x128xf32, #tpu.memory_space<vmem>>
          %dma_wait3A_312 = tpu.memref_squeeze %dma_wait3A_311 : memref<1x128x128xf32, #tpu.memory_space<vmem>> -> memref<128x128xf32, #tpu.memory_space<vmem>>
          %dma_wait3A_313 = arith.constant 0 : i32
          %dma_wait3A_314 = tpu.memref_slice %arg8[%sub3A_307, %dma_wait3A_308, %dma_wait3A_313] : memref<20x1x128xi32, #tpu.memory_space<vmem>> -> memref<1x1x128xi32, #tpu.memory_space<vmem>>
          %dma_wait3A_315 = tpu.memref_squeeze %dma_wait3A_314 : memref<1x1x128xi32, #tpu.memory_space<vmem>> -> memref<128xi32, #tpu.memory_space<vmem>>
          %dma_wait3A_316 = arith.constant 0 : i32
          %dma_wait3A_317 = arith.constant 0 : i32
          %dma_wait3A_318 = tpu.memref_slice %arg10[%dma_wait3A_316, %dma_wait3A_317] : memref<10000x128xf32, #tpu.memory_space<vmem_shared>> -> memref<10000x128xf32, #tpu.memory_space<vmem_shared>>
          %dma_wait3A_319 = tpu.memref_slice %arg12[%select_n3A_280] : memref<2x!tpu.dma_semaphore, #tpu.memory_space<semaphore_mem>> -> memref<1x!tpu.dma_semaphore, #tpu.memory_space<semaphore_mem>>
          %dma_wait3A_320 = tpu.memref_squeeze %dma_wait3A_319 : memref<1x!tpu.dma_semaphore, #tpu.memory_space<semaphore_mem>> -> memref<!tpu.dma_semaphore, #tpu.memory_space<semaphore_mem>>
          tpu.wait_indirect_dma semaphore(%dma_wait3A_320 : memref<!tpu.dma_semaphore, #tpu.memory_space<semaphore_mem>>) src(%dma_wait3A_312 : memref<128x128xf32, #tpu.memory_space<vmem>>) dst(%dma_wait3A_318 : memref<10000x128xf32, #tpu.memory_space<vmem_shared>>)
        } else {
        }
        %add3A_287 = arith.addi %add3A_4, %while3A_210 : i32
        %add3A_288 = arith.constant 1 : i32
        %add3A_289 = arith.addi %add3A_287, %add3A_288 : i32
        %mul3A_290 = arith.constant 128 : i32
        %mul3A_291 = arith.muli %add3A_289, %mul3A_290 : i32
        %dma_start3A_292 = arith.constant 0 : i32
        %dma_start3A_293 = arith.constant 0 : i32
        %dma_start3A_294 = tpu.memref_slice %arg9[%select_n3A_280, %dma_start3A_292, %dma_start3A_293] : memref<2x128x128xf32, #tpu.memory_space<vmem>> -> memref<1x128x128xf32, #tpu.memory_space<vmem>>
        %dma_start3A_295 = tpu.memref_squeeze %dma_start3A_294 : memref<1x128x128xf32, #tpu.memory_space<vmem>> -> memref<128x128xf32, #tpu.memory_space<vmem>>
        %dma_start3A_296 = arith.constant 0 : i32
        %dma_start3A_297 = tpu.memref_slice %arg3[%mul3A_291, %dma_start3A_296] : memref<80000x128xf32, #tpu.memory_space<hbm>> -> memref<128x128xf32, #tpu.memory_space<hbm>>
        %dma_start3A_298 = tpu.memref_slice %arg11[%select_n3A_280] : memref<2x!tpu.dma_semaphore, #tpu.memory_space<semaphore_mem>> -> memref<1x!tpu.dma_semaphore, #tpu.memory_space<semaphore_mem>>
        %dma_start3A_299 = tpu.memref_squeeze %dma_start3A_298 : memref<1x!tpu.dma_semaphore, #tpu.memory_space<semaphore_mem>> -> memref<!tpu.dma_semaphore, #tpu.memory_space<semaphore_mem>>
        %dma_start3A_300 = arith.constant 0 : i32
        %dma_start3A_301 = arith.constant 0 : i32
        %dma_start3A_302 = tpu.memref_slice %arg9[%select_n3A_280, %dma_start3A_300, %dma_start3A_301] : memref<2x128x128xf32, #tpu.memory_space<vmem>> -> memref<1x128x128xf32, #tpu.memory_space<vmem>>
        %dma_start3A_303 = tpu.memref_squeeze %dma_start3A_302 : memref<1x128x128xf32, #tpu.memory_space<vmem>> -> memref<128x128xf32, #tpu.memory_space<vmem>>
        %dma_start3A_304 = arith.constant 0 : i32
        %dma_start3A_305 = tpu.memref_slice %arg3[%mul3A_291, %dma_start3A_304] : memref<80000x128xf32, #tpu.memory_space<hbm>> -> memref<128x128xf32, #tpu.memory_space<hbm>>
        tpu.enqueue_dma source(%dma_start3A_305 : memref<128x128xf32, #tpu.memory_space<hbm>>) target(%dma_start3A_303 : memref<128x128xf32, #tpu.memory_space<vmem>>) target_semaphore(%dma_start3A_299 : memref<!tpu.dma_semaphore, #tpu.memory_space<semaphore_mem>>)
      } else {
      }
    }
    %sub3A_134 = arith.constant 2 : i32
    %sub3A_135 = arith.subi %add3A_8, %sub3A_134 : i32
    %jit3A_136 = arith.constant 2 : i32
    %eq3A_137 = arith.constant 0 : i32
    %eq3A_138 = arith.cmpi eq, %jit3A_136, %eq3A_137 : i32
    %jit3A_139 = arith.constant 1 : i32
    %select_n3A_140 = arith.select %eq3A_138, %jit3A_139, %jit3A_136 : i32
    %rem3A_141 = arith.remsi %sub3A_135, %select_n3A_140 : i32
    %ne3A_142 = arith.constant 0 : i32
    %ne3A_143 = arith.cmpi ne, %rem3A_141, %ne3A_142 : i32
    %lt3A_144 = arith.constant 0 : i32
    %lt3A_145 = arith.cmpi slt, %rem3A_141, %lt3A_144 : i32
    %lt3A_146 = arith.constant 0 : i32
    %lt3A_147 = arith.cmpi slt, %select_n3A_140, %lt3A_146 : i32
    %ne3A_148 = arith.xori %lt3A_145, %lt3A_147 : i1
    %and3A_149 = arith.andi %ne3A_148, %ne3A_143 : i1
    %add3A_150 = arith.addi %rem3A_141, %select_n3A_140 : i32
    %select_n3A_151 = arith.select %and3A_149, %add3A_150, %rem3A_141 : i32
    %sub3A_152 = arith.constant 2 : i32
    %sub3A_153 = arith.subi %add3A_8, %sub3A_152 : i32
    %dma_wait3A_154 = arith.constant 0 : i32
    %dma_wait3A_155 = arith.constant 0 : i32
    %dma_wait3A_156 = arith.constant 0 : i32
    %dma_wait3A_157 = tpu.memref_slice %arg9[%select_n3A_151, %dma_wait3A_155, %dma_wait3A_156] : memref<2x128x128xf32, #tpu.memory_space<vmem>> -> memref<1x128x128xf32, #tpu.memory_space<vmem>>
    %dma_wait3A_158 = tpu.memref_squeeze %dma_wait3A_157 : memref<1x128x128xf32, #tpu.memory_space<vmem>> -> memref<128x128xf32, #tpu.memory_space<vmem>>
    %dma_wait3A_159 = arith.constant 0 : i32
    %dma_wait3A_160 = tpu.memref_slice %arg8[%sub3A_153, %dma_wait3A_154, %dma_wait3A_159] : memref<20x1x128xi32, #tpu.memory_space<vmem>> -> memref<1x1x128xi32, #tpu.memory_space<vmem>>
    %dma_wait3A_161 = tpu.memref_squeeze %dma_wait3A_160 : memref<1x1x128xi32, #tpu.memory_space<vmem>> -> memref<128xi32, #tpu.memory_space<vmem>>
    %dma_wait3A_162 = arith.constant 0 : i32
    %dma_wait3A_163 = arith.constant 0 : i32
    %dma_wait3A_164 = tpu.memref_slice %arg10[%dma_wait3A_162, %dma_wait3A_163] : memref<10000x128xf32, #tpu.memory_space<vmem_shared>> -> memref<10000x128xf32, #tpu.memory_space<vmem_shared>>
    %dma_wait3A_165 = tpu.memref_slice %arg12[%select_n3A_151] : memref<2x!tpu.dma_semaphore, #tpu.memory_space<semaphore_mem>> -> memref<1x!tpu.dma_semaphore, #tpu.memory_space<semaphore_mem>>
    %dma_wait3A_166 = tpu.memref_squeeze %dma_wait3A_165 : memref<1x!tpu.dma_semaphore, #tpu.memory_space<semaphore_mem>> -> memref<!tpu.dma_semaphore, #tpu.memory_space<semaphore_mem>>
    tpu.wait_indirect_dma semaphore(%dma_wait3A_166 : memref<!tpu.dma_semaphore, #tpu.memory_space<semaphore_mem>>) src(%dma_wait3A_158 : memref<128x128xf32, #tpu.memory_space<vmem>>) dst(%dma_wait3A_164 : memref<10000x128xf32, #tpu.memory_space<vmem_shared>>)
    %sub3A_167 = arith.constant 1 : i32
    %sub3A_168 = arith.subi %add3A_8, %sub3A_167 : i32
    %jit3A_169 = arith.constant 2 : i32
    %eq3A_170 = arith.constant 0 : i32
    %eq3A_171 = arith.cmpi eq, %jit3A_169, %eq3A_170 : i32
    %jit3A_172 = arith.constant 1 : i32
    %select_n3A_173 = arith.select %eq3A_171, %jit3A_172, %jit3A_169 : i32
    %rem3A_174 = arith.remsi %sub3A_168, %select_n3A_173 : i32
    %ne3A_175 = arith.constant 0 : i32
    %ne3A_176 = arith.cmpi ne, %rem3A_174, %ne3A_175 : i32
    %lt3A_177 = arith.constant 0 : i32
    %lt3A_178 = arith.cmpi slt, %rem3A_174, %lt3A_177 : i32
    %lt3A_179 = arith.constant 0 : i32
    %lt3A_180 = arith.cmpi slt, %select_n3A_173, %lt3A_179 : i32
    %ne3A_181 = arith.xori %lt3A_178, %lt3A_180 : i1
    %and3A_182 = arith.andi %ne3A_181, %ne3A_176 : i1
    %add3A_183 = arith.addi %rem3A_174, %select_n3A_173 : i32
    %select_n3A_184 = arith.select %and3A_182, %add3A_183, %rem3A_174 : i32
    %sub3A_185 = arith.constant 1 : i32
    %sub3A_186 = arith.subi %add3A_8, %sub3A_185 : i32
    %dma_wait3A_187 = arith.constant 0 : i32
    %dma_wait3A_188 = arith.constant 0 : i32
    %dma_wait3A_189 = arith.constant 0 : i32
    %dma_wait3A_190 = tpu.memref_slice %arg9[%select_n3A_184, %dma_wait3A_188, %dma_wait3A_189] : memref<2x128x128xf32, #tpu.memory_space<vmem>> -> memref<1x128x128xf32, #tpu.memory_space<vmem>>
    %dma_wait3A_191 = tpu.memref_squeeze %dma_wait3A_190 : memref<1x128x128xf32, #tpu.memory_space<vmem>> -> memref<128x128xf32, #tpu.memory_space<vmem>>
    %dma_wait3A_192 = arith.constant 0 : i32
    %dma_wait3A_193 = tpu.memref_slice %arg8[%sub3A_186, %dma_wait3A_187, %dma_wait3A_192] : memref<20x1x128xi32, #tpu.memory_space<vmem>> -> memref<1x1x128xi32, #tpu.memory_space<vmem>>
    %dma_wait3A_194 = tpu.memref_squeeze %dma_wait3A_193 : memref<1x1x128xi32, #tpu.memory_space<vmem>> -> memref<128xi32, #tpu.memory_space<vmem>>
    %dma_wait3A_195 = arith.constant 0 : i32
    %dma_wait3A_196 = arith.constant 0 : i32
    %dma_wait3A_197 = tpu.memref_slice %arg10[%dma_wait3A_195, %dma_wait3A_196] : memref<10000x128xf32, #tpu.memory_space<vmem_shared>> -> memref<10000x128xf32, #tpu.memory_space<vmem_shared>>
    %dma_wait3A_198 = tpu.memref_slice %arg12[%select_n3A_184] : memref<2x!tpu.dma_semaphore, #tpu.memory_space<semaphore_mem>> -> memref<1x!tpu.dma_semaphore, #tpu.memory_space<semaphore_mem>>
    %dma_wait3A_199 = tpu.memref_squeeze %dma_wait3A_198 : memref<1x!tpu.dma_semaphore, #tpu.memory_space<semaphore_mem>> -> memref<!tpu.dma_semaphore, #tpu.memory_space<semaphore_mem>>
    tpu.wait_indirect_dma semaphore(%dma_wait3A_199 : memref<!tpu.dma_semaphore, #tpu.memory_space<semaphore_mem>>) src(%dma_wait3A_191 : memref<128x128xf32, #tpu.memory_space<vmem>>) dst(%dma_wait3A_197 : memref<10000x128xf32, #tpu.memory_space<vmem_shared>>)
    %barrier3A_200 = arith.constant 0 : index
    tpu.barrier barrier_id(%barrier3A_200)
    %mul3A_201 = arith.constant 624 : i32
    %mul3A_202 = arith.muli %arg1, %mul3A_201 : i32
    %mul3A_203 = arith.constant 624 : i32
    %mul3A_204 = arith.muli %arg1, %mul3A_203 : i32
    "tpu.region"() ({
      %run_scoped3A = tpu.sem_alloc : memref<!tpu.dma_semaphore, #tpu.memory_space<semaphore_mem>>
      %dma_start3A_210 = arith.constant 0 : i32
      %dma_start3A_211 = tpu.memref_slice %arg6[%arg0, %mul3A_204, %dma_start3A_210] : memref<2x10000x128xf32, #tpu.memory_space<hbm>> -> memref<1x624x128xf32, #tpu.memory_space<hbm>>
      %dma_start3A_212 = tpu.memref_squeeze %dma_start3A_211 : memref<1x624x128xf32, #tpu.memory_space<hbm>> -> memref<624x128xf32, #tpu.memory_space<hbm>>
      %dma_start3A_213 = arith.constant 0 : i32
      %dma_start3A_214 = tpu.memref_slice %arg10[%mul3A_202, %dma_start3A_213] : memref<10000x128xf32, #tpu.memory_space<vmem_shared>> -> memref<624x128xf32, #tpu.memory_space<vmem_shared>>
      tpu.enqueue_dma source(%dma_start3A_214 : memref<624x128xf32, #tpu.memory_space<vmem_shared>>) target(%dma_start3A_212 : memref<624x128xf32, #tpu.memory_space<hbm>>) target_semaphore(%run_scoped3A : memref<!tpu.dma_semaphore, #tpu.memory_space<semaphore_mem>>)
      %dma_wait3A_215 = arith.constant 0 : i32
      %dma_wait3A_216 = tpu.memref_slice %arg6[%arg0, %mul3A_204, %dma_wait3A_215] : memref<2x10000x128xf32, #tpu.memory_space<hbm>> -> memref<1x624x128xf32, #tpu.memory_space<hbm>>
      %dma_wait3A_217 = tpu.memref_squeeze %dma_wait3A_216 : memref<1x624x128xf32, #tpu.memory_space<hbm>> -> memref<624x128xf32, #tpu.memory_space<hbm>>
      %dma_wait3A_218 = arith.constant 0 : i32
      %dma_wait3A_219 = tpu.memref_slice %arg10[%mul3A_202, %dma_wait3A_218] : memref<10000x128xf32, #tpu.memory_space<vmem_shared>> -> memref<624x128xf32, #tpu.memory_space<vmem_shared>>
      tpu.wait_dma2 semaphore(%run_scoped3A : memref<!tpu.dma_semaphore, #tpu.memory_space<semaphore_mem>>) src(%dma_wait3A_219 : memref<624x128xf32, #tpu.memory_space<vmem_shared>>) dst(%dma_wait3A_217 : memref<624x128xf32, #tpu.memory_space<hbm>>)
      tpu.yield
    }) : () -> ()
    %eq3A_205 = arith.constant 15 : i32
    %eq3A_206 = arith.cmpi eq, %arg1, %eq3A_205 : i32
    %convert_element_type3A_207 = arith.extui %eq3A_206 : i1 to i32
    %cond3A_208 = arith.constant 0 : i32
    %cond3A_209 = arith.cmpi ne, %convert_element_type3A_207, %cond3A_208 : i32
    scf.if %cond3A_209 {
      "tpu.region"() ({
        %run_scoped3A = tpu.sem_alloc : memref<!tpu.dma_semaphore, #tpu.memory_space<semaphore_mem>>
        %dma_start3A_210 = arith.constant 9984 : i32
        %dma_start3A_211 = arith.constant 0 : i32
        %dma_start3A_212 = tpu.memref_slice %arg6[%arg0, %dma_start3A_210, %dma_start3A_211] : memref<2x10000x128xf32, #tpu.memory_space<hbm>> -> memref<1x16x128xf32, #tpu.memory_space<hbm>>
        %dma_start3A_213 = tpu.memref_squeeze %dma_start3A_212 : memref<1x16x128xf32, #tpu.memory_space<hbm>> -> memref<16x128xf32, #tpu.memory_space<hbm>>
        %dma_start3A_214 = arith.constant 9984 : i32
        %dma_start3A_215 = arith.constant 0 : i32
        %dma_start3A_216 = tpu.memref_slice %arg10[%dma_start3A_214, %dma_start3A_215] : memref<10000x128xf32, #tpu.memory_space<vmem_shared>> -> memref<16x128xf32, #tpu.memory_space<vmem_shared>>
        tpu.enqueue_dma source(%dma_start3A_216 : memref<16x128xf32, #tpu.memory_space<vmem_shared>>) target(%dma_start3A_213 : memref<16x128xf32, #tpu.memory_space<hbm>>) target_semaphore(%run_scoped3A : memref<!tpu.dma_semaphore, #tpu.memory_space<semaphore_mem>>)
        %dma_wait3A_217 = arith.constant 9984 : i32
        %dma_wait3A_218 = arith.constant 0 : i32
        %dma_wait3A_219 = tpu.memref_slice %arg6[%arg0, %dma_wait3A_217, %dma_wait3A_218] : memref<2x10000x128xf32, #tpu.memory_space<hbm>> -> memref<1x16x128xf32, #tpu.memory_space<hbm>>
        %dma_wait3A_220 = tpu.memref_squeeze %dma_wait3A_219 : memref<1x16x128xf32, #tpu.memory_space<hbm>> -> memref<16x128xf32, #tpu.memory_space<hbm>>
        %dma_wait3A_221 = arith.constant 9984 : i32
        %dma_wait3A_222 = arith.constant 0 : i32
        %dma_wait3A_223 = tpu.memref_slice %arg10[%dma_wait3A_221, %dma_wait3A_222] : memref<10000x128xf32, #tpu.memory_space<vmem_shared>> -> memref<16x128xf32, #tpu.memory_space<vmem_shared>>
        tpu.wait_dma2 semaphore(%run_scoped3A : memref<!tpu.dma_semaphore, #tpu.memory_space<semaphore_mem>>) src(%dma_wait3A_223 : memref<16x128xf32, #tpu.memory_space<vmem_shared>>) dst(%dma_wait3A_220 : memref<16x128xf32, #tpu.memory_space<hbm>>)
        tpu.yield
      }) : () -> ()
    } else {
    }
    return
  }
}

module attributes {stable_mosaic.version = 14 : i64} {
  func.func @_x_body(%arg0: i32, %arg1: memref<2000x128xf32, #tpu.memory_space<vmem>>, %arg2: memref<128x128xf32, #tpu.memory_space<vmem>>, %arg3: memref<2000x128xf32, #tpu.memory_space<vmem>>) attributes {dimension_semantics = [#tpu.dimension_semantics<arbitrary>], iteration_bounds = array<i64: 5>, scalar_prefetch = 0 : i64, scratch_operands = 0 : i64, tpu.core_type = #tpu.core_type<tc>, window_params = [{transform_indices = @transform_0, window_bounds = array<i64: 2000, 128>}, {pipeline_mode = #tpu.pipeline_mode<synchronous>, transform_indices = @transform_1, window_bounds = array<i64: 128, 128>}, {transform_indices = @transform_2, window_bounds = array<i64: 2000, 128>}]} {
    %get3A = arith.constant 0 : index
    %get3A_0 = arith.constant 0 : index
    %get3A_1 = vector.load %arg1[%get3A, %get3A_0] : memref<2000x128xf32, #tpu.memory_space<vmem>>, vector<2000x128xf32>
    %get3A_2 = arith.constant 0 : index
    %get3A_3 = arith.constant 0 : index
    %get3A_4 = vector.load %arg2[%get3A_2, %get3A_3] : memref<128x128xf32, #tpu.memory_space<vmem>>, vector<128x128xf32>
    %dot_general3A = arith.constant dense<0.000000e+00> : vector<2000x128xf32>
    %dot_general3A_5 = tpu.matmul %get3A_1, %get3A_4, %dot_general3A {dimension_numbers = #tpu.dot_dimension_numbers<[1], [0], [0], [1], [0, 0, 1, 1], [], []>, transpose_lhs_hint = false} : vector<2000x128xf32>, vector<128x128xf32>, vector<2000x128xf32> -> vector<2000x128xf32>
    %mul3A = arith.constant 0.0883883461 : f32
    %mul3A_6 = vector.broadcast %mul3A : f32 to vector<2000x128xf32>
    %mul3A_7 = arith.mulf %dot_general3A_5, %mul3A_6 : vector<2000x128xf32>
    %swap3A = arith.constant 0 : index
    %swap3A_8 = arith.constant 0 : index
    %swap3A_9 = vector.load %arg3[%swap3A, %swap3A_8] : memref<2000x128xf32, #tpu.memory_space<vmem>>, vector<2000x128xf32>
    tpu.vector_store %arg3[%swap3A, %swap3A_8], %mul3A_7 {strides = array<i32>} : memref<2000x128xf32, #tpu.memory_space<vmem>>, vector<2000x128xf32>,
    return
  }
  func.func @transform_0(%arg0: i32) -> (i32, i32) {
    %c0_i32 = arith.constant 0 : i32
    %c0_i32_0 = arith.constant 0 : i32
    return %arg0, %c0_i32 : i32, i32
  }
  func.func @transform_1(%arg0: i32) -> (i32, i32) {
    %c0_i32 = arith.constant 0 : i32
    %c0_i32_0 = arith.constant 0 : i32
    %c0_i32_1 = arith.constant 0 : i32
    return %c0_i32, %c0_i32_0 : i32, i32
  }
  func.func @transform_2(%arg0: i32) -> (i32, i32) {
    %c0_i32 = arith.constant 0 : i32
    %c0_i32_0 = arith.constant 0 : i32
    return %arg0, %c0_i32 : i32, i32
  }
}

module attributes {stable_mosaic.version = 14 : i64} {
  func.func @_edge_body(%arg0: i32, %arg1: memref<3200x128xf32, #tpu.memory_space<vmem>>, %arg2: memref<16x3200xf32, #tpu.memory_space<vmem>>, %arg3: memref<1x3200xf32, #tpu.memory_space<vmem>>, %arg4: memref<8x16xf32, #tpu.memory_space<vmem>>, %arg5: memref<128x8xf32, #tpu.memory_space<vmem>>, %arg6: memref<128x128xf32, #tpu.memory_space<vmem>>, %arg7: memref<3200x128xf32, #tpu.memory_space<vmem>>) attributes {dimension_semantics = [#tpu.dimension_semantics<arbitrary>], iteration_bounds = array<i64: 25>, scalar_prefetch = 0 : i64, scratch_operands = 0 : i64, tpu.core_type = #tpu.core_type<tc>, window_params = [{transform_indices = @transform_0, window_bounds = array<i64: 3200, 128>}, {transform_indices = @transform_1, window_bounds = array<i64: 16, 3200>}, {transform_indices = @transform_2, window_bounds = array<i64: 1, 3200>}, {pipeline_mode = #tpu.pipeline_mode<synchronous>, transform_indices = @transform_3, window_bounds = array<i64: 8, 16>}, {pipeline_mode = #tpu.pipeline_mode<synchronous>, transform_indices = @transform_4, window_bounds = array<i64: 128, 8>}, {pipeline_mode = #tpu.pipeline_mode<synchronous>, transform_indices = @transform_5, window_bounds = array<i64: 128, 128>}, {transform_indices = @transform_6, window_bounds = array<i64: 3200, 128>}]} {
    %get3A = arith.constant 0 : index
    %get3A_0 = arith.constant 0 : index
    %get3A_1 = vector.load %arg4[%get3A, %get3A_0] : memref<8x16xf32, #tpu.memory_space<vmem>>, vector<8x16xf32>
    %get3A_2 = arith.constant 0 : index
    %get3A_3 = arith.constant 0 : index
    %get3A_4 = vector.load %arg2[%get3A_2, %get3A_3] : memref<16x3200xf32, #tpu.memory_space<vmem>>, vector<16x3200xf32>
    %dot_general3A = arith.constant dense<0.000000e+00> : vector<8x3200xf32>
    %dot_general3A_5 = tpu.matmul %get3A_1, %get3A_4, %dot_general3A {dimension_numbers = #tpu.dot_dimension_numbers<[1], [0], [0], [1], [0, 0, 1, 1], [], []>, transpose_lhs_hint = false} : vector<8x16xf32>, vector<16x3200xf32>, vector<8x3200xf32> -> vector<8x3200xf32>
    %mul3A = arith.constant 2.500000e-01 : f32
    %mul3A_6 = vector.broadcast %mul3A : f32 to vector<8x3200xf32>
    %mul3A_7 = arith.mulf %dot_general3A_5, %mul3A_6 : vector<8x3200xf32>
    %logistic3A = arith.negf %mul3A_7 : vector<8x3200xf32>
    %logistic3A_8 = math.exp %logistic3A : vector<8x3200xf32>
    %logistic3A_9 = arith.constant 1.000000e+00 : f32
    %logistic3A_10 = vector.broadcast %logistic3A_9 : f32 to vector<8x3200xf32>
    %logistic3A_11 = arith.addf %logistic3A_10, %logistic3A_8 : vector<8x3200xf32>
    %logistic3A_12 = arith.divf %logistic3A_10, %logistic3A_11 : vector<8x3200xf32>
    %mul3A_13 = arith.mulf %mul3A_7, %logistic3A_12 : vector<8x3200xf32>
    %get3A_14 = arith.constant 0 : index
    %get3A_15 = arith.constant 0 : index
    %get3A_16 = vector.load %arg5[%get3A_14, %get3A_15] : memref<128x8xf32, #tpu.memory_space<vmem>>, vector<128x8xf32>
    %dot_general3A_17 = arith.constant dense<0.000000e+00> : vector<128x3200xf32>
    %dot_general3A_18 = tpu.matmul %get3A_16, %mul3A_13, %dot_general3A_17 {dimension_numbers = #tpu.dot_dimension_numbers<[1], [0], [0], [1], [0, 0, 1, 1], [], []>, transpose_lhs_hint = false} : vector<128x8xf32>, vector<8x3200xf32>, vector<128x3200xf32> -> vector<128x3200xf32>
    %mul3A_19 = arith.constant 0.353553385 : f32
    %mul3A_20 = vector.broadcast %mul3A_19 : f32 to vector<128x3200xf32>
    %mul3A_21 = arith.mulf %dot_general3A_18, %mul3A_20 : vector<128x3200xf32>
    %get3A_22 = arith.constant 0 : index
    %get3A_23 = arith.constant 0 : index
    %get3A_24 = vector.load %arg3[%get3A_22, %get3A_23] : memref<1x3200xf32, #tpu.memory_space<vmem>>, vector<1x3200xf32>
    %mul3A_25 = vector.broadcast %get3A_24 : vector<1x3200xf32> to vector<128x3200xf32>
    %mul3A_26 = arith.mulf %mul3A_21, %mul3A_25 : vector<128x3200xf32>
    %transpose3A = tpu.transpose %mul3A_26, [1, 0] : vector<128x3200xf32> -> vector<3200x128xf32>
    %get3A_27 = arith.constant 0 : index
    %get3A_28 = arith.constant 0 : index
    %get3A_29 = vector.load %arg1[%get3A_27, %get3A_28] : memref<3200x128xf32, #tpu.memory_space<vmem>>, vector<3200x128xf32>
    %mul3A_30 = arith.mulf %get3A_29, %transpose3A : vector<3200x128xf32>
    %get3A_31 = arith.constant 0 : index
    %get3A_32 = arith.constant 0 : index
    %get3A_33 = vector.load %arg6[%get3A_31, %get3A_32] : memref<128x128xf32, #tpu.memory_space<vmem>>, vector<128x128xf32>
    %dot_general3A_34 = arith.constant dense<0.000000e+00> : vector<3200x128xf32>
    %dot_general3A_35 = tpu.matmul %mul3A_30, %get3A_33, %dot_general3A_34 {dimension_numbers = #tpu.dot_dimension_numbers<[1], [0], [0], [1], [0, 0, 1, 1], [], []>, transpose_lhs_hint = false} : vector<3200x128xf32>, vector<128x128xf32>, vector<3200x128xf32> -> vector<3200x128xf32>
    %mul3A_36 = arith.constant 0.0883883461 : f32
    %mul3A_37 = vector.broadcast %mul3A_36 : f32 to vector<3200x128xf32>
    %mul3A_38 = arith.mulf %dot_general3A_35, %mul3A_37 : vector<3200x128xf32>
    %logistic3A_39 = arith.negf %mul3A_38 : vector<3200x128xf32>
    %logistic3A_40 = math.exp %logistic3A_39 : vector<3200x128xf32>
    %logistic3A_41 = arith.constant 1.000000e+00 : f32
    %logistic3A_42 = vector.broadcast %logistic3A_41 : f32 to vector<3200x128xf32>
    %logistic3A_43 = arith.addf %logistic3A_42, %logistic3A_40 : vector<3200x128xf32>
    %logistic3A_44 = arith.divf %logistic3A_42, %logistic3A_43 : vector<3200x128xf32>
    %mul3A_45 = arith.mulf %mul3A_38, %logistic3A_44 : vector<3200x128xf32>
    %swap3A = arith.constant 0 : index
    %swap3A_46 = arith.constant 0 : index
    %swap3A_47 = vector.load %arg7[%swap3A, %swap3A_46] : memref<3200x128xf32, #tpu.memory_space<vmem>>, vector<3200x128xf32>
    tpu.vector_store %arg7[%swap3A, %swap3A_46], %mul3A_45 {strides = array<i32>} : memref<3200x128xf32, #tpu.memory_space<vmem>>, vector<3200x128xf32>,
    return
  }
  func.func @transform_0(%arg0: i32) -> (i32, i32) {
    %c0_i32 = arith.constant 0 : i32
    %c0_i32_0 = arith.constant 0 : i32
    return %arg0, %c0_i32 : i32, i32
  }
  func.func @transform_1(%arg0: i32) -> (i32, i32) {
    %add3A = arith.constant 75 : i32
    %add3A_0 = arith.addi %arg0, %add3A : i32
    %c0_i32 = arith.constant 0 : i32
    %c0_i32_1 = arith.constant 0 : i32
    return %c0_i32, %add3A_0 : i32, i32
  }
  func.func @transform_2(%arg0: i32) -> (i32, i32) {
    %add3A = arith.constant 75 : i32
    %add3A_0 = arith.addi %arg0, %add3A : i32
    %c0_i32 = arith.constant 0 : i32
    %c0_i32_1 = arith.constant 0 : i32
    return %c0_i32, %add3A_0 : i32, i32
  }
  func.func @transform_3(%arg0: i32) -> (i32, i32) {
    %c0_i32 = arith.constant 0 : i32
    %c0_i32_0 = arith.constant 0 : i32
    %c0_i32_1 = arith.constant 0 : i32
    return %c0_i32, %c0_i32_0 : i32, i32
  }
  func.func @transform_4(%arg0: i32) -> (i32, i32) {
    %c0_i32 = arith.constant 0 : i32
    %c0_i32_0 = arith.constant 0 : i32
    %c0_i32_1 = arith.constant 0 : i32
    return %c0_i32, %c0_i32_0 : i32, i32
  }
  func.func @transform_5(%arg0: i32) -> (i32, i32) {
    %c0_i32 = arith.constant 0 : i32
    %c0_i32_0 = arith.constant 0 : i32
    %c0_i32_1 = arith.constant 0 : i32
    return %c0_i32, %c0_i32_0 : i32, i32
  }
  func.func @transform_6(%arg0: i32) -> (i32, i32) {
    %c0_i32 = arith.constant 0 : i32
    %c0_i32_0 = arith.constant 0 : i32
    return %arg0, %c0_i32 : i32, i32
  }
}

module attributes {stable_mosaic.version = 14 : i64} {
  func.func @_edge_body(%arg0: i32, %arg1: memref<3200x128xf32, #tpu.memory_space<vmem>>, %arg2: memref<16x3200xf32, #tpu.memory_space<vmem>>, %arg3: memref<1x3200xf32, #tpu.memory_space<vmem>>, %arg4: memref<8x16xf32, #tpu.memory_space<vmem>>, %arg5: memref<128x8xf32, #tpu.memory_space<vmem>>, %arg6: memref<128x128xf32, #tpu.memory_space<vmem>>, %arg7: memref<3200x128xf32, #tpu.memory_space<vmem>>) attributes {dimension_semantics = [#tpu.dimension_semantics<arbitrary>], iteration_bounds = array<i64: 25>, scalar_prefetch = 0 : i64, scratch_operands = 0 : i64, tpu.core_type = #tpu.core_type<tc>, window_params = [{transform_indices = @transform_0, window_bounds = array<i64: 3200, 128>}, {transform_indices = @transform_1, window_bounds = array<i64: 16, 3200>}, {transform_indices = @transform_2, window_bounds = array<i64: 1, 3200>}, {pipeline_mode = #tpu.pipeline_mode<synchronous>, transform_indices = @transform_3, window_bounds = array<i64: 8, 16>}, {pipeline_mode = #tpu.pipeline_mode<synchronous>, transform_indices = @transform_4, window_bounds = array<i64: 128, 8>}, {pipeline_mode = #tpu.pipeline_mode<synchronous>, transform_indices = @transform_5, window_bounds = array<i64: 128, 128>}, {transform_indices = @transform_6, window_bounds = array<i64: 3200, 128>}]} {
    %get3A = arith.constant 0 : index
    %get3A_0 = arith.constant 0 : index
    %get3A_1 = vector.load %arg4[%get3A, %get3A_0] : memref<8x16xf32, #tpu.memory_space<vmem>>, vector<8x16xf32>
    %get3A_2 = arith.constant 0 : index
    %get3A_3 = arith.constant 0 : index
    %get3A_4 = vector.load %arg2[%get3A_2, %get3A_3] : memref<16x3200xf32, #tpu.memory_space<vmem>>, vector<16x3200xf32>
    %dot_general3A = arith.constant dense<0.000000e+00> : vector<8x3200xf32>
    %dot_general3A_5 = tpu.matmul %get3A_1, %get3A_4, %dot_general3A {dimension_numbers = #tpu.dot_dimension_numbers<[1], [0], [0], [1], [0, 0, 1, 1], [], []>, transpose_lhs_hint = false} : vector<8x16xf32>, vector<16x3200xf32>, vector<8x3200xf32> -> vector<8x3200xf32>
    %mul3A = arith.constant 2.500000e-01 : f32
    %mul3A_6 = vector.broadcast %mul3A : f32 to vector<8x3200xf32>
    %mul3A_7 = arith.mulf %dot_general3A_5, %mul3A_6 : vector<8x3200xf32>
    %logistic3A = arith.negf %mul3A_7 : vector<8x3200xf32>
    %logistic3A_8 = math.exp %logistic3A : vector<8x3200xf32>
    %logistic3A_9 = arith.constant 1.000000e+00 : f32
    %logistic3A_10 = vector.broadcast %logistic3A_9 : f32 to vector<8x3200xf32>
    %logistic3A_11 = arith.addf %logistic3A_10, %logistic3A_8 : vector<8x3200xf32>
    %logistic3A_12 = arith.divf %logistic3A_10, %logistic3A_11 : vector<8x3200xf32>
    %mul3A_13 = arith.mulf %mul3A_7, %logistic3A_12 : vector<8x3200xf32>
    %get3A_14 = arith.constant 0 : index
    %get3A_15 = arith.constant 0 : index
    %get3A_16 = vector.load %arg5[%get3A_14, %get3A_15] : memref<128x8xf32, #tpu.memory_space<vmem>>, vector<128x8xf32>
    %dot_general3A_17 = arith.constant dense<0.000000e+00> : vector<128x3200xf32>
    %dot_general3A_18 = tpu.matmul %get3A_16, %mul3A_13, %dot_general3A_17 {dimension_numbers = #tpu.dot_dimension_numbers<[1], [0], [0], [1], [0, 0, 1, 1], [], []>, transpose_lhs_hint = false} : vector<128x8xf32>, vector<8x3200xf32>, vector<128x3200xf32> -> vector<128x3200xf32>
    %mul3A_19 = arith.constant 0.353553385 : f32
    %mul3A_20 = vector.broadcast %mul3A_19 : f32 to vector<128x3200xf32>
    %mul3A_21 = arith.mulf %dot_general3A_18, %mul3A_20 : vector<128x3200xf32>
    %get3A_22 = arith.constant 0 : index
    %get3A_23 = arith.constant 0 : index
    %get3A_24 = vector.load %arg3[%get3A_22, %get3A_23] : memref<1x3200xf32, #tpu.memory_space<vmem>>, vector<1x3200xf32>
    %mul3A_25 = vector.broadcast %get3A_24 : vector<1x3200xf32> to vector<128x3200xf32>
    %mul3A_26 = arith.mulf %mul3A_21, %mul3A_25 : vector<128x3200xf32>
    %transpose3A = tpu.transpose %mul3A_26, [1, 0] : vector<128x3200xf32> -> vector<3200x128xf32>
    %get3A_27 = arith.constant 0 : index
    %get3A_28 = arith.constant 0 : index
    %get3A_29 = vector.load %arg1[%get3A_27, %get3A_28] : memref<3200x128xf32, #tpu.memory_space<vmem>>, vector<3200x128xf32>
    %mul3A_30 = arith.mulf %get3A_29, %transpose3A : vector<3200x128xf32>
    %get3A_31 = arith.constant 0 : index
    %get3A_32 = arith.constant 0 : index
    %get3A_33 = vector.load %arg6[%get3A_31, %get3A_32] : memref<128x128xf32, #tpu.memory_space<vmem>>, vector<128x128xf32>
    %dot_general3A_34 = arith.constant dense<0.000000e+00> : vector<3200x128xf32>
    %dot_general3A_35 = tpu.matmul %mul3A_30, %get3A_33, %dot_general3A_34 {dimension_numbers = #tpu.dot_dimension_numbers<[1], [0], [0], [1], [0, 0, 1, 1], [], []>, transpose_lhs_hint = false} : vector<3200x128xf32>, vector<128x128xf32>, vector<3200x128xf32> -> vector<3200x128xf32>
    %mul3A_36 = arith.constant 0.0883883461 : f32
    %mul3A_37 = vector.broadcast %mul3A_36 : f32 to vector<3200x128xf32>
    %mul3A_38 = arith.mulf %dot_general3A_35, %mul3A_37 : vector<3200x128xf32>
    %logistic3A_39 = arith.negf %mul3A_38 : vector<3200x128xf32>
    %logistic3A_40 = math.exp %logistic3A_39 : vector<3200x128xf32>
    %logistic3A_41 = arith.constant 1.000000e+00 : f32
    %logistic3A_42 = vector.broadcast %logistic3A_41 : f32 to vector<3200x128xf32>
    %logistic3A_43 = arith.addf %logistic3A_42, %logistic3A_40 : vector<3200x128xf32>
    %logistic3A_44 = arith.divf %logistic3A_42, %logistic3A_43 : vector<3200x128xf32>
    %mul3A_45 = arith.mulf %mul3A_38, %logistic3A_44 : vector<3200x128xf32>
    %swap3A = arith.constant 0 : index
    %swap3A_46 = arith.constant 0 : index
    %swap3A_47 = vector.load %arg7[%swap3A, %swap3A_46] : memref<3200x128xf32, #tpu.memory_space<vmem>>, vector<3200x128xf32>
    tpu.vector_store %arg7[%swap3A, %swap3A_46], %mul3A_45 {strides = array<i32>} : memref<3200x128xf32, #tpu.memory_space<vmem>>, vector<3200x128xf32>,
    return
  }
  func.func @transform_0(%arg0: i32) -> (i32, i32) {
    %c0_i32 = arith.constant 0 : i32
    %c0_i32_0 = arith.constant 0 : i32
    return %arg0, %c0_i32 : i32, i32
  }
  func.func @transform_1(%arg0: i32) -> (i32, i32) {
    %add3A = arith.constant 50 : i32
    %add3A_0 = arith.addi %arg0, %add3A : i32
    %c0_i32 = arith.constant 0 : i32
    %c0_i32_1 = arith.constant 0 : i32
    return %c0_i32, %add3A_0 : i32, i32
  }
  func.func @transform_2(%arg0: i32) -> (i32, i32) {
    %add3A = arith.constant 50 : i32
    %add3A_0 = arith.addi %arg0, %add3A : i32
    %c0_i32 = arith.constant 0 : i32
    %c0_i32_1 = arith.constant 0 : i32
    return %c0_i32, %add3A_0 : i32, i32
  }
  func.func @transform_3(%arg0: i32) -> (i32, i32) {
    %c0_i32 = arith.constant 0 : i32
    %c0_i32_0 = arith.constant 0 : i32
    %c0_i32_1 = arith.constant 0 : i32
    return %c0_i32, %c0_i32_0 : i32, i32
  }
  func.func @transform_4(%arg0: i32) -> (i32, i32) {
    %c0_i32 = arith.constant 0 : i32
    %c0_i32_0 = arith.constant 0 : i32
    %c0_i32_1 = arith.constant 0 : i32
    return %c0_i32, %c0_i32_0 : i32, i32
  }
  func.func @transform_5(%arg0: i32) -> (i32, i32) {
    %c0_i32 = arith.constant 0 : i32
    %c0_i32_0 = arith.constant 0 : i32
    %c0_i32_1 = arith.constant 0 : i32
    return %c0_i32, %c0_i32_0 : i32, i32
  }
  func.func @transform_6(%arg0: i32) -> (i32, i32) {
    %c0_i32 = arith.constant 0 : i32
    %c0_i32_0 = arith.constant 0 : i32
    return %arg0, %c0_i32 : i32, i32
  }
}

module attributes {stable_mosaic.version = 14 : i64} {
  func.func @_edge_body(%arg0: i32, %arg1: memref<3200x128xf32, #tpu.memory_space<vmem>>, %arg2: memref<16x3200xf32, #tpu.memory_space<vmem>>, %arg3: memref<1x3200xf32, #tpu.memory_space<vmem>>, %arg4: memref<8x16xf32, #tpu.memory_space<vmem>>, %arg5: memref<128x8xf32, #tpu.memory_space<vmem>>, %arg6: memref<128x128xf32, #tpu.memory_space<vmem>>, %arg7: memref<3200x128xf32, #tpu.memory_space<vmem>>) attributes {dimension_semantics = [#tpu.dimension_semantics<arbitrary>], iteration_bounds = array<i64: 25>, scalar_prefetch = 0 : i64, scratch_operands = 0 : i64, tpu.core_type = #tpu.core_type<tc>, window_params = [{transform_indices = @transform_0, window_bounds = array<i64: 3200, 128>}, {transform_indices = @transform_1, window_bounds = array<i64: 16, 3200>}, {transform_indices = @transform_2, window_bounds = array<i64: 1, 3200>}, {pipeline_mode = #tpu.pipeline_mode<synchronous>, transform_indices = @transform_3, window_bounds = array<i64: 8, 16>}, {pipeline_mode = #tpu.pipeline_mode<synchronous>, transform_indices = @transform_4, window_bounds = array<i64: 128, 8>}, {pipeline_mode = #tpu.pipeline_mode<synchronous>, transform_indices = @transform_5, window_bounds = array<i64: 128, 128>}, {transform_indices = @transform_6, window_bounds = array<i64: 3200, 128>}]} {
    %get3A = arith.constant 0 : index
    %get3A_0 = arith.constant 0 : index
    %get3A_1 = vector.load %arg4[%get3A, %get3A_0] : memref<8x16xf32, #tpu.memory_space<vmem>>, vector<8x16xf32>
    %get3A_2 = arith.constant 0 : index
    %get3A_3 = arith.constant 0 : index
    %get3A_4 = vector.load %arg2[%get3A_2, %get3A_3] : memref<16x3200xf32, #tpu.memory_space<vmem>>, vector<16x3200xf32>
    %dot_general3A = arith.constant dense<0.000000e+00> : vector<8x3200xf32>
    %dot_general3A_5 = tpu.matmul %get3A_1, %get3A_4, %dot_general3A {dimension_numbers = #tpu.dot_dimension_numbers<[1], [0], [0], [1], [0, 0, 1, 1], [], []>, transpose_lhs_hint = false} : vector<8x16xf32>, vector<16x3200xf32>, vector<8x3200xf32> -> vector<8x3200xf32>
    %mul3A = arith.constant 2.500000e-01 : f32
    %mul3A_6 = vector.broadcast %mul3A : f32 to vector<8x3200xf32>
    %mul3A_7 = arith.mulf %dot_general3A_5, %mul3A_6 : vector<8x3200xf32>
    %logistic3A = arith.negf %mul3A_7 : vector<8x3200xf32>
    %logistic3A_8 = math.exp %logistic3A : vector<8x3200xf32>
    %logistic3A_9 = arith.constant 1.000000e+00 : f32
    %logistic3A_10 = vector.broadcast %logistic3A_9 : f32 to vector<8x3200xf32>
    %logistic3A_11 = arith.addf %logistic3A_10, %logistic3A_8 : vector<8x3200xf32>
    %logistic3A_12 = arith.divf %logistic3A_10, %logistic3A_11 : vector<8x3200xf32>
    %mul3A_13 = arith.mulf %mul3A_7, %logistic3A_12 : vector<8x3200xf32>
    %get3A_14 = arith.constant 0 : index
    %get3A_15 = arith.constant 0 : index
    %get3A_16 = vector.load %arg5[%get3A_14, %get3A_15] : memref<128x8xf32, #tpu.memory_space<vmem>>, vector<128x8xf32>
    %dot_general3A_17 = arith.constant dense<0.000000e+00> : vector<128x3200xf32>
    %dot_general3A_18 = tpu.matmul %get3A_16, %mul3A_13, %dot_general3A_17 {dimension_numbers = #tpu.dot_dimension_numbers<[1], [0], [0], [1], [0, 0, 1, 1], [], []>, transpose_lhs_hint = false} : vector<128x8xf32>, vector<8x3200xf32>, vector<128x3200xf32> -> vector<128x3200xf32>
    %mul3A_19 = arith.constant 0.353553385 : f32
    %mul3A_20 = vector.broadcast %mul3A_19 : f32 to vector<128x3200xf32>
    %mul3A_21 = arith.mulf %dot_general3A_18, %mul3A_20 : vector<128x3200xf32>
    %get3A_22 = arith.constant 0 : index
    %get3A_23 = arith.constant 0 : index
    %get3A_24 = vector.load %arg3[%get3A_22, %get3A_23] : memref<1x3200xf32, #tpu.memory_space<vmem>>, vector<1x3200xf32>
    %mul3A_25 = vector.broadcast %get3A_24 : vector<1x3200xf32> to vector<128x3200xf32>
    %mul3A_26 = arith.mulf %mul3A_21, %mul3A_25 : vector<128x3200xf32>
    %transpose3A = tpu.transpose %mul3A_26, [1, 0] : vector<128x3200xf32> -> vector<3200x128xf32>
    %get3A_27 = arith.constant 0 : index
    %get3A_28 = arith.constant 0 : index
    %get3A_29 = vector.load %arg1[%get3A_27, %get3A_28] : memref<3200x128xf32, #tpu.memory_space<vmem>>, vector<3200x128xf32>
    %mul3A_30 = arith.mulf %get3A_29, %transpose3A : vector<3200x128xf32>
    %get3A_31 = arith.constant 0 : index
    %get3A_32 = arith.constant 0 : index
    %get3A_33 = vector.load %arg6[%get3A_31, %get3A_32] : memref<128x128xf32, #tpu.memory_space<vmem>>, vector<128x128xf32>
    %dot_general3A_34 = arith.constant dense<0.000000e+00> : vector<3200x128xf32>
    %dot_general3A_35 = tpu.matmul %mul3A_30, %get3A_33, %dot_general3A_34 {dimension_numbers = #tpu.dot_dimension_numbers<[1], [0], [0], [1], [0, 0, 1, 1], [], []>, transpose_lhs_hint = false} : vector<3200x128xf32>, vector<128x128xf32>, vector<3200x128xf32> -> vector<3200x128xf32>
    %mul3A_36 = arith.constant 0.0883883461 : f32
    %mul3A_37 = vector.broadcast %mul3A_36 : f32 to vector<3200x128xf32>
    %mul3A_38 = arith.mulf %dot_general3A_35, %mul3A_37 : vector<3200x128xf32>
    %logistic3A_39 = arith.negf %mul3A_38 : vector<3200x128xf32>
    %logistic3A_40 = math.exp %logistic3A_39 : vector<3200x128xf32>
    %logistic3A_41 = arith.constant 1.000000e+00 : f32
    %logistic3A_42 = vector.broadcast %logistic3A_41 : f32 to vector<3200x128xf32>
    %logistic3A_43 = arith.addf %logistic3A_42, %logistic3A_40 : vector<3200x128xf32>
    %logistic3A_44 = arith.divf %logistic3A_42, %logistic3A_43 : vector<3200x128xf32>
    %mul3A_45 = arith.mulf %mul3A_38, %logistic3A_44 : vector<3200x128xf32>
    %swap3A = arith.constant 0 : index
    %swap3A_46 = arith.constant 0 : index
    %swap3A_47 = vector.load %arg7[%swap3A, %swap3A_46] : memref<3200x128xf32, #tpu.memory_space<vmem>>, vector<3200x128xf32>
    tpu.vector_store %arg7[%swap3A, %swap3A_46], %mul3A_45 {strides = array<i32>} : memref<3200x128xf32, #tpu.memory_space<vmem>>, vector<3200x128xf32>,
    return
  }
  func.func @transform_0(%arg0: i32) -> (i32, i32) {
    %c0_i32 = arith.constant 0 : i32
    %c0_i32_0 = arith.constant 0 : i32
    return %arg0, %c0_i32 : i32, i32
  }
  func.func @transform_1(%arg0: i32) -> (i32, i32) {
    %add3A = arith.constant 25 : i32
    %add3A_0 = arith.addi %arg0, %add3A : i32
    %c0_i32 = arith.constant 0 : i32
    %c0_i32_1 = arith.constant 0 : i32
    return %c0_i32, %add3A_0 : i32, i32
  }
  func.func @transform_2(%arg0: i32) -> (i32, i32) {
    %add3A = arith.constant 25 : i32
    %add3A_0 = arith.addi %arg0, %add3A : i32
    %c0_i32 = arith.constant 0 : i32
    %c0_i32_1 = arith.constant 0 : i32
    return %c0_i32, %add3A_0 : i32, i32
  }
  func.func @transform_3(%arg0: i32) -> (i32, i32) {
    %c0_i32 = arith.constant 0 : i32
    %c0_i32_0 = arith.constant 0 : i32
    %c0_i32_1 = arith.constant 0 : i32
    return %c0_i32, %c0_i32_0 : i32, i32
  }
  func.func @transform_4(%arg0: i32) -> (i32, i32) {
    %c0_i32 = arith.constant 0 : i32
    %c0_i32_0 = arith.constant 0 : i32
    %c0_i32_1 = arith.constant 0 : i32
    return %c0_i32, %c0_i32_0 : i32, i32
  }
  func.func @transform_5(%arg0: i32) -> (i32, i32) {
    %c0_i32 = arith.constant 0 : i32
    %c0_i32_0 = arith.constant 0 : i32
    %c0_i32_1 = arith.constant 0 : i32
    return %c0_i32, %c0_i32_0 : i32, i32
  }
  func.func @transform_6(%arg0: i32) -> (i32, i32) {
    %c0_i32 = arith.constant 0 : i32
    %c0_i32_0 = arith.constant 0 : i32
    return %arg0, %c0_i32 : i32, i32
  }
}

module attributes {stable_mosaic.version = 14 : i64} {
  func.func @_edge_body(%arg0: i32, %arg1: memref<3200x128xf32, #tpu.memory_space<vmem>>, %arg2: memref<16x3200xf32, #tpu.memory_space<vmem>>, %arg3: memref<1x3200xf32, #tpu.memory_space<vmem>>, %arg4: memref<8x16xf32, #tpu.memory_space<vmem>>, %arg5: memref<128x8xf32, #tpu.memory_space<vmem>>, %arg6: memref<128x128xf32, #tpu.memory_space<vmem>>, %arg7: memref<3200x128xf32, #tpu.memory_space<vmem>>) attributes {dimension_semantics = [#tpu.dimension_semantics<arbitrary>], iteration_bounds = array<i64: 25>, scalar_prefetch = 0 : i64, scratch_operands = 0 : i64, tpu.core_type = #tpu.core_type<tc>, window_params = [{transform_indices = @transform_0, window_bounds = array<i64: 3200, 128>}, {transform_indices = @transform_1, window_bounds = array<i64: 16, 3200>}, {transform_indices = @transform_2, window_bounds = array<i64: 1, 3200>}, {pipeline_mode = #tpu.pipeline_mode<synchronous>, transform_indices = @transform_3, window_bounds = array<i64: 8, 16>}, {pipeline_mode = #tpu.pipeline_mode<synchronous>, transform_indices = @transform_4, window_bounds = array<i64: 128, 8>}, {pipeline_mode = #tpu.pipeline_mode<synchronous>, transform_indices = @transform_5, window_bounds = array<i64: 128, 128>}, {transform_indices = @transform_6, window_bounds = array<i64: 3200, 128>}]} {
    %get3A = arith.constant 0 : index
    %get3A_0 = arith.constant 0 : index
    %get3A_1 = vector.load %arg4[%get3A, %get3A_0] : memref<8x16xf32, #tpu.memory_space<vmem>>, vector<8x16xf32>
    %get3A_2 = arith.constant 0 : index
    %get3A_3 = arith.constant 0 : index
    %get3A_4 = vector.load %arg2[%get3A_2, %get3A_3] : memref<16x3200xf32, #tpu.memory_space<vmem>>, vector<16x3200xf32>
    %dot_general3A = arith.constant dense<0.000000e+00> : vector<8x3200xf32>
    %dot_general3A_5 = tpu.matmul %get3A_1, %get3A_4, %dot_general3A {dimension_numbers = #tpu.dot_dimension_numbers<[1], [0], [0], [1], [0, 0, 1, 1], [], []>, transpose_lhs_hint = false} : vector<8x16xf32>, vector<16x3200xf32>, vector<8x3200xf32> -> vector<8x3200xf32>
    %mul3A = arith.constant 2.500000e-01 : f32
    %mul3A_6 = vector.broadcast %mul3A : f32 to vector<8x3200xf32>
    %mul3A_7 = arith.mulf %dot_general3A_5, %mul3A_6 : vector<8x3200xf32>
    %logistic3A = arith.negf %mul3A_7 : vector<8x3200xf32>
    %logistic3A_8 = math.exp %logistic3A : vector<8x3200xf32>
    %logistic3A_9 = arith.constant 1.000000e+00 : f32
    %logistic3A_10 = vector.broadcast %logistic3A_9 : f32 to vector<8x3200xf32>
    %logistic3A_11 = arith.addf %logistic3A_10, %logistic3A_8 : vector<8x3200xf32>
    %logistic3A_12 = arith.divf %logistic3A_10, %logistic3A_11 : vector<8x3200xf32>
    %mul3A_13 = arith.mulf %mul3A_7, %logistic3A_12 : vector<8x3200xf32>
    %get3A_14 = arith.constant 0 : index
    %get3A_15 = arith.constant 0 : index
    %get3A_16 = vector.load %arg5[%get3A_14, %get3A_15] : memref<128x8xf32, #tpu.memory_space<vmem>>, vector<128x8xf32>
    %dot_general3A_17 = arith.constant dense<0.000000e+00> : vector<128x3200xf32>
    %dot_general3A_18 = tpu.matmul %get3A_16, %mul3A_13, %dot_general3A_17 {dimension_numbers = #tpu.dot_dimension_numbers<[1], [0], [0], [1], [0, 0, 1, 1], [], []>, transpose_lhs_hint = false} : vector<128x8xf32>, vector<8x3200xf32>, vector<128x3200xf32> -> vector<128x3200xf32>
    %mul3A_19 = arith.constant 0.353553385 : f32
    %mul3A_20 = vector.broadcast %mul3A_19 : f32 to vector<128x3200xf32>
    %mul3A_21 = arith.mulf %dot_general3A_18, %mul3A_20 : vector<128x3200xf32>
    %get3A_22 = arith.constant 0 : index
    %get3A_23 = arith.constant 0 : index
    %get3A_24 = vector.load %arg3[%get3A_22, %get3A_23] : memref<1x3200xf32, #tpu.memory_space<vmem>>, vector<1x3200xf32>
    %mul3A_25 = vector.broadcast %get3A_24 : vector<1x3200xf32> to vector<128x3200xf32>
    %mul3A_26 = arith.mulf %mul3A_21, %mul3A_25 : vector<128x3200xf32>
    %transpose3A = tpu.transpose %mul3A_26, [1, 0] : vector<128x3200xf32> -> vector<3200x128xf32>
    %get3A_27 = arith.constant 0 : index
    %get3A_28 = arith.constant 0 : index
    %get3A_29 = vector.load %arg1[%get3A_27, %get3A_28] : memref<3200x128xf32, #tpu.memory_space<vmem>>, vector<3200x128xf32>
    %mul3A_30 = arith.mulf %get3A_29, %transpose3A : vector<3200x128xf32>
    %get3A_31 = arith.constant 0 : index
    %get3A_32 = arith.constant 0 : index
    %get3A_33 = vector.load %arg6[%get3A_31, %get3A_32] : memref<128x128xf32, #tpu.memory_space<vmem>>, vector<128x128xf32>
    %dot_general3A_34 = arith.constant dense<0.000000e+00> : vector<3200x128xf32>
    %dot_general3A_35 = tpu.matmul %mul3A_30, %get3A_33, %dot_general3A_34 {dimension_numbers = #tpu.dot_dimension_numbers<[1], [0], [0], [1], [0, 0, 1, 1], [], []>, transpose_lhs_hint = false} : vector<3200x128xf32>, vector<128x128xf32>, vector<3200x128xf32> -> vector<3200x128xf32>
    %mul3A_36 = arith.constant 0.0883883461 : f32
    %mul3A_37 = vector.broadcast %mul3A_36 : f32 to vector<3200x128xf32>
    %mul3A_38 = arith.mulf %dot_general3A_35, %mul3A_37 : vector<3200x128xf32>
    %logistic3A_39 = arith.negf %mul3A_38 : vector<3200x128xf32>
    %logistic3A_40 = math.exp %logistic3A_39 : vector<3200x128xf32>
    %logistic3A_41 = arith.constant 1.000000e+00 : f32
    %logistic3A_42 = vector.broadcast %logistic3A_41 : f32 to vector<3200x128xf32>
    %logistic3A_43 = arith.addf %logistic3A_42, %logistic3A_40 : vector<3200x128xf32>
    %logistic3A_44 = arith.divf %logistic3A_42, %logistic3A_43 : vector<3200x128xf32>
    %mul3A_45 = arith.mulf %mul3A_38, %logistic3A_44 : vector<3200x128xf32>
    %swap3A = arith.constant 0 : index
    %swap3A_46 = arith.constant 0 : index
    %swap3A_47 = vector.load %arg7[%swap3A, %swap3A_46] : memref<3200x128xf32, #tpu.memory_space<vmem>>, vector<3200x128xf32>
    tpu.vector_store %arg7[%swap3A, %swap3A_46], %mul3A_45 {strides = array<i32>} : memref<3200x128xf32, #tpu.memory_space<vmem>>, vector<3200x128xf32>,
    return
  }
  func.func @transform_0(%arg0: i32) -> (i32, i32) {
    %c0_i32 = arith.constant 0 : i32
    %c0_i32_0 = arith.constant 0 : i32
    return %arg0, %c0_i32 : i32, i32
  }
  func.func @transform_1(%arg0: i32) -> (i32, i32) {
    %add3A = arith.constant 0 : i32
    %add3A_0 = arith.addi %arg0, %add3A : i32
    %c0_i32 = arith.constant 0 : i32
    %c0_i32_1 = arith.constant 0 : i32
    return %c0_i32, %add3A_0 : i32, i32
  }
  func.func @transform_2(%arg0: i32) -> (i32, i32) {
    %add3A = arith.constant 0 : i32
    %add3A_0 = arith.addi %arg0, %add3A : i32
    %c0_i32 = arith.constant 0 : i32
    %c0_i32_1 = arith.constant 0 : i32
    return %c0_i32, %add3A_0 : i32, i32
  }
  func.func @transform_3(%arg0: i32) -> (i32, i32) {
    %c0_i32 = arith.constant 0 : i32
    %c0_i32_0 = arith.constant 0 : i32
    %c0_i32_1 = arith.constant 0 : i32
    return %c0_i32, %c0_i32_0 : i32, i32
  }
  func.func @transform_4(%arg0: i32) -> (i32, i32) {
    %c0_i32 = arith.constant 0 : i32
    %c0_i32_0 = arith.constant 0 : i32
    %c0_i32_1 = arith.constant 0 : i32
    return %c0_i32, %c0_i32_0 : i32, i32
  }
  func.func @transform_5(%arg0: i32) -> (i32, i32) {
    %c0_i32 = arith.constant 0 : i32
    %c0_i32_0 = arith.constant 0 : i32
    %c0_i32_1 = arith.constant 0 : i32
    return %c0_i32, %c0_i32_0 : i32, i32
  }
  func.func @transform_6(%arg0: i32) -> (i32, i32) {
    %c0_i32 = arith.constant 0 : i32
    %c0_i32_0 = arith.constant 0 : i32
    return %arg0, %c0_i32 : i32, i32
  }
}

module attributes {stable_mosaic.version = 14 : i64} {
  func.func @_pre_body(%arg0: i32, %arg1: memref<2000x128xf32, #tpu.memory_space<vmem>>, %arg2: memref<2000x16xf32, #tpu.memory_space<vmem>>, %arg3: memref<16x128xf32, #tpu.memory_space<vmem>>, %arg4: memref<2048x128xf32, #tpu.memory_space<vmem>>, %arg5: memref<2000x128xf32, #tpu.memory_space<vmem>>, %arg6: memref<2000x128xf32, #tpu.memory_space<vmem>>) attributes {dimension_semantics = [#tpu.dimension_semantics<arbitrary>], iteration_bounds = array<i64: 5>, scalar_prefetch = 0 : i64, scratch_operands = 0 : i64, tpu.core_type = #tpu.core_type<tc>, window_params = [{transform_indices = @transform_0, window_bounds = array<i64: 2000, 128>}, {transform_indices = @transform_1, window_bounds = array<i64: 2000, 16>}, {pipeline_mode = #tpu.pipeline_mode<synchronous>, transform_indices = @transform_2, window_bounds = array<i64: 16, 128>}, {pipeline_mode = #tpu.pipeline_mode<synchronous>, transform_indices = @transform_3, window_bounds = array<i64: 2048, 128>}, {transform_indices = @transform_4, window_bounds = array<i64: 2000, 128>}, {transform_indices = @transform_5, window_bounds = array<i64: 2000, 128>}]} {
    %get3A = arith.constant 0 : index
    %get3A_0 = arith.constant 0 : index
    %get3A_1 = vector.load %arg2[%get3A, %get3A_0] : memref<2000x16xf32, #tpu.memory_space<vmem>>, vector<2000x16xf32>
    %get3A_2 = arith.constant 0 : index
    %get3A_3 = arith.constant 0 : index
    %get3A_4 = vector.load %arg3[%get3A_2, %get3A_3] : memref<16x128xf32, #tpu.memory_space<vmem>>, vector<16x128xf32>
    %dot_general3A = arith.constant dense<0.000000e+00> : vector<2000x128xf32>
    %dot_general3A_5 = tpu.matmul %get3A_1, %get3A_4, %dot_general3A {dimension_numbers = #tpu.dot_dimension_numbers<[1], [0], [0], [1], [0, 0, 1, 1], [], []>, transpose_lhs_hint = false} : vector<2000x16xf32>, vector<16x128xf32>, vector<2000x128xf32> -> vector<2000x128xf32>
    %mul3A = arith.constant 2.500000e-01 : f32
    %mul3A_6 = vector.broadcast %mul3A : f32 to vector<2000x128xf32>
    %mul3A_7 = arith.mulf %dot_general3A_5, %mul3A_6 : vector<2000x128xf32>
    %swap3A = arith.constant 0 : index
    %swap3A_8 = arith.constant 0 : index
    %swap3A_9 = vector.load %arg5[%swap3A, %swap3A_8] : memref<2000x128xf32, #tpu.memory_space<vmem>>, vector<2000x128xf32>
    tpu.vector_store %arg5[%swap3A, %swap3A_8], %mul3A_7 {strides = array<i32>} : memref<2000x128xf32, #tpu.memory_space<vmem>>, vector<2000x128xf32>,
    %get3A_10 = arith.constant 0 : index
    %get3A_11 = arith.constant 0 : index
    %get3A_12 = vector.load %arg1[%get3A_10, %get3A_11] : memref<2000x128xf32, #tpu.memory_space<vmem>>, vector<2000x128xf32>
    %broadcast_in_dim3A = arith.constant 0.000000e+00 : f32
    %broadcast_in_dim3A_13 = vector.broadcast %broadcast_in_dim3A : f32 to vector<2000x128xf32>
    %get3A_14 = arith.constant 0 : index
    %get3A_15 = arith.constant 0 : index
    %get3A_16 = vector.load %arg4[%get3A_14, %get3A_15] : memref<2048x128xf32, #tpu.memory_space<vmem>>, vector<128x128xf32>
    %slice3A = vector.extract_strided_slice %get3A_1 {offsets = [0, 0], sizes = [2000, 1], strides = [1, 1]} : vector<2000x16xf32> to vector<2000x1xf32>
    %dot_general3A_17 = arith.constant dense<0.000000e+00> : vector<2000x128xf32>
    %dot_general3A_18 = tpu.matmul %get3A_12, %get3A_16, %dot_general3A_17 {dimension_numbers = #tpu.dot_dimension_numbers<[1], [0], [0], [1], [0, 0, 1, 1], [], []>, transpose_lhs_hint = false} : vector<2000x128xf32>, vector<128x128xf32>, vector<2000x128xf32> -> vector<2000x128xf32>
    %mul3A_19 = vector.broadcast %slice3A : vector<2000x1xf32> to vector<2000x128xf32>
    %mul3A_20 = arith.mulf %mul3A_19, %dot_general3A_18 : vector<2000x128xf32>
    %add3A = arith.addf %broadcast_in_dim3A_13, %mul3A_20 : vector<2000x128xf32>
    %get3A_21 = arith.constant 128 : index
    %get3A_22 = arith.constant 0 : index
    %get3A_23 = vector.load %arg4[%get3A_21, %get3A_22] : memref<2048x128xf32, #tpu.memory_space<vmem>>, vector<128x128xf32>
    %slice3A_24 = vector.extract_strided_slice %get3A_1 {offsets = [0, 1], sizes = [2000, 1], strides = [1, 1]} : vector<2000x16xf32> to vector<2000x1xf32>
    %dot_general3A_25 = arith.constant dense<0.000000e+00> : vector<2000x128xf32>
    %dot_general3A_26 = tpu.matmul %get3A_12, %get3A_23, %dot_general3A_25 {dimension_numbers = #tpu.dot_dimension_numbers<[1], [0], [0], [1], [0, 0, 1, 1], [], []>, transpose_lhs_hint = false} : vector<2000x128xf32>, vector<128x128xf32>, vector<2000x128xf32> -> vector<2000x128xf32>
    %mul3A_27 = vector.broadcast %slice3A_24 : vector<2000x1xf32> to vector<2000x128xf32>
    %mul3A_28 = arith.mulf %mul3A_27, %dot_general3A_26 : vector<2000x128xf32>
    %add3A_29 = arith.addf %add3A, %mul3A_28 : vector<2000x128xf32>
    %get3A_30 = arith.constant 256 : index
    %get3A_31 = arith.constant 0 : index
    %get3A_32 = vector.load %arg4[%get3A_30, %get3A_31] : memref<2048x128xf32, #tpu.memory_space<vmem>>, vector<128x128xf32>
    %slice3A_33 = vector.extract_strided_slice %get3A_1 {offsets = [0, 2], sizes = [2000, 1], strides = [1, 1]} : vector<2000x16xf32> to vector<2000x1xf32>
    %dot_general3A_34 = arith.constant dense<0.000000e+00> : vector<2000x128xf32>
    %dot_general3A_35 = tpu.matmul %get3A_12, %get3A_32, %dot_general3A_34 {dimension_numbers = #tpu.dot_dimension_numbers<[1], [0], [0], [1], [0, 0, 1, 1], [], []>, transpose_lhs_hint = false} : vector<2000x128xf32>, vector<128x128xf32>, vector<2000x128xf32> -> vector<2000x128xf32>
    %mul3A_36 = vector.broadcast %slice3A_33 : vector<2000x1xf32> to vector<2000x128xf32>
    %mul3A_37 = arith.mulf %mul3A_36, %dot_general3A_35 : vector<2000x128xf32>
    %add3A_38 = arith.addf %add3A_29, %mul3A_37 : vector<2000x128xf32>
    %get3A_39 = arith.constant 384 : index
    %get3A_40 = arith.constant 0 : index
    %get3A_41 = vector.load %arg4[%get3A_39, %get3A_40] : memref<2048x128xf32, #tpu.memory_space<vmem>>, vector<128x128xf32>
    %slice3A_42 = vector.extract_strided_slice %get3A_1 {offsets = [0, 3], sizes = [2000, 1], strides = [1, 1]} : vector<2000x16xf32> to vector<2000x1xf32>
    %dot_general3A_43 = arith.constant dense<0.000000e+00> : vector<2000x128xf32>
    %dot_general3A_44 = tpu.matmul %get3A_12, %get3A_41, %dot_general3A_43 {dimension_numbers = #tpu.dot_dimension_numbers<[1], [0], [0], [1], [0, 0, 1, 1], [], []>, transpose_lhs_hint = false} : vector<2000x128xf32>, vector<128x128xf32>, vector<2000x128xf32> -> vector<2000x128xf32>
    %mul3A_45 = vector.broadcast %slice3A_42 : vector<2000x1xf32> to vector<2000x128xf32>
    %mul3A_46 = arith.mulf %mul3A_45, %dot_general3A_44 : vector<2000x128xf32>
    %add3A_47 = arith.addf %add3A_38, %mul3A_46 : vector<2000x128xf32>
    %get3A_48 = arith.constant 512 : index
    %get3A_49 = arith.constant 0 : index
    %get3A_50 = vector.load %arg4[%get3A_48, %get3A_49] : memref<2048x128xf32, #tpu.memory_space<vmem>>, vector<128x128xf32>
    %slice3A_51 = vector.extract_strided_slice %get3A_1 {offsets = [0, 4], sizes = [2000, 1], strides = [1, 1]} : vector<2000x16xf32> to vector<2000x1xf32>
    %dot_general3A_52 = arith.constant dense<0.000000e+00> : vector<2000x128xf32>
    %dot_general3A_53 = tpu.matmul %get3A_12, %get3A_50, %dot_general3A_52 {dimension_numbers = #tpu.dot_dimension_numbers<[1], [0], [0], [1], [0, 0, 1, 1], [], []>, transpose_lhs_hint = false} : vector<2000x128xf32>, vector<128x128xf32>, vector<2000x128xf32> -> vector<2000x128xf32>
    %mul3A_54 = vector.broadcast %slice3A_51 : vector<2000x1xf32> to vector<2000x128xf32>
    %mul3A_55 = arith.mulf %mul3A_54, %dot_general3A_53 : vector<2000x128xf32>
    %add3A_56 = arith.addf %add3A_47, %mul3A_55 : vector<2000x128xf32>
    %get3A_57 = arith.constant 640 : index
    %get3A_58 = arith.constant 0 : index
    %get3A_59 = vector.load %arg4[%get3A_57, %get3A_58] : memref<2048x128xf32, #tpu.memory_space<vmem>>, vector<128x128xf32>
    %slice3A_60 = vector.extract_strided_slice %get3A_1 {offsets = [0, 5], sizes = [2000, 1], strides = [1, 1]} : vector<2000x16xf32> to vector<2000x1xf32>
    %dot_general3A_61 = arith.constant dense<0.000000e+00> : vector<2000x128xf32>
    %dot_general3A_62 = tpu.matmul %get3A_12, %get3A_59, %dot_general3A_61 {dimension_numbers = #tpu.dot_dimension_numbers<[1], [0], [0], [1], [0, 0, 1, 1], [], []>, transpose_lhs_hint = false} : vector<2000x128xf32>, vector<128x128xf32>, vector<2000x128xf32> -> vector<2000x128xf32>
    %mul3A_63 = vector.broadcast %slice3A_60 : vector<2000x1xf32> to vector<2000x128xf32>
    %mul3A_64 = arith.mulf %mul3A_63, %dot_general3A_62 : vector<2000x128xf32>
    %add3A_65 = arith.addf %add3A_56, %mul3A_64 : vector<2000x128xf32>
    %get3A_66 = arith.constant 768 : index
    %get3A_67 = arith.constant 0 : index
    %get3A_68 = vector.load %arg4[%get3A_66, %get3A_67] : memref<2048x128xf32, #tpu.memory_space<vmem>>, vector<128x128xf32>
    %slice3A_69 = vector.extract_strided_slice %get3A_1 {offsets = [0, 6], sizes = [2000, 1], strides = [1, 1]} : vector<2000x16xf32> to vector<2000x1xf32>
    %dot_general3A_70 = arith.constant dense<0.000000e+00> : vector<2000x128xf32>
    %dot_general3A_71 = tpu.matmul %get3A_12, %get3A_68, %dot_general3A_70 {dimension_numbers = #tpu.dot_dimension_numbers<[1], [0], [0], [1], [0, 0, 1, 1], [], []>, transpose_lhs_hint = false} : vector<2000x128xf32>, vector<128x128xf32>, vector<2000x128xf32> -> vector<2000x128xf32>
    %mul3A_72 = vector.broadcast %slice3A_69 : vector<2000x1xf32> to vector<2000x128xf32>
    %mul3A_73 = arith.mulf %mul3A_72, %dot_general3A_71 : vector<2000x128xf32>
    %add3A_74 = arith.addf %add3A_65, %mul3A_73 : vector<2000x128xf32>
    %get3A_75 = arith.constant 896 : index
    %get3A_76 = arith.constant 0 : index
    %get3A_77 = vector.load %arg4[%get3A_75, %get3A_76] : memref<2048x128xf32, #tpu.memory_space<vmem>>, vector<128x128xf32>
    %slice3A_78 = vector.extract_strided_slice %get3A_1 {offsets = [0, 7], sizes = [2000, 1], strides = [1, 1]} : vector<2000x16xf32> to vector<2000x1xf32>
    %dot_general3A_79 = arith.constant dense<0.000000e+00> : vector<2000x128xf32>
    %dot_general3A_80 = tpu.matmul %get3A_12, %get3A_77, %dot_general3A_79 {dimension_numbers = #tpu.dot_dimension_numbers<[1], [0], [0], [1], [0, 0, 1, 1], [], []>, transpose_lhs_hint = false} : vector<2000x128xf32>, vector<128x128xf32>, vector<2000x128xf32> -> vector<2000x128xf32>
    %mul3A_81 = vector.broadcast %slice3A_78 : vector<2000x1xf32> to vector<2000x128xf32>
    %mul3A_82 = arith.mulf %mul3A_81, %dot_general3A_80 : vector<2000x128xf32>
    %add3A_83 = arith.addf %add3A_74, %mul3A_82 : vector<2000x128xf32>
    %get3A_84 = arith.constant 1024 : index
    %get3A_85 = arith.constant 0 : index
    %get3A_86 = vector.load %arg4[%get3A_84, %get3A_85] : memref<2048x128xf32, #tpu.memory_space<vmem>>, vector<128x128xf32>
    %slice3A_87 = vector.extract_strided_slice %get3A_1 {offsets = [0, 8], sizes = [2000, 1], strides = [1, 1]} : vector<2000x16xf32> to vector<2000x1xf32>
    %dot_general3A_88 = arith.constant dense<0.000000e+00> : vector<2000x128xf32>
    %dot_general3A_89 = tpu.matmul %get3A_12, %get3A_86, %dot_general3A_88 {dimension_numbers = #tpu.dot_dimension_numbers<[1], [0], [0], [1], [0, 0, 1, 1], [], []>, transpose_lhs_hint = false} : vector<2000x128xf32>, vector<128x128xf32>, vector<2000x128xf32> -> vector<2000x128xf32>
    %mul3A_90 = vector.broadcast %slice3A_87 : vector<2000x1xf32> to vector<2000x128xf32>
    %mul3A_91 = arith.mulf %mul3A_90, %dot_general3A_89 : vector<2000x128xf32>
    %add3A_92 = arith.addf %add3A_83, %mul3A_91 : vector<2000x128xf32>
    %get3A_93 = arith.constant 1152 : index
    %get3A_94 = arith.constant 0 : index
    %get3A_95 = vector.load %arg4[%get3A_93, %get3A_94] : memref<2048x128xf32, #tpu.memory_space<vmem>>, vector<128x128xf32>
    %slice3A_96 = vector.extract_strided_slice %get3A_1 {offsets = [0, 9], sizes = [2000, 1], strides = [1, 1]} : vector<2000x16xf32> to vector<2000x1xf32>
    %dot_general3A_97 = arith.constant dense<0.000000e+00> : vector<2000x128xf32>
    %dot_general3A_98 = tpu.matmul %get3A_12, %get3A_95, %dot_general3A_97 {dimension_numbers = #tpu.dot_dimension_numbers<[1], [0], [0], [1], [0, 0, 1, 1], [], []>, transpose_lhs_hint = false} : vector<2000x128xf32>, vector<128x128xf32>, vector<2000x128xf32> -> vector<2000x128xf32>
    %mul3A_99 = vector.broadcast %slice3A_96 : vector<2000x1xf32> to vector<2000x128xf32>
    %mul3A_100 = arith.mulf %mul3A_99, %dot_general3A_98 : vector<2000x128xf32>
    %add3A_101 = arith.addf %add3A_92, %mul3A_100 : vector<2000x128xf32>
    %get3A_102 = arith.constant 1280 : index
    %get3A_103 = arith.constant 0 : index
    %get3A_104 = vector.load %arg4[%get3A_102, %get3A_103] : memref<2048x128xf32, #tpu.memory_space<vmem>>, vector<128x128xf32>
    %slice3A_105 = vector.extract_strided_slice %get3A_1 {offsets = [0, 10], sizes = [2000, 1], strides = [1, 1]} : vector<2000x16xf32> to vector<2000x1xf32>
    %dot_general3A_106 = arith.constant dense<0.000000e+00> : vector<2000x128xf32>
    %dot_general3A_107 = tpu.matmul %get3A_12, %get3A_104, %dot_general3A_106 {dimension_numbers = #tpu.dot_dimension_numbers<[1], [0], [0], [1], [0, 0, 1, 1], [], []>, transpose_lhs_hint = false} : vector<2000x128xf32>, vector<128x128xf32>, vector<2000x128xf32> -> vector<2000x128xf32>
    %mul3A_108 = vector.broadcast %slice3A_105 : vector<2000x1xf32> to vector<2000x128xf32>
    %mul3A_109 = arith.mulf %mul3A_108, %dot_general3A_107 : vector<2000x128xf32>
    %add3A_110 = arith.addf %add3A_101, %mul3A_109 : vector<2000x128xf32>
    %get3A_111 = arith.constant 1408 : index
    %get3A_112 = arith.constant 0 : index
    %get3A_113 = vector.load %arg4[%get3A_111, %get3A_112] : memref<2048x128xf32, #tpu.memory_space<vmem>>, vector<128x128xf32>
    %slice3A_114 = vector.extract_strided_slice %get3A_1 {offsets = [0, 11], sizes = [2000, 1], strides = [1, 1]} : vector<2000x16xf32> to vector<2000x1xf32>
    %dot_general3A_115 = arith.constant dense<0.000000e+00> : vector<2000x128xf32>
    %dot_general3A_116 = tpu.matmul %get3A_12, %get3A_113, %dot_general3A_115 {dimension_numbers = #tpu.dot_dimension_numbers<[1], [0], [0], [1], [0, 0, 1, 1], [], []>, transpose_lhs_hint = false} : vector<2000x128xf32>, vector<128x128xf32>, vector<2000x128xf32> -> vector<2000x128xf32>
    %mul3A_117 = vector.broadcast %slice3A_114 : vector<2000x1xf32> to vector<2000x128xf32>
    %mul3A_118 = arith.mulf %mul3A_117, %dot_general3A_116 : vector<2000x128xf32>
    %add3A_119 = arith.addf %add3A_110, %mul3A_118 : vector<2000x128xf32>
    %get3A_120 = arith.constant 1536 : index
    %get3A_121 = arith.constant 0 : index
    %get3A_122 = vector.load %arg4[%get3A_120, %get3A_121] : memref<2048x128xf32, #tpu.memory_space<vmem>>, vector<128x128xf32>
    %slice3A_123 = vector.extract_strided_slice %get3A_1 {offsets = [0, 12], sizes = [2000, 1], strides = [1, 1]} : vector<2000x16xf32> to vector<2000x1xf32>
    %dot_general3A_124 = arith.constant dense<0.000000e+00> : vector<2000x128xf32>
    %dot_general3A_125 = tpu.matmul %get3A_12, %get3A_122, %dot_general3A_124 {dimension_numbers = #tpu.dot_dimension_numbers<[1], [0], [0], [1], [0, 0, 1, 1], [], []>, transpose_lhs_hint = false} : vector<2000x128xf32>, vector<128x128xf32>, vector<2000x128xf32> -> vector<2000x128xf32>
    %mul3A_126 = vector.broadcast %slice3A_123 : vector<2000x1xf32> to vector<2000x128xf32>
    %mul3A_127 = arith.mulf %mul3A_126, %dot_general3A_125 : vector<2000x128xf32>
    %add3A_128 = arith.addf %add3A_119, %mul3A_127 : vector<2000x128xf32>
    %get3A_129 = arith.constant 1664 : index
    %get3A_130 = arith.constant 0 : index
    %get3A_131 = vector.load %arg4[%get3A_129, %get3A_130] : memref<2048x128xf32, #tpu.memory_space<vmem>>, vector<128x128xf32>
    %slice3A_132 = vector.extract_strided_slice %get3A_1 {offsets = [0, 13], sizes = [2000, 1], strides = [1, 1]} : vector<2000x16xf32> to vector<2000x1xf32>
    %dot_general3A_133 = arith.constant dense<0.000000e+00> : vector<2000x128xf32>
    %dot_general3A_134 = tpu.matmul %get3A_12, %get3A_131, %dot_general3A_133 {dimension_numbers = #tpu.dot_dimension_numbers<[1], [0], [0], [1], [0, 0, 1, 1], [], []>, transpose_lhs_hint = false} : vector<2000x128xf32>, vector<128x128xf32>, vector<2000x128xf32> -> vector<2000x128xf32>
    %mul3A_135 = vector.broadcast %slice3A_132 : vector<2000x1xf32> to vector<2000x128xf32>
    %mul3A_136 = arith.mulf %mul3A_135, %dot_general3A_134 : vector<2000x128xf32>
    %add3A_137 = arith.addf %add3A_128, %mul3A_136 : vector<2000x128xf32>
    %get3A_138 = arith.constant 1792 : index
    %get3A_139 = arith.constant 0 : index
    %get3A_140 = vector.load %arg4[%get3A_138, %get3A_139] : memref<2048x128xf32, #tpu.memory_space<vmem>>, vector<128x128xf32>
    %slice3A_141 = vector.extract_strided_slice %get3A_1 {offsets = [0, 14], sizes = [2000, 1], strides = [1, 1]} : vector<2000x16xf32> to vector<2000x1xf32>
    %dot_general3A_142 = arith.constant dense<0.000000e+00> : vector<2000x128xf32>
    %dot_general3A_143 = tpu.matmul %get3A_12, %get3A_140, %dot_general3A_142 {dimension_numbers = #tpu.dot_dimension_numbers<[1], [0], [0], [1], [0, 0, 1, 1], [], []>, transpose_lhs_hint = false} : vector<2000x128xf32>, vector<128x128xf32>, vector<2000x128xf32> -> vector<2000x128xf32>
    %mul3A_144 = vector.broadcast %slice3A_141 : vector<2000x1xf32> to vector<2000x128xf32>
    %mul3A_145 = arith.mulf %mul3A_144, %dot_general3A_143 : vector<2000x128xf32>
    %add3A_146 = arith.addf %add3A_137, %mul3A_145 : vector<2000x128xf32>
    %get3A_147 = arith.constant 1920 : index
    %get3A_148 = arith.constant 0 : index
    %get3A_149 = vector.load %arg4[%get3A_147, %get3A_148] : memref<2048x128xf32, #tpu.memory_space<vmem>>, vector<128x128xf32>
    %slice3A_150 = vector.extract_strided_slice %get3A_1 {offsets = [0, 15], sizes = [2000, 1], strides = [1, 1]} : vector<2000x16xf32> to vector<2000x1xf32>
    %dot_general3A_151 = arith.constant dense<0.000000e+00> : vector<2000x128xf32>
    %dot_general3A_152 = tpu.matmul %get3A_12, %get3A_149, %dot_general3A_151 {dimension_numbers = #tpu.dot_dimension_numbers<[1], [0], [0], [1], [0, 0, 1, 1], [], []>, transpose_lhs_hint = false} : vector<2000x128xf32>, vector<128x128xf32>, vector<2000x128xf32> -> vector<2000x128xf32>
    %mul3A_153 = vector.broadcast %slice3A_150 : vector<2000x1xf32> to vector<2000x128xf32>
    %mul3A_154 = arith.mulf %mul3A_153, %dot_general3A_152 : vector<2000x128xf32>
    %add3A_155 = arith.addf %add3A_146, %mul3A_154 : vector<2000x128xf32>
    %mul3A_156 = arith.constant 0.0220970865 : f32
    %mul3A_157 = vector.broadcast %mul3A_156 : f32 to vector<2000x128xf32>
    %mul3A_158 = arith.mulf %add3A_155, %mul3A_157 : vector<2000x128xf32>
    %swap3A_159 = arith.constant 0 : index
    %swap3A_160 = arith.constant 0 : index
    %swap3A_161 = vector.load %arg6[%swap3A_159, %swap3A_160] : memref<2000x128xf32, #tpu.memory_space<vmem>>, vector<2000x128xf32>
    tpu.vector_store %arg6[%swap3A_159, %swap3A_160], %mul3A_158 {strides = array<i32>} : memref<2000x128xf32, #tpu.memory_space<vmem>>, vector<2000x128xf32>,
    return
  }
  func.func @transform_0(%arg0: i32) -> (i32, i32) {
    %c0_i32 = arith.constant 0 : i32
    %c0_i32_0 = arith.constant 0 : i32
    return %arg0, %c0_i32 : i32, i32
  }
  func.func @transform_1(%arg0: i32) -> (i32, i32) {
    %c0_i32 = arith.constant 0 : i32
    %c0_i32_0 = arith.constant 0 : i32
    return %arg0, %c0_i32 : i32, i32
  }
  func.func @transform_2(%arg0: i32) -> (i32, i32) {
    %c0_i32 = arith.constant 0 : i32
    %c0_i32_0 = arith.constant 0 : i32
    %c0_i32_1 = arith.constant 0 : i32
    return %c0_i32, %c0_i32_0 : i32, i32
  }
  func.func @transform_3(%arg0: i32) -> (i32, i32) {
    %c0_i32 = arith.constant 0 : i32
    %c0_i32_0 = arith.constant 0 : i32
    %c0_i32_1 = arith.constant 0 : i32
    return %c0_i32, %c0_i32_0 : i32, i32
  }
  func.func @transform_4(%arg0: i32) -> (i32, i32) {
    %c0_i32 = arith.constant 0 : i32
    %c0_i32_0 = arith.constant 0 : i32
    return %arg0, %c0_i32 : i32, i32
  }
  func.func @transform_5(%arg0: i32) -> (i32, i32) {
    %c0_i32 = arith.constant 0 : i32
    %c0_i32_0 = arith.constant 0 : i32
    return %arg0, %c0_i32 : i32, i32
  }
}

module attributes {stable_mosaic.version = 14 : i64} {
  func.func @_post_body(%arg0: i32, %arg1: memref<2x2000x128xf32, #tpu.memory_space<vmem>>, %arg2: memref<2x2000x128xf32, #tpu.memory_space<vmem>>, %arg3: memref<2000x128xf32, #tpu.memory_space<vmem>>, %arg4: memref<2000x128xf32, #tpu.memory_space<vmem>>, %arg5: memref<128x128xf32, #tpu.memory_space<vmem>>, %arg6: memref<2000x128xf32, #tpu.memory_space<vmem>>) attributes {dimension_semantics = [#tpu.dimension_semantics<arbitrary>], iteration_bounds = array<i64: 5>, scalar_prefetch = 0 : i64, scratch_operands = 0 : i64, tpu.core_type = #tpu.core_type<tc>, window_params = [{transform_indices = @transform_0, window_bounds = array<i64: 2, 2000, 128>}, {transform_indices = @transform_1, window_bounds = array<i64: 2, 2000, 128>}, {transform_indices = @transform_2, window_bounds = array<i64: 2000, 128>}, {transform_indices = @transform_3, window_bounds = array<i64: 2000, 128>}, {pipeline_mode = #tpu.pipeline_mode<synchronous>, transform_indices = @transform_4, window_bounds = array<i64: 128, 128>}, {transform_indices = @transform_5, window_bounds = array<i64: 2000, 128>}]} {
    %get3A = arith.constant 0 : index
    %get3A_0 = arith.constant 0 : index
    %get3A_1 = arith.constant 0 : index
    %get3A_2 = vector.load %arg1[%get3A, %get3A_0, %get3A_1] : memref<2x2000x128xf32, #tpu.memory_space<vmem>>, vector<1x2000x128xf32>
    %get3A_3 = vector.shape_cast %get3A_2 : vector<1x2000x128xf32> to vector<2000x128xf32>
    %get3A_4 = arith.constant 1 : index
    %get3A_5 = arith.constant 0 : index
    %get3A_6 = arith.constant 0 : index
    %get3A_7 = vector.load %arg1[%get3A_4, %get3A_5, %get3A_6] : memref<2x2000x128xf32, #tpu.memory_space<vmem>>, vector<1x2000x128xf32>
    %get3A_8 = vector.shape_cast %get3A_7 : vector<1x2000x128xf32> to vector<2000x128xf32>
    %add3A = arith.addf %get3A_3, %get3A_8 : vector<2000x128xf32>
    %get3A_9 = arith.constant 0 : index
    %get3A_10 = arith.constant 0 : index
    %get3A_11 = arith.constant 0 : index
    %get3A_12 = vector.load %arg2[%get3A_9, %get3A_10, %get3A_11] : memref<2x2000x128xf32, #tpu.memory_space<vmem>>, vector<1x2000x128xf32>
    %get3A_13 = vector.shape_cast %get3A_12 : vector<1x2000x128xf32> to vector<2000x128xf32>
    %add3A_14 = arith.addf %add3A, %get3A_13 : vector<2000x128xf32>
    %get3A_15 = arith.constant 1 : index
    %get3A_16 = arith.constant 0 : index
    %get3A_17 = arith.constant 0 : index
    %get3A_18 = vector.load %arg2[%get3A_15, %get3A_16, %get3A_17] : memref<2x2000x128xf32, #tpu.memory_space<vmem>>, vector<1x2000x128xf32>
    %get3A_19 = vector.shape_cast %get3A_18 : vector<1x2000x128xf32> to vector<2000x128xf32>
    %add3A_20 = arith.addf %add3A_14, %get3A_19 : vector<2000x128xf32>
    %mul3A = arith.constant 0.176776692 : f32
    %mul3A_21 = vector.broadcast %mul3A : f32 to vector<2000x128xf32>
    %mul3A_22 = arith.mulf %add3A_20, %mul3A_21 : vector<2000x128xf32>
    %get3A_23 = arith.constant 0 : index
    %get3A_24 = arith.constant 0 : index
    %get3A_25 = vector.load %arg3[%get3A_23, %get3A_24] : memref<2000x128xf32, #tpu.memory_space<vmem>>, vector<2000x128xf32>
    %mul3A_26 = arith.mulf %mul3A_22, %get3A_25 : vector<2000x128xf32>
    %get3A_27 = arith.constant 0 : index
    %get3A_28 = arith.constant 0 : index
    %get3A_29 = vector.load %arg5[%get3A_27, %get3A_28] : memref<128x128xf32, #tpu.memory_space<vmem>>, vector<128x128xf32>
    %dot_general3A = arith.constant dense<0.000000e+00> : vector<2000x128xf32>
    %dot_general3A_30 = tpu.matmul %mul3A_26, %get3A_29, %dot_general3A {dimension_numbers = #tpu.dot_dimension_numbers<[1], [0], [0], [1], [0, 0, 1, 1], [], []>, transpose_lhs_hint = false} : vector<2000x128xf32>, vector<128x128xf32>, vector<2000x128xf32> -> vector<2000x128xf32>
    %mul3A_31 = arith.constant 0.0883883461 : f32
    %mul3A_32 = vector.broadcast %mul3A_31 : f32 to vector<2000x128xf32>
    %mul3A_33 = arith.mulf %dot_general3A_30, %mul3A_32 : vector<2000x128xf32>
    %get3A_34 = arith.constant 0 : index
    %get3A_35 = arith.constant 0 : index
    %get3A_36 = vector.load %arg4[%get3A_34, %get3A_35] : memref<2000x128xf32, #tpu.memory_space<vmem>>, vector<2000x128xf32>
    %add3A_37 = arith.addf %mul3A_33, %get3A_36 : vector<2000x128xf32>
    %logistic3A = arith.negf %add3A_37 : vector<2000x128xf32>
    %logistic3A_38 = math.exp %logistic3A : vector<2000x128xf32>
    %logistic3A_39 = arith.constant 1.000000e+00 : f32
    %logistic3A_40 = vector.broadcast %logistic3A_39 : f32 to vector<2000x128xf32>
    %logistic3A_41 = arith.addf %logistic3A_40, %logistic3A_38 : vector<2000x128xf32>
    %logistic3A_42 = arith.divf %logistic3A_40, %logistic3A_41 : vector<2000x128xf32>
    %mul3A_43 = arith.mulf %add3A_37, %logistic3A_42 : vector<2000x128xf32>
    %swap3A = arith.constant 0 : index
    %swap3A_44 = arith.constant 0 : index
    %swap3A_45 = vector.load %arg6[%swap3A, %swap3A_44] : memref<2000x128xf32, #tpu.memory_space<vmem>>, vector<2000x128xf32>
    tpu.vector_store %arg6[%swap3A, %swap3A_44], %mul3A_43 {strides = array<i32>} : memref<2000x128xf32, #tpu.memory_space<vmem>>, vector<2000x128xf32>,
    return
  }
  func.func @transform_0(%arg0: i32) -> (i32, i32, i32) {
    %c0_i32 = arith.constant 0 : i32
    %c0_i32_0 = arith.constant 0 : i32
    %c0_i32_1 = arith.constant 0 : i32
    return %c0_i32, %arg0, %c0_i32_0 : i32, i32, i32
  }
  func.func @transform_1(%arg0: i32) -> (i32, i32, i32) {
    %c0_i32 = arith.constant 0 : i32
    %c0_i32_0 = arith.constant 0 : i32
    %c0_i32_1 = arith.constant 0 : i32
    return %c0_i32, %arg0, %c0_i32_0 : i32, i32, i32
  }
  func.func @transform_2(%arg0: i32) -> (i32, i32) {
    %c0_i32 = arith.constant 0 : i32
    %c0_i32_0 = arith.constant 0 : i32
    return %arg0, %c0_i32 : i32, i32
  }
  func.func @transform_3(%arg0: i32) -> (i32, i32) {
    %c0_i32 = arith.constant 0 : i32
    %c0_i32_0 = arith.constant 0 : i32
    return %arg0, %c0_i32 : i32, i32
  }
  func.func @transform_4(%arg0: i32) -> (i32, i32) {
    %c0_i32 = arith.constant 0 : i32
    %c0_i32_0 = arith.constant 0 : i32
    %c0_i32_1 = arith.constant 0 : i32
    return %c0_i32, %c0_i32_0 : i32, i32
  }
  func.func @transform_5(%arg0: i32) -> (i32, i32) {
    %c0_i32 = arith.constant 0 : i32
    %c0_i32_0 = arith.constant 0 : i32
    return %arg0, %c0_i32 : i32, i32
  }
}

</mosaic_0001>

<sc_bundles>
// kernel: kernel.15.cloned.1.call-start
scs
__scs_entry_jumppad:
0x0: {  	(pc) =	sbr.rel $0x88, $3  }
0x1: {  	(tag) =	ssettag $0x0;
	lr =	simm.s32 $0x1  }
0x2: {  	[smem:$0x3F95] =	sst lr;
	_ =	strace $0xD0000000  }
0x3: {  	_ = 	snop  }
0x4: {  	_ = 	snop  }
0x5: {  	_ = 	snop  }
0x6: {  	_ = 	snop  }
0x7: {  	_ = 	snop  }
__scs_overlays_trampoline_lowered:
0x8: {  	[smem:$0x3FA4] =	sst s0  }
0x9: {  	[smem:$0x3FA5] =	sst s1  }
0xa: {  	[smem:$0x3FA6] =	sst s2  }
0xb: {  	[smem:$0x3FA7] =	sst s3  }
0xc: {  	[smem:$0x3FA8] =	sst s4  }
0xd: {  	[smem:$0x3FA9] =	sst s5  }
0xe: {  	[smem:$0x3FAA] =	sst s6  }
0xf: {  	[smem:$0x3FAB] =	sst s7  }
0x10: {  	[smem:$0x3FAC] =	sst s8  }
0x11: {  	[smem:$0x3FAD] =	sst s9;
	s0 =	simm.s32 @!p0 $0x0  }
0x12: {  	s1 =	sld [smem:$0x3F93];
	s0 =	simm.s32 @p0 $0x1  }
0x13: {  	[smem:$0x3FAE] =	sst s0;
	s0 =	simm.s32 @!p1 $0x0  }
0x14: {  	s2 =	sld [smem:$0x3F92];
	s0 =	simm.s32 @p1 $0x1  }
0x15: {  	[smem:$0x3FAF] =	sst s0;
	s0 =	simm.s32 @!p2 $0x0  }
0x16: {  	s3 =	sld [smem:$0x3FDB];
	s0 =	simm.s32 @p2 $0x1  }
0x17: {  	s4 =	simm.s32 $0x1BF5;
	[smem:$0x3FB1] =	sst s0  }
0x18: {  	s0 =	sld [smem:$0x3F94];
	_ =	swait.ge [sflag:s4], $0x0  }
0x19: {  	s7 =	sld [smem:$0x3F95]  }
0x1a: {  	s8 =	sadd.s32 $0xFFFFE003, lr  }
0x1b: {  	s9 =	sadd.s32 $0xFFFFFEF7, lr;
	s5 =	simm.s32 $0xFFFFFFFF;
	p2 =	slt.u32 s8, $0xFFFFF086  }
0x1c: {  	p1 =	slt.u32 s9, $0xF7A;
	s5 =	simm.s32 @!p2 $0x0  }
0x1d: {  	s5 =	simm.s32 @p1 $0x1;
	p0 =	seq.s32 s7, s2  }
0x1e: {  	s7 =	smul.u32 @!p0 $0xF7A, s2;
	p2 =	seq.s32 @!p0 s5, $0x0  }
0x1f: {  	s9 =	smul.u32 $0xF7A, s1;
	s8 =	simm.s32 @!p0 $0x1BF5;
	p2 =	por !p2, p0  }
0x20: {  	[sflag:s8] =	ssyncset.s32 @!p0 $0xFFFFF086;
	s6 =	sadd.s32 @!p0 s3, s7;
	s7 =	simm.s32 @!p0 $0x108  }
0x21: {  	s3 =	sadd.s32 s3, s9;
	s6 =	sadd.s32 @!p0 $0x88, s6;
	s7 =	simm.s32 @p2 $0x1082  }
0x22: {  	[simem:s7], [sflag:s8] =	dma.local @!p0 [hbm:s6], $0xF7A  }
0x23: {  	s9 =	sor.u32 $0xD0000000, s2;
	s6 =	simm.s32 $0x108;
	_ =	swait.ge @!p0 [sflag:s8], $0x0  }
0x24: {  	s3 =	sadd.s32 $0x88, s3;
	s6 =	simm.s32 @!p1 $0x1082;
	[sflag:s4] =	ssyncset.s32 $0xFFFFF086  }
0x25: {  	[simem:s6], [sflag:s4] =	dma.local [hbm:s3], $0xF7A  }
0x26: {  	[smem:$0x3F95] =	sst s1;
	(tag) =	ssettag s2;
	_ =	strace s9  }
0x27: {  	s1 =	sld [smem:$0x3FA5]  }
0x28: {  	s2 =	sld [smem:$0x3FA6]  }
0x29: {  	s4 =	sld [smem:$0x3FA8]  }
0x2a: {  	p0 =	seq.s32 s5, $0x0;
	s5 =	sld [smem:$0x3FA9]  }
0x2b: {  	s6 =	sld [smem:$0x3FAA]  }
0x2c: {  	s7 =	sld [smem:$0x3FAB]  }
0x2d: {  	s3 =	simm.s32 $0x108;
	s8 =	sld [smem:$0x3FAC]  }
0x2e: {  	s3 =	simm.s32 @!p0 $0x1082;
	s9 =	sld [smem:$0x3FAD]  }
0x2f: {  	lr =	sadd.s32 s0, s3;
	s0 =	sld [smem:$0x3FA4]  }
0x30: {  	s3 =	sld [smem:$0x3FA7]  }
0x31: {  	[smem:$0x3FB0] =	sst s10  }
0x32: {  	s10 =	sld [smem:$0x3FAE];
	_ =	sdelay $0x3  }
0x33: {  	p0 =	seq.s32 s10, $0x1;
	s10 =	sld [smem:$0x3FB0];
	_ =	sdelay $0x3  }
0x34: {  	[smem:$0x3FB0] =	sst s10  }
0x35: {  	s10 =	sld [smem:$0x3FAF];
	_ =	sdelay $0x3  }
0x36: {  	p1 =	seq.s32 s10, $0x1;
	s10 =	sld [smem:$0x3FB0];
	_ =	sdelay $0x3  }
0x37: {  	[smem:$0x3FB0] =	sst s10  }
0x38: {  	s10 =	sld [smem:$0x3FB1]  }
0x39: {  	_ = 	snop;
	(pc) =	sbr.ind lr, $3  }
0x3a: {  	_ = 	snop  }
0x3b: {  	_ = 	snop  }
0x3c: {  	p2 =	seq.s32 s10, $0x1;
	s10 =	sld [smem:$0x3FB0]  }
0x3d: {  	_ =	shalt  }
0x3e: {  	_ =	shalt  }
0x3f: {  	_ =	shalt  }
0x40: {  	_ =	shalt  }
0x41: {  	_ =	shalt  }
0x42: {  	_ =	shalt  }
0x43: {  	_ =	shalt  }
0x44: {  	_ =	shalt  }
0x45: {  	_ =	shalt  }
0x46: {  	_ =	shalt  }
0x47: {  	_ =	shalt  }
0x48: {  	_ =	shalt  }
0x49: {  	_ =	shalt  }
0x4a: {  	_ =	shalt  }
0x4b: {  	_ =	shalt  }
0x4c: {  	_ =	shalt  }
0x4d: {  	_ =	shalt  }
0x4e: {  	_ =	shalt  }
0x4f: {  	_ =	shalt  }
0x50: {  	_ =	shalt  }
0x51: {  	_ =	shalt  }
0x52: {  	_ =	shalt  }
0x53: {  	_ =	shalt  }
0x54: {  	_ =	shalt  }
0x55: {  	_ =	shalt  }
0x56: {  	_ =	shalt  }
0x57: {  	_ =	shalt  }
0x58: {  	_ =	shalt  }
0x59: {  	_ =	shalt  }
0x5a: {  	_ =	shalt  }
0x5b: {  	_ =	shalt  }
0x5c: {  	_ =	shalt  }
0x5d: {  	_ =	shalt  }
0x5e: {  	_ =	shalt  }
0x5f: {  	_ =	shalt  }
0x60: {  	_ =	shalt  }
0x61: {  	_ =	shalt  }
0x62: {  	_ =	shalt  }
0x63: {  	_ =	shalt  }
0x64: {  	_ =	shalt  }
0x65: {  	_ =	shalt  }
0x66: {  	_ =	shalt  }
0x67: {  	_ =	shalt  }
0x68: {  	_ =	shalt  }
0x69: {  	_ =	shalt  }
0x6a: {  	_ =	shalt  }
0x6b: {  	_ =	shalt  }
0x6c: {  	_ =	shalt  }
0x6d: {  	_ =	shalt  }
0x6e: {  	_ =	shalt  }
0x6f: {  	_ =	shalt  }
0x70: {  	_ =	shalt  }
0x71: {  	_ =	shalt  }
0x72: {  	_ =	shalt  }
0x73: {  	_ =	shalt  }
0x74: {  	_ =	shalt  }
0x75: {  	_ =	shalt  }
0x76: {  	_ =	shalt  }
0x77: {  	_ =	shalt  }
0x78: {  	_ =	shalt  }
0x79: {  	_ =	shalt  }
0x7a: {  	_ =	shalt  }
0x7b: {  	_ =	shalt  }
0x7c: {  	_ =	shalt  }
0x7d: {  	_ =	shalt  }
0x7e: {  	_ =	shalt  }
0x7f: {  	_ =	shalt  }
0x80: {  	_ =	shalt  }
0x81: {  	_ =	shalt  }
0x82: {  	_ =	shalt  }
0x83: {  	_ =	shalt  }
0x84: {  	_ =	shalt  }
0x85: {  	_ =	shalt  }
0x86: {  	_ =	shalt  }
0x87: {  	_ =	shalt  }
.Lfunc_end0:
.L_simem_size_0:
called_computation_lowered:
.L_overlay_start_0:
0x88: {  	s2 =	sld [smem:$0x3FD9]  }
0x89: {  	s3 =	sld [smem:$0x3FFE];
	_ =	sdelay $0x1  }
0x8a: {  	s1 =	srdreg.scid  }
0x8b: {  	s0 =	sand.u32 $0x1, s1  }
0x8c: {  	s17 =	sshll.u32 s0, $0xA;
	s2 =	sadd.s32 s3, s2  }
0x8d: {  	s2 =	sadd.s32 s2, s17  }
0x8e: {  	[smem:$0x3FBC] =	sst s2  }
0x8f: {  	_ = 	snop  }
0x90: {  	s18 =	sld [smem:$0x3FD0];
	(tm) =	ssettm $0x1  }
0x91: {  	s19 =	sld [smem:$0x3FFB];
	_ =	sdelay $0x3  }
0x92: {  	_ =	strace s19  }
0x93: {  	s2 =	sld [smem:$0x3FFC];
	_ =	sdelay $0x3  }
0x94: {  	_ =	strace s2  }
0x95: {  	s2 =	sld [smem:$0x3FFD];
	_ =	sdelay $0x3  }
0x96: {  	_ =	strace s2  }
0x97: {  	_ =	strace $0x8FFFFFFF  }
0x98: {  	s20 =	sld [smem:$0x3FDB];
	_ =	sdelay $0x1  }
0x99: {  	s4 =	simm.s32 $_scs_section_size  }
0x9a: {  	s5 =	simm.s32 $_size__tile_overlayer_lowered;
	s6 =	simm.s32 $_tile_overlayer_lowered  }
0x9b: {  	s7 =	simm.s32 $0x1BFF;
	s21 =	sshll.u32 s6, $0x1;
	s4 =	sadd.s32 s4, s20  }
0x9c: {  	s22 =	simm.s32 $0x0;
	s5 =	sshll.u32 s5, $0x1;
	s6 =	sadd.s32 s21, s4  }
0x9d: {  	[timem:s22], [sflag:s7] =	dma.local [hbm:s6], s5  }
0x9e: {  	_ =	swait.ge [sflag:s7], s5  }
0x9f: {  	s5 =	ssub.s32 $0x0, s5;
	[sflag:s7] =	ssyncset.done $0x0  }
0xa0: {  	[sflag:s7] =	ssyncadd.s32 s5;
	_ =	sdelay $0x1  }
0xa1: {  	s23 =	simm.s32 $0x1B8B  }
0xa2: {  	_ =	swait.ge [sflag:s23], $0x1  }
0xa3: {  	[sflag:s23] =	ssyncset.done $0x0  }
0xa4: {  	[sflag:s23] =	ssyncadd.s32 $0xFFFFFFFF  }
0xa5: {  	s5 =	sld [smem:$0x0]  }
0xa6: {  	s6 =	sand.u32 $0xFFFFFFFE, s1  }
0xa7: {  	p0 =	sne.s32 s1, s6  }
0xa8: {  	s6 =	sshll.u32 @p0 s6, $0xE  }
0xa9: {  	s6 =	sadd.s32 @p0 $0x11B8D, s6;
	s7 =	sshll.u32 @p0 s5, $0x11  }
0xaa: {  	s6 =	sor.u32 @p0 s7, s6  }
0xab: {  	[sflag:s6] =	ssyncadd.remote.s32 @p0 $0x1;
	_ =	sdelay $0x1  }
0xac: {  	s6 =	simm.s32 @p0 $0x1B8D  }
0xad: {  	_ =	swait.eq @p0 [sflag:s6], $0x1  }
0xae: {  	[sflag:s6] =	ssyncadd.s32 @p0 $0xFFFFFFFF  }
0xaf: {  	s7 =	sshll.u32 @!p0 s1, $0xE  }
0xb0: {  	s7 =	sor.u32 @!p0 $0x4000, s7;
	s6 =	simm.s32 @!p0 $0x1B8D  }
0xb1: {  	s5 =	sshll.u32 @!p0 s5, $0x11;
	s7 =	sadd.s32 @!p0 $0x11B8D, s7;
	_ =	swait.eq @!p0 [sflag:s6], $0x1  }
0xb2: {  	s5 =	sor.u32 @!p0 s5, s7;
	[sflag:s6] =	ssyncadd.s32 @!p0 $0xFFFFFFFF  }
0xb3: {  	s25 =	simm.s32 $0x1B8E;
	s24 =	sld [smem:$0x3FFE];
	[sflag:s5] =	ssyncadd.remote.s32 @!p0 $0x1  }
0xb4: {  	s26 =	simm.s32 $execute0_lowered;
	[smem:$0x3FD2] =	sst s25  }
0xb5: {  	s6 =	sshll.u32 s26, $0x1;
	_ =	strace $0x8000004F;
	[dreg:$0x1] =	wrdreg $0xFFFFFFFF  }
0xb6: {  	s28 =	simm.s32 $_size_execute0_lowered;
	s4 =	sadd.s32 s4, s6;
	[dreg:$0x0] =	wrdreg $0x0  }
0xb7: {  	s6 =	sshll.u32 s28, $0x1;
	[dreg:$0x2] =	wrdreg s4  }
0xb8: {  	[dreg:$0x3] =	wrdreg s6  }
0xb9: {  	[dreg:$0x4] =	wrdreg $0xC0  }
0xba: {  	_ =	task [dreg:s22], $0x5FFFF  }
0xbb: {  	[dreg:$0x1] =	wrdreg $0xFFFFFFFF  }
0xbc: {  	[dreg:$0x0] =	wrdreg $0x60  }
0xbd: {  	[dreg:$0x2] =	wrdreg s18  }
0xbe: {  	[dreg:$0x3] =	wrdreg s24  }
0xbf: {  	[dreg:$0x4] =	wrdreg $0x8A000  }
0xc0: {  	[dreg:$0x5] =	wrdreg $0x9  }
0xc1: {  	_ =	task.clear_ibuf [dreg:s22], $0x6FFFF;
	_ =	strace $0x9000004F  }
0xc2: {  	s29 =	simm.s32 $0x9;
	_ =	strace $0x80000051  }
0xc3: {  	_ =	swait.ge [sflag:s29], $0x1  }
0xc4: {  	[sflag:s29] =	ssyncadd.s32 $0xFFFFFFFF  }
0xc5: {  	_ =	strace $0x90000051  }
0xc6: {  	_ =	sfence  }
0xc7: {  	s30 =	sld [smem:$0x0];
	_ =	sdelay $0x2  }
0xc8: {  	s31 =	sshll.u32 s1, $0xD;
	s1 =	sshrl.u32 s1, $0x2  }
0xc9: {  	s4 =	sand.u32 $0x4000, s31;
	s1 =	sadd.s32 s1, s30  }
0xca: {  	s0 =	sor.u32 s4, s0;
	s1 =	sshll.u32 s1, $0x11  }
0xcb: {  	s0 =	sor.u32 s1, s0  }
0xcc: {  	s0 =	sadd.s32 $0x8F2B, s0  }
0xcd: {  	[sflag:s0] =	ssyncadd.remote.s32 $0x1  }
0xce: {  	_ =	sfence.sel $0xFFFF  }
0xcf: {  	[dreg:$0x0] =	wrdreg $0xFFFFFFFF;
	(pc) =	sbr.abs _section_cstart, $3  }
0xd0: {  	[dreg:$0x1] =	wrdreg $0xFFFFFFFF  }
0xd1: {  	_ =	task.clear_ibuf [dreg:s22], $0x2FFFF;
	_ =	strace $0x9FFFFFFF  }
0xd2: {  	(tm) =	ssettm $0x7FFFFFFF  }
0xd3: {  	_ =	shalt  }
tec
execute0_lowered:
.L_overlay_start_1:
0x0: {  	(tag) =	ssettag $0x1  }
0x1: {  	s7 =	rddreg [dreg:$0x0]  }
0x2: {  	s1 =	srdreg.scid;
	s4 =	rddreg [dreg:$0x1]  }
0x3: {  	s0 =	stileid.u32;
	s2 =	rddreg [dreg:$0x2]  }
0x4: {  	s3 =	simm.s32 $0x0;
	s15 =	simm.s32 $0x1;
	s18 =	simm.s32 $0x1  }
0x5: {  	s19 =	simm.s32 $0xA00;
	s20 =	simm.s32 $0x4A00;
	s21 =	simm.s32 $0x0  }
0x6: {  	s8 =	sand.u32 $0x1, s1;
	s25 =	sshll.u32 s0, $0x1;
	s28 =	smul.u32 $0x4E000, s0  }
0x7: {  	[smem:$0x7FF] =	sst s3;
	s13 =	sadd.s32 $0x3C2A00, s4;
	s14 =	smul.u32 $0x2700, s0  }
0x8: {  	s29 =	smul.u32 $0x26, s0;
	s17 =	sadd.s32 $0x138000, s2;
	s31 =	sshll.u32 s0, $0x6  }
0x9: {  	s5 =	sor.u32 s8, s25;
	s26 =	ssub.s32 $0x2, s8;
	s30 =	smul.u32 $0x13, s8  }
0xa: {  	_ =	strace $0x80000050;
	s8 =	simm.s32 $0x1;
	s6 =	smul.u32 $0x13, s5  }
0xb: {  	s9 =	smin.u32 s5, $0x11;
	s11 =	sshrl.u32 s26, $0x1;
	p1 =	sgt.u32 s5, $0x10  }
0xc: {  	p0 =	slt.u32 s5, $0x11;
	s11 =	ssub.s32 s26, s11;
	s15 =	simm.s32 @!p1 $0x0  }
0xd: {  	s18 =	simm.s32 @!p0 $0x0;
	s12 =	sadd.s32 s9, s6;
	s6 =	sshrl.u32 s28, $0x2  }
0xe: {  	s11 =	smax.u32 s11, $0x1;
	s10 =	sshll.u32 s12, $0x4;
	s16 =	sadd.s32 s6, s2  }
0xf: {  	s6 =	sadd.s32 s7, s14;
	s7 =	sadd.s32 $0x27000, s7;
	s12 =	sshll.u32 s12, $0xB  }
0x10: {  	s10 =	sadd.s32 s10, s4;
	s4 =	simm.s32 $0x14;
	s12 =	sadd.s32 s13, s12  }
0x11: {  	s16 =	sshrl.u32 s16, $0x3;
	s5 =	sadd.s32 $0x3C0200, s10;
	s10 =	sadd.s32 s30, s29  }
0x12: {  	s4 =	simm.s32 @!p0 $0x13;
	p0 =	sne.s32 s0, $0xF;
	s14 =	sadd.s32 s9, s10  }
0x13: {  	s9 =	sadd.s32 $0x3, s15;
	s10 =	sadd.s32 $0x3, s18;
	s14 =	sshll.u32 s14, $0xB  }
0x14: {  	s15 =	sor.u32 $0x1C05, s31;
	s17 =	sshrl.u32 @!p0 s17, $0x3;
	s14 =	sadd.s32 s14, s13  }
0x15: {  	s18 =	simm.s32 $0x80;
	s13 =	sadd.s32 $0x800, s14;
	s14 =	simm.s32 $0x5  }
.LBB2_1:
0x16: {  	[tilespmem:s3], [sflag:$0x5] =	stream.linear.gather [hbm4b:s5+s3], $0xA00, $0x38;
	[tilespmem:$0x1C280] =	vst v63  }
0x17: {  	_ =	swait.ge [sflag:s14], $0xA00  }
0x18: {  	[sflag:s14] =	ssyncset.done $0x0  }
0x19: {  	[sflag:s14] =	ssyncadd.s32 $0xFFFFF600  }
0x1a: {  	[spmem:s16], [sflag:s15] =	dma.local [hbm:s6], $0x2700  }
0x1b: {  	_ =	swait.ge [sflag:s14], $0x2700  }
0x1c: {  	[sflag:s14] =	ssyncset.done $0x0  }
0x1d: {  	s22 =	simm.s32 @!p0 $0x5;
	[sflag:s14] =	ssyncadd.s32 $0xFFFFD900  }
0x1e: {  	[spmem:s17], [sflag:s15] =	dma.local @!p0 [hbm:s7], $0x100  }
0x1f: {  	_ =	swait.ge @!p0 [sflag:s22], $0x100  }
0x20: {  	[sflag:s22] =	ssyncset.done @!p0 $0x0  }
0x21: {  	[sflag:s22] =	ssyncadd.s32 @!p0 $0xFFFFFF00  }
0x22: {  	[bflag:$0x0] =	sbarrier.arrive $0xFFFF  }
0x23: {  	[tilespmem:s19], [sflag:$0x1] =	stream.indirect.gather [spmem:s2], $0x80, s3, s18, $0xb8;
	[tilespmem:$0x1C280] =	vst v63  }
0x24: {  	_ =	swait.ge [sflag:s8], $0x4000  }
0x25: {  	s31 =	simm.s32 $0x1;
	s23 =	simm.s32 $0x100;
	[sflag:s8] =	ssyncset.done $0x0  }
0x26: {  	s25 =	simm.s32 $0x2;
	s24 =	sand.u32 $0x1, s31;
	[sflag:s8] =	ssyncadd.s32 $0xFFFFC000  }
0x27: {  	[hbm4b:s12+s3] =	stream.linear.scatter [tilespmem:s19], [sflag:$0x3], $0x4000, $0x38;
	[tilespmem:$0x1C280] =	vst v63  }
0x28: {  	p1 =	sne.s32 s4, $0x3;
	s30 =	sand.u32 $0x1, s25;
	s26 =	sadd.s32 $0x1, s24  }
0x29: {  	[tilespmem:s20], [sflag:$0x2] =	stream.indirect.gather [spmem:s2], $0x80, s18, s18, $0xb8;
	[tilespmem:$0x1C280] =	vst v63  }
0x2a: {  	s25 =	sadd.s32 $0x800, s13;
	s28 =	sshll.u32 s24, $0xE;
	_ =	swait.ge [sflag:s26], $0x4000  }
0x2b: {  	s24 =	sadd.s32 $0x3, s24;
	s29 =	sor.u32 $0xA00, s28;
	[sflag:s26] =	ssyncset.done $0x0  }
.Ltmp0:
0x2c: {  	s28 =	sadd.s32 $0x3, s30;
	[sflag:s26] =	ssyncadd.s32 $0xFFFFC000;
	(pc) =	sbr.rel @!p1 .LBB2_3-.Ltmp0, $4  }
0x2d: {  	[hbm4b:s13+s3] =	stream.linear.scatter [tilespmem:s29], [sflag:s24], $0x4000, $0x38;
	[tilespmem:$0x1C280] =	vst v63  }
0x2e: {  	s22 =	simm.s32 $0x3;
	s26 =	simm.s32 $0x180;
	_ =	swait.ge [sflag:s28], $0x4000  }
0x2f: {  	s29 =	sshll.u32 s30, $0xE;
	s24 =	sadd.s32 $0x800, s13;
	[sflag:s28] =	ssyncset.done $0x0  }
0x30: {  	s30 =	sadd.s32 $0x1, s30;
	s29 =	sor.u32 $0xA00, s29;
	[sflag:s28] =	ssyncadd.s32 $0xFFFFC000  }
.LBB2_2:
0x31: {  	[tilespmem:s29], [sflag:s30] =	stream.indirect.gather [spmem:s2], $0x80, s23, s18, $0xb8;
	[tilespmem:$0x1C280] =	vst v63  }
0x32: {  	s23 =	sadd.s32 $0xFFFFFFFF, s22;
	s28 =	smov.u32 s22;
	s22 =	sadd.s32 $0x1, s22  }
0x33: {  	s29 =	sand.u32 $0x1, s23;
	p1 =	sne.s32 s4, s22;
	s23 =	smov.u32 s26  }
0x34: {  	s30 =	sadd.s32 $0x1, s29;
	s31 =	sshll.u32 s29, $0xE  }
0x35: {  	s1 =	sand.u32 $0x1, s28;
	_ =	swait.ge [sflag:s30], $0x4000  }
0x36: {  	s29 =	sadd.s32 $0x3, s29;
	s31 =	sor.u32 $0xA00, s31;
	[sflag:s30] =	ssyncset.done $0x0  }
.Ltmp1:
0x37: {  	s28 =	sadd.s32 $0x3, s1;
	[sflag:s30] =	ssyncadd.s32 $0xFFFFC000;
	(pc) =	sbr.rel @p1 .LBB2_2-.Ltmp1, $4  }
0x38: {  	[hbm4b:s25+s3] =	stream.linear.scatter [tilespmem:s31], [sflag:s29], $0x4000, $0x38;
	[tilespmem:$0x1C280] =	vst v63  }
0x39: {  	s29 =	sshll.u32 s1, $0xE;
	s25 =	sadd.s32 $0x800, s25;
	_ =	swait.ge [sflag:s28], $0x4000  }
0x3a: {  	s24 =	sadd.s32 $0x800, s24;
	s26 =	sadd.s32 $0x80, s26;
	[sflag:s28] =	ssyncset.done $0x0  }
0x3b: {  	s30 =	sadd.s32 $0x1, s1;
	s29 =	sor.u32 $0xA00, s29;
	[sflag:s28] =	ssyncadd.s32 $0xFFFFC000  }
.LBB2_3:
0x3c: {  	[tilespmem:s29], [sflag:s30] =	stream.indirect.gather [spmem:s2], $0x80, s23, s18, $0xb8;
	[tilespmem:$0x1C280] =	vst v63  }
0x3d: {  	_ =	swait.ge [sflag:s30], $0x4000  }
0x3e: {  	[sflag:s30] =	ssyncset.done $0x0  }
0x3f: {  	s21 =	sadd.s32 $0x1, s21;
	[sflag:s30] =	ssyncadd.s32 $0xFFFFC000  }
0x40: {  	[hbm4b:s24+s3] =	stream.linear.scatter [tilespmem:s29], [sflag:s28], $0x4000, $0x38;
	[tilespmem:$0x1C280] =	vst v63  }
0x41: {  	p1 =	sne.s32 s21, s11;
	_ =	swait.ge [sflag:s9], $0x4000  }
.Ltmp2:
0x42: {  	[sflag:s9] =	ssyncset.done $0x0;
	(pc) =	sbr.rel @p1 .LBB2_1-.Ltmp2, $4  }
0x43: {  	[sflag:s9] =	ssyncadd.s32 $0xFFFFC000  }
0x44: {  	_ =	swait.ge [sflag:s10], $0x4000  }
0x45: {  	[sflag:s10] =	ssyncset.done $0x0  }
0x46: {  	[sflag:s10] =	ssyncadd.s32 $0xFFFFC000  }
0x47: {  	_ =	sfence.sel $0x180000  }
0x48: {  	[bflag:$0x0] =	sbarrier.arrive $0xFFFF  }
0x49: {  	_ =	strace $0x90000050  }
0x4a: {  	[bflag:$0x2] =	sbarrier.arrive $0xFFFF  }
0x4b: {  	p0 =	sne.s32 s0, $0x0;
	s0 =	rddreg [dreg:$0x3]  }
0x4c: {  	s0 =	sadd.s32 @!p0 $0x100000, s0  }
0x4d: {  	[sflag:s0] =	ssyncadd.tile.s32 @!p0 $0x1;
	_ =	shalt  }
.Lfunc_end2:
_tile_overlayer_lowered:
.L_overlay_start_2:
0x4e: {  	(tag) =	ssettag $0x2  }
0x4f: {  	s0 =	rddreg [dreg:$0x0];
	s2 =	stileid.u32  }
0x50: {  	s1 =	rddreg [dreg:$0x1];
	p0 =	sne.s32 s2, $0x0  }
0x51: {  	s3 =	rddreg [dreg:$0x2];
	[bflag:$0x3] =	sbarrier.arrive $0xFFFF;
	s2 =	simm.s32 @!p0 $0x1C05  }
0x52: {  	[timem:s3], [sflag:s2] =	dma.local @!p0 [hbm:s0], s1  }
0x53: {  	s0 =	simm.s32 @!p0 $0x5  }
0x54: {  	_ =	swait.ge @!p0 [sflag:s0], s1  }
0x55: {  	s1 =	ssub.s32 @!p0 $0x0, s1;
	[sflag:s0] =	ssyncset.done @!p0 $0x0  }
0x56: {  	[sflag:s0] =	ssyncadd.s32 @!p0 s1  }
0x57: {  	[bflag:$0x3] =	sbarrier.arrive $0xFFFF  }
0x58: {  	_ =	shalt  }

// kernel: kernel.18.cloned.1.call-start
scs
__scs_entry_jumppad:
0x0: {  	(pc) =	sbr.rel $0x88, $3  }
0x1: {  	(tag) =	ssettag $0x0;
	lr =	simm.s32 $0x1  }
0x2: {  	[smem:$0x3F95] =	sst lr;
	_ =	strace $0xD0000000  }
0x3: {  	_ = 	snop  }
0x4: {  	_ = 	snop  }
0x5: {  	_ = 	snop  }
0x6: {  	_ = 	snop  }
0x7: {  	_ = 	snop  }
__scs_overlays_trampoline_lowered:
0x8: {  	[smem:$0x3FA4] =	sst s0  }
0x9: {  	[smem:$0x3FA5] =	sst s1  }
0xa: {  	[smem:$0x3FA6] =	sst s2  }
0xb: {  	[smem:$0x3FA7] =	sst s3  }
0xc: {  	[smem:$0x3FA8] =	sst s4  }
0xd: {  	[smem:$0x3FA9] =	sst s5  }
0xe: {  	[smem:$0x3FAA] =	sst s6  }
0xf: {  	[smem:$0x3FAB] =	sst s7  }
0x10: {  	[smem:$0x3FAC] =	sst s8  }
0x11: {  	[smem:$0x3FAD] =	sst s9;
	s0 =	simm.s32 @!p0 $0x0  }
0x12: {  	s1 =	sld [smem:$0x3F93];
	s0 =	simm.s32 @p0 $0x1  }
0x13: {  	[smem:$0x3FAE] =	sst s0;
	s0 =	simm.s32 @!p1 $0x0  }
0x14: {  	s2 =	sld [smem:$0x3F92];
	s0 =	simm.s32 @p1 $0x1  }
0x15: {  	[smem:$0x3FAF] =	sst s0;
	s0 =	simm.s32 @!p2 $0x0  }
0x16: {  	s3 =	sld [smem:$0x3FDB];
	s0 =	simm.s32 @p2 $0x1  }
0x17: {  	s4 =	simm.s32 $0x1BF5;
	[smem:$0x3FB1] =	sst s0  }
0x18: {  	s0 =	sld [smem:$0x3F94];
	_ =	swait.ge [sflag:s4], $0x0  }
0x19: {  	s7 =	sld [smem:$0x3F95]  }
0x1a: {  	s8 =	sadd.s32 $0xFFFFE003, lr  }
0x1b: {  	s9 =	sadd.s32 $0xFFFFFEF7, lr;
	s5 =	simm.s32 $0xFFFFFFFF;
	p2 =	slt.u32 s8, $0xFFFFF086  }
0x1c: {  	p1 =	slt.u32 s9, $0xF7A;
	s5 =	simm.s32 @!p2 $0x0  }
0x1d: {  	s5 =	simm.s32 @p1 $0x1;
	p0 =	seq.s32 s7, s2  }
0x1e: {  	s7 =	smul.u32 @!p0 $0xF7A, s2;
	p2 =	seq.s32 @!p0 s5, $0x0  }
0x1f: {  	s9 =	smul.u32 $0xF7A, s1;
	s8 =	simm.s32 @!p0 $0x1BF5;
	p2 =	por !p2, p0  }
0x20: {  	[sflag:s8] =	ssyncset.s32 @!p0 $0xFFFFF086;
	s6 =	sadd.s32 @!p0 s3, s7;
	s7 =	simm.s32 @!p0 $0x108  }
0x21: {  	s3 =	sadd.s32 s3, s9;
	s6 =	sadd.s32 @!p0 $0x88, s6;
	s7 =	simm.s32 @p2 $0x1082  }
0x22: {  	[simem:s7], [sflag:s8] =	dma.local @!p0 [hbm:s6], $0xF7A  }
0x23: {  	s9 =	sor.u32 $0xD0000000, s2;
	s6 =	simm.s32 $0x108;
	_ =	swait.ge @!p0 [sflag:s8], $0x0  }
0x24: {  	s3 =	sadd.s32 $0x88, s3;
	s6 =	simm.s32 @!p1 $0x1082;
	[sflag:s4] =	ssyncset.s32 $0xFFFFF086  }
0x25: {  	[simem:s6], [sflag:s4] =	dma.local [hbm:s3], $0xF7A  }
0x26: {  	[smem:$0x3F95] =	sst s1;
	(tag) =	ssettag s2;
	_ =	strace s9  }
0x27: {  	s1 =	sld [smem:$0x3FA5]  }
0x28: {  	s2 =	sld [smem:$0x3FA6]  }
0x29: {  	s4 =	sld [smem:$0x3FA8]  }
0x2a: {  	p0 =	seq.s32 s5, $0x0;
	s5 =	sld [smem:$0x3FA9]  }
0x2b: {  	s6 =	sld [smem:$0x3FAA]  }
0x2c: {  	s7 =	sld [smem:$0x3FAB]  }
0x2d: {  	s3 =	simm.s32 $0x108;
	s8 =	sld [smem:$0x3FAC]  }
0x2e: {  	s3 =	simm.s32 @!p0 $0x1082;
	s9 =	sld [smem:$0x3FAD]  }
0x2f: {  	lr =	sadd.s32 s0, s3;
	s0 =	sld [smem:$0x3FA4]  }
0x30: {  	s3 =	sld [smem:$0x3FA7]  }
0x31: {  	[smem:$0x3FB0] =	sst s10  }
0x32: {  	s10 =	sld [smem:$0x3FAE];
	_ =	sdelay $0x3  }
0x33: {  	p0 =	seq.s32 s10, $0x1;
	s10 =	sld [smem:$0x3FB0];
	_ =	sdelay $0x3  }
0x34: {  	[smem:$0x3FB0] =	sst s10  }
0x35: {  	s10 =	sld [smem:$0x3FAF];
	_ =	sdelay $0x3  }
0x36: {  	p1 =	seq.s32 s10, $0x1;
	s10 =	sld [smem:$0x3FB0];
	_ =	sdelay $0x3  }
0x37: {  	[smem:$0x3FB0] =	sst s10  }
0x38: {  	s10 =	sld [smem:$0x3FB1]  }
0x39: {  	_ = 	snop;
	(pc) =	sbr.ind lr, $3  }
0x3a: {  	_ = 	snop  }
0x3b: {  	_ = 	snop  }
0x3c: {  	p2 =	seq.s32 s10, $0x1;
	s10 =	sld [smem:$0x3FB0]  }
0x3d: {  	_ =	shalt  }
0x3e: {  	_ =	shalt  }
0x3f: {  	_ =	shalt  }
0x40: {  	_ =	shalt  }
0x41: {  	_ =	shalt  }
0x42: {  	_ =	shalt  }
0x43: {  	_ =	shalt  }
0x44: {  	_ =	shalt  }
0x45: {  	_ =	shalt  }
0x46: {  	_ =	shalt  }
0x47: {  	_ =	shalt  }
0x48: {  	_ =	shalt  }
0x49: {  	_ =	shalt  }
0x4a: {  	_ =	shalt  }
0x4b: {  	_ =	shalt  }
0x4c: {  	_ =	shalt  }
0x4d: {  	_ =	shalt  }
0x4e: {  	_ =	shalt  }
0x4f: {  	_ =	shalt  }
0x50: {  	_ =	shalt  }
0x51: {  	_ =	shalt  }
0x52: {  	_ =	shalt  }
0x53: {  	_ =	shalt  }
0x54: {  	_ =	shalt  }
0x55: {  	_ =	shalt  }
0x56: {  	_ =	shalt  }
0x57: {  	_ =	shalt  }
0x58: {  	_ =	shalt  }
0x59: {  	_ =	shalt  }
0x5a: {  	_ =	shalt  }
0x5b: {  	_ =	shalt  }
0x5c: {  	_ =	shalt  }
0x5d: {  	_ =	shalt  }
0x5e: {  	_ =	shalt  }
0x5f: {  	_ =	shalt  }
0x60: {  	_ =	shalt  }
0x61: {  	_ =	shalt  }
0x62: {  	_ =	shalt  }
0x63: {  	_ =	shalt  }
0x64: {  	_ =	shalt  }
0x65: {  	_ =	shalt  }
0x66: {  	_ =	shalt  }
0x67: {  	_ =	shalt  }
0x68: {  	_ =	shalt  }
0x69: {  	_ =	shalt  }
0x6a: {  	_ =	shalt  }
0x6b: {  	_ =	shalt  }
0x6c: {  	_ =	shalt  }
0x6d: {  	_ =	shalt  }
0x6e: {  	_ =	shalt  }
0x6f: {  	_ =	shalt  }
0x70: {  	_ =	shalt  }
0x71: {  	_ =	shalt  }
0x72: {  	_ =	shalt  }
0x73: {  	_ =	shalt  }
0x74: {  	_ =	shalt  }
0x75: {  	_ =	shalt  }
0x76: {  	_ =	shalt  }
0x77: {  	_ =	shalt  }
0x78: {  	_ =	shalt  }
0x79: {  	_ =	shalt  }
0x7a: {  	_ =	shalt  }
0x7b: {  	_ =	shalt  }
0x7c: {  	_ =	shalt  }
0x7d: {  	_ =	shalt  }
0x7e: {  	_ =	shalt  }
0x7f: {  	_ =	shalt  }
0x80: {  	_ =	shalt  }
0x81: {  	_ =	shalt  }
0x82: {  	_ =	shalt  }
0x83: {  	_ =	shalt  }
0x84: {  	_ =	shalt  }
0x85: {  	_ =	shalt  }
0x86: {  	_ =	shalt  }
0x87: {  	_ =	shalt  }
.Lfunc_end0:
.L_simem_size_0:
called_computation.1_lowered:
.L_overlay_start_0:
0x88: {  	s2 =	sld [smem:$0x3FD9]  }
0x89: {  	s3 =	sld [smem:$0x3FFE];
	_ =	sdelay $0x1  }
0x8a: {  	s1 =	srdreg.scid  }
0x8b: {  	s0 =	sand.u32 $0x1, s1  }
0x8c: {  	s17 =	sshll.u32 s0, $0xA;
	s2 =	sadd.s32 s3, s2  }
0x8d: {  	s2 =	sadd.s32 s2, s17  }
0x8e: {  	[smem:$0x3FBC] =	sst s2  }
0x8f: {  	_ = 	snop  }
0x90: {  	s18 =	sld [smem:$0x3FD0];
	(tm) =	ssettm $0x1  }
0x91: {  	s19 =	sld [smem:$0x3FFB];
	_ =	sdelay $0x3  }
0x92: {  	_ =	strace s19  }
0x93: {  	s2 =	sld [smem:$0x3FFC];
	_ =	sdelay $0x3  }
0x94: {  	_ =	strace s2  }
0x95: {  	s2 =	sld [smem:$0x3FFD];
	_ =	sdelay $0x3  }
0x96: {  	_ =	strace s2  }
0x97: {  	_ =	strace $0x8FFFFFFF  }
0x98: {  	s20 =	sld [smem:$0x3FDB];
	_ =	sdelay $0x1  }
0x99: {  	s4 =	simm.s32 $_scs_section_size  }
0x9a: {  	s5 =	simm.s32 $_size__tile_overlayer_lowered;
	s6 =	simm.s32 $_tile_overlayer_lowered  }
0x9b: {  	s7 =	simm.s32 $0x1BFF;
	s21 =	sshll.u32 s6, $0x1;
	s4 =	sadd.s32 s4, s20  }
0x9c: {  	s22 =	simm.s32 $0x0;
	s5 =	sshll.u32 s5, $0x1;
	s6 =	sadd.s32 s21, s4  }
0x9d: {  	[timem:s22], [sflag:s7] =	dma.local [hbm:s6], s5  }
0x9e: {  	_ =	swait.ge [sflag:s7], s5  }
0x9f: {  	s5 =	ssub.s32 $0x0, s5;
	[sflag:s7] =	ssyncset.done $0x0  }
0xa0: {  	[sflag:s7] =	ssyncadd.s32 s5;
	_ =	sdelay $0x1  }
0xa1: {  	s23 =	simm.s32 $0x1B8B  }
0xa2: {  	_ =	swait.ge [sflag:s23], $0x1  }
0xa3: {  	[sflag:s23] =	ssyncset.done $0x0  }
0xa4: {  	[sflag:s23] =	ssyncadd.s32 $0xFFFFFFFF  }
0xa5: {  	s5 =	sld [smem:$0x0]  }
0xa6: {  	s6 =	sand.u32 $0xFFFFFFFE, s1  }
0xa7: {  	p0 =	sne.s32 s1, s6  }
0xa8: {  	s6 =	sshll.u32 @p0 s6, $0xE  }
0xa9: {  	s6 =	sadd.s32 @p0 $0x11B8D, s6;
	s7 =	sshll.u32 @p0 s5, $0x11  }
0xaa: {  	s6 =	sor.u32 @p0 s7, s6  }
0xab: {  	[sflag:s6] =	ssyncadd.remote.s32 @p0 $0x1;
	_ =	sdelay $0x1  }
0xac: {  	s6 =	simm.s32 @p0 $0x1B8D  }
0xad: {  	_ =	swait.eq @p0 [sflag:s6], $0x1  }
0xae: {  	[sflag:s6] =	ssyncadd.s32 @p0 $0xFFFFFFFF  }
0xaf: {  	s7 =	sshll.u32 @!p0 s1, $0xE  }
0xb0: {  	s7 =	sor.u32 @!p0 $0x4000, s7;
	s6 =	simm.s32 @!p0 $0x1B8D  }
0xb1: {  	s5 =	sshll.u32 @!p0 s5, $0x11;
	s7 =	sadd.s32 @!p0 $0x11B8D, s7;
	_ =	swait.eq @!p0 [sflag:s6], $0x1  }
0xb2: {  	s5 =	sor.u32 @!p0 s5, s7;
	[sflag:s6] =	ssyncadd.s32 @!p0 $0xFFFFFFFF  }
0xb3: {  	s25 =	simm.s32 $0x1B8E;
	s24 =	sld [smem:$0x3FFE];
	[sflag:s5] =	ssyncadd.remote.s32 @!p0 $0x1  }
0xb4: {  	s26 =	simm.s32 $execute0_lowered;
	[smem:$0x3FD2] =	sst s25  }
0xb5: {  	s6 =	sshll.u32 s26, $0x1;
	_ =	strace $0x8000004C;
	[dreg:$0x1] =	wrdreg $0xFFFFFFFF  }
0xb6: {  	s28 =	simm.s32 $_size_execute0_lowered;
	s4 =	sadd.s32 s4, s6;
	[dreg:$0x0] =	wrdreg $0x0  }
0xb7: {  	s6 =	sshll.u32 s28, $0x1;
	[dreg:$0x2] =	wrdreg s4  }
0xb8: {  	[dreg:$0x3] =	wrdreg s6  }
0xb9: {  	[dreg:$0x4] =	wrdreg $0xC0  }
0xba: {  	_ =	task [dreg:s22], $0x5FFFF  }
0xbb: {  	[dreg:$0x1] =	wrdreg $0xFFFFFFFF  }
0xbc: {  	[dreg:$0x0] =	wrdreg $0x60  }
0xbd: {  	[dreg:$0x2] =	wrdreg s18  }
0xbe: {  	[dreg:$0x3] =	wrdreg s24  }
0xbf: {  	[dreg:$0x4] =	wrdreg $0x8A000  }
0xc0: {  	[dreg:$0x5] =	wrdreg $0xA  }
0xc1: {  	_ =	task.clear_ibuf [dreg:s22], $0x6FFFF;
	_ =	strace $0x9000004C  }
0xc2: {  	s29 =	simm.s32 $0xA;
	_ =	strace $0x8000004E  }
0xc3: {  	_ =	swait.ge [sflag:s29], $0x1  }
0xc4: {  	[sflag:s29] =	ssyncadd.s32 $0xFFFFFFFF  }
0xc5: {  	_ =	strace $0x9000004E  }
0xc6: {  	_ =	sfence  }
0xc7: {  	s30 =	sld [smem:$0x0];
	_ =	sdelay $0x2  }
0xc8: {  	s31 =	sshll.u32 s1, $0xD;
	s1 =	sshrl.u32 s1, $0x2  }
0xc9: {  	s4 =	sand.u32 $0x4000, s31;
	s1 =	sadd.s32 s1, s30  }
0xca: {  	s0 =	sor.u32 s4, s0;
	s1 =	sshll.u32 s1, $0x11  }
0xcb: {  	s0 =	sor.u32 s1, s0  }
0xcc: {  	s0 =	sadd.s32 $0x8F2B, s0  }
0xcd: {  	[sflag:s0] =	ssyncadd.remote.s32 $0x1  }
0xce: {  	_ =	sfence.sel $0xFFFF  }
0xcf: {  	[dreg:$0x0] =	wrdreg $0xFFFFFFFF;
	(pc) =	sbr.abs _section_cstart, $3  }
0xd0: {  	[dreg:$0x1] =	wrdreg $0xFFFFFFFF  }
0xd1: {  	_ =	task.clear_ibuf [dreg:s22], $0x2FFFF;
	_ =	strace $0x9FFFFFFF  }
0xd2: {  	(tm) =	ssettm $0x7FFFFFFF  }
0xd3: {  	_ =	shalt  }
tec
execute0_lowered:
.L_overlay_start_1:
0x0: {  	(tag) =	ssettag $0x1  }
0x1: {  	s7 =	rddreg [dreg:$0x0]  }
0x2: {  	s1 =	srdreg.scid;
	s4 =	rddreg [dreg:$0x1]  }
0x3: {  	s0 =	stileid.u32;
	s2 =	rddreg [dreg:$0x2]  }
0x4: {  	s3 =	simm.s32 $0x0;
	s15 =	simm.s32 $0x1;
	s18 =	simm.s32 $0x1  }
0x5: {  	s19 =	simm.s32 $0xA00;
	s20 =	simm.s32 $0x4A00;
	s21 =	simm.s32 $0x0  }
0x6: {  	s8 =	sand.u32 $0x1, s1;
	s25 =	sshll.u32 s0, $0x1;
	s28 =	smul.u32 $0x4E000, s0  }
0x7: {  	[smem:$0x7FF] =	sst s3;
	s13 =	sadd.s32 $0x287A00, s4;
	s14 =	smul.u32 $0x2700, s0  }
0x8: {  	s29 =	smul.u32 $0x26, s0;
	s17 =	sadd.s32 $0x138000, s2;
	s31 =	sshll.u32 s0, $0x6  }
0x9: {  	s5 =	sor.u32 s8, s25;
	s26 =	ssub.s32 $0x2, s8;
	s30 =	smul.u32 $0x13, s8  }
0xa: {  	_ =	strace $0x8000004D;
	s8 =	simm.s32 $0x1;
	s6 =	smul.u32 $0x13, s5  }
0xb: {  	s9 =	smin.u32 s5, $0x11;
	s11 =	sshrl.u32 s26, $0x1;
	p1 =	sgt.u32 s5, $0x10  }
0xc: {  	p0 =	slt.u32 s5, $0x11;
	s11 =	ssub.s32 s26, s11;
	s15 =	simm.s32 @!p1 $0x0  }
0xd: {  	s18 =	simm.s32 @!p0 $0x0;
	s12 =	sadd.s32 s9, s6;
	s6 =	sshrl.u32 s28, $0x2  }
0xe: {  	s11 =	smax.u32 s11, $0x1;
	s10 =	sshll.u32 s12, $0x4;
	s16 =	sadd.s32 s6, s2  }
0xf: {  	s6 =	sadd.s32 s7, s14;
	s7 =	sadd.s32 $0x27000, s7;
	s12 =	sshll.u32 s12, $0xB  }
0x10: {  	s10 =	sadd.s32 s10, s4;
	s4 =	simm.s32 $0x14;
	s12 =	sadd.s32 s13, s12  }
0x11: {  	s16 =	sshrl.u32 s16, $0x3;
	s5 =	sadd.s32 $0x14200, s10;
	s10 =	sadd.s32 s30, s29  }
0x12: {  	s4 =	simm.s32 @!p0 $0x13;
	p0 =	sne.s32 s0, $0xF;
	s14 =	sadd.s32 s9, s10  }
0x13: {  	s9 =	sadd.s32 $0x3, s15;
	s10 =	sadd.s32 $0x3, s18;
	s14 =	sshll.u32 s14, $0xB  }
0x14: {  	s15 =	sor.u32 $0x1C05, s31;
	s17 =	sshrl.u32 @!p0 s17, $0x3;
	s14 =	sadd.s32 s14, s13  }
0x15: {  	s18 =	simm.s32 $0x80;
	s13 =	sadd.s32 $0x800, s14;
	s14 =	simm.s32 $0x5  }
.LBB2_1:
0x16: {  	[tilespmem:s3], [sflag:$0x5] =	stream.linear.gather [hbm4b:s5+s3], $0xA00, $0x38;
	[tilespmem:$0x1C280] =	vst v63  }
0x17: {  	_ =	swait.ge [sflag:s14], $0xA00  }
0x18: {  	[sflag:s14] =	ssyncset.done $0x0  }
0x19: {  	[sflag:s14] =	ssyncadd.s32 $0xFFFFF600  }
0x1a: {  	[spmem:s16], [sflag:s15] =	dma.local [hbm:s6], $0x2700  }
0x1b: {  	_ =	swait.ge [sflag:s14], $0x2700  }
0x1c: {  	[sflag:s14] =	ssyncset.done $0x0  }
0x1d: {  	s22 =	simm.s32 @!p0 $0x5;
	[sflag:s14] =	ssyncadd.s32 $0xFFFFD900  }
0x1e: {  	[spmem:s17], [sflag:s15] =	dma.local @!p0 [hbm:s7], $0x100  }
0x1f: {  	_ =	swait.ge @!p0 [sflag:s22], $0x100  }
0x20: {  	[sflag:s22] =	ssyncset.done @!p0 $0x0  }
0x21: {  	[sflag:s22] =	ssyncadd.s32 @!p0 $0xFFFFFF00  }
0x22: {  	[bflag:$0x0] =	sbarrier.arrive $0xFFFF  }
0x23: {  	[tilespmem:s19], [sflag:$0x1] =	stream.indirect.gather [spmem:s2], $0x80, s3, s18, $0xb8;
	[tilespmem:$0x1C280] =	vst v63  }
0x24: {  	_ =	swait.ge [sflag:s8], $0x4000  }
0x25: {  	s31 =	simm.s32 $0x1;
	s23 =	simm.s32 $0x100;
	[sflag:s8] =	ssyncset.done $0x0  }
0x26: {  	s25 =	simm.s32 $0x2;
	s24 =	sand.u32 $0x1, s31;
	[sflag:s8] =	ssyncadd.s32 $0xFFFFC000  }
0x27: {  	[hbm4b:s12+s3] =	stream.linear.scatter [tilespmem:s19], [sflag:$0x3], $0x4000, $0x38;
	[tilespmem:$0x1C280] =	vst v63  }
0x28: {  	p1 =	sne.s32 s4, $0x3;
	s30 =	sand.u32 $0x1, s25;
	s26 =	sadd.s32 $0x1, s24  }
0x29: {  	[tilespmem:s20], [sflag:$0x2] =	stream.indirect.gather [spmem:s2], $0x80, s18, s18, $0xb8;
	[tilespmem:$0x1C280] =	vst v63  }
0x2a: {  	s25 =	sadd.s32 $0x800, s13;
	s28 =	sshll.u32 s24, $0xE;
	_ =	swait.ge [sflag:s26], $0x4000  }
0x2b: {  	s24 =	sadd.s32 $0x3, s24;
	s29 =	sor.u32 $0xA00, s28;
	[sflag:s26] =	ssyncset.done $0x0  }
.Ltmp0:
0x2c: {  	s28 =	sadd.s32 $0x3, s30;
	[sflag:s26] =	ssyncadd.s32 $0xFFFFC000;
	(pc) =	sbr.rel @!p1 .LBB2_3-.Ltmp0, $4  }
0x2d: {  	[hbm4b:s13+s3] =	stream.linear.scatter [tilespmem:s29], [sflag:s24], $0x4000, $0x38;
	[tilespmem:$0x1C280] =	vst v63  }
0x2e: {  	s22 =	simm.s32 $0x3;
	s26 =	simm.s32 $0x180;
	_ =	swait.ge [sflag:s28], $0x4000  }
0x2f: {  	s29 =	sshll.u32 s30, $0xE;
	s24 =	sadd.s32 $0x800, s13;
	[sflag:s28] =	ssyncset.done $0x0  }
0x30: {  	s30 =	sadd.s32 $0x1, s30;
	s29 =	sor.u32 $0xA00, s29;
	[sflag:s28] =	ssyncadd.s32 $0xFFFFC000  }
.LBB2_2:
0x31: {  	[tilespmem:s29], [sflag:s30] =	stream.indirect.gather [spmem:s2], $0x80, s23, s18, $0xb8;
	[tilespmem:$0x1C280] =	vst v63  }
0x32: {  	s23 =	sadd.s32 $0xFFFFFFFF, s22;
	s28 =	smov.u32 s22;
	s22 =	sadd.s32 $0x1, s22  }
0x33: {  	s29 =	sand.u32 $0x1, s23;
	p1 =	sne.s32 s4, s22;
	s23 =	smov.u32 s26  }
0x34: {  	s30 =	sadd.s32 $0x1, s29;
	s31 =	sshll.u32 s29, $0xE  }
0x35: {  	s1 =	sand.u32 $0x1, s28;
	_ =	swait.ge [sflag:s30], $0x4000  }
0x36: {  	s29 =	sadd.s32 $0x3, s29;
	s31 =	sor.u32 $0xA00, s31;
	[sflag:s30] =	ssyncset.done $0x0  }
.Ltmp1:
0x37: {  	s28 =	sadd.s32 $0x3, s1;
	[sflag:s30] =	ssyncadd.s32 $0xFFFFC000;
	(pc) =	sbr.rel @p1 .LBB2_2-.Ltmp1, $4  }
0x38: {  	[hbm4b:s25+s3] =	stream.linear.scatter [tilespmem:s31], [sflag:s29], $0x4000, $0x38;
	[tilespmem:$0x1C280] =	vst v63  }
0x39: {  	s29 =	sshll.u32 s1, $0xE;
	s25 =	sadd.s32 $0x800, s25;
	_ =	swait.ge [sflag:s28], $0x4000  }
0x3a: {  	s24 =	sadd.s32 $0x800, s24;
	s26 =	sadd.s32 $0x80, s26;
	[sflag:s28] =	ssyncset.done $0x0  }
0x3b: {  	s30 =	sadd.s32 $0x1, s1;
	s29 =	sor.u32 $0xA00, s29;
	[sflag:s28] =	ssyncadd.s32 $0xFFFFC000  }
.LBB2_3:
0x3c: {  	[tilespmem:s29], [sflag:s30] =	stream.indirect.gather [spmem:s2], $0x80, s23, s18, $0xb8;
	[tilespmem:$0x1C280] =	vst v63  }
0x3d: {  	_ =	swait.ge [sflag:s30], $0x4000  }
0x3e: {  	[sflag:s30] =	ssyncset.done $0x0  }
0x3f: {  	s21 =	sadd.s32 $0x1, s21;
	[sflag:s30] =	ssyncadd.s32 $0xFFFFC000  }
0x40: {  	[hbm4b:s24+s3] =	stream.linear.scatter [tilespmem:s29], [sflag:s28], $0x4000, $0x38;
	[tilespmem:$0x1C280] =	vst v63  }
0x41: {  	p1 =	sne.s32 s21, s11;
	_ =	swait.ge [sflag:s9], $0x4000  }
.Ltmp2:
0x42: {  	[sflag:s9] =	ssyncset.done $0x0;
	(pc) =	sbr.rel @p1 .LBB2_1-.Ltmp2, $4  }
0x43: {  	[sflag:s9] =	ssyncadd.s32 $0xFFFFC000  }
0x44: {  	_ =	swait.ge [sflag:s10], $0x4000  }
0x45: {  	[sflag:s10] =	ssyncset.done $0x0  }
0x46: {  	[sflag:s10] =	ssyncadd.s32 $0xFFFFC000  }
0x47: {  	_ =	sfence.sel $0x180000  }
0x48: {  	[bflag:$0x0] =	sbarrier.arrive $0xFFFF  }
0x49: {  	_ =	strace $0x9000004D  }
0x4a: {  	[bflag:$0x2] =	sbarrier.arrive $0xFFFF  }
0x4b: {  	p0 =	sne.s32 s0, $0x0;
	s0 =	rddreg [dreg:$0x3]  }
0x4c: {  	s0 =	sadd.s32 @!p0 $0x100000, s0  }
0x4d: {  	[sflag:s0] =	ssyncadd.tile.s32 @!p0 $0x1;
	_ =	shalt  }
.Lfunc_end2:
_tile_overlayer_lowered:
.L_overlay_start_2:
0x4e: {  	(tag) =	ssettag $0x2  }
0x4f: {  	s0 =	rddreg [dreg:$0x0];
	s2 =	stileid.u32  }
0x50: {  	s1 =	rddreg [dreg:$0x1];
	p0 =	sne.s32 s2, $0x0  }
0x51: {  	s3 =	rddreg [dreg:$0x2];
	[bflag:$0x3] =	sbarrier.arrive $0xFFFF;
	s2 =	simm.s32 @!p0 $0x1C05  }
0x52: {  	[timem:s3], [sflag:s2] =	dma.local @!p0 [hbm:s0], s1  }
0x53: {  	s0 =	simm.s32 @!p0 $0x5  }
0x54: {  	_ =	swait.ge @!p0 [sflag:s0], s1  }
0x55: {  	s1 =	ssub.s32 @!p0 $0x0, s1;
	[sflag:s0] =	ssyncset.done @!p0 $0x0  }
0x56: {  	[sflag:s0] =	ssyncadd.s32 @!p0 s1  }
0x57: {  	[bflag:$0x3] =	sbarrier.arrive $0xFFFF  }
0x58: {  	_ =	shalt  }

// kernel: kernel.21.cloned.1.call-start
scs
__scs_entry_jumppad:
0x0: {  	(pc) =	sbr.rel $0x88, $3  }
0x1: {  	(tag) =	ssettag $0x0;
	lr =	simm.s32 $0x1  }
0x2: {  	[smem:$0x3F95] =	sst lr;
	_ =	strace $0xD0000000  }
0x3: {  	_ = 	snop  }
0x4: {  	_ = 	snop  }
0x5: {  	_ = 	snop  }
0x6: {  	_ = 	snop  }
0x7: {  	_ = 	snop  }
__scs_overlays_trampoline_lowered:
0x8: {  	[smem:$0x3FA4] =	sst s0  }
0x9: {  	[smem:$0x3FA5] =	sst s1  }
0xa: {  	[smem:$0x3FA6] =	sst s2  }
0xb: {  	[smem:$0x3FA7] =	sst s3  }
0xc: {  	[smem:$0x3FA8] =	sst s4  }
0xd: {  	[smem:$0x3FA9] =	sst s5  }
0xe: {  	[smem:$0x3FAA] =	sst s6  }
0xf: {  	[smem:$0x3FAB] =	sst s7  }
0x10: {  	[smem:$0x3FAC] =	sst s8  }
0x11: {  	[smem:$0x3FAD] =	sst s9;
	s0 =	simm.s32 @!p0 $0x0  }
0x12: {  	s1 =	sld [smem:$0x3F93];
	s0 =	simm.s32 @p0 $0x1  }
0x13: {  	[smem:$0x3FAE] =	sst s0;
	s0 =	simm.s32 @!p1 $0x0  }
0x14: {  	s2 =	sld [smem:$0x3F92];
	s0 =	simm.s32 @p1 $0x1  }
0x15: {  	[smem:$0x3FAF] =	sst s0;
	s0 =	simm.s32 @!p2 $0x0  }
0x16: {  	s3 =	sld [smem:$0x3FDB];
	s0 =	simm.s32 @p2 $0x1  }
0x17: {  	s4 =	simm.s32 $0x1BF5;
	[smem:$0x3FB1] =	sst s0  }
0x18: {  	s0 =	sld [smem:$0x3F94];
	_ =	swait.ge [sflag:s4], $0x0  }
0x19: {  	s7 =	sld [smem:$0x3F95]  }
0x1a: {  	s8 =	sadd.s32 $0xFFFFE003, lr  }
0x1b: {  	s9 =	sadd.s32 $0xFFFFFEF7, lr;
	s5 =	simm.s32 $0xFFFFFFFF;
	p2 =	slt.u32 s8, $0xFFFFF086  }
0x1c: {  	p1 =	slt.u32 s9, $0xF7A;
	s5 =	simm.s32 @!p2 $0x0  }
0x1d: {  	s5 =	simm.s32 @p1 $0x1;
	p0 =	seq.s32 s7, s2  }
0x1e: {  	s7 =	smul.u32 @!p0 $0xF7A, s2;
	p2 =	seq.s32 @!p0 s5, $0x0  }
0x1f: {  	s9 =	smul.u32 $0xF7A, s1;
	s8 =	simm.s32 @!p0 $0x1BF5;
	p2 =	por !p2, p0  }
0x20: {  	[sflag:s8] =	ssyncset.s32 @!p0 $0xFFFFF086;
	s6 =	sadd.s32 @!p0 s3, s7;
	s7 =	simm.s32 @!p0 $0x108  }
0x21: {  	s3 =	sadd.s32 s3, s9;
	s6 =	sadd.s32 @!p0 $0x88, s6;
	s7 =	simm.s32 @p2 $0x1082  }
0x22: {  	[simem:s7], [sflag:s8] =	dma.local @!p0 [hbm:s6], $0xF7A  }
0x23: {  	s9 =	sor.u32 $0xD0000000, s2;
	s6 =	simm.s32 $0x108;
	_ =	swait.ge @!p0 [sflag:s8], $0x0  }
0x24: {  	s3 =	sadd.s32 $0x88, s3;
	s6 =	simm.s32 @!p1 $0x1082;
	[sflag:s4] =	ssyncset.s32 $0xFFFFF086  }
0x25: {  	[simem:s6], [sflag:s4] =	dma.local [hbm:s3], $0xF7A  }
0x26: {  	[smem:$0x3F95] =	sst s1;
	(tag) =	ssettag s2;
	_ =	strace s9  }
0x27: {  	s1 =	sld [smem:$0x3FA5]  }
0x28: {  	s2 =	sld [smem:$0x3FA6]  }
0x29: {  	s4 =	sld [smem:$0x3FA8]  }
0x2a: {  	p0 =	seq.s32 s5, $0x0;
	s5 =	sld [smem:$0x3FA9]  }
0x2b: {  	s6 =	sld [smem:$0x3FAA]  }
0x2c: {  	s7 =	sld [smem:$0x3FAB]  }
0x2d: {  	s3 =	simm.s32 $0x108;
	s8 =	sld [smem:$0x3FAC]  }
0x2e: {  	s3 =	simm.s32 @!p0 $0x1082;
	s9 =	sld [smem:$0x3FAD]  }
0x2f: {  	lr =	sadd.s32 s0, s3;
	s0 =	sld [smem:$0x3FA4]  }
0x30: {  	s3 =	sld [smem:$0x3FA7]  }
0x31: {  	[smem:$0x3FB0] =	sst s10  }
0x32: {  	s10 =	sld [smem:$0x3FAE];
	_ =	sdelay $0x3  }
0x33: {  	p0 =	seq.s32 s10, $0x1;
	s10 =	sld [smem:$0x3FB0];
	_ =	sdelay $0x3  }
0x34: {  	[smem:$0x3FB0] =	sst s10  }
0x35: {  	s10 =	sld [smem:$0x3FAF];
	_ =	sdelay $0x3  }
0x36: {  	p1 =	seq.s32 s10, $0x1;
	s10 =	sld [smem:$0x3FB0];
	_ =	sdelay $0x3  }
0x37: {  	[smem:$0x3FB0] =	sst s10  }
0x38: {  	s10 =	sld [smem:$0x3FB1]  }
0x39: {  	_ = 	snop;
	(pc) =	sbr.ind lr, $3  }
0x3a: {  	_ = 	snop  }
0x3b: {  	_ = 	snop  }
0x3c: {  	p2 =	seq.s32 s10, $0x1;
	s10 =	sld [smem:$0x3FB0]  }
0x3d: {  	_ =	shalt  }
0x3e: {  	_ =	shalt  }
0x3f: {  	_ =	shalt  }
0x40: {  	_ =	shalt  }
0x41: {  	_ =	shalt  }
0x42: {  	_ =	shalt  }
0x43: {  	_ =	shalt  }
0x44: {  	_ =	shalt  }
0x45: {  	_ =	shalt  }
0x46: {  	_ =	shalt  }
0x47: {  	_ =	shalt  }
0x48: {  	_ =	shalt  }
0x49: {  	_ =	shalt  }
0x4a: {  	_ =	shalt  }
0x4b: {  	_ =	shalt  }
0x4c: {  	_ =	shalt  }
0x4d: {  	_ =	shalt  }
0x4e: {  	_ =	shalt  }
0x4f: {  	_ =	shalt  }
0x50: {  	_ =	shalt  }
0x51: {  	_ =	shalt  }
0x52: {  	_ =	shalt  }
0x53: {  	_ =	shalt  }
0x54: {  	_ =	shalt  }
0x55: {  	_ =	shalt  }
0x56: {  	_ =	shalt  }
0x57: {  	_ =	shalt  }
0x58: {  	_ =	shalt  }
0x59: {  	_ =	shalt  }
0x5a: {  	_ =	shalt  }
0x5b: {  	_ =	shalt  }
0x5c: {  	_ =	shalt  }
0x5d: {  	_ =	shalt  }
0x5e: {  	_ =	shalt  }
0x5f: {  	_ =	shalt  }
0x60: {  	_ =	shalt  }
0x61: {  	_ =	shalt  }
0x62: {  	_ =	shalt  }
0x63: {  	_ =	shalt  }
0x64: {  	_ =	shalt  }
0x65: {  	_ =	shalt  }
0x66: {  	_ =	shalt  }
0x67: {  	_ =	shalt  }
0x68: {  	_ =	shalt  }
0x69: {  	_ =	shalt  }
0x6a: {  	_ =	shalt  }
0x6b: {  	_ =	shalt  }
0x6c: {  	_ =	shalt  }
0x6d: {  	_ =	shalt  }
0x6e: {  	_ =	shalt  }
0x6f: {  	_ =	shalt  }
0x70: {  	_ =	shalt  }
0x71: {  	_ =	shalt  }
0x72: {  	_ =	shalt  }
0x73: {  	_ =	shalt  }
0x74: {  	_ =	shalt  }
0x75: {  	_ =	shalt  }
0x76: {  	_ =	shalt  }
0x77: {  	_ =	shalt  }
0x78: {  	_ =	shalt  }
0x79: {  	_ =	shalt  }
0x7a: {  	_ =	shalt  }
0x7b: {  	_ =	shalt  }
0x7c: {  	_ =	shalt  }
0x7d: {  	_ =	shalt  }
0x7e: {  	_ =	shalt  }
0x7f: {  	_ =	shalt  }
0x80: {  	_ =	shalt  }
0x81: {  	_ =	shalt  }
0x82: {  	_ =	shalt  }
0x83: {  	_ =	shalt  }
0x84: {  	_ =	shalt  }
0x85: {  	_ =	shalt  }
0x86: {  	_ =	shalt  }
0x87: {  	_ =	shalt  }
.Lfunc_end0:
.L_simem_size_0:
called_computation.2_lowered:
.L_overlay_start_0:
0x88: {  	s2 =	sld [smem:$0x3FD9]  }
0x89: {  	s3 =	sld [smem:$0x3FFE];
	_ =	sdelay $0x1  }
0x8a: {  	s1 =	srdreg.scid  }
0x8b: {  	s0 =	sand.u32 $0x1, s1  }
0x8c: {  	s17 =	sshll.u32 s0, $0xA;
	s2 =	sadd.s32 s3, s2  }
0x8d: {  	s2 =	sadd.s32 s2, s17  }
0x8e: {  	[smem:$0x3FBC] =	sst s2  }
0x8f: {  	_ = 	snop  }
0x90: {  	s18 =	sld [smem:$0x3FD0];
	(tm) =	ssettm $0x1  }
0x91: {  	s19 =	sld [smem:$0x3FFB];
	_ =	sdelay $0x3  }
0x92: {  	_ =	strace s19  }
0x93: {  	s2 =	sld [smem:$0x3FFC];
	_ =	sdelay $0x3  }
0x94: {  	_ =	strace s2  }
0x95: {  	s2 =	sld [smem:$0x3FFD];
	_ =	sdelay $0x3  }
0x96: {  	_ =	strace s2  }
0x97: {  	_ =	strace $0x8FFFFFFF  }
0x98: {  	s20 =	sld [smem:$0x3FDB];
	_ =	sdelay $0x1  }
0x99: {  	s4 =	simm.s32 $_scs_section_size  }
0x9a: {  	s5 =	simm.s32 $_size__tile_overlayer_lowered;
	s6 =	simm.s32 $_tile_overlayer_lowered  }
0x9b: {  	s7 =	simm.s32 $0x1BFF;
	s21 =	sshll.u32 s6, $0x1;
	s4 =	sadd.s32 s4, s20  }
0x9c: {  	s22 =	simm.s32 $0x0;
	s5 =	sshll.u32 s5, $0x1;
	s6 =	sadd.s32 s21, s4  }
0x9d: {  	[timem:s22], [sflag:s7] =	dma.local [hbm:s6], s5  }
0x9e: {  	_ =	swait.ge [sflag:s7], s5  }
0x9f: {  	s5 =	ssub.s32 $0x0, s5;
	[sflag:s7] =	ssyncset.done $0x0  }
0xa0: {  	[sflag:s7] =	ssyncadd.s32 s5;
	_ =	sdelay $0x1  }
0xa1: {  	s23 =	simm.s32 $0x1B8B  }
0xa2: {  	_ =	swait.ge [sflag:s23], $0x1  }
0xa3: {  	[sflag:s23] =	ssyncset.done $0x0  }
0xa4: {  	[sflag:s23] =	ssyncadd.s32 $0xFFFFFFFF  }
0xa5: {  	s5 =	sld [smem:$0x0]  }
0xa6: {  	s6 =	sand.u32 $0xFFFFFFFE, s1  }
0xa7: {  	p0 =	sne.s32 s1, s6  }
0xa8: {  	s6 =	sshll.u32 @p0 s6, $0xE  }
0xa9: {  	s6 =	sadd.s32 @p0 $0x11B8D, s6;
	s7 =	sshll.u32 @p0 s5, $0x11  }
0xaa: {  	s6 =	sor.u32 @p0 s7, s6  }
0xab: {  	[sflag:s6] =	ssyncadd.remote.s32 @p0 $0x1;
	_ =	sdelay $0x1  }
0xac: {  	s6 =	simm.s32 @p0 $0x1B8D  }
0xad: {  	_ =	swait.eq @p0 [sflag:s6], $0x1  }
0xae: {  	[sflag:s6] =	ssyncadd.s32 @p0 $0xFFFFFFFF  }
0xaf: {  	s7 =	sshll.u32 @!p0 s1, $0xE  }
0xb0: {  	s7 =	sor.u32 @!p0 $0x4000, s7;
	s6 =	simm.s32 @!p0 $0x1B8D  }
0xb1: {  	s5 =	sshll.u32 @!p0 s5, $0x11;
	s7 =	sadd.s32 @!p0 $0x11B8D, s7;
	_ =	swait.eq @!p0 [sflag:s6], $0x1  }
0xb2: {  	s5 =	sor.u32 @!p0 s5, s7;
	[sflag:s6] =	ssyncadd.s32 @!p0 $0xFFFFFFFF  }
0xb3: {  	s25 =	simm.s32 $0x1B8E;
	s24 =	sld [smem:$0x3FFE];
	[sflag:s5] =	ssyncadd.remote.s32 @!p0 $0x1  }
0xb4: {  	s26 =	simm.s32 $execute0_lowered;
	[smem:$0x3FD2] =	sst s25  }
0xb5: {  	s6 =	sshll.u32 s26, $0x1;
	_ =	strace $0x80000049;
	[dreg:$0x1] =	wrdreg $0xFFFFFFFF  }
0xb6: {  	s28 =	simm.s32 $_size_execute0_lowered;
	s4 =	sadd.s32 s4, s6;
	[dreg:$0x0] =	wrdreg $0x0  }
0xb7: {  	s6 =	sshll.u32 s28, $0x1;
	[dreg:$0x2] =	wrdreg s4  }
0xb8: {  	[dreg:$0x3] =	wrdreg s6  }
0xb9: {  	[dreg:$0x4] =	wrdreg $0xC0  }
0xba: {  	_ =	task [dreg:s22], $0x5FFFF  }
0xbb: {  	[dreg:$0x1] =	wrdreg $0xFFFFFFFF  }
0xbc: {  	[dreg:$0x0] =	wrdreg $0x60  }
0xbd: {  	[dreg:$0x2] =	wrdreg s18  }
0xbe: {  	[dreg:$0x3] =	wrdreg s24  }
0xbf: {  	[dreg:$0x4] =	wrdreg $0x8A000  }
0xc0: {  	[dreg:$0x5] =	wrdreg $0xB  }
0xc1: {  	_ =	task.clear_ibuf [dreg:s22], $0x6FFFF;
	_ =	strace $0x90000049  }
0xc2: {  	s29 =	simm.s32 $0xB;
	_ =	strace $0x8000004B  }
0xc3: {  	_ =	swait.ge [sflag:s29], $0x1  }
0xc4: {  	[sflag:s29] =	ssyncadd.s32 $0xFFFFFFFF  }
0xc5: {  	_ =	strace $0x9000004B  }
0xc6: {  	_ =	sfence  }
0xc7: {  	s30 =	sld [smem:$0x0];
	_ =	sdelay $0x2  }
0xc8: {  	s31 =	sshll.u32 s1, $0xD;
	s1 =	sshrl.u32 s1, $0x2  }
0xc9: {  	s4 =	sand.u32 $0x4000, s31;
	s1 =	sadd.s32 s1, s30  }
0xca: {  	s0 =	sor.u32 s4, s0;
	s1 =	sshll.u32 s1, $0x11  }
0xcb: {  	s0 =	sor.u32 s1, s0  }
0xcc: {  	s0 =	sadd.s32 $0x8F2B, s0  }
0xcd: {  	[sflag:s0] =	ssyncadd.remote.s32 $0x1  }
0xce: {  	_ =	sfence.sel $0xFFFF  }
0xcf: {  	[dreg:$0x0] =	wrdreg $0xFFFFFFFF;
	(pc) =	sbr.abs _section_cstart, $3  }
0xd0: {  	[dreg:$0x1] =	wrdreg $0xFFFFFFFF  }
0xd1: {  	_ =	task.clear_ibuf [dreg:s22], $0x2FFFF;
	_ =	strace $0x9FFFFFFF  }
0xd2: {  	(tm) =	ssettm $0x7FFFFFFF  }
0xd3: {  	_ =	shalt  }
tec
execute0_lowered:
.L_overlay_start_1:
0x0: {  	(tag) =	ssettag $0x1  }
0x1: {  	s7 =	rddreg [dreg:$0x0]  }
0x2: {  	s1 =	srdreg.scid;
	s4 =	rddreg [dreg:$0x1]  }
0x3: {  	s0 =	stileid.u32;
	s2 =	rddreg [dreg:$0x2]  }
0x4: {  	s3 =	simm.s32 $0x0;
	s15 =	simm.s32 $0x1;
	s18 =	simm.s32 $0x1  }
0x5: {  	s19 =	simm.s32 $0xA00;
	s20 =	simm.s32 $0x4A00;
	s21 =	simm.s32 $0x0  }
0x6: {  	s8 =	sand.u32 $0x1, s1;
	s25 =	sshll.u32 s0, $0x1;
	s28 =	smul.u32 $0x4E000, s0  }
0x7: {  	[smem:$0x7FF] =	sst s3;
	s13 =	sadd.s32 $0x14F200, s4;
	s14 =	smul.u32 $0x2700, s0  }
0x8: {  	s29 =	smul.u32 $0x26, s0;
	s17 =	sadd.s32 $0x138000, s2;
	s31 =	sshll.u32 s0, $0x6  }
0x9: {  	s5 =	sor.u32 s8, s25;
	s26 =	ssub.s32 $0x2, s8;
	s30 =	smul.u32 $0x13, s8  }
0xa: {  	_ =	strace $0x8000004A;
	s8 =	simm.s32 $0x1;
	s6 =	smul.u32 $0x13, s5  }
0xb: {  	s9 =	smin.u32 s5, $0x11;
	s11 =	sshrl.u32 s26, $0x1;
	p1 =	sgt.u32 s5, $0x10  }
0xc: {  	p0 =	slt.u32 s5, $0x11;
	s11 =	ssub.s32 s26, s11;
	s15 =	simm.s32 @!p1 $0x0  }
0xd: {  	s18 =	simm.s32 @!p0 $0x0;
	s12 =	sadd.s32 s9, s6;
	s6 =	sshrl.u32 s28, $0x2  }
0xe: {  	s11 =	smax.u32 s11, $0x1;
	s10 =	sshll.u32 s12, $0x4;
	s16 =	sadd.s32 s6, s2  }
0xf: {  	s6 =	sadd.s32 s7, s14;
	s7 =	sadd.s32 $0x27000, s7;
	s12 =	sshll.u32 s12, $0xB  }
0x10: {  	s10 =	sadd.s32 s10, s4;
	s4 =	simm.s32 $0x14;
	s12 =	sadd.s32 s13, s12  }
0x11: {  	s16 =	sshrl.u32 s16, $0x3;
	s5 =	sadd.s32 $0x11A00, s10;
	s10 =	sadd.s32 s30, s29  }
0x12: {  	s4 =	simm.s32 @!p0 $0x13;
	p0 =	sne.s32 s0, $0xF;
	s14 =	sadd.s32 s9, s10  }
0x13: {  	s9 =	sadd.s32 $0x3, s15;
	s10 =	sadd.s32 $0x3, s18;
	s14 =	sshll.u32 s14, $0xB  }
0x14: {  	s15 =	sor.u32 $0x1C05, s31;
	s17 =	sshrl.u32 @!p0 s17, $0x3;
	s14 =	sadd.s32 s14, s13  }
0x15: {  	s18 =	simm.s32 $0x80;
	s13 =	sadd.s32 $0x800, s14;
	s14 =	simm.s32 $0x5  }
.LBB2_1:
0x16: {  	[tilespmem:s3], [sflag:$0x5] =	stream.linear.gather [hbm4b:s5+s3], $0xA00, $0x38;
	[tilespmem:$0x1C280] =	vst v63  }
0x17: {  	_ =	swait.ge [sflag:s14], $0xA00  }
0x18: {  	[sflag:s14] =	ssyncset.done $0x0  }
0x19: {  	[sflag:s14] =	ssyncadd.s32 $0xFFFFF600  }
0x1a: {  	[spmem:s16], [sflag:s15] =	dma.local [hbm:s6], $0x2700  }
0x1b: {  	_ =	swait.ge [sflag:s14], $0x2700  }
0x1c: {  	[sflag:s14] =	ssyncset.done $0x0  }
0x1d: {  	s22 =	simm.s32 @!p0 $0x5;
	[sflag:s14] =	ssyncadd.s32 $0xFFFFD900  }
0x1e: {  	[spmem:s17], [sflag:s15] =	dma.local @!p0 [hbm:s7], $0x100  }
0x1f: {  	_ =	swait.ge @!p0 [sflag:s22], $0x100  }
0x20: {  	[sflag:s22] =	ssyncset.done @!p0 $0x0  }
0x21: {  	[sflag:s22] =	ssyncadd.s32 @!p0 $0xFFFFFF00  }
0x22: {  	[bflag:$0x0] =	sbarrier.arrive $0xFFFF  }
0x23: {  	[tilespmem:s19], [sflag:$0x1] =	stream.indirect.gather [spmem:s2], $0x80, s3, s18, $0xb8;
	[tilespmem:$0x1C280] =	vst v63  }
0x24: {  	_ =	swait.ge [sflag:s8], $0x4000  }
0x25: {  	s31 =	simm.s32 $0x1;
	s23 =	simm.s32 $0x100;
	[sflag:s8] =	ssyncset.done $0x0  }
0x26: {  	s25 =	simm.s32 $0x2;
	s24 =	sand.u32 $0x1, s31;
	[sflag:s8] =	ssyncadd.s32 $0xFFFFC000  }
0x27: {  	[hbm4b:s12+s3] =	stream.linear.scatter [tilespmem:s19], [sflag:$0x3], $0x4000, $0x38;
	[tilespmem:$0x1C280] =	vst v63  }
0x28: {  	p1 =	sne.s32 s4, $0x3;
	s30 =	sand.u32 $0x1, s25;
	s26 =	sadd.s32 $0x1, s24  }
0x29: {  	[tilespmem:s20], [sflag:$0x2] =	stream.indirect.gather [spmem:s2], $0x80, s18, s18, $0xb8;
	[tilespmem:$0x1C280] =	vst v63  }
0x2a: {  	s25 =	sadd.s32 $0x800, s13;
	s28 =	sshll.u32 s24, $0xE;
	_ =	swait.ge [sflag:s26], $0x4000  }
0x2b: {  	s24 =	sadd.s32 $0x3, s24;
	s29 =	sor.u32 $0xA00, s28;
	[sflag:s26] =	ssyncset.done $0x0  }
.Ltmp0:
0x2c: {  	s28 =	sadd.s32 $0x3, s30;
	[sflag:s26] =	ssyncadd.s32 $0xFFFFC000;
	(pc) =	sbr.rel @!p1 .LBB2_3-.Ltmp0, $4  }
0x2d: {  	[hbm4b:s13+s3] =	stream.linear.scatter [tilespmem:s29], [sflag:s24], $0x4000, $0x38;
	[tilespmem:$0x1C280] =	vst v63  }
0x2e: {  	s22 =	simm.s32 $0x3;
	s26 =	simm.s32 $0x180;
	_ =	swait.ge [sflag:s28], $0x4000  }
0x2f: {  	s29 =	sshll.u32 s30, $0xE;
	s24 =	sadd.s32 $0x800, s13;
	[sflag:s28] =	ssyncset.done $0x0  }
0x30: {  	s30 =	sadd.s32 $0x1, s30;
	s29 =	sor.u32 $0xA00, s29;
	[sflag:s28] =	ssyncadd.s32 $0xFFFFC000  }
.LBB2_2:
0x31: {  	[tilespmem:s29], [sflag:s30] =	stream.indirect.gather [spmem:s2], $0x80, s23, s18, $0xb8;
	[tilespmem:$0x1C280] =	vst v63  }
0x32: {  	s23 =	sadd.s32 $0xFFFFFFFF, s22;
	s28 =	smov.u32 s22;
	s22 =	sadd.s32 $0x1, s22  }
0x33: {  	s29 =	sand.u32 $0x1, s23;
	p1 =	sne.s32 s4, s22;
	s23 =	smov.u32 s26  }
0x34: {  	s30 =	sadd.s32 $0x1, s29;
	s31 =	sshll.u32 s29, $0xE  }
0x35: {  	s1 =	sand.u32 $0x1, s28;
	_ =	swait.ge [sflag:s30], $0x4000  }
0x36: {  	s29 =	sadd.s32 $0x3, s29;
	s31 =	sor.u32 $0xA00, s31;
	[sflag:s30] =	ssyncset.done $0x0  }
.Ltmp1:
0x37: {  	s28 =	sadd.s32 $0x3, s1;
	[sflag:s30] =	ssyncadd.s32 $0xFFFFC000;
	(pc) =	sbr.rel @p1 .LBB2_2-.Ltmp1, $4  }
0x38: {  	[hbm4b:s25+s3] =	stream.linear.scatter [tilespmem:s31], [sflag:s29], $0x4000, $0x38;
	[tilespmem:$0x1C280] =	vst v63  }
0x39: {  	s29 =	sshll.u32 s1, $0xE;
	s25 =	sadd.s32 $0x800, s25;
	_ =	swait.ge [sflag:s28], $0x4000  }
0x3a: {  	s24 =	sadd.s32 $0x800, s24;
	s26 =	sadd.s32 $0x80, s26;
	[sflag:s28] =	ssyncset.done $0x0  }
0x3b: {  	s30 =	sadd.s32 $0x1, s1;
	s29 =	sor.u32 $0xA00, s29;
	[sflag:s28] =	ssyncadd.s32 $0xFFFFC000  }
.LBB2_3:
0x3c: {  	[tilespmem:s29], [sflag:s30] =	stream.indirect.gather [spmem:s2], $0x80, s23, s18, $0xb8;
	[tilespmem:$0x1C280] =	vst v63  }
0x3d: {  	_ =	swait.ge [sflag:s30], $0x4000  }
0x3e: {  	[sflag:s30] =	ssyncset.done $0x0  }
0x3f: {  	s21 =	sadd.s32 $0x1, s21;
	[sflag:s30] =	ssyncadd.s32 $0xFFFFC000  }
0x40: {  	[hbm4b:s24+s3] =	stream.linear.scatter [tilespmem:s29], [sflag:s28], $0x4000, $0x38;
	[tilespmem:$0x1C280] =	vst v63  }
0x41: {  	p1 =	sne.s32 s21, s11;
	_ =	swait.ge [sflag:s9], $0x4000  }
.Ltmp2:
0x42: {  	[sflag:s9] =	ssyncset.done $0x0;
	(pc) =	sbr.rel @p1 .LBB2_1-.Ltmp2, $4  }
0x43: {  	[sflag:s9] =	ssyncadd.s32 $0xFFFFC000  }
0x44: {  	_ =	swait.ge [sflag:s10], $0x4000  }
0x45: {  	[sflag:s10] =	ssyncset.done $0x0  }
0x46: {  	[sflag:s10] =	ssyncadd.s32 $0xFFFFC000  }
0x47: {  	_ =	sfence.sel $0x180000  }
0x48: {  	[bflag:$0x0] =	sbarrier.arrive $0xFFFF  }
0x49: {  	_ =	strace $0x9000004A  }
0x4a: {  	[bflag:$0x2] =	sbarrier.arrive $0xFFFF  }
0x4b: {  	p0 =	sne.s32 s0, $0x0;
	s0 =	rddreg [dreg:$0x3]  }
0x4c: {  	s0 =	sadd.s32 @!p0 $0x100000, s0  }
0x4d: {  	[sflag:s0] =	ssyncadd.tile.s32 @!p0 $0x1;
	_ =	shalt  }
.Lfunc_end2:
_tile_overlayer_lowered:
.L_overlay_start_2:
0x4e: {  	(tag) =	ssettag $0x2  }
0x4f: {  	s0 =	rddreg [dreg:$0x0];
	s2 =	stileid.u32  }
0x50: {  	s1 =	rddreg [dreg:$0x1];
	p0 =	sne.s32 s2, $0x0  }
0x51: {  	s3 =	rddreg [dreg:$0x2];
	[bflag:$0x3] =	sbarrier.arrive $0xFFFF;
	s2 =	simm.s32 @!p0 $0x1C05  }
0x52: {  	[timem:s3], [sflag:s2] =	dma.local @!p0 [hbm:s0], s1  }
0x53: {  	s0 =	simm.s32 @!p0 $0x5  }
0x54: {  	_ =	swait.ge @!p0 [sflag:s0], s1  }
0x55: {  	s1 =	ssub.s32 @!p0 $0x0, s1;
	[sflag:s0] =	ssyncset.done @!p0 $0x0  }
0x56: {  	[sflag:s0] =	ssyncadd.s32 @!p0 s1  }
0x57: {  	[bflag:$0x3] =	sbarrier.arrive $0xFFFF  }
0x58: {  	_ =	shalt  }

// kernel: kernel.24.cloned.1.call-start
scs
__scs_entry_jumppad:
0x0: {  	(pc) =	sbr.rel $0x88, $3  }
0x1: {  	(tag) =	ssettag $0x0;
	lr =	simm.s32 $0x1  }
0x2: {  	[smem:$0x3F95] =	sst lr;
	_ =	strace $0xD0000000  }
0x3: {  	_ = 	snop  }
0x4: {  	_ = 	snop  }
0x5: {  	_ = 	snop  }
0x6: {  	_ = 	snop  }
0x7: {  	_ = 	snop  }
__scs_overlays_trampoline_lowered:
0x8: {  	[smem:$0x3FA4] =	sst s0  }
0x9: {  	[smem:$0x3FA5] =	sst s1  }
0xa: {  	[smem:$0x3FA6] =	sst s2  }
0xb: {  	[smem:$0x3FA7] =	sst s3  }
0xc: {  	[smem:$0x3FA8] =	sst s4  }
0xd: {  	[smem:$0x3FA9] =	sst s5  }
0xe: {  	[smem:$0x3FAA] =	sst s6  }
0xf: {  	[smem:$0x3FAB] =	sst s7  }
0x10: {  	[smem:$0x3FAC] =	sst s8  }
0x11: {  	[smem:$0x3FAD] =	sst s9;
	s0 =	simm.s32 @!p0 $0x0  }
0x12: {  	s1 =	sld [smem:$0x3F93];
	s0 =	simm.s32 @p0 $0x1  }
0x13: {  	[smem:$0x3FAE] =	sst s0;
	s0 =	simm.s32 @!p1 $0x0  }
0x14: {  	s2 =	sld [smem:$0x3F92];
	s0 =	simm.s32 @p1 $0x1  }
0x15: {  	[smem:$0x3FAF] =	sst s0;
	s0 =	simm.s32 @!p2 $0x0  }
0x16: {  	s3 =	sld [smem:$0x3FDB];
	s0 =	simm.s32 @p2 $0x1  }
0x17: {  	s4 =	simm.s32 $0x1BF5;
	[smem:$0x3FB1] =	sst s0  }
0x18: {  	s0 =	sld [smem:$0x3F94];
	_ =	swait.ge [sflag:s4], $0x0  }
0x19: {  	s7 =	sld [smem:$0x3F95]  }
0x1a: {  	s8 =	sadd.s32 $0xFFFFE003, lr  }
0x1b: {  	s9 =	sadd.s32 $0xFFFFFEF7, lr;
	s5 =	simm.s32 $0xFFFFFFFF;
	p2 =	slt.u32 s8, $0xFFFFF086  }
0x1c: {  	p1 =	slt.u32 s9, $0xF7A;
	s5 =	simm.s32 @!p2 $0x0  }
0x1d: {  	s5 =	simm.s32 @p1 $0x1;
	p0 =	seq.s32 s7, s2  }
0x1e: {  	s7 =	smul.u32 @!p0 $0xF7A, s2;
	p2 =	seq.s32 @!p0 s5, $0x0  }
0x1f: {  	s9 =	smul.u32 $0xF7A, s1;
	s8 =	simm.s32 @!p0 $0x1BF5;
	p2 =	por !p2, p0  }
0x20: {  	[sflag:s8] =	ssyncset.s32 @!p0 $0xFFFFF086;
	s6 =	sadd.s32 @!p0 s3, s7;
	s7 =	simm.s32 @!p0 $0x108  }
0x21: {  	s3 =	sadd.s32 s3, s9;
	s6 =	sadd.s32 @!p0 $0x88, s6;
	s7 =	simm.s32 @p2 $0x1082  }
0x22: {  	[simem:s7], [sflag:s8] =	dma.local @!p0 [hbm:s6], $0xF7A  }
0x23: {  	s9 =	sor.u32 $0xD0000000, s2;
	s6 =	simm.s32 $0x108;
	_ =	swait.ge @!p0 [sflag:s8], $0x0  }
0x24: {  	s3 =	sadd.s32 $0x88, s3;
	s6 =	simm.s32 @!p1 $0x1082;
	[sflag:s4] =	ssyncset.s32 $0xFFFFF086  }
0x25: {  	[simem:s6], [sflag:s4] =	dma.local [hbm:s3], $0xF7A  }
0x26: {  	[smem:$0x3F95] =	sst s1;
	(tag) =	ssettag s2;
	_ =	strace s9  }
0x27: {  	s1 =	sld [smem:$0x3FA5]  }
0x28: {  	s2 =	sld [smem:$0x3FA6]  }
0x29: {  	s4 =	sld [smem:$0x3FA8]  }
0x2a: {  	p0 =	seq.s32 s5, $0x0;
	s5 =	sld [smem:$0x3FA9]  }
0x2b: {  	s6 =	sld [smem:$0x3FAA]  }
0x2c: {  	s7 =	sld [smem:$0x3FAB]  }
0x2d: {  	s3 =	simm.s32 $0x108;
	s8 =	sld [smem:$0x3FAC]  }
0x2e: {  	s3 =	simm.s32 @!p0 $0x1082;
	s9 =	sld [smem:$0x3FAD]  }
0x2f: {  	lr =	sadd.s32 s0, s3;
	s0 =	sld [smem:$0x3FA4]  }
0x30: {  	s3 =	sld [smem:$0x3FA7]  }
0x31: {  	[smem:$0x3FB0] =	sst s10  }
0x32: {  	s10 =	sld [smem:$0x3FAE];
	_ =	sdelay $0x3  }
0x33: {  	p0 =	seq.s32 s10, $0x1;
	s10 =	sld [smem:$0x3FB0];
	_ =	sdelay $0x3  }
0x34: {  	[smem:$0x3FB0] =	sst s10  }
0x35: {  	s10 =	sld [smem:$0x3FAF];
	_ =	sdelay $0x3  }
0x36: {  	p1 =	seq.s32 s10, $0x1;
	s10 =	sld [smem:$0x3FB0];
	_ =	sdelay $0x3  }
0x37: {  	[smem:$0x3FB0] =	sst s10  }
0x38: {  	s10 =	sld [smem:$0x3FB1]  }
0x39: {  	_ = 	snop;
	(pc) =	sbr.ind lr, $3  }
0x3a: {  	_ = 	snop  }
0x3b: {  	_ = 	snop  }
0x3c: {  	p2 =	seq.s32 s10, $0x1;
	s10 =	sld [smem:$0x3FB0]  }
0x3d: {  	_ =	shalt  }
0x3e: {  	_ =	shalt  }
0x3f: {  	_ =	shalt  }
0x40: {  	_ =	shalt  }
0x41: {  	_ =	shalt  }
0x42: {  	_ =	shalt  }
0x43: {  	_ =	shalt  }
0x44: {  	_ =	shalt  }
0x45: {  	_ =	shalt  }
0x46: {  	_ =	shalt  }
0x47: {  	_ =	shalt  }
0x48: {  	_ =	shalt  }
0x49: {  	_ =	shalt  }
0x4a: {  	_ =	shalt  }
0x4b: {  	_ =	shalt  }
0x4c: {  	_ =	shalt  }
0x4d: {  	_ =	shalt  }
0x4e: {  	_ =	shalt  }
0x4f: {  	_ =	shalt  }
0x50: {  	_ =	shalt  }
0x51: {  	_ =	shalt  }
0x52: {  	_ =	shalt  }
0x53: {  	_ =	shalt  }
0x54: {  	_ =	shalt  }
0x55: {  	_ =	shalt  }
0x56: {  	_ =	shalt  }
0x57: {  	_ =	shalt  }
0x58: {  	_ =	shalt  }
0x59: {  	_ =	shalt  }
0x5a: {  	_ =	shalt  }
0x5b: {  	_ =	shalt  }
0x5c: {  	_ =	shalt  }
0x5d: {  	_ =	shalt  }
0x5e: {  	_ =	shalt  }
0x5f: {  	_ =	shalt  }
0x60: {  	_ =	shalt  }
0x61: {  	_ =	shalt  }
0x62: {  	_ =	shalt  }
0x63: {  	_ =	shalt  }
0x64: {  	_ =	shalt  }
0x65: {  	_ =	shalt  }
0x66: {  	_ =	shalt  }
0x67: {  	_ =	shalt  }
0x68: {  	_ =	shalt  }
0x69: {  	_ =	shalt  }
0x6a: {  	_ =	shalt  }
0x6b: {  	_ =	shalt  }
0x6c: {  	_ =	shalt  }
0x6d: {  	_ =	shalt  }
0x6e: {  	_ =	shalt  }
0x6f: {  	_ =	shalt  }
0x70: {  	_ =	shalt  }
0x71: {  	_ =	shalt  }
0x72: {  	_ =	shalt  }
0x73: {  	_ =	shalt  }
0x74: {  	_ =	shalt  }
0x75: {  	_ =	shalt  }
0x76: {  	_ =	shalt  }
0x77: {  	_ =	shalt  }
0x78: {  	_ =	shalt  }
0x79: {  	_ =	shalt  }
0x7a: {  	_ =	shalt  }
0x7b: {  	_ =	shalt  }
0x7c: {  	_ =	shalt  }
0x7d: {  	_ =	shalt  }
0x7e: {  	_ =	shalt  }
0x7f: {  	_ =	shalt  }
0x80: {  	_ =	shalt  }
0x81: {  	_ =	shalt  }
0x82: {  	_ =	shalt  }
0x83: {  	_ =	shalt  }
0x84: {  	_ =	shalt  }
0x85: {  	_ =	shalt  }
0x86: {  	_ =	shalt  }
0x87: {  	_ =	shalt  }
.Lfunc_end0:
.L_simem_size_0:
called_computation.3_lowered:
.L_overlay_start_0:
0x88: {  	s2 =	sld [smem:$0x3FD9]  }
0x89: {  	s3 =	sld [smem:$0x3FFE];
	_ =	sdelay $0x1  }
0x8a: {  	s1 =	srdreg.scid  }
0x8b: {  	s0 =	sand.u32 $0x1, s1  }
0x8c: {  	s17 =	sshll.u32 s0, $0xA;
	s2 =	sadd.s32 s3, s2  }
0x8d: {  	s2 =	sadd.s32 s2, s17  }
0x8e: {  	[smem:$0x3FBC] =	sst s2  }
0x8f: {  	_ = 	snop  }
0x90: {  	s2 =	sld [smem:$0x3FD0];
	(tm) =	ssettm $0x1  }
0x91: {  	s18 =	sld [smem:$0x3FFB];
	_ =	sdelay $0x3  }
0x92: {  	_ =	strace s18  }
0x93: {  	s3 =	sld [smem:$0x3FFC];
	_ =	sdelay $0x3  }
0x94: {  	_ =	strace s3  }
0x95: {  	s3 =	sld [smem:$0x3FFD];
	_ =	sdelay $0x3  }
0x96: {  	_ =	strace s3  }
0x97: {  	_ =	strace $0x8FFFFFFF  }
0x98: {  	s19 =	sld [smem:$0x3FDB];
	_ =	sdelay $0x1  }
0x99: {  	s4 =	simm.s32 $_scs_section_size  }
0x9a: {  	s5 =	simm.s32 $_size__tile_overlayer_lowered;
	s6 =	simm.s32 $_tile_overlayer_lowered  }
0x9b: {  	s22 =	simm.s32 $0x1BFF;
	s21 =	sshll.u32 s6, $0x1;
	s3 =	sadd.s32 s4, s19  }
0x9c: {  	s7 =	simm.s32 $0x0;
	s20 =	sshll.u32 s5, $0x1;
	s5 =	sadd.s32 s21, s3  }
0x9d: {  	[timem:s7], [sflag:s22] =	dma.local [hbm:s5], s20  }
0x9e: {  	_ =	swait.ge [sflag:s22], s20  }
0x9f: {  	s4 =	ssub.s32 $0x0, s20;
	[sflag:s22] =	ssyncset.done $0x0  }
0xa0: {  	[sflag:s22] =	ssyncadd.s32 s4;
	_ =	sdelay $0x1  }
0xa1: {  	s23 =	simm.s32 $0x1B8B  }
0xa2: {  	_ =	swait.ge [sflag:s23], $0x1  }
0xa3: {  	[sflag:s23] =	ssyncset.done $0x0  }
0xa4: {  	s25 =	simm.s32 $0x1B8E;
	s24 =	sld [smem:$0x3FFE];
	[sflag:s23] =	ssyncadd.s32 $0xFFFFFFFF  }
0xa5: {  	s26 =	simm.s32 $execute0_lowered;
	[smem:$0x3FD2] =	sst s25  }
0xa6: {  	s5 =	sshll.u32 s26, $0x1;
	_ =	strace $0x80000046;
	[dreg:$0x1] =	wrdreg $0xFFFFFFFF  }
0xa7: {  	s28 =	simm.s32 $_size_execute0_lowered;
	s3 =	sadd.s32 s3, s5;
	[dreg:$0x0] =	wrdreg $0x0  }
0xa8: {  	s5 =	sshll.u32 s28, $0x1;
	[dreg:$0x2] =	wrdreg s3  }
0xa9: {  	[dreg:$0x3] =	wrdreg s5  }
0xaa: {  	[dreg:$0x4] =	wrdreg $0xC0  }
0xab: {  	_ =	task [dreg:s7], $0x5FFFF  }
0xac: {  	[dreg:$0x1] =	wrdreg $0xFFFFFFFF  }
0xad: {  	[dreg:$0x0] =	wrdreg $0x60  }
0xae: {  	[dreg:$0x2] =	wrdreg s2  }
0xaf: {  	[dreg:$0x3] =	wrdreg s24  }
0xb0: {  	[dreg:$0x4] =	wrdreg $0x8A000  }
0xb1: {  	[dreg:$0x5] =	wrdreg $0xC  }
0xb2: {  	_ =	task.clear_ibuf [dreg:s7], $0x6FFFF;
	_ =	strace $0x90000046  }
0xb3: {  	s29 =	simm.s32 $0xC;
	_ =	strace $0x80000048  }
0xb4: {  	_ =	swait.ge [sflag:s29], $0x1  }
0xb5: {  	[sflag:s29] =	ssyncadd.s32 $0xFFFFFFFF  }
0xb6: {  	_ =	strace $0x90000048  }
0xb7: {  	_ =	sfence  }
0xb8: {  	s30 =	sld [smem:$0x0];
	_ =	sdelay $0x2  }
0xb9: {  	s31 =	sshll.u32 s1, $0xD;
	s1 =	sshrl.u32 s1, $0x2  }
0xba: {  	s3 =	sand.u32 $0x4000, s31;
	s1 =	sadd.s32 s1, s30  }
0xbb: {  	s0 =	sor.u32 s3, s0;
	s1 =	sshll.u32 s1, $0x11  }
0xbc: {  	s0 =	sor.u32 s1, s0  }
0xbd: {  	s0 =	sadd.s32 $0x8F2B, s0  }
0xbe: {  	[sflag:s0] =	ssyncadd.remote.s32 $0x1  }
0xbf: {  	_ =	sfence.sel $0xFFFF  }
0xc0: {  	[dreg:$0x0] =	wrdreg $0xFFFFFFFF;
	(pc) =	sbr.abs _section_cstart, $3  }
0xc1: {  	[dreg:$0x1] =	wrdreg $0xFFFFFFFF  }
0xc2: {  	_ =	task.clear_ibuf [dreg:s7], $0x2FFFF;
	_ =	strace $0x9FFFFFFF  }
0xc3: {  	(tm) =	ssettm $0x7FFFFFFF  }
tec
execute0_lowered:
.L_overlay_start_1:
0x0: {  	(tag) =	ssettag $0x1  }
0x1: {  	s7 =	rddreg [dreg:$0x0]  }
0x2: {  	s1 =	srdreg.scid;
	s4 =	rddreg [dreg:$0x1]  }
0x3: {  	s0 =	stileid.u32;
	s2 =	rddreg [dreg:$0x2]  }
0x4: {  	s3 =	simm.s32 $0x0;
	s15 =	simm.s32 $0x1;
	s18 =	simm.s32 $0x1  }
0x5: {  	s19 =	simm.s32 $0xA00;
	s20 =	simm.s32 $0x4A00;
	s21 =	simm.s32 $0x0  }
0x6: {  	s8 =	sand.u32 $0x1, s1;
	s25 =	sshll.u32 s0, $0x1;
	s28 =	smul.u32 $0x4E000, s0  }
0x7: {  	[smem:$0x7FF] =	sst s3;
	s13 =	sadd.s32 $0x16A00, s4;
	s14 =	smul.u32 $0x2700, s0  }
0x8: {  	s29 =	smul.u32 $0x26, s0;
	s17 =	sadd.s32 $0x138000, s2;
	s31 =	sshll.u32 s0, $0x6  }
0x9: {  	s5 =	sor.u32 s8, s25;
	s26 =	ssub.s32 $0x2, s8;
	s30 =	smul.u32 $0x13, s8  }
0xa: {  	_ =	strace $0x80000047;
	s8 =	simm.s32 $0x1;
	s6 =	smul.u32 $0x13, s5  }
0xb: {  	s9 =	smin.u32 s5, $0x11;
	s11 =	sshrl.u32 s26, $0x1;
	p1 =	sgt.u32 s5, $0x10  }
0xc: {  	p0 =	slt.u32 s5, $0x11;
	s11 =	ssub.s32 s26, s11;
	s15 =	simm.s32 @!p1 $0x0  }
0xd: {  	s18 =	simm.s32 @!p0 $0x0;
	s12 =	sadd.s32 s9, s6;
	s6 =	sshrl.u32 s28, $0x2  }
0xe: {  	s11 =	smax.u32 s11, $0x1;
	s10 =	sshll.u32 s12, $0x4;
	s16 =	sadd.s32 s6, s2  }
0xf: {  	s6 =	sadd.s32 s7, s14;
	s7 =	sadd.s32 $0x27000, s7;
	s12 =	sshll.u32 s12, $0xB  }
0x10: {  	s10 =	sadd.s32 s10, s4;
	s4 =	simm.s32 $0x14;
	s12 =	sadd.s32 s13, s12  }
0x11: {  	s16 =	sshrl.u32 s16, $0x3;
	s5 =	sadd.s32 $0xF200, s10;
	s10 =	sadd.s32 s30, s29  }
0x12: {  	s4 =	simm.s32 @!p0 $0x13;
	p0 =	sne.s32 s0, $0xF;
	s14 =	sadd.s32 s9, s10  }
0x13: {  	s9 =	sadd.s32 $0x3, s15;
	s10 =	sadd.s32 $0x3, s18;
	s14 =	sshll.u32 s14, $0xB  }
0x14: {  	s15 =	sor.u32 $0x1C05, s31;
	s17 =	sshrl.u32 @!p0 s17, $0x3;
	s14 =	sadd.s32 s14, s13  }
0x15: {  	s18 =	simm.s32 $0x80;
	s13 =	sadd.s32 $0x800, s14;
	s14 =	simm.s32 $0x5  }
.LBB2_1:
0x16: {  	[tilespmem:s3], [sflag:$0x5] =	stream.linear.gather [hbm4b:s5+s3], $0xA00, $0x38;
	[tilespmem:$0x1C280] =	vst v63  }
0x17: {  	_ =	swait.ge [sflag:s14], $0xA00  }
0x18: {  	[sflag:s14] =	ssyncset.done $0x0  }
0x19: {  	[sflag:s14] =	ssyncadd.s32 $0xFFFFF600  }
0x1a: {  	[spmem:s16], [sflag:s15] =	dma.local [hbm:s6], $0x2700  }
0x1b: {  	_ =	swait.ge [sflag:s14], $0x2700  }
0x1c: {  	[sflag:s14] =	ssyncset.done $0x0  }
0x1d: {  	s22 =	simm.s32 @!p0 $0x5;
	[sflag:s14] =	ssyncadd.s32 $0xFFFFD900  }
0x1e: {  	[spmem:s17], [sflag:s15] =	dma.local @!p0 [hbm:s7], $0x100  }
0x1f: {  	_ =	swait.ge @!p0 [sflag:s22], $0x100  }
0x20: {  	[sflag:s22] =	ssyncset.done @!p0 $0x0  }
0x21: {  	[sflag:s22] =	ssyncadd.s32 @!p0 $0xFFFFFF00  }
0x22: {  	[bflag:$0x0] =	sbarrier.arrive $0xFFFF  }
0x23: {  	[tilespmem:s19], [sflag:$0x1] =	stream.indirect.gather [spmem:s2], $0x80, s3, s18, $0xb8;
	[tilespmem:$0x1C280] =	vst v63  }
0x24: {  	_ =	swait.ge [sflag:s8], $0x4000  }
0x25: {  	s31 =	simm.s32 $0x1;
	s23 =	simm.s32 $0x100;
	[sflag:s8] =	ssyncset.done $0x0  }
0x26: {  	s25 =	simm.s32 $0x2;
	s24 =	sand.u32 $0x1, s31;
	[sflag:s8] =	ssyncadd.s32 $0xFFFFC000  }
0x27: {  	[hbm4b:s12+s3] =	stream.linear.scatter [tilespmem:s19], [sflag:$0x3], $0x4000, $0x38;
	[tilespmem:$0x1C280] =	vst v63  }
0x28: {  	p1 =	sne.s32 s4, $0x3;
	s30 =	sand.u32 $0x1, s25;
	s26 =	sadd.s32 $0x1, s24  }
0x29: {  	[tilespmem:s20], [sflag:$0x2] =	stream.indirect.gather [spmem:s2], $0x80, s18, s18, $0xb8;
	[tilespmem:$0x1C280] =	vst v63  }
0x2a: {  	s25 =	sadd.s32 $0x800, s13;
	s28 =	sshll.u32 s24, $0xE;
	_ =	swait.ge [sflag:s26], $0x4000  }
0x2b: {  	s24 =	sadd.s32 $0x3, s24;
	s29 =	sor.u32 $0xA00, s28;
	[sflag:s26] =	ssyncset.done $0x0  }
.Ltmp0:
0x2c: {  	s28 =	sadd.s32 $0x3, s30;
	[sflag:s26] =	ssyncadd.s32 $0xFFFFC000;
	(pc) =	sbr.rel @!p1 .LBB2_3-.Ltmp0, $4  }
0x2d: {  	[hbm4b:s13+s3] =	stream.linear.scatter [tilespmem:s29], [sflag:s24], $0x4000, $0x38;
	[tilespmem:$0x1C280] =	vst v63  }
0x2e: {  	s22 =	simm.s32 $0x3;
	s26 =	simm.s32 $0x180;
	_ =	swait.ge [sflag:s28], $0x4000  }
0x2f: {  	s29 =	sshll.u32 s30, $0xE;
	s24 =	sadd.s32 $0x800, s13;
	[sflag:s28] =	ssyncset.done $0x0  }
0x30: {  	s30 =	sadd.s32 $0x1, s30;
	s29 =	sor.u32 $0xA00, s29;
	[sflag:s28] =	ssyncadd.s32 $0xFFFFC000  }
.LBB2_2:
0x31: {  	[tilespmem:s29], [sflag:s30] =	stream.indirect.gather [spmem:s2], $0x80, s23, s18, $0xb8;
	[tilespmem:$0x1C280] =	vst v63  }
0x32: {  	s23 =	sadd.s32 $0xFFFFFFFF, s22;
	s28 =	smov.u32 s22;
	s22 =	sadd.s32 $0x1, s22  }
0x33: {  	s29 =	sand.u32 $0x1, s23;
	p1 =	sne.s32 s4, s22;
	s23 =	smov.u32 s26  }
0x34: {  	s30 =	sadd.s32 $0x1, s29;
	s31 =	sshll.u32 s29, $0xE  }
0x35: {  	s1 =	sand.u32 $0x1, s28;
	_ =	swait.ge [sflag:s30], $0x4000  }
0x36: {  	s29 =	sadd.s32 $0x3, s29;
	s31 =	sor.u32 $0xA00, s31;
	[sflag:s30] =	ssyncset.done $0x0  }
.Ltmp1:
0x37: {  	s28 =	sadd.s32 $0x3, s1;
	[sflag:s30] =	ssyncadd.s32 $0xFFFFC000;
	(pc) =	sbr.rel @p1 .LBB2_2-.Ltmp1, $4  }
0x38: {  	[hbm4b:s25+s3] =	stream.linear.scatter [tilespmem:s31], [sflag:s29], $0x4000, $0x38;
	[tilespmem:$0x1C280] =	vst v63  }
0x39: {  	s29 =	sshll.u32 s1, $0xE;
	s25 =	sadd.s32 $0x800, s25;
	_ =	swait.ge [sflag:s28], $0x4000  }
0x3a: {  	s24 =	sadd.s32 $0x800, s24;
	s26 =	sadd.s32 $0x80, s26;
	[sflag:s28] =	ssyncset.done $0x0  }
0x3b: {  	s30 =	sadd.s32 $0x1, s1;
	s29 =	sor.u32 $0xA00, s29;
	[sflag:s28] =	ssyncadd.s32 $0xFFFFC000  }
.LBB2_3:
0x3c: {  	[tilespmem:s29], [sflag:s30] =	stream.indirect.gather [spmem:s2], $0x80, s23, s18, $0xb8;
	[tilespmem:$0x1C280] =	vst v63  }
0x3d: {  	_ =	swait.ge [sflag:s30], $0x4000  }
0x3e: {  	[sflag:s30] =	ssyncset.done $0x0  }
0x3f: {  	s21 =	sadd.s32 $0x1, s21;
	[sflag:s30] =	ssyncadd.s32 $0xFFFFC000  }
0x40: {  	[hbm4b:s24+s3] =	stream.linear.scatter [tilespmem:s29], [sflag:s28], $0x4000, $0x38;
	[tilespmem:$0x1C280] =	vst v63  }
0x41: {  	p1 =	sne.s32 s21, s11;
	_ =	swait.ge [sflag:s9], $0x4000  }
.Ltmp2:
0x42: {  	[sflag:s9] =	ssyncset.done $0x0;
	(pc) =	sbr.rel @p1 .LBB2_1-.Ltmp2, $4  }
0x43: {  	[sflag:s9] =	ssyncadd.s32 $0xFFFFC000  }
0x44: {  	_ =	swait.ge [sflag:s10], $0x4000  }
0x45: {  	[sflag:s10] =	ssyncset.done $0x0  }
0x46: {  	[sflag:s10] =	ssyncadd.s32 $0xFFFFC000  }
0x47: {  	_ =	sfence.sel $0x180000  }
0x48: {  	[bflag:$0x0] =	sbarrier.arrive $0xFFFF  }
0x49: {  	_ =	strace $0x90000047  }
0x4a: {  	[bflag:$0x2] =	sbarrier.arrive $0xFFFF  }
0x4b: {  	p0 =	sne.s32 s0, $0x0;
	s0 =	rddreg [dreg:$0x3]  }
0x4c: {  	s0 =	sadd.s32 @!p0 $0x100000, s0  }
0x4d: {  	[sflag:s0] =	ssyncadd.tile.s32 @!p0 $0x1;
	_ =	shalt  }
.Lfunc_end2:
_tile_overlayer_lowered:
.L_overlay_start_2:
0x4e: {  	(tag) =	ssettag $0x2  }
0x4f: {  	s0 =	rddreg [dreg:$0x0];
	s2 =	stileid.u32  }
0x50: {  	s1 =	rddreg [dreg:$0x1];
	p0 =	sne.s32 s2, $0x0  }
0x51: {  	s3 =	rddreg [dreg:$0x2];
	[bflag:$0x3] =	sbarrier.arrive $0xFFFF;
	s2 =	simm.s32 @!p0 $0x1C05  }
0x52: {  	[timem:s3], [sflag:s2] =	dma.local @!p0 [hbm:s0], s1  }
0x53: {  	s0 =	simm.s32 @!p0 $0x5  }
0x54: {  	_ =	swait.ge @!p0 [sflag:s0], s1  }
0x55: {  	s1 =	ssub.s32 @!p0 $0x0, s1;
	[sflag:s0] =	ssyncset.done @!p0 $0x0  }
0x56: {  	[sflag:s0] =	ssyncadd.s32 @!p0 s1  }
0x57: {  	[bflag:$0x3] =	sbarrier.arrive $0xFFFF  }
0x58: {  	_ =	shalt  }

// kernel: kernel.27.cloned.1.call-start
scs
__scs_entry_jumppad:
0x0: {  	(pc) =	sbr.rel $0x88, $3  }
0x1: {  	(tag) =	ssettag $0x0;
	lr =	simm.s32 $0x1  }
0x2: {  	[smem:$0x3F95] =	sst lr;
	_ =	strace $0xD0000000  }
0x3: {  	_ = 	snop  }
0x4: {  	_ = 	snop  }
0x5: {  	_ = 	snop  }
0x6: {  	_ = 	snop  }
0x7: {  	_ = 	snop  }
__scs_overlays_trampoline_lowered:
0x8: {  	[smem:$0x3FA4] =	sst s0  }
0x9: {  	[smem:$0x3FA5] =	sst s1  }
0xa: {  	[smem:$0x3FA6] =	sst s2  }
0xb: {  	[smem:$0x3FA7] =	sst s3  }
0xc: {  	[smem:$0x3FA8] =	sst s4  }
0xd: {  	[smem:$0x3FA9] =	sst s5  }
0xe: {  	[smem:$0x3FAA] =	sst s6  }
0xf: {  	[smem:$0x3FAB] =	sst s7  }
0x10: {  	[smem:$0x3FAC] =	sst s8  }
0x11: {  	[smem:$0x3FAD] =	sst s9;
	s0 =	simm.s32 @!p0 $0x0  }
0x12: {  	s1 =	sld [smem:$0x3F93];
	s0 =	simm.s32 @p0 $0x1  }
0x13: {  	[smem:$0x3FAE] =	sst s0;
	s0 =	simm.s32 @!p1 $0x0  }
0x14: {  	s2 =	sld [smem:$0x3F92];
	s0 =	simm.s32 @p1 $0x1  }
0x15: {  	[smem:$0x3FAF] =	sst s0;
	s0 =	simm.s32 @!p2 $0x0  }
0x16: {  	s3 =	sld [smem:$0x3FDB];
	s0 =	simm.s32 @p2 $0x1  }
0x17: {  	s4 =	simm.s32 $0x1BF5;
	[smem:$0x3FB1] =	sst s0  }
0x18: {  	s0 =	sld [smem:$0x3F94];
	_ =	swait.ge [sflag:s4], $0x0  }
0x19: {  	s7 =	sld [smem:$0x3F95]  }
0x1a: {  	s8 =	sadd.s32 $0xFFFFE003, lr  }
0x1b: {  	s9 =	sadd.s32 $0xFFFFFEF7, lr;
	s5 =	simm.s32 $0xFFFFFFFF;
	p2 =	slt.u32 s8, $0xFFFFF086  }
0x1c: {  	p1 =	slt.u32 s9, $0xF7A;
	s5 =	simm.s32 @!p2 $0x0  }
0x1d: {  	s5 =	simm.s32 @p1 $0x1;
	p0 =	seq.s32 s7, s2  }
0x1e: {  	s7 =	smul.u32 @!p0 $0xF7A, s2;
	p2 =	seq.s32 @!p0 s5, $0x0  }
0x1f: {  	s9 =	smul.u32 $0xF7A, s1;
	s8 =	simm.s32 @!p0 $0x1BF5;
	p2 =	por !p2, p0  }
0x20: {  	[sflag:s8] =	ssyncset.s32 @!p0 $0xFFFFF086;
	s6 =	sadd.s32 @!p0 s3, s7;
	s7 =	simm.s32 @!p0 $0x108  }
0x21: {  	s3 =	sadd.s32 s3, s9;
	s6 =	sadd.s32 @!p0 $0x88, s6;
	s7 =	simm.s32 @p2 $0x1082  }
0x22: {  	[simem:s7], [sflag:s8] =	dma.local @!p0 [hbm:s6], $0xF7A  }
0x23: {  	s9 =	sor.u32 $0xD0000000, s2;
	s6 =	simm.s32 $0x108;
	_ =	swait.ge @!p0 [sflag:s8], $0x0  }
0x24: {  	s3 =	sadd.s32 $0x88, s3;
	s6 =	simm.s32 @!p1 $0x1082;
	[sflag:s4] =	ssyncset.s32 $0xFFFFF086  }
0x25: {  	[simem:s6], [sflag:s4] =	dma.local [hbm:s3], $0xF7A  }
0x26: {  	[smem:$0x3F95] =	sst s1;
	(tag) =	ssettag s2;
	_ =	strace s9  }
0x27: {  	s1 =	sld [smem:$0x3FA5]  }
0x28: {  	s2 =	sld [smem:$0x3FA6]  }
0x29: {  	s4 =	sld [smem:$0x3FA8]  }
0x2a: {  	p0 =	seq.s32 s5, $0x0;
	s5 =	sld [smem:$0x3FA9]  }
0x2b: {  	s6 =	sld [smem:$0x3FAA]  }
0x2c: {  	s7 =	sld [smem:$0x3FAB]  }
0x2d: {  	s3 =	simm.s32 $0x108;
	s8 =	sld [smem:$0x3FAC]  }
0x2e: {  	s3 =	simm.s32 @!p0 $0x1082;
	s9 =	sld [smem:$0x3FAD]  }
0x2f: {  	lr =	sadd.s32 s0, s3;
	s0 =	sld [smem:$0x3FA4]  }
0x30: {  	s3 =	sld [smem:$0x3FA7]  }
0x31: {  	[smem:$0x3FB0] =	sst s10  }
0x32: {  	s10 =	sld [smem:$0x3FAE];
	_ =	sdelay $0x3  }
0x33: {  	p0 =	seq.s32 s10, $0x1;
	s10 =	sld [smem:$0x3FB0];
	_ =	sdelay $0x3  }
0x34: {  	[smem:$0x3FB0] =	sst s10  }
0x35: {  	s10 =	sld [smem:$0x3FAF];
	_ =	sdelay $0x3  }
0x36: {  	p1 =	seq.s32 s10, $0x1;
	s10 =	sld [smem:$0x3FB0];
	_ =	sdelay $0x3  }
0x37: {  	[smem:$0x3FB0] =	sst s10  }
0x38: {  	s10 =	sld [smem:$0x3FB1]  }
0x39: {  	_ = 	snop;
	(pc) =	sbr.ind lr, $3  }
0x3a: {  	_ = 	snop  }
0x3b: {  	_ = 	snop  }
0x3c: {  	p2 =	seq.s32 s10, $0x1;
	s10 =	sld [smem:$0x3FB0]  }
0x3d: {  	_ =	shalt  }
0x3e: {  	_ =	shalt  }
0x3f: {  	_ =	shalt  }
0x40: {  	_ =	shalt  }
0x41: {  	_ =	shalt  }
0x42: {  	_ =	shalt  }
0x43: {  	_ =	shalt  }
0x44: {  	_ =	shalt  }
0x45: {  	_ =	shalt  }
0x46: {  	_ =	shalt  }
0x47: {  	_ =	shalt  }
0x48: {  	_ =	shalt  }
0x49: {  	_ =	shalt  }
0x4a: {  	_ =	shalt  }
0x4b: {  	_ =	shalt  }
0x4c: {  	_ =	shalt  }
0x4d: {  	_ =	shalt  }
0x4e: {  	_ =	shalt  }
0x4f: {  	_ =	shalt  }
0x50: {  	_ =	shalt  }
0x51: {  	_ =	shalt  }
0x52: {  	_ =	shalt  }
0x53: {  	_ =	shalt  }
0x54: {  	_ =	shalt  }
0x55: {  	_ =	shalt  }
0x56: {  	_ =	shalt  }
0x57: {  	_ =	shalt  }
0x58: {  	_ =	shalt  }
0x59: {  	_ =	shalt  }
0x5a: {  	_ =	shalt  }
0x5b: {  	_ =	shalt  }
0x5c: {  	_ =	shalt  }
0x5d: {  	_ =	shalt  }
0x5e: {  	_ =	shalt  }
0x5f: {  	_ =	shalt  }
0x60: {  	_ =	shalt  }
0x61: {  	_ =	shalt  }
0x62: {  	_ =	shalt  }
0x63: {  	_ =	shalt  }
0x64: {  	_ =	shalt  }
0x65: {  	_ =	shalt  }
0x66: {  	_ =	shalt  }
0x67: {  	_ =	shalt  }
0x68: {  	_ =	shalt  }
0x69: {  	_ =	shalt  }
0x6a: {  	_ =	shalt  }
0x6b: {  	_ =	shalt  }
0x6c: {  	_ =	shalt  }
0x6d: {  	_ =	shalt  }
0x6e: {  	_ =	shalt  }
0x6f: {  	_ =	shalt  }
0x70: {  	_ =	shalt  }
0x71: {  	_ =	shalt  }
0x72: {  	_ =	shalt  }
0x73: {  	_ =	shalt  }
0x74: {  	_ =	shalt  }
0x75: {  	_ =	shalt  }
0x76: {  	_ =	shalt  }
0x77: {  	_ =	shalt  }
0x78: {  	_ =	shalt  }
0x79: {  	_ =	shalt  }
0x7a: {  	_ =	shalt  }
0x7b: {  	_ =	shalt  }
0x7c: {  	_ =	shalt  }
0x7d: {  	_ =	shalt  }
0x7e: {  	_ =	shalt  }
0x7f: {  	_ =	shalt  }
0x80: {  	_ =	shalt  }
0x81: {  	_ =	shalt  }
0x82: {  	_ =	shalt  }
0x83: {  	_ =	shalt  }
0x84: {  	_ =	shalt  }
0x85: {  	_ =	shalt  }
0x86: {  	_ =	shalt  }
0x87: {  	_ =	shalt  }
.Lfunc_end0:
.L_simem_size_0:
called_computation.4_lowered:
.L_overlay_start_0:
0x88: {  	s2 =	sld [smem:$0x3FD9]  }
0x89: {  	s3 =	sld [smem:$0x3FFE];
	_ =	sdelay $0x1  }
0x8a: {  	s1 =	srdreg.scid  }
0x8b: {  	s0 =	sand.u32 $0x1, s1  }
0x8c: {  	s17 =	sshll.u32 s0, $0xA;
	s2 =	sadd.s32 s3, s2  }
0x8d: {  	s2 =	sadd.s32 s2, s17  }
0x8e: {  	[smem:$0x3FBC] =	sst s2  }
0x8f: {  	_ = 	snop  }
0x90: {  	(tm) =	ssettm $0x1  }
0x91: {  	s18 =	sld [smem:$0x3FFB];
	_ =	sdelay $0x3  }
0x92: {  	_ =	strace s18  }
0x93: {  	s2 =	sld [smem:$0x3FFC];
	_ =	sdelay $0x3  }
0x94: {  	_ =	strace s2  }
0x95: {  	s2 =	sld [smem:$0x3FFD];
	_ =	sdelay $0x3  }
0x96: {  	_ =	strace s2  }
0x97: {  	_ =	strace $0x8FFFFFFF  }
0x98: {  	s19 =	sld [smem:$0x3FDB];
	_ =	sdelay $0x1  }
0x99: {  	s20 =	simm.s32 $_scs_section_size  }
0x9a: {  	s4 =	simm.s32 $_size__tile_overlayer_lowered;
	s5 =	simm.s32 $_tile_overlayer_lowered  }
0x9b: {  	s6 =	simm.s32 $0x1BFF;
	s21 =	sshll.u32 s5, $0x1;
	s3 =	sadd.s32 s20, s19  }
0x9c: {  	s22 =	simm.s32 $0x0;
	s4 =	sshll.u32 s4, $0x1;
	s5 =	sadd.s32 s21, s3  }
0x9d: {  	[timem:s22], [sflag:s6] =	dma.local [hbm:s5], s4  }
0x9e: {  	_ =	swait.ge [sflag:s6], s4  }
0x9f: {  	s4 =	ssub.s32 $0x0, s4;
	[sflag:s6] =	ssyncset.done $0x0  }
0xa0: {  	[sflag:s6] =	ssyncadd.s32 s4;
	_ =	sdelay $0x1  }
0xa1: {  	s23 =	simm.s32 $0x1B8B  }
0xa2: {  	_ =	swait.ge [sflag:s23], $0x1  }
0xa3: {  	[sflag:s23] =	ssyncset.done $0x0  }
0xa4: {  	[sflag:s23] =	ssyncadd.s32 $0xFFFFFFFF  }
0xa5: {  	s4 =	sld [smem:$0x0]  }
0xa6: {  	s5 =	sand.u32 $0xFFFFFFFE, s1  }
0xa7: {  	p0 =	sne.s32 s1, s5  }
0xa8: {  	s5 =	sshll.u32 @p0 s5, $0xE  }
0xa9: {  	s5 =	sadd.s32 @p0 $0x11B8D, s5;
	s6 =	sshll.u32 @p0 s4, $0x11  }
0xaa: {  	s5 =	sor.u32 @p0 s6, s5  }
0xab: {  	[sflag:s5] =	ssyncadd.remote.s32 @p0 $0x1;
	_ =	sdelay $0x1  }
0xac: {  	s5 =	simm.s32 @p0 $0x1B8D  }
0xad: {  	_ =	swait.eq @p0 [sflag:s5], $0x1  }
0xae: {  	[sflag:s5] =	ssyncadd.s32 @p0 $0xFFFFFFFF  }
0xaf: {  	s6 =	sshll.u32 @!p0 s1, $0xE  }
0xb0: {  	s6 =	sor.u32 @!p0 $0x4000, s6;
	s5 =	simm.s32 @!p0 $0x1B8D  }
0xb1: {  	s4 =	sshll.u32 @!p0 s4, $0x11;
	s6 =	sadd.s32 @!p0 $0x11B8D, s6;
	_ =	swait.eq @!p0 [sflag:s5], $0x1  }
0xb2: {  	s4 =	sor.u32 @!p0 s4, s6;
	[sflag:s5] =	ssyncadd.s32 @!p0 $0xFFFFFFFF  }
0xb3: {  	s25 =	simm.s32 $0x1B8E;
	s24 =	sld [smem:$0x3FFE];
	[sflag:s4] =	ssyncadd.remote.s32 @!p0 $0x1  }
0xb4: {  	s26 =	simm.s32 $execute0_lowered;
	[smem:$0x3FD2] =	sst s25  }
0xb5: {  	s5 =	sshll.u32 s26, $0x1;
	_ =	strace $0x80000055;
	[dreg:$0x1] =	wrdreg $0xFFFFFFFF  }
0xb6: {  	s28 =	simm.s32 $_size_execute0_lowered;
	s3 =	sadd.s32 s3, s5;
	[dreg:$0x0] =	wrdreg $0x0  }
0xb7: {  	s5 =	sshll.u32 s28, $0x1;
	[dreg:$0x2] =	wrdreg s3  }
0xb8: {  	[dreg:$0x3] =	wrdreg s5  }
0xb9: {  	[dreg:$0x4] =	wrdreg $0xC0  }
0xba: {  	_ =	task [dreg:s22], $0x5FFFF  }
0xbb: {  	[dreg:$0x1] =	wrdreg $0xFFFFFFFF  }
0xbc: {  	[dreg:$0x0] =	wrdreg $0x60  }
0xbd: {  	[dreg:$0x2] =	wrdreg s24  }
0xbe: {  	[dreg:$0x3] =	wrdreg $0x94000  }
0xbf: {  	[dreg:$0x4] =	wrdreg $0x9  }
0xc0: {  	_ =	task.clear_ibuf [dreg:s22], $0x5FFFF;
	_ =	strace $0x90000055  }
0xc1: {  	s29 =	simm.s32 $0x9;
	_ =	strace $0x80000057  }
0xc2: {  	_ =	swait.ge [sflag:s29], $0x1  }
0xc3: {  	[sflag:s29] =	ssyncadd.s32 $0xFFFFFFFF  }
0xc4: {  	_ =	strace $0x90000057  }
0xc5: {  	_ =	sfence  }
0xc6: {  	s30 =	sld [smem:$0x0];
	_ =	sdelay $0x2  }
0xc7: {  	s31 =	sshll.u32 s1, $0xD;
	s1 =	sshrl.u32 s1, $0x2  }
0xc8: {  	s4 =	sand.u32 $0x4000, s31;
	s1 =	sadd.s32 s1, s30  }
0xc9: {  	s0 =	sor.u32 s4, s0;
	s1 =	sshll.u32 s1, $0x11  }
0xca: {  	s0 =	sor.u32 s1, s0  }
0xcb: {  	s0 =	sadd.s32 $0x8F2B, s0  }
0xcc: {  	[sflag:s0] =	ssyncadd.remote.s32 $0x1  }
0xcd: {  	_ =	sfence.sel $0xFFFF  }
0xce: {  	[dreg:$0x0] =	wrdreg $0xFFFFFFFF;
	(pc) =	sbr.abs _section_cstart, $3  }
0xcf: {  	[dreg:$0x1] =	wrdreg $0xFFFFFFFF  }
0xd0: {  	_ =	task.clear_ibuf [dreg:s22], $0x2FFFF;
	_ =	strace $0x9FFFFFFF  }
0xd1: {  	(tm) =	ssettm $0x7FFFFFFF  }
tec
execute0_lowered:
.L_overlay_start_1:
0x0: {  	(tag) =	ssettag $0x1  }
0x1: {  	s0 =	rddreg [dreg:$0x0];
	s1 =	srdreg.scid  }
0x2: {  	s17 =	stileid.u32;
	s2 =	rddreg [dreg:$0x1]  }
0x3: {  	s3 =	simm.s32 $0x0;
	s28 =	simm.s32 $0x1400;
	s29 =	simm.s32 $0x5400  }
0x4: {  	s30 =	simm.s32 $0x80;
	s31 =	simm.s32 $0x0;
	s1 =	sand.u32 $0x1, s1  }
0x5: {  	s4 =	sshll.u32 s17, $0x1;
	s7 =	smul.u32 $0x13800, s17;
	s8 =	sadd.s32 $0x1C4600, s0  }
0x6: {  	[smem:$0x7FF] =	sst s3;
	s9 =	sadd.s32 $0x633A00, s0;
	s18 =	smul.u32 $0x4E000, s17  }
0x7: {  	s15 =	sadd.s32 $0x2FCE00, s0;
	s22 =	sadd.s32 $0x138000, s2;
	s25 =	smul.u32 $0x98000, s17  }
0x8: {  	s4 =	sor.u32 s1, s4;
	_ =	strace $0x80000056;
	s24 =	smul.u32 $0x138800, s1  }
0x9: {  	s12 =	ssub.s32 $0x2, s1;
	[dreg:$0x7] =	wrdreg s22;
	s1 =	smul.u32 $0x4C000, s1  }
0xa: {  	s5 =	smul.u32 $0x13, s4;
	s6 =	smin.u32 s4, $0x11;
	s11 =	sshrl.u32 s7, $0x3  }
0xb: {  	s13 =	sshrl.u32 s12, $0x1;
	p1 =	sgt.u32 s4, $0x10;
	p0 =	slt.u32 s4, $0x11  }
0xc: {  	s4 =	simm.s32 $0x12;
	s11 =	sadd.s32 s11, s0;
	s16 =	ssub.s32 s12, s13  }
0xd: {  	s4 =	simm.s32 @!p0 $0x11;
	s12 =	sshrl.u32 s18, $0x2;
	s7 =	sadd.s32 s7, s24  }
0xe: {  	s18 =	sshrl.u32 s24, $0x3;
	s5 =	sadd.s32 s6, s5;
	s20 =	sadd.s32 s12, s2  }
0xf: {  	s21 =	sadd.s32 $0x14F200, s11;
	s7 =	sshrl.u32 s7, $0x3;
	[dreg:$0x5] =	wrdreg s20  }
0x10: {  	s22 =	smax.u32 s16, $0x1;
	s10 =	sshll.u32 s5, $0x4;
	[dreg:$0x6] =	wrdreg s21  }
0x11: {  	s23 =	sshll.u32 s5, $0xB;
	s20 =	sadd.s32 s15, s7;
	[dreg:$0xd] =	wrdreg s22  }
0x12: {  	s10 =	sadd.s32 s10, s0;
	s0 =	sadd.s32 $0x176200, s0;
	[dreg:$0xb] =	wrdreg s20  }
0x13: {  	s1 =	sadd.s32 s1, s25;
	s5 =	sadd.s32 s8, s23;
	[dreg:$0x8] =	wrdreg s0  }
0x14: {  	s12 =	simm.s32 $0x1;
	s26 =	sadd.s32 s9, s23;
	[dreg:$0x9] =	wrdreg s5  }
0x15: {  	s19 =	sadd.s32 $0xA400, s10;
	s10 =	sadd.s32 $0xCB10, s10;
	[dreg:$0xa] =	wrdreg s26  }
0x16: {  	s5 =	simm.s32 $0x1;
	s0 =	sadd.s32 $0x800, s23;
	[dreg:$0x3] =	wrdreg s19  }
0x17: {  	[dreg:$0x4] =	wrdreg s10;
	s5 =	simm.s32 @!p1 $0x0;
	s10 =	simm.s32 $0x1  }
0x18: {  	s19 =	sshll.u32 s6, $0xE;
	s24 =	sadd.s32 s8, s0;
	s20 =	sadd.s32 s9, s0  }
0x19: {  	s13 =	sadd.s32 $0x3, s5;
	s10 =	simm.s32 @!p0 $0x0;
	s1 =	sadd.s32 s19, s1  }
0x1a: {  	[dreg:$0xe] =	wrdreg s24;
	p0 =	sne.s32 s17, $0xF;
	s14 =	sadd.s32 $0x3, s10  }
0x1b: {  	s10 =	sadd.s32 s15, s18;
	s23 =	sadd.s32 $0xC000, s1;
	s1 =	sadd.s32 $0x8000, s1  }
0x1c: {  	s21 =	sadd.s32 $0x27000, s10;
	s5 =	sshrl.u32 s23, $0x3;
	s1 =	sshrl.u32 s1, $0x3  }
0x1d: {  	[dreg:$0xc] =	wrdreg s21;
	s25 =	sadd.s32 s5, s8;
	s22 =	sadd.s32 s1, s8  }
0x1e: {  	s26 =	sadd.s32 s5, s9;
	s24 =	sadd.s32 s1, s9;
	s21 =	ssub.s32 $0x800, s25  }
0x1f: {  	s10 =	ssub.s32 $0x800, s26;
	s25 =	simm.s32 $0x5;
	s26 =	simm.s32 $0xA00  }
.LBB2_1:
0x20: {  	s0 =	rddreg [dreg:$0x3]  }
0x21: {  	[tilespmem:s3], [sflag:$0x5] =	stream.linear.gather [hbm4b:s0+s3], $0xA00, $0x38;
	[tilespmem:$0x1CC80] =	vst v63  }
0x22: {  	_ =	swait.ge [sflag:s25], $0xA00  }
0x23: {  	[sflag:s25] =	ssyncset.done $0x0  }
0x24: {  	s15 =	stileid.u32;
	s11 =	rddreg [dreg:$0x4];
	[sflag:s25] =	ssyncadd.s32 $0xFFFFF600  }
0x25: {  	[tilespmem:s26], [sflag:$0x5] =	stream.linear.gather [hbm4b:s11+s3], $0xA00, $0x38;
	[tilespmem:$0x1CC80] =	vst v63  }
0x26: {  	s0 =	sshll.u32 s15, $0x6;
	_ =	swait.ge [sflag:s25], $0xA00  }
0x27: {  	s1 =	sor.u32 $0x1C05, s0;
	[sflag:s25] =	ssyncset.done $0x0;
	s16 =	rddreg [dreg:$0x5]  }
0x28: {  	s5 =	rddreg [dreg:$0x6];
	[sflag:s25] =	ssyncadd.s32 $0xFFFFF600;
	s0 =	sshrl.u32 s16, $0x3  }
0x29: {  	[spmem:s0], [sflag:s1] =	dma.local [hbm:s5], $0x2700  }
0x2a: {  	_ =	swait.ge [sflag:s25], $0x2700  }
0x2b: {  	[sflag:s25] =	ssyncset.done $0x0;
	s5 =	rddreg [dreg:$0x7]  }
0x2c: {  	s6 =	rddreg [dreg:$0x8];
	[sflag:s25] =	ssyncadd.s32 $0xFFFFD900;
	s5 =	sshrl.u32 @!p0 s5, $0x3  }
0x2d: {  	[spmem:s5], [sflag:s1] =	dma.local @!p0 [hbm:s6], $0x100  }
0x2e: {  	s6 =	simm.s32 @!p0 $0x5  }
0x2f: {  	_ =	swait.ge @!p0 [sflag:s6], $0x100  }
0x30: {  	[sflag:s6] =	ssyncset.done @!p0 $0x0  }
0x31: {  	[sflag:s6] =	ssyncadd.s32 @!p0 $0xFFFFFF00  }
0x32: {  	[bflag:$0x0] =	sbarrier.arrive $0xFFFF  }
0x33: {  	s17 =	rddreg [dreg:$0x9]  }
0x34: {  	[tilespmem:s28], [sflag:$0x1] =	stream.linear.gather [hbm4b:s17+s3], $0x4000, $0x38;
	[tilespmem:$0x1CC80] =	vst v63  }
0x35: {  	_ =	swait.ge [sflag:s12], $0x4000  }
0x36: {  	s6 =	simm.s32 $0x1;
	[sflag:s12] =	ssyncset.done $0x0  }
0x37: {  	s8 =	sand.u32 $0x1, s6;
	[sflag:s12] =	ssyncadd.s32 $0xFFFFC000  }
0x38: {  	[spmem:s2] =	stream.indirect.scatter.add.f32 [tilespmem:s28], [sflag:$0x3], $0x80, s3, s30, $0xb8;
	[tilespmem:$0x1CC80] =	vst v63  }
0x39: {  	s7 =	sadd.s32 $0x1, s8;
	s18 =	rddreg [dreg:$0xe]  }
0x3a: {  	[tilespmem:s29], [sflag:$0x2] =	stream.linear.gather [hbm4b:s18+s3], $0x4000, $0x38;
	[tilespmem:$0x1CC80] =	vst v63  }
0x3b: {  	p1 =	sne.s32 s4, $0x1;
	s11 =	simm.s32 $0x2;
	_ =	swait.ge [sflag:s7], $0x4000  }
0x3c: {  	s19 =	sand.u32 $0x1, s11;
	s9 =	sshll.u32 s8, $0xE;
	[sflag:s7] =	ssyncset.done $0x0  }
0x3d: {  	s8 =	sadd.s32 $0x3, s8;
	s23 =	sor.u32 $0x1400, s9;
	[sflag:s7] =	ssyncadd.s32 $0xFFFFC000  }
0x3e: {  	[spmem:s2] =	stream.indirect.scatter.add.f32 [tilespmem:s23], [sflag:s8], $0x80, s30, s30, $0xb8;
	[tilespmem:$0x1CC80] =	vst v63  }
.Ltmp0:
0x3f: {  	s16 =	sadd.s32 $0x3, s19;
	(pc) =	sbr.rel @!p1 .LBB2_3-.Ltmp0, $4  }
0x40: {  	s15 =	sadd.s32 $0x800, s22;
	s11 =	sshll.u32 s19, $0xE;
	_ =	swait.ge [sflag:s16], $0x4000  }
0x41: {  	s17 =	sor.u32 $0x1400, s11;
	s11 =	simm.s32 $0x80;
	[sflag:s16] =	ssyncset.done $0x0  }
0x42: {  	s9 =	smov.u32 s21;
	s18 =	sadd.s32 $0x1, s19;
	[sflag:s16] =	ssyncadd.s32 $0xFFFFC000  }
0x43: {  	[tilespmem:s17], [sflag:s18] =	stream.linear.gather [hbm4b:s22+s3], $0x4000, $0x38;
	[tilespmem:$0x1CC80] =	vst v63  }
.LBB2_2:
0x44: {  	s11 =	sadd.s32 $0x80, s11;
	s9 =	sadd.s32 $0xFFFFF800, s9  }
0x45: {  	s16 =	smov.u32 s6;
	s6 =	sadd.s32 $0x1, s6;
	s19 =	smov.u32 s15  }
0x46: {  	s8 =	sand.u32 $0x1, s6;
	p1 =	sne.s32 s4, s6  }
0x47: {  	s7 =	sadd.s32 $0x1, s8;
	s17 =	sshll.u32 s8, $0xE  }
0x48: {  	_ =	swait.ge [sflag:s7], $0x4000  }
0x49: {  	s16 =	sadd.s32 $0x2, s16;
	s8 =	sadd.s32 $0x3, s8;
	[sflag:s7] =	ssyncset.done $0x0  }
0x4a: {  	s18 =	sand.u32 $0x1, s16;
	s23 =	sor.u32 $0x1400, s17;
	[sflag:s7] =	ssyncadd.s32 $0xFFFFC000  }
0x4b: {  	[spmem:s2] =	stream.indirect.scatter.add.f32 [tilespmem:s23], [sflag:s8], $0x80, s11, s30, $0xb8;
	[tilespmem:$0x1CC80] =	vst v63  }
.Ltmp1:
0x4c: {  	s16 =	sadd.s32 $0x3, s18;
	s17 =	sshll.u32 s18, $0xE;
	(pc) =	sbr.rel @p1 .LBB2_2-.Ltmp1, $4  }
0x4d: {  	_ =	swait.ge [sflag:s16], $0x4000  }
0x4e: {  	s15 =	sadd.s32 $0x800, s15;
	[sflag:s16] =	ssyncset.done $0x0  }
0x4f: {  	s18 =	sadd.s32 $0x1, s18;
	s17 =	sor.u32 $0x1400, s17;
	[sflag:s16] =	ssyncadd.s32 $0xFFFFC000  }
0x50: {  	[tilespmem:s17], [sflag:s18] =	stream.linear.gather [hbm4b:s19+s3], $0x4000, $0x38;
	[tilespmem:$0x1CC80] =	vst v63  }
.LBB2_3:
0x51: {  	_ =	swait.ge [sflag:s18], $0x4000  }
0x52: {  	[sflag:s18] =	ssyncset.done $0x0  }
0x53: {  	s11 =	sadd.s32 $0x80, s11;
	p1 =	sge.u32 s6, s4;
	[sflag:s18] =	ssyncadd.s32 $0xFFFFC000  }
0x54: {  	[spmem:s2] =	stream.indirect.scatter.add.f32 [tilespmem:s17], [sflag:s16], $0x80, s11, s30, $0xb8;
	[tilespmem:$0x1CC80] =	vst v63  }
0x55: {  	_ =	swait.ge @!p1 [sflag:s8], $0x4000  }
0x56: {  	s6 =	sadd.s32 $0xFFFFF800, s9;
	[sflag:s8] =	ssyncset.done @!p1 $0x0  }
0x57: {  	s6 =	ssub.s32 @!p1 $0x0, s6;
	[sflag:s8] =	ssyncadd.s32 @!p1 $0xFFFFC000;
	s8 =	simm.s32 @!p1 $0x0  }
0x58: {  	[tilespmem:s23], [sflag:s7] =	stream.linear.gather @!p1 [hbm4b:s6+s8], $0x4000, $0x38;
	[tilespmem:$0x1CC80] =	vst v63  }
0x59: {  	_ =	swait.ge [sflag:s13], $0x4000  }
0x5a: {  	[sflag:s13] =	ssyncset.done $0x0  }
0x5b: {  	[sflag:s13] =	ssyncadd.s32 $0xFFFFC000  }
0x5c: {  	_ =	swait.ge [sflag:s14], $0x4000  }
0x5d: {  	[sflag:s14] =	ssyncset.done $0x0  }
0x5e: {  	s16 =	simm.s32 $0x0;
	s17 =	rddreg [dreg:$0xa];
	[sflag:s14] =	ssyncadd.s32 $0xFFFFC000  }
0x5f: {  	[tilespmem:s28], [sflag:$0x1] =	stream.linear.gather [hbm4b:s17+s16], $0x4000, $0x38;
	[tilespmem:$0x1CC80] =	vst v63  }
0x60: {  	_ =	swait.ge [sflag:s12], $0x4000  }
0x61: {  	s6 =	simm.s32 $0x1;
	[sflag:s12] =	ssyncset.done $0x0  }
0x62: {  	s18 =	sand.u32 $0x1, s6;
	[sflag:s12] =	ssyncadd.s32 $0xFFFFC000  }
0x63: {  	[spmem:s2] =	stream.indirect.scatter.add.f32 [tilespmem:s28], [sflag:$0x3], $0x80, s26, s30, $0xb8;
	[tilespmem:$0x1CC80] =	vst v63  }
0x64: {  	s15 =	simm.s32 $0x2;
	s8 =	sadd.s32 $0x1, s18  }
0x65: {  	[tilespmem:s29], [sflag:$0x2] =	stream.linear.gather [hbm4b:s20+s16], $0x4000, $0x38;
	[tilespmem:$0x1CC80] =	vst v63  }
0x66: {  	s15 =	sand.u32 $0x1, s15;
	s7 =	simm.s32 $0xA80;
	_ =	swait.ge [sflag:s8], $0x4000  }
0x67: {  	p1 =	sne.s32 s4, $0x1;
	s19 =	sshll.u32 s18, $0xE;
	[sflag:s8] =	ssyncset.done $0x0  }
0x68: {  	s9 =	sadd.s32 $0x3, s18;
	s11 =	sor.u32 $0x1400, s19;
	[sflag:s8] =	ssyncadd.s32 $0xFFFFC000  }
0x69: {  	[spmem:s2] =	stream.indirect.scatter.add.f32 [tilespmem:s11], [sflag:s9], $0x80, s7, s30, $0xb8;
	[tilespmem:$0x1CC80] =	vst v63  }
.Ltmp2:
0x6a: {  	s16 =	sadd.s32 $0x3, s15;
	(pc) =	sbr.rel @!p1 .LBB2_5-.Ltmp2, $4  }
0x6b: {  	s23 =	sshll.u32 s15, $0xE;
	_ =	swait.ge [sflag:s16], $0x4000  }
0x6c: {  	s18 =	sadd.s32 $0x1, s15;
	s17 =	sor.u32 $0x1400, s23;
	[sflag:s16] =	ssyncset.done $0x0  }
0x6d: {  	s23 =	smov.u32 s10;
	s15 =	sadd.s32 $0x800, s24;
	[sflag:s16] =	ssyncadd.s32 $0xFFFFC000  }
0x6e: {  	[tilespmem:s17], [sflag:s18] =	stream.linear.gather [hbm4b:s24+s3], $0x4000, $0x38;
	[tilespmem:$0x1CC80] =	vst v63  }
.LBB2_4:
0x6f: {  	s7 =	sadd.s32 $0x80, s7;
	s23 =	sadd.s32 $0xFFFFF800, s23  }
0x70: {  	s11 =	smov.u32 s6;
	s6 =	sadd.s32 $0x1, s6;
	s19 =	smov.u32 s15  }
0x71: {  	s9 =	sand.u32 $0x1, s6;
	p1 =	sne.s32 s4, s6  }
0x72: {  	s8 =	sadd.s32 $0x1, s9;
	s16 =	sshll.u32 s9, $0xE  }
0x73: {  	_ =	swait.ge [sflag:s8], $0x4000  }
0x74: {  	s17 =	sadd.s32 $0x2, s11;
	s9 =	sadd.s32 $0x3, s9;
	[sflag:s8] =	ssyncset.done $0x0  }
0x75: {  	s18 =	sand.u32 $0x1, s17;
	s11 =	sor.u32 $0x1400, s16;
	[sflag:s8] =	ssyncadd.s32 $0xFFFFC000  }
0x76: {  	[spmem:s2] =	stream.indirect.scatter.add.f32 [tilespmem:s11], [sflag:s9], $0x80, s7, s30, $0xb8;
	[tilespmem:$0x1CC80] =	vst v63  }
.Ltmp3:
0x77: {  	s16 =	sadd.s32 $0x3, s18;
	s17 =	sshll.u32 s18, $0xE;
	(pc) =	sbr.rel @p1 .LBB2_4-.Ltmp3, $4  }
0x78: {  	_ =	swait.ge [sflag:s16], $0x4000  }
0x79: {  	s15 =	sadd.s32 $0x800, s15;
	[sflag:s16] =	ssyncset.done $0x0  }
0x7a: {  	s18 =	sadd.s32 $0x1, s18;
	s17 =	sor.u32 $0x1400, s17;
	[sflag:s16] =	ssyncadd.s32 $0xFFFFC000  }
0x7b: {  	[tilespmem:s17], [sflag:s18] =	stream.linear.gather [hbm4b:s19+s3], $0x4000, $0x38;
	[tilespmem:$0x1CC80] =	vst v63  }
.LBB2_5:
0x7c: {  	_ =	swait.ge [sflag:s18], $0x4000  }
0x7d: {  	[sflag:s18] =	ssyncset.done $0x0  }
0x7e: {  	s7 =	sadd.s32 $0x80, s7;
	p1 =	sge.u32 s6, s4;
	[sflag:s18] =	ssyncadd.s32 $0xFFFFC000  }
0x7f: {  	[spmem:s2] =	stream.indirect.scatter.add.f32 [tilespmem:s17], [sflag:s16], $0x80, s7, s30, $0xb8;
	[tilespmem:$0x1CC80] =	vst v63  }
0x80: {  	_ =	swait.ge @!p1 [sflag:s9], $0x4000  }
0x81: {  	s6 =	sadd.s32 $0xFFFFF800, s23;
	[sflag:s9] =	ssyncset.done @!p1 $0x0  }
0x82: {  	s6 =	ssub.s32 @!p1 $0x0, s6;
	s7 =	simm.s32 @!p1 $0x0;
	[sflag:s9] =	ssyncadd.s32 @!p1 $0xFFFFC000  }
0x83: {  	[tilespmem:s11], [sflag:s8] =	stream.linear.gather @!p1 [hbm4b:s6+s7], $0x4000, $0x38;
	[tilespmem:$0x1CC80] =	vst v63  }
0x84: {  	_ =	swait.ge [sflag:s13], $0x4000  }
0x85: {  	[sflag:s13] =	ssyncset.done $0x0  }
0x86: {  	[sflag:s13] =	ssyncadd.s32 $0xFFFFC000  }
0x87: {  	_ =	swait.ge [sflag:s14], $0x4000  }
0x88: {  	[sflag:s14] =	ssyncset.done $0x0  }
0x89: {  	[sflag:s14] =	ssyncadd.s32 $0xFFFFC000  }
0x8a: {  	[bflag:$0x0] =	sbarrier.arrive $0xFFFF  }
0x8b: {  	s19 =	rddreg [dreg:$0xb]  }
0x8c: {  	[hbm:s19], [sflag:s1] =	dma.local [spmem:s0], $0x2700  }
0x8d: {  	_ =	swait.ge [sflag:s25], $0x2700  }
0x8e: {  	[sflag:s25] =	ssyncset.done $0x0  }
0x8f: {  	s0 =	rddreg [dreg:$0xc];
	[sflag:s25] =	ssyncadd.s32 $0xFFFFD900  }
0x90: {  	[hbm:s0], [sflag:s1] =	dma.local @!p0 [spmem:s5], $0x100  }
0x91: {  	s0 =	simm.s32 @!p0 $0x5  }
0x92: {  	_ =	swait.ge @!p0 [sflag:s0], $0x100  }
0x93: {  	s31 =	sadd.s32 $0x1, s31;
	s23 =	rddreg [dreg:$0xd]  }
0x94: {  	p1 =	sne.s32 s31, s23  }
.Ltmp4:
0x95: {  	_ = 	snop;
	(pc) =	sbr.rel @p1 .LBB2_1-.Ltmp4, $3  }
0x96: {  	_ =	sdelay $0x1  }
0x97: {  	[sflag:s0] =	ssyncset.done @!p0 $0x0  }
0x98: {  	[sflag:s0] =	ssyncadd.s32 @!p0 $0xFFFFFF00  }
0x99: {  	_ =	sfence.sel $0x180000  }
0x9a: {  	[bflag:$0x0] =	sbarrier.arrive $0xFFFF  }
0x9b: {  	_ =	strace $0x90000056  }
0x9c: {  	s0 =	stileid.u32;
	[bflag:$0x2] =	sbarrier.arrive $0xFFFF  }
0x9d: {  	p0 =	sne.s32 s0, $0x0;
	s0 =	rddreg [dreg:$0x2]  }
0x9e: {  	s0 =	sadd.s32 @!p0 $0x100000, s0  }
0x9f: {  	[sflag:s0] =	ssyncadd.tile.s32 @!p0 $0x1;
	_ =	shalt  }
.Lfunc_end2:
_tile_overlayer_lowered:
.L_overlay_start_2:
0xa0: {  	(tag) =	ssettag $0x2  }
0xa1: {  	s0 =	rddreg [dreg:$0x0];
	s2 =	stileid.u32  }
0xa2: {  	s1 =	rddreg [dreg:$0x1];
	p0 =	sne.s32 s2, $0x0  }
0xa3: {  	s3 =	rddreg [dreg:$0x2];
	[bflag:$0x3] =	sbarrier.arrive $0xFFFF;
	s2 =	simm.s32 @!p0 $0x1C05  }
0xa4: {  	[timem:s3], [sflag:s2] =	dma.local @!p0 [hbm:s0], s1  }
0xa5: {  	s0 =	simm.s32 @!p0 $0x5  }
0xa6: {  	_ =	swait.ge @!p0 [sflag:s0], s1  }
0xa7: {  	s1 =	ssub.s32 @!p0 $0x0, s1;
	[sflag:s0] =	ssyncset.done @!p0 $0x0  }
0xa8: {  	[sflag:s0] =	ssyncadd.s32 @!p0 s1  }
0xa9: {  	[bflag:$0x3] =	sbarrier.arrive $0xFFFF  }
0xaa: {  	_ =	shalt  }

// kernel: kernel.30.cloned.1.call-start
scs
__scs_entry_jumppad:
0x0: {  	(pc) =	sbr.rel $0x88, $3  }
0x1: {  	(tag) =	ssettag $0x0;
	lr =	simm.s32 $0x1  }
0x2: {  	[smem:$0x3F95] =	sst lr;
	_ =	strace $0xD0000000  }
0x3: {  	_ = 	snop  }
0x4: {  	_ = 	snop  }
0x5: {  	_ = 	snop  }
0x6: {  	_ = 	snop  }
0x7: {  	_ = 	snop  }
__scs_overlays_trampoline_lowered:
0x8: {  	[smem:$0x3FA4] =	sst s0  }
0x9: {  	[smem:$0x3FA5] =	sst s1  }
0xa: {  	[smem:$0x3FA6] =	sst s2  }
0xb: {  	[smem:$0x3FA7] =	sst s3  }
0xc: {  	[smem:$0x3FA8] =	sst s4  }
0xd: {  	[smem:$0x3FA9] =	sst s5  }
0xe: {  	[smem:$0x3FAA] =	sst s6  }
0xf: {  	[smem:$0x3FAB] =	sst s7  }
0x10: {  	[smem:$0x3FAC] =	sst s8  }
0x11: {  	[smem:$0x3FAD] =	sst s9;
	s0 =	simm.s32 @!p0 $0x0  }
0x12: {  	s1 =	sld [smem:$0x3F93];
	s0 =	simm.s32 @p0 $0x1  }
0x13: {  	[smem:$0x3FAE] =	sst s0;
	s0 =	simm.s32 @!p1 $0x0  }
0x14: {  	s2 =	sld [smem:$0x3F92];
	s0 =	simm.s32 @p1 $0x1  }
0x15: {  	[smem:$0x3FAF] =	sst s0;
	s0 =	simm.s32 @!p2 $0x0  }
0x16: {  	s3 =	sld [smem:$0x3FDB];
	s0 =	simm.s32 @p2 $0x1  }
0x17: {  	s4 =	simm.s32 $0x1BF5;
	[smem:$0x3FB1] =	sst s0  }
0x18: {  	s0 =	sld [smem:$0x3F94];
	_ =	swait.ge [sflag:s4], $0x0  }
0x19: {  	s7 =	sld [smem:$0x3F95]  }
0x1a: {  	s8 =	sadd.s32 $0xFFFFE003, lr  }
0x1b: {  	s9 =	sadd.s32 $0xFFFFFEF7, lr;
	s5 =	simm.s32 $0xFFFFFFFF;
	p2 =	slt.u32 s8, $0xFFFFF086  }
0x1c: {  	p1 =	slt.u32 s9, $0xF7A;
	s5 =	simm.s32 @!p2 $0x0  }
0x1d: {  	s5 =	simm.s32 @p1 $0x1;
	p0 =	seq.s32 s7, s2  }
0x1e: {  	s7 =	smul.u32 @!p0 $0xF7A, s2;
	p2 =	seq.s32 @!p0 s5, $0x0  }
0x1f: {  	s9 =	smul.u32 $0xF7A, s1;
	s8 =	simm.s32 @!p0 $0x1BF5;
	p2 =	por !p2, p0  }
0x20: {  	[sflag:s8] =	ssyncset.s32 @!p0 $0xFFFFF086;
	s6 =	sadd.s32 @!p0 s3, s7;
	s7 =	simm.s32 @!p0 $0x108  }
0x21: {  	s3 =	sadd.s32 s3, s9;
	s6 =	sadd.s32 @!p0 $0x88, s6;
	s7 =	simm.s32 @p2 $0x1082  }
0x22: {  	[simem:s7], [sflag:s8] =	dma.local @!p0 [hbm:s6], $0xF7A  }
0x23: {  	s9 =	sor.u32 $0xD0000000, s2;
	s6 =	simm.s32 $0x108;
	_ =	swait.ge @!p0 [sflag:s8], $0x0  }
0x24: {  	s3 =	sadd.s32 $0x88, s3;
	s6 =	simm.s32 @!p1 $0x1082;
	[sflag:s4] =	ssyncset.s32 $0xFFFFF086  }
0x25: {  	[simem:s6], [sflag:s4] =	dma.local [hbm:s3], $0xF7A  }
0x26: {  	[smem:$0x3F95] =	sst s1;
	(tag) =	ssettag s2;
	_ =	strace s9  }
0x27: {  	s1 =	sld [smem:$0x3FA5]  }
0x28: {  	s2 =	sld [smem:$0x3FA6]  }
0x29: {  	s4 =	sld [smem:$0x3FA8]  }
0x2a: {  	p0 =	seq.s32 s5, $0x0;
	s5 =	sld [smem:$0x3FA9]  }
0x2b: {  	s6 =	sld [smem:$0x3FAA]  }
0x2c: {  	s7 =	sld [smem:$0x3FAB]  }
0x2d: {  	s3 =	simm.s32 $0x108;
	s8 =	sld [smem:$0x3FAC]  }
0x2e: {  	s3 =	simm.s32 @!p0 $0x1082;
	s9 =	sld [smem:$0x3FAD]  }
0x2f: {  	lr =	sadd.s32 s0, s3;
	s0 =	sld [smem:$0x3FA4]  }
0x30: {  	s3 =	sld [smem:$0x3FA7]  }
0x31: {  	[smem:$0x3FB0] =	sst s10  }
0x32: {  	s10 =	sld [smem:$0x3FAE];
	_ =	sdelay $0x3  }
0x33: {  	p0 =	seq.s32 s10, $0x1;
	s10 =	sld [smem:$0x3FB0];
	_ =	sdelay $0x3  }
0x34: {  	[smem:$0x3FB0] =	sst s10  }
0x35: {  	s10 =	sld [smem:$0x3FAF];
	_ =	sdelay $0x3  }
0x36: {  	p1 =	seq.s32 s10, $0x1;
	s10 =	sld [smem:$0x3FB0];
	_ =	sdelay $0x3  }
0x37: {  	[smem:$0x3FB0] =	sst s10  }
0x38: {  	s10 =	sld [smem:$0x3FB1]  }
0x39: {  	_ = 	snop;
	(pc) =	sbr.ind lr, $3  }
0x3a: {  	_ = 	snop  }
0x3b: {  	_ = 	snop  }
0x3c: {  	p2 =	seq.s32 s10, $0x1;
	s10 =	sld [smem:$0x3FB0]  }
0x3d: {  	_ =	shalt  }
0x3e: {  	_ =	shalt  }
0x3f: {  	_ =	shalt  }
0x40: {  	_ =	shalt  }
0x41: {  	_ =	shalt  }
0x42: {  	_ =	shalt  }
0x43: {  	_ =	shalt  }
0x44: {  	_ =	shalt  }
0x45: {  	_ =	shalt  }
0x46: {  	_ =	shalt  }
0x47: {  	_ =	shalt  }
0x48: {  	_ =	shalt  }
0x49: {  	_ =	shalt  }
0x4a: {  	_ =	shalt  }
0x4b: {  	_ =	shalt  }
0x4c: {  	_ =	shalt  }
0x4d: {  	_ =	shalt  }
0x4e: {  	_ =	shalt  }
0x4f: {  	_ =	shalt  }
0x50: {  	_ =	shalt  }
0x51: {  	_ =	shalt  }
0x52: {  	_ =	shalt  }
0x53: {  	_ =	shalt  }
0x54: {  	_ =	shalt  }
0x55: {  	_ =	shalt  }
0x56: {  	_ =	shalt  }
0x57: {  	_ =	shalt  }
0x58: {  	_ =	shalt  }
0x59: {  	_ =	shalt  }
0x5a: {  	_ =	shalt  }
0x5b: {  	_ =	shalt  }
0x5c: {  	_ =	shalt  }
0x5d: {  	_ =	shalt  }
0x5e: {  	_ =	shalt  }
0x5f: {  	_ =	shalt  }
0x60: {  	_ =	shalt  }
0x61: {  	_ =	shalt  }
0x62: {  	_ =	shalt  }
0x63: {  	_ =	shalt  }
0x64: {  	_ =	shalt  }
0x65: {  	_ =	shalt  }
0x66: {  	_ =	shalt  }
0x67: {  	_ =	shalt  }
0x68: {  	_ =	shalt  }
0x69: {  	_ =	shalt  }
0x6a: {  	_ =	shalt  }
0x6b: {  	_ =	shalt  }
0x6c: {  	_ =	shalt  }
0x6d: {  	_ =	shalt  }
0x6e: {  	_ =	shalt  }
0x6f: {  	_ =	shalt  }
0x70: {  	_ =	shalt  }
0x71: {  	_ =	shalt  }
0x72: {  	_ =	shalt  }
0x73: {  	_ =	shalt  }
0x74: {  	_ =	shalt  }
0x75: {  	_ =	shalt  }
0x76: {  	_ =	shalt  }
0x77: {  	_ =	shalt  }
0x78: {  	_ =	shalt  }
0x79: {  	_ =	shalt  }
0x7a: {  	_ =	shalt  }
0x7b: {  	_ =	shalt  }
0x7c: {  	_ =	shalt  }
0x7d: {  	_ =	shalt  }
0x7e: {  	_ =	shalt  }
0x7f: {  	_ =	shalt  }
0x80: {  	_ =	shalt  }
0x81: {  	_ =	shalt  }
0x82: {  	_ =	shalt  }
0x83: {  	_ =	shalt  }
0x84: {  	_ =	shalt  }
0x85: {  	_ =	shalt  }
0x86: {  	_ =	shalt  }
0x87: {  	_ =	shalt  }
.Lfunc_end0:
.L_simem_size_0:
called_computation.5_lowered:
.L_overlay_start_0:
0x88: {  	s2 =	sld [smem:$0x3FD9]  }
0x89: {  	s3 =	sld [smem:$0x3FFE];
	_ =	sdelay $0x1  }
0x8a: {  	s1 =	srdreg.scid  }
0x8b: {  	s0 =	sand.u32 $0x1, s1  }
0x8c: {  	s17 =	sshll.u32 s0, $0xA;
	s2 =	sadd.s32 s3, s2  }
0x8d: {  	s2 =	sadd.s32 s2, s17  }
0x8e: {  	[smem:$0x3FBC] =	sst s2  }
0x8f: {  	_ = 	snop  }
0x90: {  	(tm) =	ssettm $0x1  }
0x91: {  	s18 =	sld [smem:$0x3FFB];
	_ =	sdelay $0x3  }
0x92: {  	_ =	strace s18  }
0x93: {  	s2 =	sld [smem:$0x3FFC];
	_ =	sdelay $0x3  }
0x94: {  	_ =	strace s2  }
0x95: {  	s2 =	sld [smem:$0x3FFD];
	_ =	sdelay $0x3  }
0x96: {  	_ =	strace s2  }
0x97: {  	_ =	strace $0x8FFFFFFF  }
0x98: {  	s19 =	sld [smem:$0x3FDB];
	_ =	sdelay $0x1  }
0x99: {  	s20 =	simm.s32 $_scs_section_size  }
0x9a: {  	s4 =	simm.s32 $_size__tile_overlayer_lowered;
	s5 =	simm.s32 $_tile_overlayer_lowered  }
0x9b: {  	s6 =	simm.s32 $0x1BFF;
	s21 =	sshll.u32 s5, $0x1;
	s3 =	sadd.s32 s20, s19  }
0x9c: {  	s22 =	simm.s32 $0x0;
	s4 =	sshll.u32 s4, $0x1;
	s5 =	sadd.s32 s21, s3  }
0x9d: {  	[timem:s22], [sflag:s6] =	dma.local [hbm:s5], s4  }
0x9e: {  	_ =	swait.ge [sflag:s6], s4  }
0x9f: {  	s4 =	ssub.s32 $0x0, s4;
	[sflag:s6] =	ssyncset.done $0x0  }
0xa0: {  	[sflag:s6] =	ssyncadd.s32 s4;
	_ =	sdelay $0x1  }
0xa1: {  	s23 =	simm.s32 $0x1B8B  }
0xa2: {  	_ =	swait.ge [sflag:s23], $0x1  }
0xa3: {  	[sflag:s23] =	ssyncset.done $0x0  }
0xa4: {  	[sflag:s23] =	ssyncadd.s32 $0xFFFFFFFF  }
0xa5: {  	s4 =	sld [smem:$0x0]  }
0xa6: {  	s5 =	sand.u32 $0xFFFFFFFE, s1  }
0xa7: {  	p0 =	sne.s32 s1, s5  }
0xa8: {  	s5 =	sshll.u32 @p0 s5, $0xE  }
0xa9: {  	s5 =	sadd.s32 @p0 $0x11B8D, s5;
	s6 =	sshll.u32 @p0 s4, $0x11  }
0xaa: {  	s5 =	sor.u32 @p0 s6, s5  }
0xab: {  	[sflag:s5] =	ssyncadd.remote.s32 @p0 $0x1;
	_ =	sdelay $0x1  }
0xac: {  	s5 =	simm.s32 @p0 $0x1B8D  }
0xad: {  	_ =	swait.eq @p0 [sflag:s5], $0x1  }
0xae: {  	[sflag:s5] =	ssyncadd.s32 @p0 $0xFFFFFFFF  }
0xaf: {  	s6 =	sshll.u32 @!p0 s1, $0xE  }
0xb0: {  	s6 =	sor.u32 @!p0 $0x4000, s6;
	s5 =	simm.s32 @!p0 $0x1B8D  }
0xb1: {  	s4 =	sshll.u32 @!p0 s4, $0x11;
	s6 =	sadd.s32 @!p0 $0x11B8D, s6;
	_ =	swait.eq @!p0 [sflag:s5], $0x1  }
0xb2: {  	s4 =	sor.u32 @!p0 s4, s6;
	[sflag:s5] =	ssyncadd.s32 @!p0 $0xFFFFFFFF  }
0xb3: {  	s25 =	simm.s32 $0x1B8E;
	s24 =	sld [smem:$0x3FFE];
	[sflag:s4] =	ssyncadd.remote.s32 @!p0 $0x1  }
0xb4: {  	s26 =	simm.s32 $execute0_lowered;
	[smem:$0x3FD2] =	sst s25  }
0xb5: {  	s5 =	sshll.u32 s26, $0x1;
	_ =	strace $0x80000052;
	[dreg:$0x1] =	wrdreg $0xFFFFFFFF  }
0xb6: {  	s28 =	simm.s32 $_size_execute0_lowered;
	s3 =	sadd.s32 s3, s5;
	[dreg:$0x0] =	wrdreg $0x0  }
0xb7: {  	s5 =	sshll.u32 s28, $0x1;
	[dreg:$0x2] =	wrdreg s3  }
0xb8: {  	[dreg:$0x3] =	wrdreg s5  }
0xb9: {  	[dreg:$0x4] =	wrdreg $0xC0  }
0xba: {  	_ =	task [dreg:s22], $0x5FFFF  }
0xbb: {  	[dreg:$0x1] =	wrdreg $0xFFFFFFFF  }
0xbc: {  	[dreg:$0x0] =	wrdreg $0x60  }
0xbd: {  	[dreg:$0x2] =	wrdreg s24  }
0xbe: {  	[dreg:$0x3] =	wrdreg $0x94000  }
0xbf: {  	[dreg:$0x4] =	wrdreg $0xB  }
0xc0: {  	_ =	task.clear_ibuf [dreg:s22], $0x5FFFF;
	_ =	strace $0x90000052  }
0xc1: {  	s29 =	simm.s32 $0xB;
	_ =	strace $0x80000054  }
0xc2: {  	_ =	swait.ge [sflag:s29], $0x1  }
0xc3: {  	[sflag:s29] =	ssyncadd.s32 $0xFFFFFFFF  }
0xc4: {  	_ =	strace $0x90000054  }
0xc5: {  	_ =	sfence  }
0xc6: {  	s30 =	sld [smem:$0x0];
	_ =	sdelay $0x2  }
0xc7: {  	s31 =	sshll.u32 s1, $0xD;
	s1 =	sshrl.u32 s1, $0x2  }
0xc8: {  	s4 =	sand.u32 $0x4000, s31;
	s1 =	sadd.s32 s1, s30  }
0xc9: {  	s0 =	sor.u32 s4, s0;
	s1 =	sshll.u32 s1, $0x11  }
0xca: {  	s0 =	sor.u32 s1, s0  }
0xcb: {  	s0 =	sadd.s32 $0x8F2B, s0  }
0xcc: {  	[sflag:s0] =	ssyncadd.remote.s32 $0x1  }
0xcd: {  	_ =	sfence.sel $0xFFFF  }
0xce: {  	[dreg:$0x0] =	wrdreg $0xFFFFFFFF;
	(pc) =	sbr.abs _section_cstart, $3  }
0xcf: {  	[dreg:$0x1] =	wrdreg $0xFFFFFFFF  }
0xd0: {  	_ =	task.clear_ibuf [dreg:s22], $0x2FFFF;
	_ =	strace $0x9FFFFFFF  }
0xd1: {  	(tm) =	ssettm $0x7FFFFFFF  }
tec
execute0_lowered:
.L_overlay_start_1:
0x0: {  	(tag) =	ssettag $0x1  }
0x1: {  	s0 =	rddreg [dreg:$0x0];
	s1 =	srdreg.scid  }
0x2: {  	s17 =	stileid.u32;
	s2 =	rddreg [dreg:$0x1]  }
0x3: {  	s3 =	simm.s32 $0x0;
	s28 =	simm.s32 $0x1400;
	s29 =	simm.s32 $0x5400  }
0x4: {  	s30 =	simm.s32 $0x80;
	s31 =	simm.s32 $0x0;
	s1 =	sand.u32 $0x1, s1  }
0x5: {  	s4 =	sshll.u32 s17, $0x1;
	[smem:$0x7FF] =	sst s3;
	s7 =	smul.u32 $0x13800, s17  }
0x6: {  	s8 =	sadd.s32 $0x16A00, s0;
	s9 =	sadd.s32 $0x4FB200, s0;
	s18 =	smul.u32 $0x4E000, s17  }
0x7: {  	s15 =	sadd.s32 $0x176400, s0;
	s22 =	sadd.s32 $0x138000, s2;
	s25 =	smul.u32 $0x98000, s17  }
0x8: {  	s4 =	sor.u32 s1, s4;
	_ =	strace $0x80000053;
	s24 =	smul.u32 $0x138800, s1  }
0x9: {  	s12 =	ssub.s32 $0x2, s1;
	[dreg:$0x7] =	wrdreg s22;
	s1 =	smul.u32 $0x4C000, s1  }
0xa: {  	s5 =	smul.u32 $0x13, s4;
	s6 =	smin.u32 s4, $0x11;
	s11 =	sshrl.u32 s7, $0x3  }
0xb: {  	s13 =	sshrl.u32 s12, $0x1;
	p1 =	sgt.u32 s4, $0x10;
	p0 =	slt.u32 s4, $0x11  }
0xc: {  	s4 =	simm.s32 $0x12;
	s11 =	sadd.s32 s11, s0;
	s16 =	ssub.s32 s12, s13  }
0xd: {  	s4 =	simm.s32 @!p0 $0x11;
	s12 =	sshrl.u32 s18, $0x2;
	s7 =	sadd.s32 s7, s24  }
0xe: {  	s18 =	sshrl.u32 s24, $0x3;
	s5 =	sadd.s32 s6, s5;
	s20 =	sadd.s32 s12, s2  }
0xf: {  	s21 =	sadd.s32 $0x14F200, s11;
	s7 =	sshrl.u32 s7, $0x3;
	[dreg:$0x5] =	wrdreg s20  }
0x10: {  	s22 =	smax.u32 s16, $0x1;
	s10 =	sshll.u32 s5, $0x4;
	[dreg:$0x6] =	wrdreg s21  }
0x11: {  	s23 =	sshll.u32 s5, $0xB;
	s20 =	sadd.s32 s15, s7;
	[dreg:$0xd] =	wrdreg s22  }
0x12: {  	s10 =	sadd.s32 s10, s0;
	s0 =	sadd.s32 $0x176200, s0;
	[dreg:$0xb] =	wrdreg s20  }
0x13: {  	s1 =	sadd.s32 s1, s25;
	s5 =	sadd.s32 s8, s23;
	[dreg:$0x8] =	wrdreg s0  }
0x14: {  	s12 =	simm.s32 $0x1;
	s26 =	sadd.s32 s9, s23;
	[dreg:$0x9] =	wrdreg s5  }
0x15: {  	s19 =	sadd.s32 $0x5400, s10;
	s10 =	sadd.s32 $0x7B10, s10;
	[dreg:$0xa] =	wrdreg s26  }
0x16: {  	s5 =	simm.s32 $0x1;
	s0 =	sadd.s32 $0x800, s23;
	[dreg:$0x3] =	wrdreg s19  }
0x17: {  	[dreg:$0x4] =	wrdreg s10;
	s5 =	simm.s32 @!p1 $0x0;
	s10 =	simm.s32 $0x1  }
0x18: {  	s19 =	sshll.u32 s6, $0xE;
	s24 =	sadd.s32 s8, s0;
	s20 =	sadd.s32 s9, s0  }
0x19: {  	s13 =	sadd.s32 $0x3, s5;
	s10 =	simm.s32 @!p0 $0x0;
	s1 =	sadd.s32 s19, s1  }
0x1a: {  	[dreg:$0xe] =	wrdreg s24;
	p0 =	sne.s32 s17, $0xF;
	s14 =	sadd.s32 $0x3, s10  }
0x1b: {  	s10 =	sadd.s32 s15, s18;
	s23 =	sadd.s32 $0xC000, s1;
	s1 =	sadd.s32 $0x8000, s1  }
0x1c: {  	s21 =	sadd.s32 $0x27000, s10;
	s5 =	sshrl.u32 s23, $0x3;
	s1 =	sshrl.u32 s1, $0x3  }
0x1d: {  	[dreg:$0xc] =	wrdreg s21;
	s25 =	sadd.s32 s5, s8;
	s22 =	sadd.s32 s1, s8  }
0x1e: {  	s26 =	sadd.s32 s5, s9;
	s24 =	sadd.s32 s1, s9;
	s21 =	ssub.s32 $0x800, s25  }
0x1f: {  	s10 =	ssub.s32 $0x800, s26;
	s25 =	simm.s32 $0x5;
	s26 =	simm.s32 $0xA00  }
.LBB2_1:
0x20: {  	s0 =	rddreg [dreg:$0x3]  }
0x21: {  	[tilespmem:s3], [sflag:$0x5] =	stream.linear.gather [hbm4b:s0+s3], $0xA00, $0x38;
	[tilespmem:$0x1CC80] =	vst v63  }
0x22: {  	_ =	swait.ge [sflag:s25], $0xA00  }
0x23: {  	[sflag:s25] =	ssyncset.done $0x0  }
0x24: {  	s15 =	stileid.u32;
	s11 =	rddreg [dreg:$0x4];
	[sflag:s25] =	ssyncadd.s32 $0xFFFFF600  }
0x25: {  	[tilespmem:s26], [sflag:$0x5] =	stream.linear.gather [hbm4b:s11+s3], $0xA00, $0x38;
	[tilespmem:$0x1CC80] =	vst v63  }
0x26: {  	s0 =	sshll.u32 s15, $0x6;
	_ =	swait.ge [sflag:s25], $0xA00  }
0x27: {  	s1 =	sor.u32 $0x1C05, s0;
	[sflag:s25] =	ssyncset.done $0x0;
	s16 =	rddreg [dreg:$0x5]  }
0x28: {  	s5 =	rddreg [dreg:$0x6];
	[sflag:s25] =	ssyncadd.s32 $0xFFFFF600;
	s0 =	sshrl.u32 s16, $0x3  }
0x29: {  	[spmem:s0], [sflag:s1] =	dma.local [hbm:s5], $0x2700  }
0x2a: {  	_ =	swait.ge [sflag:s25], $0x2700  }
0x2b: {  	[sflag:s25] =	ssyncset.done $0x0;
	s5 =	rddreg [dreg:$0x7]  }
0x2c: {  	s6 =	rddreg [dreg:$0x8];
	[sflag:s25] =	ssyncadd.s32 $0xFFFFD900;
	s5 =	sshrl.u32 @!p0 s5, $0x3  }
0x2d: {  	[spmem:s5], [sflag:s1] =	dma.local @!p0 [hbm:s6], $0x100  }
0x2e: {  	s6 =	simm.s32 @!p0 $0x5  }
0x2f: {  	_ =	swait.ge @!p0 [sflag:s6], $0x100  }
0x30: {  	[sflag:s6] =	ssyncset.done @!p0 $0x0  }
0x31: {  	[sflag:s6] =	ssyncadd.s32 @!p0 $0xFFFFFF00  }
0x32: {  	[bflag:$0x0] =	sbarrier.arrive $0xFFFF  }
0x33: {  	s17 =	rddreg [dreg:$0x9]  }
0x34: {  	[tilespmem:s28], [sflag:$0x1] =	stream.linear.gather [hbm4b:s17+s3], $0x4000, $0x38;
	[tilespmem:$0x1CC80] =	vst v63  }
0x35: {  	_ =	swait.ge [sflag:s12], $0x4000  }
0x36: {  	s6 =	simm.s32 $0x1;
	[sflag:s12] =	ssyncset.done $0x0  }
0x37: {  	s8 =	sand.u32 $0x1, s6;
	[sflag:s12] =	ssyncadd.s32 $0xFFFFC000  }
0x38: {  	[spmem:s2] =	stream.indirect.scatter.add.f32 [tilespmem:s28], [sflag:$0x3], $0x80, s3, s30, $0xb8;
	[tilespmem:$0x1CC80] =	vst v63  }
0x39: {  	s7 =	sadd.s32 $0x1, s8;
	s18 =	rddreg [dreg:$0xe]  }
0x3a: {  	[tilespmem:s29], [sflag:$0x2] =	stream.linear.gather [hbm4b:s18+s3], $0x4000, $0x38;
	[tilespmem:$0x1CC80] =	vst v63  }
0x3b: {  	p1 =	sne.s32 s4, $0x1;
	s11 =	simm.s32 $0x2;
	_ =	swait.ge [sflag:s7], $0x4000  }
0x3c: {  	s19 =	sand.u32 $0x1, s11;
	s9 =	sshll.u32 s8, $0xE;
	[sflag:s7] =	ssyncset.done $0x0  }
0x3d: {  	s8 =	sadd.s32 $0x3, s8;
	s23 =	sor.u32 $0x1400, s9;
	[sflag:s7] =	ssyncadd.s32 $0xFFFFC000  }
0x3e: {  	[spmem:s2] =	stream.indirect.scatter.add.f32 [tilespmem:s23], [sflag:s8], $0x80, s30, s30, $0xb8;
	[tilespmem:$0x1CC80] =	vst v63  }
.Ltmp0:
0x3f: {  	s16 =	sadd.s32 $0x3, s19;
	(pc) =	sbr.rel @!p1 .LBB2_3-.Ltmp0, $4  }
0x40: {  	s15 =	sadd.s32 $0x800, s22;
	s11 =	sshll.u32 s19, $0xE;
	_ =	swait.ge [sflag:s16], $0x4000  }
0x41: {  	s17 =	sor.u32 $0x1400, s11;
	s11 =	simm.s32 $0x80;
	[sflag:s16] =	ssyncset.done $0x0  }
0x42: {  	s9 =	smov.u32 s21;
	s18 =	sadd.s32 $0x1, s19;
	[sflag:s16] =	ssyncadd.s32 $0xFFFFC000  }
0x43: {  	[tilespmem:s17], [sflag:s18] =	stream.linear.gather [hbm4b:s22+s3], $0x4000, $0x38;
	[tilespmem:$0x1CC80] =	vst v63  }
.LBB2_2:
0x44: {  	s11 =	sadd.s32 $0x80, s11;
	s9 =	sadd.s32 $0xFFFFF800, s9  }
0x45: {  	s16 =	smov.u32 s6;
	s6 =	sadd.s32 $0x1, s6;
	s19 =	smov.u32 s15  }
0x46: {  	s8 =	sand.u32 $0x1, s6;
	p1 =	sne.s32 s4, s6  }
0x47: {  	s7 =	sadd.s32 $0x1, s8;
	s17 =	sshll.u32 s8, $0xE  }
0x48: {  	_ =	swait.ge [sflag:s7], $0x4000  }
0x49: {  	s16 =	sadd.s32 $0x2, s16;
	s8 =	sadd.s32 $0x3, s8;
	[sflag:s7] =	ssyncset.done $0x0  }
0x4a: {  	s18 =	sand.u32 $0x1, s16;
	s23 =	sor.u32 $0x1400, s17;
	[sflag:s7] =	ssyncadd.s32 $0xFFFFC000  }
0x4b: {  	[spmem:s2] =	stream.indirect.scatter.add.f32 [tilespmem:s23], [sflag:s8], $0x80, s11, s30, $0xb8;
	[tilespmem:$0x1CC80] =	vst v63  }
.Ltmp1:
0x4c: {  	s16 =	sadd.s32 $0x3, s18;
	s17 =	sshll.u32 s18, $0xE;
	(pc) =	sbr.rel @p1 .LBB2_2-.Ltmp1, $4  }
0x4d: {  	_ =	swait.ge [sflag:s16], $0x4000  }
0x4e: {  	s15 =	sadd.s32 $0x800, s15;
	[sflag:s16] =	ssyncset.done $0x0  }
0x4f: {  	s18 =	sadd.s32 $0x1, s18;
	s17 =	sor.u32 $0x1400, s17;
	[sflag:s16] =	ssyncadd.s32 $0xFFFFC000  }
0x50: {  	[tilespmem:s17], [sflag:s18] =	stream.linear.gather [hbm4b:s19+s3], $0x4000, $0x38;
	[tilespmem:$0x1CC80] =	vst v63  }
.LBB2_3:
0x51: {  	_ =	swait.ge [sflag:s18], $0x4000  }
0x52: {  	[sflag:s18] =	ssyncset.done $0x0  }
0x53: {  	s11 =	sadd.s32 $0x80, s11;
	p1 =	sge.u32 s6, s4;
	[sflag:s18] =	ssyncadd.s32 $0xFFFFC000  }
0x54: {  	[spmem:s2] =	stream.indirect.scatter.add.f32 [tilespmem:s17], [sflag:s16], $0x80, s11, s30, $0xb8;
	[tilespmem:$0x1CC80] =	vst v63  }
0x55: {  	_ =	swait.ge @!p1 [sflag:s8], $0x4000  }
0x56: {  	s6 =	sadd.s32 $0xFFFFF800, s9;
	[sflag:s8] =	ssyncset.done @!p1 $0x0  }
0x57: {  	s6 =	ssub.s32 @!p1 $0x0, s6;
	[sflag:s8] =	ssyncadd.s32 @!p1 $0xFFFFC000;
	s8 =	simm.s32 @!p1 $0x0  }
0x58: {  	[tilespmem:s23], [sflag:s7] =	stream.linear.gather @!p1 [hbm4b:s6+s8], $0x4000, $0x38;
	[tilespmem:$0x1CC80] =	vst v63  }
0x59: {  	_ =	swait.ge [sflag:s13], $0x4000  }
0x5a: {  	[sflag:s13] =	ssyncset.done $0x0  }
0x5b: {  	[sflag:s13] =	ssyncadd.s32 $0xFFFFC000  }
0x5c: {  	_ =	swait.ge [sflag:s14], $0x4000  }
0x5d: {  	[sflag:s14] =	ssyncset.done $0x0  }
0x5e: {  	s16 =	simm.s32 $0x0;
	s17 =	rddreg [dreg:$0xa];
	[sflag:s14] =	ssyncadd.s32 $0xFFFFC000  }
0x5f: {  	[tilespmem:s28], [sflag:$0x1] =	stream.linear.gather [hbm4b:s17+s16], $0x4000, $0x38;
	[tilespmem:$0x1CC80] =	vst v63  }
0x60: {  	_ =	swait.ge [sflag:s12], $0x4000  }
0x61: {  	s6 =	simm.s32 $0x1;
	[sflag:s12] =	ssyncset.done $0x0  }
0x62: {  	s18 =	sand.u32 $0x1, s6;
	[sflag:s12] =	ssyncadd.s32 $0xFFFFC000  }
0x63: {  	[spmem:s2] =	stream.indirect.scatter.add.f32 [tilespmem:s28], [sflag:$0x3], $0x80, s26, s30, $0xb8;
	[tilespmem:$0x1CC80] =	vst v63  }
0x64: {  	s15 =	simm.s32 $0x2;
	s8 =	sadd.s32 $0x1, s18  }
0x65: {  	[tilespmem:s29], [sflag:$0x2] =	stream.linear.gather [hbm4b:s20+s16], $0x4000, $0x38;
	[tilespmem:$0x1CC80] =	vst v63  }
0x66: {  	s15 =	sand.u32 $0x1, s15;
	s7 =	simm.s32 $0xA80;
	_ =	swait.ge [sflag:s8], $0x4000  }
0x67: {  	p1 =	sne.s32 s4, $0x1;
	s19 =	sshll.u32 s18, $0xE;
	[sflag:s8] =	ssyncset.done $0x0  }
0x68: {  	s9 =	sadd.s32 $0x3, s18;
	s11 =	sor.u32 $0x1400, s19;
	[sflag:s8] =	ssyncadd.s32 $0xFFFFC000  }
0x69: {  	[spmem:s2] =	stream.indirect.scatter.add.f32 [tilespmem:s11], [sflag:s9], $0x80, s7, s30, $0xb8;
	[tilespmem:$0x1CC80] =	vst v63  }
.Ltmp2:
0x6a: {  	s16 =	sadd.s32 $0x3, s15;
	(pc) =	sbr.rel @!p1 .LBB2_5-.Ltmp2, $4  }
0x6b: {  	s23 =	sshll.u32 s15, $0xE;
	_ =	swait.ge [sflag:s16], $0x4000  }
0x6c: {  	s18 =	sadd.s32 $0x1, s15;
	s17 =	sor.u32 $0x1400, s23;
	[sflag:s16] =	ssyncset.done $0x0  }
0x6d: {  	s23 =	smov.u32 s10;
	s15 =	sadd.s32 $0x800, s24;
	[sflag:s16] =	ssyncadd.s32 $0xFFFFC000  }
0x6e: {  	[tilespmem:s17], [sflag:s18] =	stream.linear.gather [hbm4b:s24+s3], $0x4000, $0x38;
	[tilespmem:$0x1CC80] =	vst v63  }
.LBB2_4:
0x6f: {  	s7 =	sadd.s32 $0x80, s7;
	s23 =	sadd.s32 $0xFFFFF800, s23  }
0x70: {  	s11 =	smov.u32 s6;
	s6 =	sadd.s32 $0x1, s6;
	s19 =	smov.u32 s15  }
0x71: {  	s9 =	sand.u32 $0x1, s6;
	p1 =	sne.s32 s4, s6  }
0x72: {  	s8 =	sadd.s32 $0x1, s9;
	s16 =	sshll.u32 s9, $0xE  }
0x73: {  	_ =	swait.ge [sflag:s8], $0x4000  }
0x74: {  	s17 =	sadd.s32 $0x2, s11;
	s9 =	sadd.s32 $0x3, s9;
	[sflag:s8] =	ssyncset.done $0x0  }
0x75: {  	s18 =	sand.u32 $0x1, s17;
	s11 =	sor.u32 $0x1400, s16;
	[sflag:s8] =	ssyncadd.s32 $0xFFFFC000  }
0x76: {  	[spmem:s2] =	stream.indirect.scatter.add.f32 [tilespmem:s11], [sflag:s9], $0x80, s7, s30, $0xb8;
	[tilespmem:$0x1CC80] =	vst v63  }
.Ltmp3:
0x77: {  	s16 =	sadd.s32 $0x3, s18;
	s17 =	sshll.u32 s18, $0xE;
	(pc) =	sbr.rel @p1 .LBB2_4-.Ltmp3, $4  }
0x78: {  	_ =	swait.ge [sflag:s16], $0x4000  }
0x79: {  	s15 =	sadd.s32 $0x800, s15;
	[sflag:s16] =	ssyncset.done $0x0  }
0x7a: {  	s18 =	sadd.s32 $0x1, s18;
	s17 =	sor.u32 $0x1400, s17;
	[sflag:s16] =	ssyncadd.s32 $0xFFFFC000  }
0x7b: {  	[tilespmem:s17], [sflag:s18] =	stream.linear.gather [hbm4b:s19+s3], $0x4000, $0x38;
	[tilespmem:$0x1CC80] =	vst v63  }
.LBB2_5:
0x7c: {  	_ =	swait.ge [sflag:s18], $0x4000  }
0x7d: {  	[sflag:s18] =	ssyncset.done $0x0  }
0x7e: {  	s7 =	sadd.s32 $0x80, s7;
	p1 =	sge.u32 s6, s4;
	[sflag:s18] =	ssyncadd.s32 $0xFFFFC000  }
0x7f: {  	[spmem:s2] =	stream.indirect.scatter.add.f32 [tilespmem:s17], [sflag:s16], $0x80, s7, s30, $0xb8;
	[tilespmem:$0x1CC80] =	vst v63  }
0x80: {  	_ =	swait.ge @!p1 [sflag:s9], $0x4000  }
0x81: {  	s6 =	sadd.s32 $0xFFFFF800, s23;
	[sflag:s9] =	ssyncset.done @!p1 $0x0  }
0x82: {  	s6 =	ssub.s32 @!p1 $0x0, s6;
	s7 =	simm.s32 @!p1 $0x0;
	[sflag:s9] =	ssyncadd.s32 @!p1 $0xFFFFC000  }
0x83: {  	[tilespmem:s11], [sflag:s8] =	stream.linear.gather @!p1 [hbm4b:s6+s7], $0x4000, $0x38;
	[tilespmem:$0x1CC80] =	vst v63  }
0x84: {  	_ =	swait.ge [sflag:s13], $0x4000  }
0x85: {  	[sflag:s13] =	ssyncset.done $0x0  }
0x86: {  	[sflag:s13] =	ssyncadd.s32 $0xFFFFC000  }
0x87: {  	_ =	swait.ge [sflag:s14], $0x4000  }
0x88: {  	[sflag:s14] =	ssyncset.done $0x0  }
0x89: {  	[sflag:s14] =	ssyncadd.s32 $0xFFFFC000  }
0x8a: {  	[bflag:$0x0] =	sbarrier.arrive $0xFFFF  }
0x8b: {  	s19 =	rddreg [dreg:$0xb]  }
0x8c: {  	[hbm:s19], [sflag:s1] =	dma.local [spmem:s0], $0x2700  }
0x8d: {  	_ =	swait.ge [sflag:s25], $0x2700  }
0x8e: {  	[sflag:s25] =	ssyncset.done $0x0  }
0x8f: {  	s0 =	rddreg [dreg:$0xc];
	[sflag:s25] =	ssyncadd.s32 $0xFFFFD900  }
0x90: {  	[hbm:s0], [sflag:s1] =	dma.local @!p0 [spmem:s5], $0x100  }
0x91: {  	s0 =	simm.s32 @!p0 $0x5  }
0x92: {  	_ =	swait.ge @!p0 [sflag:s0], $0x100  }
0x93: {  	s31 =	sadd.s32 $0x1, s31;
	s23 =	rddreg [dreg:$0xd]  }
0x94: {  	p1 =	sne.s32 s31, s23  }
.Ltmp4:
0x95: {  	_ = 	snop;
	(pc) =	sbr.rel @p1 .LBB2_1-.Ltmp4, $3  }
0x96: {  	_ =	sdelay $0x1  }
0x97: {  	[sflag:s0] =	ssyncset.done @!p0 $0x0  }
0x98: {  	[sflag:s0] =	ssyncadd.s32 @!p0 $0xFFFFFF00  }
0x99: {  	_ =	sfence.sel $0x180000  }
0x9a: {  	[bflag:$0x0] =	sbarrier.arrive $0xFFFF  }
0x9b: {  	_ =	strace $0x90000053  }
0x9c: {  	s0 =	stileid.u32;
	[bflag:$0x2] =	sbarrier.arrive $0xFFFF  }
0x9d: {  	p0 =	sne.s32 s0, $0x0;
	s0 =	rddreg [dreg:$0x2]  }
0x9e: {  	s0 =	sadd.s32 @!p0 $0x100000, s0  }
0x9f: {  	[sflag:s0] =	ssyncadd.tile.s32 @!p0 $0x1;
	_ =	shalt  }
.Lfunc_end2:
_tile_overlayer_lowered:
.L_overlay_start_2:
0xa0: {  	(tag) =	ssettag $0x2  }
0xa1: {  	s0 =	rddreg [dreg:$0x0];
	s2 =	stileid.u32  }
0xa2: {  	s1 =	rddreg [dreg:$0x1];
	p0 =	sne.s32 s2, $0x0  }
0xa3: {  	s3 =	rddreg [dreg:$0x2];
	[bflag:$0x3] =	sbarrier.arrive $0xFFFF;
	s2 =	simm.s32 @!p0 $0x1C05  }
0xa4: {  	[timem:s3], [sflag:s2] =	dma.local @!p0 [hbm:s0], s1  }
0xa5: {  	s0 =	simm.s32 @!p0 $0x5  }
0xa6: {  	_ =	swait.ge @!p0 [sflag:s0], s1  }
0xa7: {  	s1 =	ssub.s32 @!p0 $0x0, s1;
	[sflag:s0] =	ssyncset.done @!p0 $0x0  }
0xa8: {  	[sflag:s0] =	ssyncadd.s32 @!p0 s1  }
0xa9: {  	[bflag:$0x3] =	sbarrier.arrive $0xFFFF  }
0xaa: {  	_ =	shalt  }

</sc_bundles>
